<compile_context>
chip_gen: v7x
topology: tpu7x:2x2x1
jax: 0.10.2.dev20260603
libtpu: 0.0.44.dev20260713+nightly
codegen_flags: <defaults>
</compile_context>

<pallas_src>
import functools

import jax
import jax.numpy as jnp
from jax import lax
from jax.experimental import pallas as pl
from jax.experimental.pallas import tpu as pltpu
from jax.experimental.pallas import tpu_sc as plsc

NC = 2
NS = 16
CHUNK = 128
NBUF = 7
SDEP = 2


def _cdiv(a, b):
    return -(-a // b)


def _make_deg_kernel(n_nodes, nd, n_edges):
    epw = n_edges // (NC * NS)
    ch = _cdiv(epw, CHUNK)
    rows_pt = nd // NS
    mesh = plsc.VectorSubcoreMesh(core_axis_name="c", subcore_axis_name="s")

    @functools.partial(
        pl.kernel,
        out_type=jax.ShapeDtypeStruct((2, NC, nd), jnp.float32),
        mesh=mesh,
        compiler_params=pltpu.CompilerParams(use_tc_tiling_on_sc=False),
        scratch_types=[
            pltpu.VMEM((ch, CHUNK), jnp.int32),
            pltpu.VMEM((ch, CHUNK), jnp.int32),
            pltpu.VMEM((CHUNK,), jnp.float32),
            pltpu.VMEM((rows_pt,), jnp.float32),
            pltpu.VMEM_SHARED((nd,), jnp.float32),
            pltpu.VMEM_SHARED((nd,), jnp.float32),
        ],
    )
    def deg_k(src_hbm, dst_hbm, zeros_hbm, ones_hbm, out_hbm,
              sidx, didx, obuf, zbuf, acc_o, acc_i):
        c = lax.axis_index("c")
        s = lax.axis_index("s")
        wid = c * NS + s
        pltpu.sync_copy(zeros_hbm, zbuf)
        pltpu.sync_copy(zbuf, acc_o.at[pl.ds(s * rows_pt, rows_pt)])
        pltpu.sync_copy(zbuf, acc_i.at[pl.ds(s * rows_pt, rows_pt)])
        pltpu.sync_copy(ones_hbm, obuf)
        pltpu.sync_copy(src_hbm.at[wid], sidx)
        pltpu.sync_copy(dst_hbm.at[wid], didx)
        plsc.subcore_barrier()

        def chunk(j, carry):
            pltpu.sync_copy(obuf, acc_o.at[sidx.at[j]], add=True)
            pltpu.sync_copy(obuf, acc_i.at[didx.at[j]], add=True)
            return carry

        lax.fori_loop(0, ch, chunk, 0)
        plsc.subcore_barrier()
        pltpu.sync_copy(acc_o.at[pl.ds(s * rows_pt, rows_pt)], zbuf)
        pltpu.sync_copy(zbuf, out_hbm.at[0].at[c].at[pl.ds(s * rows_pt, rows_pt)])
        pltpu.sync_copy(acc_i.at[pl.ds(s * rows_pt, rows_pt)], zbuf)
        pltpu.sync_copy(zbuf, out_hbm.at[1].at[c].at[pl.ds(s * rows_pt, rows_pt)])

    return deg_k


def _pipelined_pass(sidx, didx, tbl, rows, acc, gsem, ssem, ch):
    for b in range(NBUF):
        pltpu.async_copy(tbl.at[sidx.at[b]], rows.at[b], gsem)

    def chunk(j, carry):
        b = lax.rem(j, NBUF)
        pltpu.make_async_copy(tbl.at[sidx.at[j]], rows.at[b], gsem).wait()
        pltpu.async_copy(rows.at[b], acc.at[didx.at[j]], ssem, add=True)

        @pl.when(j >= SDEP)
        def _():
            jn = j - SDEP + NBUF
            bn = lax.rem(jn, NBUF)
            pltpu.make_async_copy(rows.at[bn], acc.at[didx.at[j]], ssem).wait()

            @pl.when(jn < ch)
            def _():
                pltpu.async_copy(tbl.at[sidx.at[jn]], rows.at[bn], gsem)

        return carry

    lax.fori_loop(0, ch, chunk, 0)
    for _ in range(SDEP):
        pltpu.make_async_copy(rows.at[0], acc.at[didx.at[0]], ssem).wait()


def _make_stage1_kernel(nd, n_edges):
    ch = _cdiv(n_edges // NS, CHUNK)
    rows_pt = nd // NS
    mesh = plsc.VectorSubcoreMesh(core_axis_name="c", subcore_axis_name="s")

    @functools.partial(
        pl.kernel,
        out_type=[jax.ShapeDtypeStruct((NC, nd, 24), jnp.float32),
                  jax.ShapeDtypeStruct((NC, nd, 16), jnp.float32)],
        mesh=mesh,
        compiler_params=pltpu.CompilerParams(use_tc_tiling_on_sc=False),
        scratch_types=[
            pltpu.VMEM((ch, CHUNK), jnp.int32),
            pltpu.VMEM((ch, CHUNK), jnp.int32),
            pltpu.VMEM((NBUF, CHUNK, 24), jnp.float32),
            pltpu.VMEM((rows_pt, 24), jnp.float32),
            pltpu.VMEM((rows_pt, 16), jnp.float32),
            pltpu.VMEM((rows_pt, 24), jnp.float32),
            pltpu.VMEM((rows_pt, 16), jnp.float32),
            pltpu.VMEM_SHARED((nd, 24), jnp.float32),
            pltpu.SemaphoreType.DMA,
            pltpu.SemaphoreType.DMA,
        ],
    )
    def k(z0_hbm, wvx_hbm, src_hbm, dst_hbm, z24_hbm, s1_hbm, a1_hbm,
          sidx, didx, rows, sbuf, wvbuf, ybuf, abuf, acc, gsem, ssem):
        c = lax.axis_index("c")
        s = lax.axis_index("s")
        neg = c == 0
        rs = pl.ds(s * rows_pt, rows_pt)
        pltpu.sync_copy(src_hbm.at[s], sidx)
        pltpu.sync_copy(dst_hbm.at[s], didx)
        pltpu.sync_copy(wvx_hbm.at[rs], wvbuf)
        pltpu.sync_copy(z24_hbm, ybuf)
        pltpu.sync_copy(ybuf, acc.at[rs])
        pltpu.sync_copy(z0_hbm.at[c].at[rs], sbuf)
        plsc.subcore_barrier()
        _pipelined_pass(sidx, didx, z0_hbm.at[c], rows, acc, gsem, ssem, ch)
        plsc.subcore_barrier()
        pltpu.sync_copy(acc.at[rs], ybuf)

        def u1(r, carry):
            wv = wvbuf[r, pl.ds(0, 16)]
            va = sbuf[r, pl.ds(0, 16)]
            vb = sbuf[r, pl.ds(8, 16)]
            ya = ybuf[r, pl.ds(0, 16)]
            yb = ybuf[r, pl.ds(8, 16)]
            na = jnp.where(neg, va - wv * ya, wv * ya)
            nb = jnp.where(neg, vb - wv * yb, wv * yb)
            sbuf[r, pl.ds(0, 16)] = na
            sbuf[r, pl.ds(8, 16)] = nb
            abuf[r, pl.ds(0, 16)] = nb
            return carry

        lax.fori_loop(0, rows_pt, u1, 0)
        pltpu.sync_copy(sbuf, s1_hbm.at[c].at[rs])
        pltpu.sync_copy(abuf, a1_hbm.at[c].at[rs])

    return k


def _make_stage23_kernel(nd, n_edges):
    ch = _cdiv(n_edges // NS, CHUNK)
    rows_pt = nd // NS
    mesh = plsc.VectorSubcoreMesh(core_axis_name="c", subcore_axis_name="s")

    @functools.partial(
        pl.kernel,
        out_type=jax.ShapeDtypeStruct((NC, nd, 24), jnp.float32),
        mesh=mesh,
        compiler_params=pltpu.CompilerParams(use_tc_tiling_on_sc=False),
        scratch_types=[
            pltpu.VMEM((ch, CHUNK), jnp.int32),
            pltpu.VMEM((ch, CHUNK), jnp.int32),
            pltpu.VMEM((NBUF, CHUNK, 16), jnp.float32),
            pltpu.VMEM((rows_pt, 24), jnp.float32),
            pltpu.VMEM((rows_pt, 16), jnp.float32),
            pltpu.VMEM((rows_pt, 16), jnp.float32),
            pltpu.VMEM((rows_pt, 16), jnp.float32),
            pltpu.VMEM_SHARED((nd, 16), jnp.float32),
            pltpu.VMEM_SHARED((nd, 16), jnp.float32),
            pltpu.SemaphoreType.DMA,
            pltpu.SemaphoreType.DMA,
        ],
    )
    def k(s1_hbm, a1_hbm, wvx_hbm, src_hbm, dst_hbm, z16_hbm, f_hbm,
          sidx, didx, rows, sbuf, wvbuf, ybuf, abuf, t16, acc, gsem, ssem):
        c = lax.axis_index("c")
        s = lax.axis_index("s")
        neg = c == 0
        rs = pl.ds(s * rows_pt, rows_pt)
        lanes = lax.iota(jnp.int32, 16)
        pltpu.sync_copy(src_hbm.at[s], sidx)
        pltpu.sync_copy(dst_hbm.at[s], didx)
        pltpu.sync_copy(wvx_hbm.at[rs], wvbuf)
        pltpu.sync_copy(z16_hbm, ybuf)
        pltpu.sync_copy(ybuf, acc.at[rs])
        pltpu.sync_copy(s1_hbm.at[c].at[rs], sbuf)
        plsc.subcore_barrier()
        _pipelined_pass(sidx, didx, a1_hbm.at[c], rows, acc, gsem, ssem, ch)
        plsc.subcore_barrier()
        pltpu.sync_copy(acc.at[rs], ybuf)

        def u2(r, carry):
            wv = wvbuf[r, pl.ds(0, 16)]
            vb = sbuf[r, pl.ds(8, 16)]
            yv = ybuf[r, pl.ds(0, 16)]
            nb = jnp.where(neg, vb - wv * yv, wv * yv)
            sbuf[r, pl.ds(8, 16)] = nb
            abuf[r, pl.ds(0, 16)] = jnp.where(lanes >= 8, nb, 0.0)
            return carry

        lax.fori_loop(0, rows_pt, u2, 0)
        pltpu.sync_copy(abuf, t16.at[rs])
        pltpu.sync_copy(z16_hbm, ybuf)
        pltpu.sync_copy(ybuf, acc.at[rs])
        plsc.subcore_barrier()
        _pipelined_pass(sidx, didx, t16, rows, acc, gsem, ssem, ch)
        plsc.subcore_barrier()
        pltpu.sync_copy(acc.at[rs], ybuf)

        def u3(r, carry):
            wv = wvbuf[r, pl.ds(0, 16)]
            va = sbuf[r, pl.ds(0, 16)]
            vb = sbuf[r, pl.ds(8, 16)]
            yv = ybuf[r, pl.ds(0, 16)]
            nb = jnp.where(neg, vb - wv * yv,
                           jnp.where(lanes >= 8, wv * yv, vb))
            sbuf[r, pl.ds(0, 16)] = jnp.maximum(va, 0.0)
            sbuf[r, pl.ds(8, 16)] = jnp.maximum(nb, 0.0)
            return carry

        lax.fori_loop(0, rows_pt, u3, 0)
        pltpu.sync_copy(sbuf, f_hbm.at[c].at[rs])

    return k


def _make_stage4_kernel(nd, n_edges):
    ch = _cdiv(n_edges // NS, CHUNK)
    rows_pt = nd // NS
    mesh = plsc.VectorSubcoreMesh(core_axis_name="c", subcore_axis_name="s")

    @functools.partial(
        pl.kernel,
        out_type=jax.ShapeDtypeStruct((NC, nd, 24), jnp.float32),
        mesh=mesh,
        compiler_params=pltpu.CompilerParams(use_tc_tiling_on_sc=False),
        scratch_types=[
            pltpu.VMEM((ch, CHUNK), jnp.int32),
            pltpu.VMEM((ch, CHUNK), jnp.int32),
            pltpu.VMEM((NBUF, CHUNK, 24), jnp.float32),
            pltpu.VMEM((rows_pt, 24), jnp.float32),
            pltpu.VMEM_SHARED((nd, 24), jnp.float32),
            pltpu.SemaphoreType.DMA,
            pltpu.SemaphoreType.DMA,
        ],
    )
    def k(f_hbm, src_hbm, dst_hbm, z24_hbm, out_hbm,
          sidx, didx, rows, ybuf, acc, gsem, ssem):
        c = lax.axis_index("c")
        s = lax.axis_index("s")
        rs = pl.ds(s * rows_pt, rows_pt)
        pltpu.sync_copy(src_hbm.at[s], sidx)
        pltpu.sync_copy(dst_hbm.at[s], didx)
        pltpu.sync_copy(z24_hbm, ybuf)
        pltpu.sync_copy(ybuf, acc.at[rs])
        plsc.subcore_barrier()
        _pipelined_pass(sidx, didx, f_hbm.at[c], rows, acc, gsem, ssem, ch)
        plsc.subcore_barrier()
        pltpu.sync_copy(acc.at[rs], ybuf)
        pltpu.sync_copy(ybuf, out_hbm.at[c].at[rs])

    return k




def kernel(x, edge_index, W_hyb, b_hyb, W_res, b_res):
    n = x.shape[0]
    e = edge_index.shape[1]
    d_in_dim = x.shape[1]
    hid = W_hyb.shape[2]
    nch = W_hyb.shape[0]
    nd = _cdiv(n + 1, NS * 16) * NS * 16
    rows_pt = nd // NS

    src = edge_index[0].astype(jnp.int32)
    dst = edge_index[1].astype(jnp.int32)

    epw = e // (NC * NS)
    ch_d = _cdiv(epw, CHUNK)
    pad_d = jnp.full((NC * NS, ch_d * CHUNK - epw), n, jnp.int32)
    src_d = jnp.concatenate([src.reshape(NC * NS, epw), pad_d], 1).reshape(
        NC * NS, ch_d, CHUNK)
    dst_d = jnp.concatenate([dst.reshape(NC * NS, epw), pad_d], 1).reshape(
        NC * NS, ch_d, CHUNK)
    epc = e // NS
    ch_p = _cdiv(epc, CHUNK)
    src_p = jnp.concatenate(
        [src.reshape(NS, epc),
         jnp.zeros((NS, ch_p * CHUNK - epc), jnp.int32)], 1).reshape(
        NS, ch_p, CHUNK)
    dst_p = jnp.concatenate(
        [dst.reshape(NS, epc),
         jnp.full((NS, ch_p * CHUNK - epc), n, jnp.int32)], 1).reshape(
        NS, ch_p, CHUNK)

    z640_1 = jnp.zeros((rows_pt,), jnp.float32)
    ones_c = jnp.ones((CHUNK,), jnp.float32)
    z24 = jnp.zeros((rows_pt, 24), jnp.float32)
    z16 = jnp.zeros((rows_pt, 16), jnp.float32)

    Wcat = jnp.transpose(W_hyb, (1, 0, 2)).reshape(d_in_dim, nch * hid)
    bcat = b_hyb.reshape(nch * hid)

    deg = _make_deg_kernel(n, nd, e)(src_d, dst_d, z640_1, ones_c)

    def prep_body(x_ref, wc_ref, bc_ref, deg_ref, z0_ref, wvx_ref, vv_ref):
        d_out = deg_ref[0, 0, :n] + deg_ref[0, 1, :n]
        d_inn = deg_ref[1, 0, :n] + deg_ref[1, 1, :n]
        u = lax.rsqrt(jnp.maximum(d_out, 1.0))
        v = lax.rsqrt(jnp.maximum(d_inn, 1.0))
        h0 = jnp.dot(x_ref[...], wc_ref[...],
                     preferred_element_type=jnp.float32) + bc_ref[...][None, :]
        z0 = h0 * u[:, None]
        zpad = jnp.zeros((nd - n, 24), jnp.float32)
        z0_ref[0] = jnp.concatenate([z0[:, :24], zpad], axis=0)
        z0_ref[1] = jnp.concatenate([z0[:, 24:], zpad], axis=0)
        wvx = jnp.broadcast_to((u * v)[:, None], (n, 16))
        wvx_ref[...] = jnp.concatenate(
            [wvx, jnp.zeros((nd - n, 16), jnp.float32)], axis=0)
        vv_ref[...] = v[:, None]

    z0, wvx, vv = pl.pallas_call(
        prep_body,
        out_shape=[jax.ShapeDtypeStruct((NC, nd, 24), jnp.float32),
                   jax.ShapeDtypeStruct((nd, 16), jnp.float32),
                   jax.ShapeDtypeStruct((n, 1), jnp.float32)],
    )(x, Wcat, bcat, deg)

    s1, a1 = _make_stage1_kernel(nd, e)(z0, wvx, src_p, dst_p, z24)
    f = _make_stage23_kernel(nd, e)(s1, a1, wvx, src_p, dst_p, z16)
    y4 = _make_stage4_kernel(nd, e)(f, src_p, dst_p, z24)

    def fin_body(y_ref, v_ref, wr_ref, br_ref, o_ref):
        h = jnp.concatenate([y_ref[0, :n, :], y_ref[1, :n, :]], axis=1)
        h = h * v_ref[...]
        o_ref[...] = jnp.dot(h, wr_ref[...],
                             preferred_element_type=jnp.float32) + br_ref[...][None, :]

    out = pl.pallas_call(
        fin_body,
        out_shape=jax.ShapeDtypeStruct((n, W_res.shape[1]), jnp.float32),
    )(y4, vv, W_res, b_res)
    return out

# --- scband reference (transcript-rebuilt; emitter-appended) ---
"""Pipeline reference for scband-sc-gcn-pre-54863912239859 (READ-ONLY COPY).

The authoritative reference and input builder live on the scoring server;
editing this copy changes nothing except your own understanding.
"""

import jax, jax.numpy as jnp
import numpy as np

N = 10000
E = 320000
D_IN = 128
HID = 8
CONFIG = [-1, -2, -3, 1, 2, 3]
NUM_CH = len(CONFIG)
D_OUT = 128
D_RES_IN = HID * NUM_CH  # 48


def setup_inputs(seed: int = 0) -> dict:
    key = jax.random.key(seed)
    ks = jax.random.split(key, 8)
    x = jax.random.normal(ks[0], (N, D_IN), dtype=jnp.float32)
    edge_index = jax.random.randint(ks[1], (2, E), 0, N)
    W_hyb = jax.random.normal(ks[2], (NUM_CH, D_IN, HID), dtype=jnp.float32) * 0.05
    b_hyb = jnp.zeros((NUM_CH, HID), dtype=jnp.float32)
    W_res = jax.random.normal(ks[3], (D_RES_IN, D_OUT), dtype=jnp.float32) * 0.05
    b_res = jnp.zeros((D_OUT,), dtype=jnp.float32)
    return {"x": x, "edge_index": edge_index, "W_hyb": W_hyb, "b_hyb": b_hyb,
            "W_res": W_res, "b_res": b_res}


def _edge_norm(src, dst, n):
    d_out = jnp.zeros((n,), jnp.float32).at[src].add(1.0)
    d_in = jnp.zeros((n,), jnp.float32).at[dst].add(1.0)
    inv_out = jax.lax.rsqrt(jnp.maximum(d_out, 1.0))
    inv_in = jax.lax.rsqrt(jnp.maximum(d_in, 1.0))
    return inv_out[src] * inv_in[dst]


def _propagate(h, src, dst, norm, n):
    # A @ h with normalized adjacency: gather from src, scatter-add to dst
    return jnp.zeros((n, h.shape[1]), h.dtype).at[dst].add(h[src] * norm[:, None])


def _apply_channel(h, c, src, dst, norm, n):
    # c > 0: low-pass A^c ; c < 0: high-pass (I - A)^{|c|}
    for _ in range(abs(c)):
        Ah = _propagate(h, src, dst, norm, n)
        h = Ah if c > 0 else h - Ah
    return h


def reference(x, edge_index, W_hyb, b_hyb, W_res, b_res):
    src = edge_index[0]
    dst = edge_index[1]
    n = x.shape[0]
    norm = _edge_norm(src, dst, n)
    # HYBLayer_pre: per-channel linear -> channel propagation -> ReLU, then concat
    outs = []
    for i, c in enumerate(CONFIG):
        h = x @ W_hyb[i] + b_hyb[i]
        h = _apply_channel(h, c, src, dst, norm, n)
        outs.append(jax.nn.relu(h))
    h = jnp.concatenate(outs, axis=1)  # [N, HID * NUM_CH]
    # GNNLayer (res): res_mat @ (h W + b), no activation
    out = _propagate(h @ W_res + b_res, src, dst, norm, n)
    return out

if __name__ == "__main__":
    import jax
    _d = setup_inputs()
    print(jax.jit(kernel)(*tuple(_d.values())))

</pallas_src>

<mosaic_0001>
#map = affine_map<(d0, d1) -> (0, 0, 0)>
#map1 = affine_map<(d0, d1) -> (0, 0)>
module attributes {stable_mosaic.version = 14 : i64} {
  func.func @k(%arg0: i32, %arg1: i32, %arg2: memref<2x10240x24xf32, #tpu.memory_space<hbm>>, %arg3: memref<16x157x128xi32, #tpu.memory_space<hbm>>, %arg4: memref<16x157x128xi32, #tpu.memory_space<hbm>>, %arg5: memref<640x24xf32, #tpu.memory_space<hbm>>, %arg6: memref<2x10240x24xf32, #tpu.memory_space<hbm>>, %arg7: memref<157x128xi32, #tpu.memory_space<vmem>>, %arg8: memref<157x128xi32, #tpu.memory_space<vmem>>, %arg9: memref<7x128x24xf32, #tpu.memory_space<vmem>>, %arg10: memref<640x24xf32, #tpu.memory_space<vmem>>, %arg11: memref<10240x24xf32, #tpu.memory_space<vmem_shared>>, %arg12: memref<!tpu.dma_semaphore, #tpu.memory_space<semaphore_mem>>, %arg13: memref<!tpu.dma_semaphore, #tpu.memory_space<semaphore_mem>>) attributes {dimension_semantics = [#tpu.dimension_semantics<core_parallel>, #tpu.dimension_semantics<subcore_parallel>], iteration_bounds = array<i64: 2, 16>, scalar_prefetch = 0 : i64, scratch_operands = 7 : i64, tpu.core_type = #tpu.core_type<sc_vector_subcore>, window_params = [{transform_indices = #map}, {transform_indices = #map}, {transform_indices = #map}, {transform_indices = #map1}, {transform_indices = #map}]} {
    %mul3A = arith.constant 640 : i32
    %mul3A_0 = arith.muli %arg1, %mul3A : i32
    "tpu.region"() ({
      %run_scoped3A = tpu.sem_alloc : memref<!tpu.dma_semaphore, #tpu.memory_space<semaphore_mem>>
      %dma_start3A_141 = arith.constant 0 : i32
      %dma_start3A_142 = arith.constant 0 : i32
      %dma_start3A_143 = tpu.memref_slice %arg3[%arg1, %dma_start3A_141, %dma_start3A_142] : memref<16x157x128xi32, #tpu.memory_space<hbm>> -> memref<1x157x128xi32, #tpu.memory_space<hbm>>
      %dma_start3A_144 = tpu.memref_squeeze %dma_start3A_143 : memref<1x157x128xi32, #tpu.memory_space<hbm>> -> memref<157x128xi32, #tpu.memory_space<hbm>>
      %dma_start3A_145 = arith.constant 0 : i32
      %dma_start3A_146 = arith.constant 0 : i32
      %dma_start3A_147 = tpu.memref_slice %arg3[%arg1, %dma_start3A_145, %dma_start3A_146] : memref<16x157x128xi32, #tpu.memory_space<hbm>> -> memref<1x157x128xi32, #tpu.memory_space<hbm>>
      %dma_start3A_148 = tpu.memref_squeeze %dma_start3A_147 : memref<1x157x128xi32, #tpu.memory_space<hbm>> -> memref<157x128xi32, #tpu.memory_space<hbm>>
      tpu.enqueue_dma source(%dma_start3A_148 : memref<157x128xi32, #tpu.memory_space<hbm>>) target(%arg7 : memref<157x128xi32, #tpu.memory_space<vmem>>) target_semaphore(%run_scoped3A : memref<!tpu.dma_semaphore, #tpu.memory_space<semaphore_mem>>)
      %dma_wait3A_149 = arith.constant 0 : i32
      %dma_wait3A_150 = arith.constant 0 : i32
      %dma_wait3A_151 = tpu.memref_slice %arg3[%arg1, %dma_wait3A_149, %dma_wait3A_150] : memref<16x157x128xi32, #tpu.memory_space<hbm>> -> memref<1x157x128xi32, #tpu.memory_space<hbm>>
      %dma_wait3A_152 = tpu.memref_squeeze %dma_wait3A_151 : memref<1x157x128xi32, #tpu.memory_space<hbm>> -> memref<157x128xi32, #tpu.memory_space<hbm>>
      %dma_wait3A_153 = arith.constant 0 : i32
      %dma_wait3A_154 = arith.constant 0 : i32
      %dma_wait3A_155 = tpu.memref_slice %arg3[%arg1, %dma_wait3A_153, %dma_wait3A_154] : memref<16x157x128xi32, #tpu.memory_space<hbm>> -> memref<1x157x128xi32, #tpu.memory_space<hbm>>
      %dma_wait3A_156 = tpu.memref_squeeze %dma_wait3A_155 : memref<1x157x128xi32, #tpu.memory_space<hbm>> -> memref<157x128xi32, #tpu.memory_space<hbm>>
      tpu.wait_dma2 semaphore(%run_scoped3A : memref<!tpu.dma_semaphore, #tpu.memory_space<semaphore_mem>>) src(%dma_wait3A_156 : memref<157x128xi32, #tpu.memory_space<hbm>>) dst(%arg7 : memref<157x128xi32, #tpu.memory_space<vmem>>)
      tpu.yield
    }) : () -> ()
    "tpu.region"() ({
      %run_scoped3A = tpu.sem_alloc : memref<!tpu.dma_semaphore, #tpu.memory_space<semaphore_mem>>
      %dma_start3A_141 = arith.constant 0 : i32
      %dma_start3A_142 = arith.constant 0 : i32
      %dma_start3A_143 = tpu.memref_slice %arg4[%arg1, %dma_start3A_141, %dma_start3A_142] : memref<16x157x128xi32, #tpu.memory_space<hbm>> -> memref<1x157x128xi32, #tpu.memory_space<hbm>>
      %dma_start3A_144 = tpu.memref_squeeze %dma_start3A_143 : memref<1x157x128xi32, #tpu.memory_space<hbm>> -> memref<157x128xi32, #tpu.memory_space<hbm>>
      %dma_start3A_145 = arith.constant 0 : i32
      %dma_start3A_146 = arith.constant 0 : i32
      %dma_start3A_147 = tpu.memref_slice %arg4[%arg1, %dma_start3A_145, %dma_start3A_146] : memref<16x157x128xi32, #tpu.memory_space<hbm>> -> memref<1x157x128xi32, #tpu.memory_space<hbm>>
      %dma_start3A_148 = tpu.memref_squeeze %dma_start3A_147 : memref<1x157x128xi32, #tpu.memory_space<hbm>> -> memref<157x128xi32, #tpu.memory_space<hbm>>
      tpu.enqueue_dma source(%dma_start3A_148 : memref<157x128xi32, #tpu.memory_space<hbm>>) target(%arg8 : memref<157x128xi32, #tpu.memory_space<vmem>>) target_semaphore(%run_scoped3A : memref<!tpu.dma_semaphore, #tpu.memory_space<semaphore_mem>>)
      %dma_wait3A_149 = arith.constant 0 : i32
      %dma_wait3A_150 = arith.constant 0 : i32
      %dma_wait3A_151 = tpu.memref_slice %arg4[%arg1, %dma_wait3A_149, %dma_wait3A_150] : memref<16x157x128xi32, #tpu.memory_space<hbm>> -> memref<1x157x128xi32, #tpu.memory_space<hbm>>
      %dma_wait3A_152 = tpu.memref_squeeze %dma_wait3A_151 : memref<1x157x128xi32, #tpu.memory_space<hbm>> -> memref<157x128xi32, #tpu.memory_space<hbm>>
      %dma_wait3A_153 = arith.constant 0 : i32
      %dma_wait3A_154 = arith.constant 0 : i32
      %dma_wait3A_155 = tpu.memref_slice %arg4[%arg1, %dma_wait3A_153, %dma_wait3A_154] : memref<16x157x128xi32, #tpu.memory_space<hbm>> -> memref<1x157x128xi32, #tpu.memory_space<hbm>>
      %dma_wait3A_156 = tpu.memref_squeeze %dma_wait3A_155 : memref<1x157x128xi32, #tpu.memory_space<hbm>> -> memref<157x128xi32, #tpu.memory_space<hbm>>
      tpu.wait_dma2 semaphore(%run_scoped3A : memref<!tpu.dma_semaphore, #tpu.memory_space<semaphore_mem>>) src(%dma_wait3A_156 : memref<157x128xi32, #tpu.memory_space<hbm>>) dst(%arg8 : memref<157x128xi32, #tpu.memory_space<vmem>>)
      tpu.yield
    }) : () -> ()
    "tpu.region"() ({
      %run_scoped3A = tpu.sem_alloc : memref<!tpu.dma_semaphore, #tpu.memory_space<semaphore_mem>>
      tpu.enqueue_dma source(%arg5 : memref<640x24xf32, #tpu.memory_space<hbm>>) target(%arg10 : memref<640x24xf32, #tpu.memory_space<vmem>>) target_semaphore(%run_scoped3A : memref<!tpu.dma_semaphore, #tpu.memory_space<semaphore_mem>>)
      tpu.wait_dma2 semaphore(%run_scoped3A : memref<!tpu.dma_semaphore, #tpu.memory_space<semaphore_mem>>) src(%arg5 : memref<640x24xf32, #tpu.memory_space<hbm>>) dst(%arg10 : memref<640x24xf32, #tpu.memory_space<vmem>>)
      tpu.yield
    }) : () -> ()
    "tpu.region"() ({
      %run_scoped3A = tpu.sem_alloc : memref<!tpu.dma_semaphore, #tpu.memory_space<semaphore_mem>>
      %dma_start3A_141 = arith.constant 0 : i32
      %dma_start3A_142 = tpu.memref_slice %arg11[%mul3A_0, %dma_start3A_141] : memref<10240x24xf32, #tpu.memory_space<vmem_shared>> -> memref<640x24xf32, #tpu.memory_space<vmem_shared>>
      %dma_start3A_143 = arith.constant 0 : i32
      %dma_start3A_144 = tpu.memref_slice %arg11[%mul3A_0, %dma_start3A_143] : memref<10240x24xf32, #tpu.memory_space<vmem_shared>> -> memref<640x24xf32, #tpu.memory_space<vmem_shared>>
      tpu.enqueue_dma source(%arg10 : memref<640x24xf32, #tpu.memory_space<vmem>>) target(%dma_start3A_144 : memref<640x24xf32, #tpu.memory_space<vmem_shared>>) target_semaphore(%run_scoped3A : memref<!tpu.dma_semaphore, #tpu.memory_space<semaphore_mem>>)
      %dma_wait3A_145 = arith.constant 0 : i32
      %dma_wait3A_146 = tpu.memref_slice %arg11[%mul3A_0, %dma_wait3A_145] : memref<10240x24xf32, #tpu.memory_space<vmem_shared>> -> memref<640x24xf32, #tpu.memory_space<vmem_shared>>
      %dma_wait3A_147 = arith.constant 0 : i32
      %dma_wait3A_148 = tpu.memref_slice %arg11[%mul3A_0, %dma_wait3A_147] : memref<10240x24xf32, #tpu.memory_space<vmem_shared>> -> memref<640x24xf32, #tpu.memory_space<vmem_shared>>
      tpu.wait_dma2 semaphore(%run_scoped3A : memref<!tpu.dma_semaphore, #tpu.memory_space<semaphore_mem>>) src(%arg10 : memref<640x24xf32, #tpu.memory_space<vmem>>) dst(%dma_wait3A_148 : memref<640x24xf32, #tpu.memory_space<vmem_shared>>)
      tpu.yield
    }) : () -> ()
    %barrier3A = arith.constant 0 : index
    tpu.barrier barrier_id(%barrier3A)
    %dma_start3A = arith.constant 0 : i32
    %dma_start3A_1 = arith.constant 0 : i32
    %dma_start3A_2 = arith.constant 0 : i32
    %dma_start3A_3 = arith.constant 0 : i32
    %dma_start3A_4 = tpu.memref_slice %arg9[%dma_start3A_1, %dma_start3A_2, %dma_start3A_3] : memref<7x128x24xf32, #tpu.memory_space<vmem>> -> memref<1x128x24xf32, #tpu.memory_space<vmem>>
    %dma_start3A_5 = tpu.memref_squeeze %dma_start3A_4 : memref<1x128x24xf32, #tpu.memory_space<vmem>> -> memref<128x24xf32, #tpu.memory_space<vmem>>
    %dma_start3A_6 = arith.constant 0 : i32
    %dma_start3A_7 = tpu.memref_slice %arg7[%dma_start3A, %dma_start3A_6] : memref<157x128xi32, #tpu.memory_space<vmem>> -> memref<1x128xi32, #tpu.memory_space<vmem>>
    %dma_start3A_8 = tpu.memref_squeeze %dma_start3A_7 : memref<1x128xi32, #tpu.memory_space<vmem>> -> memref<128xi32, #tpu.memory_space<vmem>>
    %dma_start3A_9 = arith.constant 0 : i32
    %dma_start3A_10 = arith.constant 0 : i32
    %dma_start3A_11 = tpu.memref_slice %arg2[%arg0, %dma_start3A_9, %dma_start3A_10] : memref<2x10240x24xf32, #tpu.memory_space<hbm>> -> memref<1x10240x24xf32, #tpu.memory_space<hbm>>
    %dma_start3A_12 = tpu.memref_squeeze %dma_start3A_11 : memref<1x10240x24xf32, #tpu.memory_space<hbm>> -> memref<10240x24xf32, #tpu.memory_space<hbm>>
    %dma_start3A_13 = arith.constant 0 : i32
    %dma_start3A_14 = arith.constant 0 : i32
    %dma_start3A_15 = tpu.memref_slice %dma_start3A_12[%dma_start3A_13, %dma_start3A_14] : memref<10240x24xf32, #tpu.memory_space<hbm>> -> memref<10240x24xf32, #tpu.memory_space<hbm>>
    tpu.enqueue_indirect_dma source(%dma_start3A_15 : memref<10240x24xf32, #tpu.memory_space<hbm>>) target(%dma_start3A_5 : memref<128x24xf32, #tpu.memory_space<vmem>>) offsets(%dma_start3A_8 : memref<128xi32, #tpu.memory_space<vmem>>) semaphore(%arg12 : memref<!tpu.dma_semaphore, #tpu.memory_space<semaphore_mem>>)
    %dma_start3A_16 = arith.constant 1 : i32
    %dma_start3A_17 = arith.constant 1 : i32
    %dma_start3A_18 = arith.constant 0 : i32
    %dma_start3A_19 = arith.constant 0 : i32
    %dma_start3A_20 = tpu.memref_slice %arg9[%dma_start3A_17, %dma_start3A_18, %dma_start3A_19] : memref<7x128x24xf32, #tpu.memory_space<vmem>> -> memref<1x128x24xf32, #tpu.memory_space<vmem>>
    %dma_start3A_21 = tpu.memref_squeeze %dma_start3A_20 : memref<1x128x24xf32, #tpu.memory_space<vmem>> -> memref<128x24xf32, #tpu.memory_space<vmem>>
    %dma_start3A_22 = arith.constant 0 : i32
    %dma_start3A_23 = tpu.memref_slice %arg7[%dma_start3A_16, %dma_start3A_22] : memref<157x128xi32, #tpu.memory_space<vmem>> -> memref<1x128xi32, #tpu.memory_space<vmem>>
    %dma_start3A_24 = tpu.memref_squeeze %dma_start3A_23 : memref<1x128xi32, #tpu.memory_space<vmem>> -> memref<128xi32, #tpu.memory_space<vmem>>
    %dma_start3A_25 = arith.constant 0 : i32
    %dma_start3A_26 = arith.constant 0 : i32
    %dma_start3A_27 = tpu.memref_slice %arg2[%arg0, %dma_start3A_25, %dma_start3A_26] : memref<2x10240x24xf32, #tpu.memory_space<hbm>> -> memref<1x10240x24xf32, #tpu.memory_space<hbm>>
    %dma_start3A_28 = tpu.memref_squeeze %dma_start3A_27 : memref<1x10240x24xf32, #tpu.memory_space<hbm>> -> memref<10240x24xf32, #tpu.memory_space<hbm>>
    %dma_start3A_29 = arith.constant 0 : i32
    %dma_start3A_30 = arith.constant 0 : i32
    %dma_start3A_31 = tpu.memref_slice %dma_start3A_28[%dma_start3A_29, %dma_start3A_30] : memref<10240x24xf32, #tpu.memory_space<hbm>> -> memref<10240x24xf32, #tpu.memory_space<hbm>>
    tpu.enqueue_indirect_dma source(%dma_start3A_31 : memref<10240x24xf32, #tpu.memory_space<hbm>>) target(%dma_start3A_21 : memref<128x24xf32, #tpu.memory_space<vmem>>) offsets(%dma_start3A_24 : memref<128xi32, #tpu.memory_space<vmem>>) semaphore(%arg12 : memref<!tpu.dma_semaphore, #tpu.memory_space<semaphore_mem>>)
    %dma_start3A_32 = arith.constant 2 : i32
    %dma_start3A_33 = arith.constant 2 : i32
    %dma_start3A_34 = arith.constant 0 : i32
    %dma_start3A_35 = arith.constant 0 : i32
    %dma_start3A_36 = tpu.memref_slice %arg9[%dma_start3A_33, %dma_start3A_34, %dma_start3A_35] : memref<7x128x24xf32, #tpu.memory_space<vmem>> -> memref<1x128x24xf32, #tpu.memory_space<vmem>>
    %dma_start3A_37 = tpu.memref_squeeze %dma_start3A_36 : memref<1x128x24xf32, #tpu.memory_space<vmem>> -> memref<128x24xf32, #tpu.memory_space<vmem>>
    %dma_start3A_38 = arith.constant 0 : i32
    %dma_start3A_39 = tpu.memref_slice %arg7[%dma_start3A_32, %dma_start3A_38] : memref<157x128xi32, #tpu.memory_space<vmem>> -> memref<1x128xi32, #tpu.memory_space<vmem>>
    %dma_start3A_40 = tpu.memref_squeeze %dma_start3A_39 : memref<1x128xi32, #tpu.memory_space<vmem>> -> memref<128xi32, #tpu.memory_space<vmem>>
    %dma_start3A_41 = arith.constant 0 : i32
    %dma_start3A_42 = arith.constant 0 : i32
    %dma_start3A_43 = tpu.memref_slice %arg2[%arg0, %dma_start3A_41, %dma_start3A_42] : memref<2x10240x24xf32, #tpu.memory_space<hbm>> -> memref<1x10240x24xf32, #tpu.memory_space<hbm>>
    %dma_start3A_44 = tpu.memref_squeeze %dma_start3A_43 : memref<1x10240x24xf32, #tpu.memory_space<hbm>> -> memref<10240x24xf32, #tpu.memory_space<hbm>>
    %dma_start3A_45 = arith.constant 0 : i32
    %dma_start3A_46 = arith.constant 0 : i32
    %dma_start3A_47 = tpu.memref_slice %dma_start3A_44[%dma_start3A_45, %dma_start3A_46] : memref<10240x24xf32, #tpu.memory_space<hbm>> -> memref<10240x24xf32, #tpu.memory_space<hbm>>
    tpu.enqueue_indirect_dma source(%dma_start3A_47 : memref<10240x24xf32, #tpu.memory_space<hbm>>) target(%dma_start3A_37 : memref<128x24xf32, #tpu.memory_space<vmem>>) offsets(%dma_start3A_40 : memref<128xi32, #tpu.memory_space<vmem>>) semaphore(%arg12 : memref<!tpu.dma_semaphore, #tpu.memory_space<semaphore_mem>>)
    %dma_start3A_48 = arith.constant 3 : i32
    %dma_start3A_49 = arith.constant 3 : i32
    %dma_start3A_50 = arith.constant 0 : i32
    %dma_start3A_51 = arith.constant 0 : i32
    %dma_start3A_52 = tpu.memref_slice %arg9[%dma_start3A_49, %dma_start3A_50, %dma_start3A_51] : memref<7x128x24xf32, #tpu.memory_space<vmem>> -> memref<1x128x24xf32, #tpu.memory_space<vmem>>
    %dma_start3A_53 = tpu.memref_squeeze %dma_start3A_52 : memref<1x128x24xf32, #tpu.memory_space<vmem>> -> memref<128x24xf32, #tpu.memory_space<vmem>>
    %dma_start3A_54 = arith.constant 0 : i32
    %dma_start3A_55 = tpu.memref_slice %arg7[%dma_start3A_48, %dma_start3A_54] : memref<157x128xi32, #tpu.memory_space<vmem>> -> memref<1x128xi32, #tpu.memory_space<vmem>>
    %dma_start3A_56 = tpu.memref_squeeze %dma_start3A_55 : memref<1x128xi32, #tpu.memory_space<vmem>> -> memref<128xi32, #tpu.memory_space<vmem>>
    %dma_start3A_57 = arith.constant 0 : i32
    %dma_start3A_58 = arith.constant 0 : i32
    %dma_start3A_59 = tpu.memref_slice %arg2[%arg0, %dma_start3A_57, %dma_start3A_58] : memref<2x10240x24xf32, #tpu.memory_space<hbm>> -> memref<1x10240x24xf32, #tpu.memory_space<hbm>>
    %dma_start3A_60 = tpu.memref_squeeze %dma_start3A_59 : memref<1x10240x24xf32, #tpu.memory_space<hbm>> -> memref<10240x24xf32, #tpu.memory_space<hbm>>
    %dma_start3A_61 = arith.constant 0 : i32
    %dma_start3A_62 = arith.constant 0 : i32
    %dma_start3A_63 = tpu.memref_slice %dma_start3A_60[%dma_start3A_61, %dma_start3A_62] : memref<10240x24xf32, #tpu.memory_space<hbm>> -> memref<10240x24xf32, #tpu.memory_space<hbm>>
    tpu.enqueue_indirect_dma source(%dma_start3A_63 : memref<10240x24xf32, #tpu.memory_space<hbm>>) target(%dma_start3A_53 : memref<128x24xf32, #tpu.memory_space<vmem>>) offsets(%dma_start3A_56 : memref<128xi32, #tpu.memory_space<vmem>>) semaphore(%arg12 : memref<!tpu.dma_semaphore, #tpu.memory_space<semaphore_mem>>)
    %dma_start3A_64 = arith.constant 4 : i32
    %dma_start3A_65 = arith.constant 4 : i32
    %dma_start3A_66 = arith.constant 0 : i32
    %dma_start3A_67 = arith.constant 0 : i32
    %dma_start3A_68 = tpu.memref_slice %arg9[%dma_start3A_65, %dma_start3A_66, %dma_start3A_67] : memref<7x128x24xf32, #tpu.memory_space<vmem>> -> memref<1x128x24xf32, #tpu.memory_space<vmem>>
    %dma_start3A_69 = tpu.memref_squeeze %dma_start3A_68 : memref<1x128x24xf32, #tpu.memory_space<vmem>> -> memref<128x24xf32, #tpu.memory_space<vmem>>
    %dma_start3A_70 = arith.constant 0 : i32
    %dma_start3A_71 = tpu.memref_slice %arg7[%dma_start3A_64, %dma_start3A_70] : memref<157x128xi32, #tpu.memory_space<vmem>> -> memref<1x128xi32, #tpu.memory_space<vmem>>
    %dma_start3A_72 = tpu.memref_squeeze %dma_start3A_71 : memref<1x128xi32, #tpu.memory_space<vmem>> -> memref<128xi32, #tpu.memory_space<vmem>>
    %dma_start3A_73 = arith.constant 0 : i32
    %dma_start3A_74 = arith.constant 0 : i32
    %dma_start3A_75 = tpu.memref_slice %arg2[%arg0, %dma_start3A_73, %dma_start3A_74] : memref<2x10240x24xf32, #tpu.memory_space<hbm>> -> memref<1x10240x24xf32, #tpu.memory_space<hbm>>
    %dma_start3A_76 = tpu.memref_squeeze %dma_start3A_75 : memref<1x10240x24xf32, #tpu.memory_space<hbm>> -> memref<10240x24xf32, #tpu.memory_space<hbm>>
    %dma_start3A_77 = arith.constant 0 : i32
    %dma_start3A_78 = arith.constant 0 : i32
    %dma_start3A_79 = tpu.memref_slice %dma_start3A_76[%dma_start3A_77, %dma_start3A_78] : memref<10240x24xf32, #tpu.memory_space<hbm>> -> memref<10240x24xf32, #tpu.memory_space<hbm>>
    tpu.enqueue_indirect_dma source(%dma_start3A_79 : memref<10240x24xf32, #tpu.memory_space<hbm>>) target(%dma_start3A_69 : memref<128x24xf32, #tpu.memory_space<vmem>>) offsets(%dma_start3A_72 : memref<128xi32, #tpu.memory_space<vmem>>) semaphore(%arg12 : memref<!tpu.dma_semaphore, #tpu.memory_space<semaphore_mem>>)
    %dma_start3A_80 = arith.constant 5 : i32
    %dma_start3A_81 = arith.constant 5 : i32
    %dma_start3A_82 = arith.constant 0 : i32
    %dma_start3A_83 = arith.constant 0 : i32
    %dma_start3A_84 = tpu.memref_slice %arg9[%dma_start3A_81, %dma_start3A_82, %dma_start3A_83] : memref<7x128x24xf32, #tpu.memory_space<vmem>> -> memref<1x128x24xf32, #tpu.memory_space<vmem>>
    %dma_start3A_85 = tpu.memref_squeeze %dma_start3A_84 : memref<1x128x24xf32, #tpu.memory_space<vmem>> -> memref<128x24xf32, #tpu.memory_space<vmem>>
    %dma_start3A_86 = arith.constant 0 : i32
    %dma_start3A_87 = tpu.memref_slice %arg7[%dma_start3A_80, %dma_start3A_86] : memref<157x128xi32, #tpu.memory_space<vmem>> -> memref<1x128xi32, #tpu.memory_space<vmem>>
    %dma_start3A_88 = tpu.memref_squeeze %dma_start3A_87 : memref<1x128xi32, #tpu.memory_space<vmem>> -> memref<128xi32, #tpu.memory_space<vmem>>
    %dma_start3A_89 = arith.constant 0 : i32
    %dma_start3A_90 = arith.constant 0 : i32
    %dma_start3A_91 = tpu.memref_slice %arg2[%arg0, %dma_start3A_89, %dma_start3A_90] : memref<2x10240x24xf32, #tpu.memory_space<hbm>> -> memref<1x10240x24xf32, #tpu.memory_space<hbm>>
    %dma_start3A_92 = tpu.memref_squeeze %dma_start3A_91 : memref<1x10240x24xf32, #tpu.memory_space<hbm>> -> memref<10240x24xf32, #tpu.memory_space<hbm>>
    %dma_start3A_93 = arith.constant 0 : i32
    %dma_start3A_94 = arith.constant 0 : i32
    %dma_start3A_95 = tpu.memref_slice %dma_start3A_92[%dma_start3A_93, %dma_start3A_94] : memref<10240x24xf32, #tpu.memory_space<hbm>> -> memref<10240x24xf32, #tpu.memory_space<hbm>>
    tpu.enqueue_indirect_dma source(%dma_start3A_95 : memref<10240x24xf32, #tpu.memory_space<hbm>>) target(%dma_start3A_85 : memref<128x24xf32, #tpu.memory_space<vmem>>) offsets(%dma_start3A_88 : memref<128xi32, #tpu.memory_space<vmem>>) semaphore(%arg12 : memref<!tpu.dma_semaphore, #tpu.memory_space<semaphore_mem>>)
    %dma_start3A_96 = arith.constant 6 : i32
    %dma_start3A_97 = arith.constant 6 : i32
    %dma_start3A_98 = arith.constant 0 : i32
    %dma_start3A_99 = arith.constant 0 : i32
    %dma_start3A_100 = tpu.memref_slice %arg9[%dma_start3A_97, %dma_start3A_98, %dma_start3A_99] : memref<7x128x24xf32, #tpu.memory_space<vmem>> -> memref<1x128x24xf32, #tpu.memory_space<vmem>>
    %dma_start3A_101 = tpu.memref_squeeze %dma_start3A_100 : memref<1x128x24xf32, #tpu.memory_space<vmem>> -> memref<128x24xf32, #tpu.memory_space<vmem>>
    %dma_start3A_102 = arith.constant 0 : i32
    %dma_start3A_103 = tpu.memref_slice %arg7[%dma_start3A_96, %dma_start3A_102] : memref<157x128xi32, #tpu.memory_space<vmem>> -> memref<1x128xi32, #tpu.memory_space<vmem>>
    %dma_start3A_104 = tpu.memref_squeeze %dma_start3A_103 : memref<1x128xi32, #tpu.memory_space<vmem>> -> memref<128xi32, #tpu.memory_space<vmem>>
    %dma_start3A_105 = arith.constant 0 : i32
    %dma_start3A_106 = arith.constant 0 : i32
    %dma_start3A_107 = tpu.memref_slice %arg2[%arg0, %dma_start3A_105, %dma_start3A_106] : memref<2x10240x24xf32, #tpu.memory_space<hbm>> -> memref<1x10240x24xf32, #tpu.memory_space<hbm>>
    %dma_start3A_108 = tpu.memref_squeeze %dma_start3A_107 : memref<1x10240x24xf32, #tpu.memory_space<hbm>> -> memref<10240x24xf32, #tpu.memory_space<hbm>>
    %dma_start3A_109 = arith.constant 0 : i32
    %dma_start3A_110 = arith.constant 0 : i32
    %dma_start3A_111 = tpu.memref_slice %dma_start3A_108[%dma_start3A_109, %dma_start3A_110] : memref<10240x24xf32, #tpu.memory_space<hbm>> -> memref<10240x24xf32, #tpu.memory_space<hbm>>
    tpu.enqueue_indirect_dma source(%dma_start3A_111 : memref<10240x24xf32, #tpu.memory_space<hbm>>) target(%dma_start3A_101 : memref<128x24xf32, #tpu.memory_space<vmem>>) offsets(%dma_start3A_104 : memref<128xi32, #tpu.memory_space<vmem>>) semaphore(%arg12 : memref<!tpu.dma_semaphore, #tpu.memory_space<semaphore_mem>>)
    %scan3A = arith.constant 0 : i32
    %scan3A_112 = arith.constant 0 : i32
    %scan3A_113 = arith.constant 157 : i32
    %scan3A_114 = arith.addi %scan3A_112, %scan3A_113 : i32
    %scan3A_115 = arith.constant 1 : i32
    scf.for %scan3A_141 = %scan3A_112 to %scan3A_114 step %scan3A_115  : i32 {
      %rem3A = arith.constant 7 : i32
      %rem3A_142 = arith.remsi %scan3A_141, %rem3A : i32
      %dma_wait3A_143 = arith.constant 0 : i32
      %dma_wait3A_144 = arith.constant 0 : i32
      %dma_wait3A_145 = tpu.memref_slice %arg9[%rem3A_142, %dma_wait3A_143, %dma_wait3A_144] : memref<7x128x24xf32, #tpu.memory_space<vmem>> -> memref<1x128x24xf32, #tpu.memory_space<vmem>>
      %dma_wait3A_146 = tpu.memref_squeeze %dma_wait3A_145 : memref<1x128x24xf32, #tpu.memory_space<vmem>> -> memref<128x24xf32, #tpu.memory_space<vmem>>
      %dma_wait3A_147 = arith.constant 0 : i32
      %dma_wait3A_148 = tpu.memref_slice %arg7[%scan3A_141, %dma_wait3A_147] : memref<157x128xi32, #tpu.memory_space<vmem>> -> memref<1x128xi32, #tpu.memory_space<vmem>>
      %dma_wait3A_149 = tpu.memref_squeeze %dma_wait3A_148 : memref<1x128xi32, #tpu.memory_space<vmem>> -> memref<128xi32, #tpu.memory_space<vmem>>
      %dma_wait3A_150 = arith.constant 0 : i32
      %dma_wait3A_151 = arith.constant 0 : i32
      %dma_wait3A_152 = tpu.memref_slice %arg2[%arg0, %dma_wait3A_150, %dma_wait3A_151] : memref<2x10240x24xf32, #tpu.memory_space<hbm>> -> memref<1x10240x24xf32, #tpu.memory_space<hbm>>
      %dma_wait3A_153 = tpu.memref_squeeze %dma_wait3A_152 : memref<1x10240x24xf32, #tpu.memory_space<hbm>> -> memref<10240x24xf32, #tpu.memory_space<hbm>>
      %dma_wait3A_154 = arith.constant 0 : i32
      %dma_wait3A_155 = arith.constant 0 : i32
      %dma_wait3A_156 = tpu.memref_slice %dma_wait3A_153[%dma_wait3A_154, %dma_wait3A_155] : memref<10240x24xf32, #tpu.memory_space<hbm>> -> memref<10240x24xf32, #tpu.memory_space<hbm>>
      tpu.wait_indirect_dma semaphore(%arg12 : memref<!tpu.dma_semaphore, #tpu.memory_space<semaphore_mem>>) src(%dma_wait3A_156 : memref<10240x24xf32, #tpu.memory_space<hbm>>) dst(%dma_wait3A_146 : memref<128x24xf32, #tpu.memory_space<vmem>>)
      %dma_start3A_157 = arith.constant 0 : i32
      %dma_start3A_158 = arith.constant 0 : i32
      %dma_start3A_159 = tpu.memref_slice %arg9[%rem3A_142, %dma_start3A_157, %dma_start3A_158] : memref<7x128x24xf32, #tpu.memory_space<vmem>> -> memref<1x128x24xf32, #tpu.memory_space<vmem>>
      %dma_start3A_160 = tpu.memref_squeeze %dma_start3A_159 : memref<1x128x24xf32, #tpu.memory_space<vmem>> -> memref<128x24xf32, #tpu.memory_space<vmem>>
      %dma_start3A_161 = arith.constant 0 : i32
      %dma_start3A_162 = tpu.memref_slice %arg8[%scan3A_141, %dma_start3A_161] : memref<157x128xi32, #tpu.memory_space<vmem>> -> memref<1x128xi32, #tpu.memory_space<vmem>>
      %dma_start3A_163 = tpu.memref_squeeze %dma_start3A_162 : memref<1x128xi32, #tpu.memory_space<vmem>> -> memref<128xi32, #tpu.memory_space<vmem>>
      %dma_start3A_164 = arith.constant 0 : i32
      %dma_start3A_165 = arith.constant 0 : i32
      %dma_start3A_166 = tpu.memref_slice %arg11[%dma_start3A_164, %dma_start3A_165] : memref<10240x24xf32, #tpu.memory_space<vmem_shared>> -> memref<10240x24xf32, #tpu.memory_space<vmem_shared>>
      tpu.enqueue_indirect_dma source(%dma_start3A_160 : memref<128x24xf32, #tpu.memory_space<vmem>>) target(%dma_start3A_166 : memref<10240x24xf32, #tpu.memory_space<vmem_shared>>) offsets(%dma_start3A_163 : memref<128xi32, #tpu.memory_space<vmem>>) semaphore(%arg13 : memref<!tpu.dma_semaphore, #tpu.memory_space<semaphore_mem>>) {add = true}
      %ge3A = arith.constant 2 : i32
      %ge3A_167 = arith.cmpi sge, %scan3A_141, %ge3A : i32
      %convert_element_type3A = arith.extui %ge3A_167 : i1 to i32
      %cond3A = arith.constant 0 : i32
      %cond3A_168 = arith.cmpi ne, %convert_element_type3A, %cond3A : i32
      scf.if %cond3A_168 {
        %sub3A = arith.constant 2 : i32
        %sub3A_169 = arith.subi %scan3A_141, %sub3A : i32
        %add3A = arith.constant 7 : i32
        %add3A_170 = arith.addi %sub3A_169, %add3A : i32
        %rem3A_171 = arith.constant 7 : i32
        %rem3A_172 = arith.remsi %add3A_170, %rem3A_171 : i32
        %dma_wait3A_173 = arith.constant 0 : i32
        %dma_wait3A_174 = arith.constant 0 : i32
        %dma_wait3A_175 = tpu.memref_slice %arg9[%rem3A_172, %dma_wait3A_173, %dma_wait3A_174] : memref<7x128x24xf32, #tpu.memory_space<vmem>> -> memref<1x128x24xf32, #tpu.memory_space<vmem>>
        %dma_wait3A_176 = tpu.memref_squeeze %dma_wait3A_175 : memref<1x128x24xf32, #tpu.memory_space<vmem>> -> memref<128x24xf32, #tpu.memory_space<vmem>>
        %dma_wait3A_177 = arith.constant 0 : i32
        %dma_wait3A_178 = tpu.memref_slice %arg8[%scan3A_141, %dma_wait3A_177] : memref<157x128xi32, #tpu.memory_space<vmem>> -> memref<1x128xi32, #tpu.memory_space<vmem>>
        %dma_wait3A_179 = tpu.memref_squeeze %dma_wait3A_178 : memref<1x128xi32, #tpu.memory_space<vmem>> -> memref<128xi32, #tpu.memory_space<vmem>>
        %dma_wait3A_180 = arith.constant 0 : i32
        %dma_wait3A_181 = arith.constant 0 : i32
        %dma_wait3A_182 = tpu.memref_slice %arg11[%dma_wait3A_180, %dma_wait3A_181] : memref<10240x24xf32, #tpu.memory_space<vmem_shared>> -> memref<10240x24xf32, #tpu.memory_space<vmem_shared>>
        tpu.wait_indirect_dma semaphore(%arg13 : memref<!tpu.dma_semaphore, #tpu.memory_space<semaphore_mem>>) src(%dma_wait3A_176 : memref<128x24xf32, #tpu.memory_space<vmem>>) dst(%dma_wait3A_182 : memref<10240x24xf32, #tpu.memory_space<vmem_shared>>)
        %lt3A = arith.constant 157 : i32
        %lt3A_183 = arith.cmpi slt, %add3A_170, %lt3A : i32
        %convert_element_type3A_184 = arith.extui %lt3A_183 : i1 to i32
        %cond3A_185 = arith.constant 0 : i32
        %cond3A_186 = arith.cmpi ne, %convert_element_type3A_184, %cond3A_185 : i32
        scf.if %cond3A_186 {
          %dma_start3A_187 = arith.constant 0 : i32
          %dma_start3A_188 = arith.constant 0 : i32
          %dma_start3A_189 = tpu.memref_slice %arg9[%rem3A_172, %dma_start3A_187, %dma_start3A_188] : memref<7x128x24xf32, #tpu.memory_space<vmem>> -> memref<1x128x24xf32, #tpu.memory_space<vmem>>
          %dma_start3A_190 = tpu.memref_squeeze %dma_start3A_189 : memref<1x128x24xf32, #tpu.memory_space<vmem>> -> memref<128x24xf32, #tpu.memory_space<vmem>>
          %dma_start3A_191 = arith.constant 0 : i32
          %dma_start3A_192 = tpu.memref_slice %arg7[%add3A_170, %dma_start3A_191] : memref<157x128xi32, #tpu.memory_space<vmem>> -> memref<1x128xi32, #tpu.memory_space<vmem>>
          %dma_start3A_193 = tpu.memref_squeeze %dma_start3A_192 : memref<1x128xi32, #tpu.memory_space<vmem>> -> memref<128xi32, #tpu.memory_space<vmem>>
          %dma_start3A_194 = arith.constant 0 : i32
          %dma_start3A_195 = arith.constant 0 : i32
          %dma_start3A_196 = tpu.memref_slice %arg2[%arg0, %dma_start3A_194, %dma_start3A_195] : memref<2x10240x24xf32, #tpu.memory_space<hbm>> -> memref<1x10240x24xf32, #tpu.memory_space<hbm>>
          %dma_start3A_197 = tpu.memref_squeeze %dma_start3A_196 : memref<1x10240x24xf32, #tpu.memory_space<hbm>> -> memref<10240x24xf32, #tpu.memory_space<hbm>>
          %dma_start3A_198 = arith.constant 0 : i32
          %dma_start3A_199 = arith.constant 0 : i32
          %dma_start3A_200 = tpu.memref_slice %dma_start3A_197[%dma_start3A_198, %dma_start3A_199] : memref<10240x24xf32, #tpu.memory_space<hbm>> -> memref<10240x24xf32, #tpu.memory_space<hbm>>
          tpu.enqueue_indirect_dma source(%dma_start3A_200 : memref<10240x24xf32, #tpu.memory_space<hbm>>) target(%dma_start3A_190 : memref<128x24xf32, #tpu.memory_space<vmem>>) offsets(%dma_start3A_193 : memref<128xi32, #tpu.memory_space<vmem>>) semaphore(%arg12 : memref<!tpu.dma_semaphore, #tpu.memory_space<semaphore_mem>>)
        } else {
        }
      } else {
      }
    }
    %scan3A_116 = arith.constant 157 : i32
    %dma_wait3A = arith.constant 0 : i32
    %dma_wait3A_117 = arith.constant 0 : i32
    %dma_wait3A_118 = arith.constant 0 : i32
    %dma_wait3A_119 = arith.constant 0 : i32
    %dma_wait3A_120 = tpu.memref_slice %arg9[%dma_wait3A, %dma_wait3A_118, %dma_wait3A_119] : memref<7x128x24xf32, #tpu.memory_space<vmem>> -> memref<1x128x24xf32, #tpu.memory_space<vmem>>
    %dma_wait3A_121 = tpu.memref_squeeze %dma_wait3A_120 : memref<1x128x24xf32, #tpu.memory_space<vmem>> -> memref<128x24xf32, #tpu.memory_space<vmem>>
    %dma_wait3A_122 = arith.constant 0 : i32
    %dma_wait3A_123 = tpu.memref_slice %arg8[%dma_wait3A_117, %dma_wait3A_122] : memref<157x128xi32, #tpu.memory_space<vmem>> -> memref<1x128xi32, #tpu.memory_space<vmem>>
    %dma_wait3A_124 = tpu.memref_squeeze %dma_wait3A_123 : memref<1x128xi32, #tpu.memory_space<vmem>> -> memref<128xi32, #tpu.memory_space<vmem>>
    %dma_wait3A_125 = arith.constant 0 : i32
    %dma_wait3A_126 = arith.constant 0 : i32
    %dma_wait3A_127 = tpu.memref_slice %arg11[%dma_wait3A_125, %dma_wait3A_126] : memref<10240x24xf32, #tpu.memory_space<vmem_shared>> -> memref<10240x24xf32, #tpu.memory_space<vmem_shared>>
    tpu.wait_indirect_dma semaphore(%arg13 : memref<!tpu.dma_semaphore, #tpu.memory_space<semaphore_mem>>) src(%dma_wait3A_121 : memref<128x24xf32, #tpu.memory_space<vmem>>) dst(%dma_wait3A_127 : memref<10240x24xf32, #tpu.memory_space<vmem_shared>>)
    %dma_wait3A_128 = arith.constant 0 : i32
    %dma_wait3A_129 = arith.constant 0 : i32
    %dma_wait3A_130 = arith.constant 0 : i32
    %dma_wait3A_131 = arith.constant 0 : i32
    %dma_wait3A_132 = tpu.memref_slice %arg9[%dma_wait3A_128, %dma_wait3A_130, %dma_wait3A_131] : memref<7x128x24xf32, #tpu.memory_space<vmem>> -> memref<1x128x24xf32, #tpu.memory_space<vmem>>
    %dma_wait3A_133 = tpu.memref_squeeze %dma_wait3A_132 : memref<1x128x24xf32, #tpu.memory_space<vmem>> -> memref<128x24xf32, #tpu.memory_space<vmem>>
    %dma_wait3A_134 = arith.constant 0 : i32
    %dma_wait3A_135 = tpu.memref_slice %arg8[%dma_wait3A_129, %dma_wait3A_134] : memref<157x128xi32, #tpu.memory_space<vmem>> -> memref<1x128xi32, #tpu.memory_space<vmem>>
    %dma_wait3A_136 = tpu.memref_squeeze %dma_wait3A_135 : memref<1x128xi32, #tpu.memory_space<vmem>> -> memref<128xi32, #tpu.memory_space<vmem>>
    %dma_wait3A_137 = arith.constant 0 : i32
    %dma_wait3A_138 = arith.constant 0 : i32
    %dma_wait3A_139 = tpu.memref_slice %arg11[%dma_wait3A_137, %dma_wait3A_138] : memref<10240x24xf32, #tpu.memory_space<vmem_shared>> -> memref<10240x24xf32, #tpu.memory_space<vmem_shared>>
    tpu.wait_indirect_dma semaphore(%arg13 : memref<!tpu.dma_semaphore, #tpu.memory_space<semaphore_mem>>) src(%dma_wait3A_133 : memref<128x24xf32, #tpu.memory_space<vmem>>) dst(%dma_wait3A_139 : memref<10240x24xf32, #tpu.memory_space<vmem_shared>>)
    %barrier3A_140 = arith.constant 0 : index
    tpu.barrier barrier_id(%barrier3A_140)
    "tpu.region"() ({
      %run_scoped3A = tpu.sem_alloc : memref<!tpu.dma_semaphore, #tpu.memory_space<semaphore_mem>>
      %dma_start3A_141 = arith.constant 0 : i32
      %dma_start3A_142 = tpu.memref_slice %arg11[%mul3A_0, %dma_start3A_141] : memref<10240x24xf32, #tpu.memory_space<vmem_shared>> -> memref<640x24xf32, #tpu.memory_space<vmem_shared>>
      %dma_start3A_143 = arith.constant 0 : i32
      %dma_start3A_144 = tpu.memref_slice %arg11[%mul3A_0, %dma_start3A_143] : memref<10240x24xf32, #tpu.memory_space<vmem_shared>> -> memref<640x24xf32, #tpu.memory_space<vmem_shared>>
      tpu.enqueue_dma source(%dma_start3A_144 : memref<640x24xf32, #tpu.memory_space<vmem_shared>>) target(%arg10 : memref<640x24xf32, #tpu.memory_space<vmem>>) target_semaphore(%run_scoped3A : memref<!tpu.dma_semaphore, #tpu.memory_space<semaphore_mem>>)
      %dma_wait3A_145 = arith.constant 0 : i32
      %dma_wait3A_146 = tpu.memref_slice %arg11[%mul3A_0, %dma_wait3A_145] : memref<10240x24xf32, #tpu.memory_space<vmem_shared>> -> memref<640x24xf32, #tpu.memory_space<vmem_shared>>
      %dma_wait3A_147 = arith.constant 0 : i32
      %dma_wait3A_148 = tpu.memref_slice %arg11[%mul3A_0, %dma_wait3A_147] : memref<10240x24xf32, #tpu.memory_space<vmem_shared>> -> memref<640x24xf32, #tpu.memory_space<vmem_shared>>
      tpu.wait_dma2 semaphore(%run_scoped3A : memref<!tpu.dma_semaphore, #tpu.memory_space<semaphore_mem>>) src(%dma_wait3A_148 : memref<640x24xf32, #tpu.memory_space<vmem_shared>>) dst(%arg10 : memref<640x24xf32, #tpu.memory_space<vmem>>)
      tpu.yield
    }) : () -> ()
    "tpu.region"() ({
      %run_scoped3A = tpu.sem_alloc : memref<!tpu.dma_semaphore, #tpu.memory_space<semaphore_mem>>
      %dma_start3A_141 = arith.constant 0 : i32
      %dma_start3A_142 = arith.constant 0 : i32
      %dma_start3A_143 = tpu.memref_slice %arg6[%arg0, %dma_start3A_141, %dma_start3A_142] : memref<2x10240x24xf32, #tpu.memory_space<hbm>> -> memref<1x10240x24xf32, #tpu.memory_space<hbm>>
      %dma_start3A_144 = tpu.memref_squeeze %dma_start3A_143 : memref<1x10240x24xf32, #tpu.memory_space<hbm>> -> memref<10240x24xf32, #tpu.memory_space<hbm>>
      %dma_start3A_145 = arith.constant 0 : i32
      %dma_start3A_146 = tpu.memref_slice %dma_start3A_144[%mul3A_0, %dma_start3A_145] : memref<10240x24xf32, #tpu.memory_space<hbm>> -> memref<640x24xf32, #tpu.memory_space<hbm>>
      %dma_start3A_147 = arith.constant 0 : i32
      %dma_start3A_148 = arith.constant 0 : i32
      %dma_start3A_149 = tpu.memref_slice %arg6[%arg0, %dma_start3A_147, %dma_start3A_148] : memref<2x10240x24xf32, #tpu.memory_space<hbm>> -> memref<1x10240x24xf32, #tpu.memory_space<hbm>>
      %dma_start3A_150 = tpu.memref_squeeze %dma_start3A_149 : memref<1x10240x24xf32, #tpu.memory_space<hbm>> -> memref<10240x24xf32, #tpu.memory_space<hbm>>
      %dma_start3A_151 = arith.constant 0 : i32
      %dma_start3A_152 = tpu.memref_slice %dma_start3A_150[%mul3A_0, %dma_start3A_151] : memref<10240x24xf32, #tpu.memory_space<hbm>> -> memref<640x24xf32, #tpu.memory_space<hbm>>
      tpu.enqueue_dma source(%arg10 : memref<640x24xf32, #tpu.memory_space<vmem>>) target(%dma_start3A_152 : memref<640x24xf32, #tpu.memory_space<hbm>>) target_semaphore(%run_scoped3A : memref<!tpu.dma_semaphore, #tpu.memory_space<semaphore_mem>>)
      %dma_wait3A_153 = arith.constant 0 : i32
      %dma_wait3A_154 = arith.constant 0 : i32
      %dma_wait3A_155 = tpu.memref_slice %arg6[%arg0, %dma_wait3A_153, %dma_wait3A_154] : memref<2x10240x24xf32, #tpu.memory_space<hbm>> -> memref<1x10240x24xf32, #tpu.memory_space<hbm>>
      %dma_wait3A_156 = tpu.memref_squeeze %dma_wait3A_155 : memref<1x10240x24xf32, #tpu.memory_space<hbm>> -> memref<10240x24xf32, #tpu.memory_space<hbm>>
      %dma_wait3A_157 = arith.constant 0 : i32
      %dma_wait3A_158 = tpu.memref_slice %dma_wait3A_156[%mul3A_0, %dma_wait3A_157] : memref<10240x24xf32, #tpu.memory_space<hbm>> -> memref<640x24xf32, #tpu.memory_space<hbm>>
      %dma_wait3A_159 = arith.constant 0 : i32
      %dma_wait3A_160 = arith.constant 0 : i32
      %dma_wait3A_161 = tpu.memref_slice %arg6[%arg0, %dma_wait3A_159, %dma_wait3A_160] : memref<2x10240x24xf32, #tpu.memory_space<hbm>> -> memref<1x10240x24xf32, #tpu.memory_space<hbm>>
      %dma_wait3A_162 = tpu.memref_squeeze %dma_wait3A_161 : memref<1x10240x24xf32, #tpu.memory_space<hbm>> -> memref<10240x24xf32, #tpu.memory_space<hbm>>
      %dma_wait3A_163 = arith.constant 0 : i32
      %dma_wait3A_164 = tpu.memref_slice %dma_wait3A_162[%mul3A_0, %dma_wait3A_163] : memref<10240x24xf32, #tpu.memory_space<hbm>> -> memref<640x24xf32, #tpu.memory_space<hbm>>
      tpu.wait_dma2 semaphore(%run_scoped3A : memref<!tpu.dma_semaphore, #tpu.memory_space<semaphore_mem>>) src(%arg10 : memref<640x24xf32, #tpu.memory_space<vmem>>) dst(%dma_wait3A_164 : memref<640x24xf32, #tpu.memory_space<hbm>>)
      tpu.yield
    }) : () -> ()
    return
  }
}

#map = affine_map<(d0, d1) -> (0, 0, 0)>
#map1 = affine_map<(d0, d1) -> (0)>
module attributes {stable_mosaic.version = 14 : i64} {
  func.func @deg_k(%arg0: i32, %arg1: i32, %arg2: memref<32x79x128xi32, #tpu.memory_space<hbm>>, %arg3: memref<32x79x128xi32, #tpu.memory_space<hbm>>, %arg4: memref<640xf32, #tpu.memory_space<hbm>>, %arg5: memref<128xf32, #tpu.memory_space<hbm>>, %arg6: memref<2x2x10240xf32, #tpu.memory_space<hbm>>, %arg7: memref<79x128xi32, #tpu.memory_space<vmem>>, %arg8: memref<79x128xi32, #tpu.memory_space<vmem>>, %arg9: memref<128xf32, #tpu.memory_space<vmem>>, %arg10: memref<640xf32, #tpu.memory_space<vmem>>, %arg11: memref<10240xf32, #tpu.memory_space<vmem_shared>>, %arg12: memref<10240xf32, #tpu.memory_space<vmem_shared>>) attributes {dimension_semantics = [#tpu.dimension_semantics<core_parallel>, #tpu.dimension_semantics<subcore_parallel>], iteration_bounds = array<i64: 2, 16>, scalar_prefetch = 0 : i64, scratch_operands = 6 : i64, tpu.core_type = #tpu.core_type<sc_vector_subcore>, window_params = [{transform_indices = #map}, {transform_indices = #map}, {transform_indices = #map1}, {transform_indices = #map1}, {transform_indices = #map}]} {
    %mul3A = arith.constant 16 : i32
    %mul3A_0 = arith.muli %arg0, %mul3A : i32
    %add3A = arith.addi %mul3A_0, %arg1 : i32
    "tpu.region"() ({
      %run_scoped3A_20 = tpu.sem_alloc : memref<!tpu.dma_semaphore, #tpu.memory_space<semaphore_mem>>
      tpu.enqueue_dma source(%arg4 : memref<640xf32, #tpu.memory_space<hbm>>) target(%arg10 : memref<640xf32, #tpu.memory_space<vmem>>) target_semaphore(%run_scoped3A_20 : memref<!tpu.dma_semaphore, #tpu.memory_space<semaphore_mem>>)
      tpu.wait_dma2 semaphore(%run_scoped3A_20 : memref<!tpu.dma_semaphore, #tpu.memory_space<semaphore_mem>>) src(%arg4 : memref<640xf32, #tpu.memory_space<hbm>>) dst(%arg10 : memref<640xf32, #tpu.memory_space<vmem>>)
      tpu.yield
    }) : () -> ()
    %mul3A_1 = arith.constant 640 : i32
    %mul3A_2 = arith.muli %arg1, %mul3A_1 : i32
    "tpu.region"() ({
      %run_scoped3A_20 = tpu.sem_alloc : memref<!tpu.dma_semaphore, #tpu.memory_space<semaphore_mem>>
      %dma_start3A = tpu.memref_slice %arg11[%mul3A_2] : memref<10240xf32, #tpu.memory_space<vmem_shared>> -> memref<640xf32, #tpu.memory_space<vmem_shared>>
      %dma_start3A_21 = tpu.memref_slice %arg11[%mul3A_2] : memref<10240xf32, #tpu.memory_space<vmem_shared>> -> memref<640xf32, #tpu.memory_space<vmem_shared>>
      tpu.enqueue_dma source(%arg10 : memref<640xf32, #tpu.memory_space<vmem>>) target(%dma_start3A_21 : memref<640xf32, #tpu.memory_space<vmem_shared>>) target_semaphore(%run_scoped3A_20 : memref<!tpu.dma_semaphore, #tpu.memory_space<semaphore_mem>>)
      %dma_wait3A = tpu.memref_slice %arg11[%mul3A_2] : memref<10240xf32, #tpu.memory_space<vmem_shared>> -> memref<640xf32, #tpu.memory_space<vmem_shared>>
      %dma_wait3A_22 = tpu.memref_slice %arg11[%mul3A_2] : memref<10240xf32, #tpu.memory_space<vmem_shared>> -> memref<640xf32, #tpu.memory_space<vmem_shared>>
      tpu.wait_dma2 semaphore(%run_scoped3A_20 : memref<!tpu.dma_semaphore, #tpu.memory_space<semaphore_mem>>) src(%arg10 : memref<640xf32, #tpu.memory_space<vmem>>) dst(%dma_wait3A_22 : memref<640xf32, #tpu.memory_space<vmem_shared>>)
      tpu.yield
    }) : () -> ()
    %mul3A_3 = arith.constant 640 : i32
    %mul3A_4 = arith.muli %arg1, %mul3A_3 : i32
    "tpu.region"() ({
      %run_scoped3A_20 = tpu.sem_alloc : memref<!tpu.dma_semaphore, #tpu.memory_space<semaphore_mem>>
      %dma_start3A = tpu.memref_slice %arg12[%mul3A_4] : memref<10240xf32, #tpu.memory_space<vmem_shared>> -> memref<640xf32, #tpu.memory_space<vmem_shared>>
      %dma_start3A_21 = tpu.memref_slice %arg12[%mul3A_4] : memref<10240xf32, #tpu.memory_space<vmem_shared>> -> memref<640xf32, #tpu.memory_space<vmem_shared>>
      tpu.enqueue_dma source(%arg10 : memref<640xf32, #tpu.memory_space<vmem>>) target(%dma_start3A_21 : memref<640xf32, #tpu.memory_space<vmem_shared>>) target_semaphore(%run_scoped3A_20 : memref<!tpu.dma_semaphore, #tpu.memory_space<semaphore_mem>>)
      %dma_wait3A = tpu.memref_slice %arg12[%mul3A_4] : memref<10240xf32, #tpu.memory_space<vmem_shared>> -> memref<640xf32, #tpu.memory_space<vmem_shared>>
      %dma_wait3A_22 = tpu.memref_slice %arg12[%mul3A_4] : memref<10240xf32, #tpu.memory_space<vmem_shared>> -> memref<640xf32, #tpu.memory_space<vmem_shared>>
      tpu.wait_dma2 semaphore(%run_scoped3A_20 : memref<!tpu.dma_semaphore, #tpu.memory_space<semaphore_mem>>) src(%arg10 : memref<640xf32, #tpu.memory_space<vmem>>) dst(%dma_wait3A_22 : memref<640xf32, #tpu.memory_space<vmem_shared>>)
      tpu.yield
    }) : () -> ()
    "tpu.region"() ({
      %run_scoped3A_20 = tpu.sem_alloc : memref<!tpu.dma_semaphore, #tpu.memory_space<semaphore_mem>>
      tpu.enqueue_dma source(%arg5 : memref<128xf32, #tpu.memory_space<hbm>>) target(%arg9 : memref<128xf32, #tpu.memory_space<vmem>>) target_semaphore(%run_scoped3A_20 : memref<!tpu.dma_semaphore, #tpu.memory_space<semaphore_mem>>)
      tpu.wait_dma2 semaphore(%run_scoped3A_20 : memref<!tpu.dma_semaphore, #tpu.memory_space<semaphore_mem>>) src(%arg5 : memref<128xf32, #tpu.memory_space<hbm>>) dst(%arg9 : memref<128xf32, #tpu.memory_space<vmem>>)
      tpu.yield
    }) : () -> ()
    "tpu.region"() ({
      %run_scoped3A_20 = tpu.sem_alloc : memref<!tpu.dma_semaphore, #tpu.memory_space<semaphore_mem>>
      %dma_start3A = arith.constant 0 : i32
      %dma_start3A_21 = arith.constant 0 : i32
      %dma_start3A_22 = tpu.memref_slice %arg2[%add3A, %dma_start3A, %dma_start3A_21] : memref<32x79x128xi32, #tpu.memory_space<hbm>> -> memref<1x79x128xi32, #tpu.memory_space<hbm>>
      %dma_start3A_23 = tpu.memref_squeeze %dma_start3A_22 : memref<1x79x128xi32, #tpu.memory_space<hbm>> -> memref<79x128xi32, #tpu.memory_space<hbm>>
      %dma_start3A_24 = arith.constant 0 : i32
      %dma_start3A_25 = arith.constant 0 : i32
      %dma_start3A_26 = tpu.memref_slice %arg2[%add3A, %dma_start3A_24, %dma_start3A_25] : memref<32x79x128xi32, #tpu.memory_space<hbm>> -> memref<1x79x128xi32, #tpu.memory_space<hbm>>
      %dma_start3A_27 = tpu.memref_squeeze %dma_start3A_26 : memref<1x79x128xi32, #tpu.memory_space<hbm>> -> memref<79x128xi32, #tpu.memory_space<hbm>>
      tpu.enqueue_dma source(%dma_start3A_27 : memref<79x128xi32, #tpu.memory_space<hbm>>) target(%arg7 : memref<79x128xi32, #tpu.memory_space<vmem>>) target_semaphore(%run_scoped3A_20 : memref<!tpu.dma_semaphore, #tpu.memory_space<semaphore_mem>>)
      %dma_wait3A = arith.constant 0 : i32
      %dma_wait3A_28 = arith.constant 0 : i32
      %dma_wait3A_29 = tpu.memref_slice %arg2[%add3A, %dma_wait3A, %dma_wait3A_28] : memref<32x79x128xi32, #tpu.memory_space<hbm>> -> memref<1x79x128xi32, #tpu.memory_space<hbm>>
      %dma_wait3A_30 = tpu.memref_squeeze %dma_wait3A_29 : memref<1x79x128xi32, #tpu.memory_space<hbm>> -> memref<79x128xi32, #tpu.memory_space<hbm>>
      %dma_wait3A_31 = arith.constant 0 : i32
      %dma_wait3A_32 = arith.constant 0 : i32
      %dma_wait3A_33 = tpu.memref_slice %arg2[%add3A, %dma_wait3A_31, %dma_wait3A_32] : memref<32x79x128xi32, #tpu.memory_space<hbm>> -> memref<1x79x128xi32, #tpu.memory_space<hbm>>
      %dma_wait3A_34 = tpu.memref_squeeze %dma_wait3A_33 : memref<1x79x128xi32, #tpu.memory_space<hbm>> -> memref<79x128xi32, #tpu.memory_space<hbm>>
      tpu.wait_dma2 semaphore(%run_scoped3A_20 : memref<!tpu.dma_semaphore, #tpu.memory_space<semaphore_mem>>) src(%dma_wait3A_34 : memref<79x128xi32, #tpu.memory_space<hbm>>) dst(%arg7 : memref<79x128xi32, #tpu.memory_space<vmem>>)
      tpu.yield
    }) : () -> ()
    "tpu.region"() ({
      %run_scoped3A_20 = tpu.sem_alloc : memref<!tpu.dma_semaphore, #tpu.memory_space<semaphore_mem>>
      %dma_start3A = arith.constant 0 : i32
      %dma_start3A_21 = arith.constant 0 : i32
      %dma_start3A_22 = tpu.memref_slice %arg3[%add3A, %dma_start3A, %dma_start3A_21] : memref<32x79x128xi32, #tpu.memory_space<hbm>> -> memref<1x79x128xi32, #tpu.memory_space<hbm>>
      %dma_start3A_23 = tpu.memref_squeeze %dma_start3A_22 : memref<1x79x128xi32, #tpu.memory_space<hbm>> -> memref<79x128xi32, #tpu.memory_space<hbm>>
      %dma_start3A_24 = arith.constant 0 : i32
      %dma_start3A_25 = arith.constant 0 : i32
      %dma_start3A_26 = tpu.memref_slice %arg3[%add3A, %dma_start3A_24, %dma_start3A_25] : memref<32x79x128xi32, #tpu.memory_space<hbm>> -> memref<1x79x128xi32, #tpu.memory_space<hbm>>
      %dma_start3A_27 = tpu.memref_squeeze %dma_start3A_26 : memref<1x79x128xi32, #tpu.memory_space<hbm>> -> memref<79x128xi32, #tpu.memory_space<hbm>>
      tpu.enqueue_dma source(%dma_start3A_27 : memref<79x128xi32, #tpu.memory_space<hbm>>) target(%arg8 : memref<79x128xi32, #tpu.memory_space<vmem>>) target_semaphore(%run_scoped3A_20 : memref<!tpu.dma_semaphore, #tpu.memory_space<semaphore_mem>>)
      %dma_wait3A = arith.constant 0 : i32
      %dma_wait3A_28 = arith.constant 0 : i32
      %dma_wait3A_29 = tpu.memref_slice %arg3[%add3A, %dma_wait3A, %dma_wait3A_28] : memref<32x79x128xi32, #tpu.memory_space<hbm>> -> memref<1x79x128xi32, #tpu.memory_space<hbm>>
      %dma_wait3A_30 = tpu.memref_squeeze %dma_wait3A_29 : memref<1x79x128xi32, #tpu.memory_space<hbm>> -> memref<79x128xi32, #tpu.memory_space<hbm>>
      %dma_wait3A_31 = arith.constant 0 : i32
      %dma_wait3A_32 = arith.constant 0 : i32
      %dma_wait3A_33 = tpu.memref_slice %arg3[%add3A, %dma_wait3A_31, %dma_wait3A_32] : memref<32x79x128xi32, #tpu.memory_space<hbm>> -> memref<1x79x128xi32, #tpu.memory_space<hbm>>
      %dma_wait3A_34 = tpu.memref_squeeze %dma_wait3A_33 : memref<1x79x128xi32, #tpu.memory_space<hbm>> -> memref<79x128xi32, #tpu.memory_space<hbm>>
      tpu.wait_dma2 semaphore(%run_scoped3A_20 : memref<!tpu.dma_semaphore, #tpu.memory_space<semaphore_mem>>) src(%dma_wait3A_34 : memref<79x128xi32, #tpu.memory_space<hbm>>) dst(%arg8 : memref<79x128xi32, #tpu.memory_space<vmem>>)
      tpu.yield
    }) : () -> ()
    %barrier3A = arith.constant 0 : index
    tpu.barrier barrier_id(%barrier3A)
    %scan3A = arith.constant 0 : i32
    %scan3A_5 = arith.constant 0 : i32
    %scan3A_6 = arith.constant 79 : i32
    %scan3A_7 = arith.addi %scan3A_5, %scan3A_6 : i32
    %scan3A_8 = arith.constant 1 : i32
    scf.for %scan3A_20 = %scan3A_5 to %scan3A_7 step %scan3A_8  : i32 {
      "tpu.region"() ({
        %run_scoped3A_21 = tpu.sem_alloc : memref<!tpu.dma_semaphore, #tpu.memory_space<semaphore_mem>>
        %dma_start3A = arith.constant 0 : i32
        %dma_start3A_22 = tpu.memref_slice %arg7[%scan3A_20, %dma_start3A] : memref<79x128xi32, #tpu.memory_space<vmem>> -> memref<1x128xi32, #tpu.memory_space<vmem>>
        %dma_start3A_23 = tpu.memref_squeeze %dma_start3A_22 : memref<1x128xi32, #tpu.memory_space<vmem>> -> memref<128xi32, #tpu.memory_space<vmem>>
        %dma_start3A_24 = arith.constant 0 : i32
        %dma_start3A_25 = tpu.memref_slice %arg11[%dma_start3A_24] : memref<10240xf32, #tpu.memory_space<vmem_shared>> -> memref<10240xf32, #tpu.memory_space<vmem_shared>>
        tpu.enqueue_indirect_dma source(%arg9 : memref<128xf32, #tpu.memory_space<vmem>>) target(%dma_start3A_25 : memref<10240xf32, #tpu.memory_space<vmem_shared>>) offsets(%dma_start3A_23 : memref<128xi32, #tpu.memory_space<vmem>>) semaphore(%run_scoped3A_21 : memref<!tpu.dma_semaphore, #tpu.memory_space<semaphore_mem>>) {add = true}
        %dma_wait3A = arith.constant 0 : i32
        %dma_wait3A_26 = tpu.memref_slice %arg7[%scan3A_20, %dma_wait3A] : memref<79x128xi32, #tpu.memory_space<vmem>> -> memref<1x128xi32, #tpu.memory_space<vmem>>
        %dma_wait3A_27 = tpu.memref_squeeze %dma_wait3A_26 : memref<1x128xi32, #tpu.memory_space<vmem>> -> memref<128xi32, #tpu.memory_space<vmem>>
        %dma_wait3A_28 = arith.constant 0 : i32
        %dma_wait3A_29 = tpu.memref_slice %arg11[%dma_wait3A_28] : memref<10240xf32, #tpu.memory_space<vmem_shared>> -> memref<10240xf32, #tpu.memory_space<vmem_shared>>
        tpu.wait_indirect_dma semaphore(%run_scoped3A_21 : memref<!tpu.dma_semaphore, #tpu.memory_space<semaphore_mem>>) src(%arg9 : memref<128xf32, #tpu.memory_space<vmem>>) dst(%dma_wait3A_29 : memref<10240xf32, #tpu.memory_space<vmem_shared>>)
        tpu.yield
      }) : () -> ()
      "tpu.region"() ({
        %run_scoped3A_21 = tpu.sem_alloc : memref<!tpu.dma_semaphore, #tpu.memory_space<semaphore_mem>>
        %dma_start3A = arith.constant 0 : i32
        %dma_start3A_22 = tpu.memref_slice %arg8[%scan3A_20, %dma_start3A] : memref<79x128xi32, #tpu.memory_space<vmem>> -> memref<1x128xi32, #tpu.memory_space<vmem>>
        %dma_start3A_23 = tpu.memref_squeeze %dma_start3A_22 : memref<1x128xi32, #tpu.memory_space<vmem>> -> memref<128xi32, #tpu.memory_space<vmem>>
        %dma_start3A_24 = arith.constant 0 : i32
        %dma_start3A_25 = tpu.memref_slice %arg12[%dma_start3A_24] : memref<10240xf32, #tpu.memory_space<vmem_shared>> -> memref<10240xf32, #tpu.memory_space<vmem_shared>>
        tpu.enqueue_indirect_dma source(%arg9 : memref<128xf32, #tpu.memory_space<vmem>>) target(%dma_start3A_25 : memref<10240xf32, #tpu.memory_space<vmem_shared>>) offsets(%dma_start3A_23 : memref<128xi32, #tpu.memory_space<vmem>>) semaphore(%run_scoped3A_21 : memref<!tpu.dma_semaphore, #tpu.memory_space<semaphore_mem>>) {add = true}
        %dma_wait3A = arith.constant 0 : i32
        %dma_wait3A_26 = tpu.memref_slice %arg8[%scan3A_20, %dma_wait3A] : memref<79x128xi32, #tpu.memory_space<vmem>> -> memref<1x128xi32, #tpu.memory_space<vmem>>
        %dma_wait3A_27 = tpu.memref_squeeze %dma_wait3A_26 : memref<1x128xi32, #tpu.memory_space<vmem>> -> memref<128xi32, #tpu.memory_space<vmem>>
        %dma_wait3A_28 = arith.constant 0 : i32
        %dma_wait3A_29 = tpu.memref_slice %arg12[%dma_wait3A_28] : memref<10240xf32, #tpu.memory_space<vmem_shared>> -> memref<10240xf32, #tpu.memory_space<vmem_shared>>
        tpu.wait_indirect_dma semaphore(%run_scoped3A_21 : memref<!tpu.dma_semaphore, #tpu.memory_space<semaphore_mem>>) src(%arg9 : memref<128xf32, #tpu.memory_space<vmem>>) dst(%dma_wait3A_29 : memref<10240xf32, #tpu.memory_space<vmem_shared>>)
        tpu.yield
      }) : () -> ()
    }
    %scan3A_9 = arith.constant 79 : i32
    %barrier3A_10 = arith.constant 0 : index
    tpu.barrier barrier_id(%barrier3A_10)
    %mul3A_11 = arith.constant 640 : i32
    %mul3A_12 = arith.muli %arg1, %mul3A_11 : i32
    "tpu.region"() ({
      %run_scoped3A_20 = tpu.sem_alloc : memref<!tpu.dma_semaphore, #tpu.memory_space<semaphore_mem>>
      %dma_start3A = tpu.memref_slice %arg11[%mul3A_12] : memref<10240xf32, #tpu.memory_space<vmem_shared>> -> memref<640xf32, #tpu.memory_space<vmem_shared>>
      %dma_start3A_21 = tpu.memref_slice %arg11[%mul3A_12] : memref<10240xf32, #tpu.memory_space<vmem_shared>> -> memref<640xf32, #tpu.memory_space<vmem_shared>>
      tpu.enqueue_dma source(%dma_start3A_21 : memref<640xf32, #tpu.memory_space<vmem_shared>>) target(%arg10 : memref<640xf32, #tpu.memory_space<vmem>>) target_semaphore(%run_scoped3A_20 : memref<!tpu.dma_semaphore, #tpu.memory_space<semaphore_mem>>)
      %dma_wait3A = tpu.memref_slice %arg11[%mul3A_12] : memref<10240xf32, #tpu.memory_space<vmem_shared>> -> memref<640xf32, #tpu.memory_space<vmem_shared>>
      %dma_wait3A_22 = tpu.memref_slice %arg11[%mul3A_12] : memref<10240xf32, #tpu.memory_space<vmem_shared>> -> memref<640xf32, #tpu.memory_space<vmem_shared>>
      tpu.wait_dma2 semaphore(%run_scoped3A_20 : memref<!tpu.dma_semaphore, #tpu.memory_space<semaphore_mem>>) src(%dma_wait3A_22 : memref<640xf32, #tpu.memory_space<vmem_shared>>) dst(%arg10 : memref<640xf32, #tpu.memory_space<vmem>>)
      tpu.yield
    }) : () -> ()
    %mul3A_13 = arith.constant 640 : i32
    %mul3A_14 = arith.muli %arg1, %mul3A_13 : i32
    %run_scoped3A = arith.constant 0 : i32
    "tpu.region"() ({
      %run_scoped3A_20 = tpu.sem_alloc : memref<!tpu.dma_semaphore, #tpu.memory_space<semaphore_mem>>
      %dma_start3A = arith.constant 0 : i32
      %dma_start3A_21 = arith.constant 0 : i32
      %dma_start3A_22 = tpu.memref_slice %arg6[%run_scoped3A, %dma_start3A, %dma_start3A_21] : memref<2x2x10240xf32, #tpu.memory_space<hbm>> -> memref<1x2x10240xf32, #tpu.memory_space<hbm>>
      %dma_start3A_23 = tpu.memref_squeeze %dma_start3A_22 : memref<1x2x10240xf32, #tpu.memory_space<hbm>> -> memref<2x10240xf32, #tpu.memory_space<hbm>>
      %dma_start3A_24 = arith.constant 0 : i32
      %dma_start3A_25 = tpu.memref_slice %dma_start3A_23[%arg0, %dma_start3A_24] : memref<2x10240xf32, #tpu.memory_space<hbm>> -> memref<1x10240xf32, #tpu.memory_space<hbm>>
      %dma_start3A_26 = tpu.memref_squeeze %dma_start3A_25 : memref<1x10240xf32, #tpu.memory_space<hbm>> -> memref<10240xf32, #tpu.memory_space<hbm>>
      %dma_start3A_27 = tpu.memref_slice %dma_start3A_26[%mul3A_14] : memref<10240xf32, #tpu.memory_space<hbm>> -> memref<640xf32, #tpu.memory_space<hbm>>
      %dma_start3A_28 = arith.constant 0 : i32
      %dma_start3A_29 = arith.constant 0 : i32
      %dma_start3A_30 = tpu.memref_slice %arg6[%run_scoped3A, %dma_start3A_28, %dma_start3A_29] : memref<2x2x10240xf32, #tpu.memory_space<hbm>> -> memref<1x2x10240xf32, #tpu.memory_space<hbm>>
      %dma_start3A_31 = tpu.memref_squeeze %dma_start3A_30 : memref<1x2x10240xf32, #tpu.memory_space<hbm>> -> memref<2x10240xf32, #tpu.memory_space<hbm>>
      %dma_start3A_32 = arith.constant 0 : i32
      %dma_start3A_33 = tpu.memref_slice %dma_start3A_31[%arg0, %dma_start3A_32] : memref<2x10240xf32, #tpu.memory_space<hbm>> -> memref<1x10240xf32, #tpu.memory_space<hbm>>
      %dma_start3A_34 = tpu.memref_squeeze %dma_start3A_33 : memref<1x10240xf32, #tpu.memory_space<hbm>> -> memref<10240xf32, #tpu.memory_space<hbm>>
      %dma_start3A_35 = tpu.memref_slice %dma_start3A_34[%mul3A_14] : memref<10240xf32, #tpu.memory_space<hbm>> -> memref<640xf32, #tpu.memory_space<hbm>>
      tpu.enqueue_dma source(%arg10 : memref<640xf32, #tpu.memory_space<vmem>>) target(%dma_start3A_35 : memref<640xf32, #tpu.memory_space<hbm>>) target_semaphore(%run_scoped3A_20 : memref<!tpu.dma_semaphore, #tpu.memory_space<semaphore_mem>>)
      %dma_wait3A = arith.constant 0 : i32
      %dma_wait3A_36 = arith.constant 0 : i32
      %dma_wait3A_37 = tpu.memref_slice %arg6[%run_scoped3A, %dma_wait3A, %dma_wait3A_36] : memref<2x2x10240xf32, #tpu.memory_space<hbm>> -> memref<1x2x10240xf32, #tpu.memory_space<hbm>>
      %dma_wait3A_38 = tpu.memref_squeeze %dma_wait3A_37 : memref<1x2x10240xf32, #tpu.memory_space<hbm>> -> memref<2x10240xf32, #tpu.memory_space<hbm>>
      %dma_wait3A_39 = arith.constant 0 : i32
      %dma_wait3A_40 = tpu.memref_slice %dma_wait3A_38[%arg0, %dma_wait3A_39] : memref<2x10240xf32, #tpu.memory_space<hbm>> -> memref<1x10240xf32, #tpu.memory_space<hbm>>
      %dma_wait3A_41 = tpu.memref_squeeze %dma_wait3A_40 : memref<1x10240xf32, #tpu.memory_space<hbm>> -> memref<10240xf32, #tpu.memory_space<hbm>>
      %dma_wait3A_42 = tpu.memref_slice %dma_wait3A_41[%mul3A_14] : memref<10240xf32, #tpu.memory_space<hbm>> -> memref<640xf32, #tpu.memory_space<hbm>>
      %dma_wait3A_43 = arith.constant 0 : i32
      %dma_wait3A_44 = arith.constant 0 : i32
      %dma_wait3A_45 = tpu.memref_slice %arg6[%run_scoped3A, %dma_wait3A_43, %dma_wait3A_44] : memref<2x2x10240xf32, #tpu.memory_space<hbm>> -> memref<1x2x10240xf32, #tpu.memory_space<hbm>>
      %dma_wait3A_46 = tpu.memref_squeeze %dma_wait3A_45 : memref<1x2x10240xf32, #tpu.memory_space<hbm>> -> memref<2x10240xf32, #tpu.memory_space<hbm>>
      %dma_wait3A_47 = arith.constant 0 : i32
      %dma_wait3A_48 = tpu.memref_slice %dma_wait3A_46[%arg0, %dma_wait3A_47] : memref<2x10240xf32, #tpu.memory_space<hbm>> -> memref<1x10240xf32, #tpu.memory_space<hbm>>
      %dma_wait3A_49 = tpu.memref_squeeze %dma_wait3A_48 : memref<1x10240xf32, #tpu.memory_space<hbm>> -> memref<10240xf32, #tpu.memory_space<hbm>>
      %dma_wait3A_50 = tpu.memref_slice %dma_wait3A_49[%mul3A_14] : memref<10240xf32, #tpu.memory_space<hbm>> -> memref<640xf32, #tpu.memory_space<hbm>>
      tpu.wait_dma2 semaphore(%run_scoped3A_20 : memref<!tpu.dma_semaphore, #tpu.memory_space<semaphore_mem>>) src(%arg10 : memref<640xf32, #tpu.memory_space<vmem>>) dst(%dma_wait3A_50 : memref<640xf32, #tpu.memory_space<hbm>>)
      tpu.yield
    }) : () -> ()
    %mul3A_15 = arith.constant 640 : i32
    %mul3A_16 = arith.muli %arg1, %mul3A_15 : i32
    "tpu.region"() ({
      %run_scoped3A_20 = tpu.sem_alloc : memref<!tpu.dma_semaphore, #tpu.memory_space<semaphore_mem>>
      %dma_start3A = tpu.memref_slice %arg12[%mul3A_16] : memref<10240xf32, #tpu.memory_space<vmem_shared>> -> memref<640xf32, #tpu.memory_space<vmem_shared>>
      %dma_start3A_21 = tpu.memref_slice %arg12[%mul3A_16] : memref<10240xf32, #tpu.memory_space<vmem_shared>> -> memref<640xf32, #tpu.memory_space<vmem_shared>>
      tpu.enqueue_dma source(%dma_start3A_21 : memref<640xf32, #tpu.memory_space<vmem_shared>>) target(%arg10 : memref<640xf32, #tpu.memory_space<vmem>>) target_semaphore(%run_scoped3A_20 : memref<!tpu.dma_semaphore, #tpu.memory_space<semaphore_mem>>)
      %dma_wait3A = tpu.memref_slice %arg12[%mul3A_16] : memref<10240xf32, #tpu.memory_space<vmem_shared>> -> memref<640xf32, #tpu.memory_space<vmem_shared>>
      %dma_wait3A_22 = tpu.memref_slice %arg12[%mul3A_16] : memref<10240xf32, #tpu.memory_space<vmem_shared>> -> memref<640xf32, #tpu.memory_space<vmem_shared>>
      tpu.wait_dma2 semaphore(%run_scoped3A_20 : memref<!tpu.dma_semaphore, #tpu.memory_space<semaphore_mem>>) src(%dma_wait3A_22 : memref<640xf32, #tpu.memory_space<vmem_shared>>) dst(%arg10 : memref<640xf32, #tpu.memory_space<vmem>>)
      tpu.yield
    }) : () -> ()
    %mul3A_17 = arith.constant 640 : i32
    %mul3A_18 = arith.muli %arg1, %mul3A_17 : i32
    %run_scoped3A_19 = arith.constant 1 : i32
    "tpu.region"() ({
      %run_scoped3A_20 = tpu.sem_alloc : memref<!tpu.dma_semaphore, #tpu.memory_space<semaphore_mem>>
      %dma_start3A = arith.constant 0 : i32
      %dma_start3A_21 = arith.constant 0 : i32
      %dma_start3A_22 = tpu.memref_slice %arg6[%run_scoped3A_19, %dma_start3A, %dma_start3A_21] : memref<2x2x10240xf32, #tpu.memory_space<hbm>> -> memref<1x2x10240xf32, #tpu.memory_space<hbm>>
      %dma_start3A_23 = tpu.memref_squeeze %dma_start3A_22 : memref<1x2x10240xf32, #tpu.memory_space<hbm>> -> memref<2x10240xf32, #tpu.memory_space<hbm>>
      %dma_start3A_24 = arith.constant 0 : i32
      %dma_start3A_25 = tpu.memref_slice %dma_start3A_23[%arg0, %dma_start3A_24] : memref<2x10240xf32, #tpu.memory_space<hbm>> -> memref<1x10240xf32, #tpu.memory_space<hbm>>
      %dma_start3A_26 = tpu.memref_squeeze %dma_start3A_25 : memref<1x10240xf32, #tpu.memory_space<hbm>> -> memref<10240xf32, #tpu.memory_space<hbm>>
      %dma_start3A_27 = tpu.memref_slice %dma_start3A_26[%mul3A_18] : memref<10240xf32, #tpu.memory_space<hbm>> -> memref<640xf32, #tpu.memory_space<hbm>>
      %dma_start3A_28 = arith.constant 0 : i32
      %dma_start3A_29 = arith.constant 0 : i32
      %dma_start3A_30 = tpu.memref_slice %arg6[%run_scoped3A_19, %dma_start3A_28, %dma_start3A_29] : memref<2x2x10240xf32, #tpu.memory_space<hbm>> -> memref<1x2x10240xf32, #tpu.memory_space<hbm>>
      %dma_start3A_31 = tpu.memref_squeeze %dma_start3A_30 : memref<1x2x10240xf32, #tpu.memory_space<hbm>> -> memref<2x10240xf32, #tpu.memory_space<hbm>>
      %dma_start3A_32 = arith.constant 0 : i32
      %dma_start3A_33 = tpu.memref_slice %dma_start3A_31[%arg0, %dma_start3A_32] : memref<2x10240xf32, #tpu.memory_space<hbm>> -> memref<1x10240xf32, #tpu.memory_space<hbm>>
      %dma_start3A_34 = tpu.memref_squeeze %dma_start3A_33 : memref<1x10240xf32, #tpu.memory_space<hbm>> -> memref<10240xf32, #tpu.memory_space<hbm>>
      %dma_start3A_35 = tpu.memref_slice %dma_start3A_34[%mul3A_18] : memref<10240xf32, #tpu.memory_space<hbm>> -> memref<640xf32, #tpu.memory_space<hbm>>
      tpu.enqueue_dma source(%arg10 : memref<640xf32, #tpu.memory_space<vmem>>) target(%dma_start3A_35 : memref<640xf32, #tpu.memory_space<hbm>>) target_semaphore(%run_scoped3A_20 : memref<!tpu.dma_semaphore, #tpu.memory_space<semaphore_mem>>)
      %dma_wait3A = arith.constant 0 : i32
      %dma_wait3A_36 = arith.constant 0 : i32
      %dma_wait3A_37 = tpu.memref_slice %arg6[%run_scoped3A_19, %dma_wait3A, %dma_wait3A_36] : memref<2x2x10240xf32, #tpu.memory_space<hbm>> -> memref<1x2x10240xf32, #tpu.memory_space<hbm>>
      %dma_wait3A_38 = tpu.memref_squeeze %dma_wait3A_37 : memref<1x2x10240xf32, #tpu.memory_space<hbm>> -> memref<2x10240xf32, #tpu.memory_space<hbm>>
      %dma_wait3A_39 = arith.constant 0 : i32
      %dma_wait3A_40 = tpu.memref_slice %dma_wait3A_38[%arg0, %dma_wait3A_39] : memref<2x10240xf32, #tpu.memory_space<hbm>> -> memref<1x10240xf32, #tpu.memory_space<hbm>>
      %dma_wait3A_41 = tpu.memref_squeeze %dma_wait3A_40 : memref<1x10240xf32, #tpu.memory_space<hbm>> -> memref<10240xf32, #tpu.memory_space<hbm>>
      %dma_wait3A_42 = tpu.memref_slice %dma_wait3A_41[%mul3A_18] : memref<10240xf32, #tpu.memory_space<hbm>> -> memref<640xf32, #tpu.memory_space<hbm>>
      %dma_wait3A_43 = arith.constant 0 : i32
      %dma_wait3A_44 = arith.constant 0 : i32
      %dma_wait3A_45 = tpu.memref_slice %arg6[%run_scoped3A_19, %dma_wait3A_43, %dma_wait3A_44] : memref<2x2x10240xf32, #tpu.memory_space<hbm>> -> memref<1x2x10240xf32, #tpu.memory_space<hbm>>
      %dma_wait3A_46 = tpu.memref_squeeze %dma_wait3A_45 : memref<1x2x10240xf32, #tpu.memory_space<hbm>> -> memref<2x10240xf32, #tpu.memory_space<hbm>>
      %dma_wait3A_47 = arith.constant 0 : i32
      %dma_wait3A_48 = tpu.memref_slice %dma_wait3A_46[%arg0, %dma_wait3A_47] : memref<2x10240xf32, #tpu.memory_space<hbm>> -> memref<1x10240xf32, #tpu.memory_space<hbm>>
      %dma_wait3A_49 = tpu.memref_squeeze %dma_wait3A_48 : memref<1x10240xf32, #tpu.memory_space<hbm>> -> memref<10240xf32, #tpu.memory_space<hbm>>
      %dma_wait3A_50 = tpu.memref_slice %dma_wait3A_49[%mul3A_18] : memref<10240xf32, #tpu.memory_space<hbm>> -> memref<640xf32, #tpu.memory_space<hbm>>
      tpu.wait_dma2 semaphore(%run_scoped3A_20 : memref<!tpu.dma_semaphore, #tpu.memory_space<semaphore_mem>>) src(%arg10 : memref<640xf32, #tpu.memory_space<vmem>>) dst(%dma_wait3A_50 : memref<640xf32, #tpu.memory_space<hbm>>)
      tpu.yield
    }) : () -> ()
    return
  }
}

#map = affine_map<(d0, d1) -> (0, 0, 0)>
#map1 = affine_map<(d0, d1) -> (0, 0)>
module attributes {stable_mosaic.version = 14 : i64} {
  func.func @k(%arg0: i32, %arg1: i32, %arg2: memref<2x10240x24xf32, #tpu.memory_space<hbm>>, %arg3: memref<10240x16xf32, #tpu.memory_space<hbm>>, %arg4: memref<16x157x128xi32, #tpu.memory_space<hbm>>, %arg5: memref<16x157x128xi32, #tpu.memory_space<hbm>>, %arg6: memref<640x24xf32, #tpu.memory_space<hbm>>, %arg7: memref<2x10240x24xf32, #tpu.memory_space<hbm>>, %arg8: memref<2x10240x16xf32, #tpu.memory_space<hbm>>, %arg9: memref<157x128xi32, #tpu.memory_space<vmem>>, %arg10: memref<157x128xi32, #tpu.memory_space<vmem>>, %arg11: memref<7x128x24xf32, #tpu.memory_space<vmem>>, %arg12: memref<640x24xf32, #tpu.memory_space<vmem>>, %arg13: memref<640x16xf32, #tpu.memory_space<vmem>>, %arg14: memref<640x24xf32, #tpu.memory_space<vmem>>, %arg15: memref<640x16xf32, #tpu.memory_space<vmem>>, %arg16: memref<10240x24xf32, #tpu.memory_space<vmem_shared>>, %arg17: memref<!tpu.dma_semaphore, #tpu.memory_space<semaphore_mem>>, %arg18: memref<!tpu.dma_semaphore, #tpu.memory_space<semaphore_mem>>) attributes {dimension_semantics = [#tpu.dimension_semantics<core_parallel>, #tpu.dimension_semantics<subcore_parallel>], iteration_bounds = array<i64: 2, 16>, scalar_prefetch = 0 : i64, scratch_operands = 10 : i64, tpu.core_type = #tpu.core_type<sc_vector_subcore>, window_params = [{transform_indices = #map}, {transform_indices = #map1}, {transform_indices = #map}, {transform_indices = #map}, {transform_indices = #map1}, {transform_indices = #map}, {transform_indices = #map}]} {
    %eq3A = arith.constant 0 : i32
    %eq3A_0 = arith.cmpi eq, %arg0, %eq3A : i32
    %mul3A = arith.constant 640 : i32
    %mul3A_1 = arith.muli %arg1, %mul3A : i32
    "tpu.region"() ({
      %run_scoped3A = tpu.sem_alloc : memref<!tpu.dma_semaphore, #tpu.memory_space<semaphore_mem>>
      %dma_start3A_148 = arith.constant 0 : i32
      %dma_start3A_149 = arith.constant 0 : i32
      %dma_start3A_150 = tpu.memref_slice %arg4[%arg1, %dma_start3A_148, %dma_start3A_149] : memref<16x157x128xi32, #tpu.memory_space<hbm>> -> memref<1x157x128xi32, #tpu.memory_space<hbm>>
      %dma_start3A_151 = tpu.memref_squeeze %dma_start3A_150 : memref<1x157x128xi32, #tpu.memory_space<hbm>> -> memref<157x128xi32, #tpu.memory_space<hbm>>
      %dma_start3A_152 = arith.constant 0 : i32
      %dma_start3A_153 = arith.constant 0 : i32
      %dma_start3A_154 = tpu.memref_slice %arg4[%arg1, %dma_start3A_152, %dma_start3A_153] : memref<16x157x128xi32, #tpu.memory_space<hbm>> -> memref<1x157x128xi32, #tpu.memory_space<hbm>>
      %dma_start3A_155 = tpu.memref_squeeze %dma_start3A_154 : memref<1x157x128xi32, #tpu.memory_space<hbm>> -> memref<157x128xi32, #tpu.memory_space<hbm>>
      tpu.enqueue_dma source(%dma_start3A_155 : memref<157x128xi32, #tpu.memory_space<hbm>>) target(%arg9 : memref<157x128xi32, #tpu.memory_space<vmem>>) target_semaphore(%run_scoped3A : memref<!tpu.dma_semaphore, #tpu.memory_space<semaphore_mem>>)
      %dma_wait3A_156 = arith.constant 0 : i32
      %dma_wait3A_157 = arith.constant 0 : i32
      %dma_wait3A_158 = tpu.memref_slice %arg4[%arg1, %dma_wait3A_156, %dma_wait3A_157] : memref<16x157x128xi32, #tpu.memory_space<hbm>> -> memref<1x157x128xi32, #tpu.memory_space<hbm>>
      %dma_wait3A_159 = tpu.memref_squeeze %dma_wait3A_158 : memref<1x157x128xi32, #tpu.memory_space<hbm>> -> memref<157x128xi32, #tpu.memory_space<hbm>>
      %dma_wait3A_160 = arith.constant 0 : i32
      %dma_wait3A_161 = arith.constant 0 : i32
      %dma_wait3A_162 = tpu.memref_slice %arg4[%arg1, %dma_wait3A_160, %dma_wait3A_161] : memref<16x157x128xi32, #tpu.memory_space<hbm>> -> memref<1x157x128xi32, #tpu.memory_space<hbm>>
      %dma_wait3A_163 = tpu.memref_squeeze %dma_wait3A_162 : memref<1x157x128xi32, #tpu.memory_space<hbm>> -> memref<157x128xi32, #tpu.memory_space<hbm>>
      tpu.wait_dma2 semaphore(%run_scoped3A : memref<!tpu.dma_semaphore, #tpu.memory_space<semaphore_mem>>) src(%dma_wait3A_163 : memref<157x128xi32, #tpu.memory_space<hbm>>) dst(%arg9 : memref<157x128xi32, #tpu.memory_space<vmem>>)
      tpu.yield
    }) : () -> ()
    "tpu.region"() ({
      %run_scoped3A = tpu.sem_alloc : memref<!tpu.dma_semaphore, #tpu.memory_space<semaphore_mem>>
      %dma_start3A_148 = arith.constant 0 : i32
      %dma_start3A_149 = arith.constant 0 : i32
      %dma_start3A_150 = tpu.memref_slice %arg5[%arg1, %dma_start3A_148, %dma_start3A_149] : memref<16x157x128xi32, #tpu.memory_space<hbm>> -> memref<1x157x128xi32, #tpu.memory_space<hbm>>
      %dma_start3A_151 = tpu.memref_squeeze %dma_start3A_150 : memref<1x157x128xi32, #tpu.memory_space<hbm>> -> memref<157x128xi32, #tpu.memory_space<hbm>>
      %dma_start3A_152 = arith.constant 0 : i32
      %dma_start3A_153 = arith.constant 0 : i32
      %dma_start3A_154 = tpu.memref_slice %arg5[%arg1, %dma_start3A_152, %dma_start3A_153] : memref<16x157x128xi32, #tpu.memory_space<hbm>> -> memref<1x157x128xi32, #tpu.memory_space<hbm>>
      %dma_start3A_155 = tpu.memref_squeeze %dma_start3A_154 : memref<1x157x128xi32, #tpu.memory_space<hbm>> -> memref<157x128xi32, #tpu.memory_space<hbm>>
      tpu.enqueue_dma source(%dma_start3A_155 : memref<157x128xi32, #tpu.memory_space<hbm>>) target(%arg10 : memref<157x128xi32, #tpu.memory_space<vmem>>) target_semaphore(%run_scoped3A : memref<!tpu.dma_semaphore, #tpu.memory_space<semaphore_mem>>)
      %dma_wait3A_156 = arith.constant 0 : i32
      %dma_wait3A_157 = arith.constant 0 : i32
      %dma_wait3A_158 = tpu.memref_slice %arg5[%arg1, %dma_wait3A_156, %dma_wait3A_157] : memref<16x157x128xi32, #tpu.memory_space<hbm>> -> memref<1x157x128xi32, #tpu.memory_space<hbm>>
      %dma_wait3A_159 = tpu.memref_squeeze %dma_wait3A_158 : memref<1x157x128xi32, #tpu.memory_space<hbm>> -> memref<157x128xi32, #tpu.memory_space<hbm>>
      %dma_wait3A_160 = arith.constant 0 : i32
      %dma_wait3A_161 = arith.constant 0 : i32
      %dma_wait3A_162 = tpu.memref_slice %arg5[%arg1, %dma_wait3A_160, %dma_wait3A_161] : memref<16x157x128xi32, #tpu.memory_space<hbm>> -> memref<1x157x128xi32, #tpu.memory_space<hbm>>
      %dma_wait3A_163 = tpu.memref_squeeze %dma_wait3A_162 : memref<1x157x128xi32, #tpu.memory_space<hbm>> -> memref<157x128xi32, #tpu.memory_space<hbm>>
      tpu.wait_dma2 semaphore(%run_scoped3A : memref<!tpu.dma_semaphore, #tpu.memory_space<semaphore_mem>>) src(%dma_wait3A_163 : memref<157x128xi32, #tpu.memory_space<hbm>>) dst(%arg10 : memref<157x128xi32, #tpu.memory_space<vmem>>)
      tpu.yield
    }) : () -> ()
    "tpu.region"() ({
      %run_scoped3A = tpu.sem_alloc : memref<!tpu.dma_semaphore, #tpu.memory_space<semaphore_mem>>
      %dma_start3A_148 = arith.constant 0 : i32
      %dma_start3A_149 = tpu.memref_slice %arg3[%mul3A_1, %dma_start3A_148] : memref<10240x16xf32, #tpu.memory_space<hbm>> -> memref<640x16xf32, #tpu.memory_space<hbm>>
      %dma_start3A_150 = arith.constant 0 : i32
      %dma_start3A_151 = tpu.memref_slice %arg3[%mul3A_1, %dma_start3A_150] : memref<10240x16xf32, #tpu.memory_space<hbm>> -> memref<640x16xf32, #tpu.memory_space<hbm>>
      tpu.enqueue_dma source(%dma_start3A_151 : memref<640x16xf32, #tpu.memory_space<hbm>>) target(%arg13 : memref<640x16xf32, #tpu.memory_space<vmem>>) target_semaphore(%run_scoped3A : memref<!tpu.dma_semaphore, #tpu.memory_space<semaphore_mem>>)
      %dma_wait3A_152 = arith.constant 0 : i32
      %dma_wait3A_153 = tpu.memref_slice %arg3[%mul3A_1, %dma_wait3A_152] : memref<10240x16xf32, #tpu.memory_space<hbm>> -> memref<640x16xf32, #tpu.memory_space<hbm>>
      %dma_wait3A_154 = arith.constant 0 : i32
      %dma_wait3A_155 = tpu.memref_slice %arg3[%mul3A_1, %dma_wait3A_154] : memref<10240x16xf32, #tpu.memory_space<hbm>> -> memref<640x16xf32, #tpu.memory_space<hbm>>
      tpu.wait_dma2 semaphore(%run_scoped3A : memref<!tpu.dma_semaphore, #tpu.memory_space<semaphore_mem>>) src(%dma_wait3A_155 : memref<640x16xf32, #tpu.memory_space<hbm>>) dst(%arg13 : memref<640x16xf32, #tpu.memory_space<vmem>>)
      tpu.yield
    }) : () -> ()
    "tpu.region"() ({
      %run_scoped3A = tpu.sem_alloc : memref<!tpu.dma_semaphore, #tpu.memory_space<semaphore_mem>>
      tpu.enqueue_dma source(%arg6 : memref<640x24xf32, #tpu.memory_space<hbm>>) target(%arg14 : memref<640x24xf32, #tpu.memory_space<vmem>>) target_semaphore(%run_scoped3A : memref<!tpu.dma_semaphore, #tpu.memory_space<semaphore_mem>>)
      tpu.wait_dma2 semaphore(%run_scoped3A : memref<!tpu.dma_semaphore, #tpu.memory_space<semaphore_mem>>) src(%arg6 : memref<640x24xf32, #tpu.memory_space<hbm>>) dst(%arg14 : memref<640x24xf32, #tpu.memory_space<vmem>>)
      tpu.yield
    }) : () -> ()
    "tpu.region"() ({
      %run_scoped3A = tpu.sem_alloc : memref<!tpu.dma_semaphore, #tpu.memory_space<semaphore_mem>>
      %dma_start3A_148 = arith.constant 0 : i32
      %dma_start3A_149 = tpu.memref_slice %arg16[%mul3A_1, %dma_start3A_148] : memref<10240x24xf32, #tpu.memory_space<vmem_shared>> -> memref<640x24xf32, #tpu.memory_space<vmem_shared>>
      %dma_start3A_150 = arith.constant 0 : i32
      %dma_start3A_151 = tpu.memref_slice %arg16[%mul3A_1, %dma_start3A_150] : memref<10240x24xf32, #tpu.memory_space<vmem_shared>> -> memref<640x24xf32, #tpu.memory_space<vmem_shared>>
      tpu.enqueue_dma source(%arg14 : memref<640x24xf32, #tpu.memory_space<vmem>>) target(%dma_start3A_151 : memref<640x24xf32, #tpu.memory_space<vmem_shared>>) target_semaphore(%run_scoped3A : memref<!tpu.dma_semaphore, #tpu.memory_space<semaphore_mem>>)
      %dma_wait3A_152 = arith.constant 0 : i32
      %dma_wait3A_153 = tpu.memref_slice %arg16[%mul3A_1, %dma_wait3A_152] : memref<10240x24xf32, #tpu.memory_space<vmem_shared>> -> memref<640x24xf32, #tpu.memory_space<vmem_shared>>
      %dma_wait3A_154 = arith.constant 0 : i32
      %dma_wait3A_155 = tpu.memref_slice %arg16[%mul3A_1, %dma_wait3A_154] : memref<10240x24xf32, #tpu.memory_space<vmem_shared>> -> memref<640x24xf32, #tpu.memory_space<vmem_shared>>
      tpu.wait_dma2 semaphore(%run_scoped3A : memref<!tpu.dma_semaphore, #tpu.memory_space<semaphore_mem>>) src(%arg14 : memref<640x24xf32, #tpu.memory_space<vmem>>) dst(%dma_wait3A_155 : memref<640x24xf32, #tpu.memory_space<vmem_shared>>)
      tpu.yield
    }) : () -> ()
    "tpu.region"() ({
      %run_scoped3A = tpu.sem_alloc : memref<!tpu.dma_semaphore, #tpu.memory_space<semaphore_mem>>
      %dma_start3A_148 = arith.constant 0 : i32
      %dma_start3A_149 = arith.constant 0 : i32
      %dma_start3A_150 = tpu.memref_slice %arg2[%arg0, %dma_start3A_148, %dma_start3A_149] : memref<2x10240x24xf32, #tpu.memory_space<hbm>> -> memref<1x10240x24xf32, #tpu.memory_space<hbm>>
      %dma_start3A_151 = tpu.memref_squeeze %dma_start3A_150 : memref<1x10240x24xf32, #tpu.memory_space<hbm>> -> memref<10240x24xf32, #tpu.memory_space<hbm>>
      %dma_start3A_152 = arith.constant 0 : i32
      %dma_start3A_153 = tpu.memref_slice %dma_start3A_151[%mul3A_1, %dma_start3A_152] : memref<10240x24xf32, #tpu.memory_space<hbm>> -> memref<640x24xf32, #tpu.memory_space<hbm>>
      %dma_start3A_154 = arith.constant 0 : i32
      %dma_start3A_155 = arith.constant 0 : i32
      %dma_start3A_156 = tpu.memref_slice %arg2[%arg0, %dma_start3A_154, %dma_start3A_155] : memref<2x10240x24xf32, #tpu.memory_space<hbm>> -> memref<1x10240x24xf32, #tpu.memory_space<hbm>>
      %dma_start3A_157 = tpu.memref_squeeze %dma_start3A_156 : memref<1x10240x24xf32, #tpu.memory_space<hbm>> -> memref<10240x24xf32, #tpu.memory_space<hbm>>
      %dma_start3A_158 = arith.constant 0 : i32
      %dma_start3A_159 = tpu.memref_slice %dma_start3A_157[%mul3A_1, %dma_start3A_158] : memref<10240x24xf32, #tpu.memory_space<hbm>> -> memref<640x24xf32, #tpu.memory_space<hbm>>
      tpu.enqueue_dma source(%dma_start3A_159 : memref<640x24xf32, #tpu.memory_space<hbm>>) target(%arg12 : memref<640x24xf32, #tpu.memory_space<vmem>>) target_semaphore(%run_scoped3A : memref<!tpu.dma_semaphore, #tpu.memory_space<semaphore_mem>>)
      %dma_wait3A_160 = arith.constant 0 : i32
      %dma_wait3A_161 = arith.constant 0 : i32
      %dma_wait3A_162 = tpu.memref_slice %arg2[%arg0, %dma_wait3A_160, %dma_wait3A_161] : memref<2x10240x24xf32, #tpu.memory_space<hbm>> -> memref<1x10240x24xf32, #tpu.memory_space<hbm>>
      %dma_wait3A_163 = tpu.memref_squeeze %dma_wait3A_162 : memref<1x10240x24xf32, #tpu.memory_space<hbm>> -> memref<10240x24xf32, #tpu.memory_space<hbm>>
      %dma_wait3A_164 = arith.constant 0 : i32
      %dma_wait3A_165 = tpu.memref_slice %dma_wait3A_163[%mul3A_1, %dma_wait3A_164] : memref<10240x24xf32, #tpu.memory_space<hbm>> -> memref<640x24xf32, #tpu.memory_space<hbm>>
      %dma_wait3A_166 = arith.constant 0 : i32
      %dma_wait3A_167 = arith.constant 0 : i32
      %dma_wait3A_168 = tpu.memref_slice %arg2[%arg0, %dma_wait3A_166, %dma_wait3A_167] : memref<2x10240x24xf32, #tpu.memory_space<hbm>> -> memref<1x10240x24xf32, #tpu.memory_space<hbm>>
      %dma_wait3A_169 = tpu.memref_squeeze %dma_wait3A_168 : memref<1x10240x24xf32, #tpu.memory_space<hbm>> -> memref<10240x24xf32, #tpu.memory_space<hbm>>
      %dma_wait3A_170 = arith.constant 0 : i32
      %dma_wait3A_171 = tpu.memref_slice %dma_wait3A_169[%mul3A_1, %dma_wait3A_170] : memref<10240x24xf32, #tpu.memory_space<hbm>> -> memref<640x24xf32, #tpu.memory_space<hbm>>
      tpu.wait_dma2 semaphore(%run_scoped3A : memref<!tpu.dma_semaphore, #tpu.memory_space<semaphore_mem>>) src(%dma_wait3A_171 : memref<640x24xf32, #tpu.memory_space<hbm>>) dst(%arg12 : memref<640x24xf32, #tpu.memory_space<vmem>>)
      tpu.yield
    }) : () -> ()
    %barrier3A = arith.constant 0 : index
    tpu.barrier barrier_id(%barrier3A)
    %dma_start3A = arith.constant 0 : i32
    %dma_start3A_2 = arith.constant 0 : i32
    %dma_start3A_3 = arith.constant 0 : i32
    %dma_start3A_4 = arith.constant 0 : i32
    %dma_start3A_5 = tpu.memref_slice %arg11[%dma_start3A_2, %dma_start3A_3, %dma_start3A_4] : memref<7x128x24xf32, #tpu.memory_space<vmem>> -> memref<1x128x24xf32, #tpu.memory_space<vmem>>
    %dma_start3A_6 = tpu.memref_squeeze %dma_start3A_5 : memref<1x128x24xf32, #tpu.memory_space<vmem>> -> memref<128x24xf32, #tpu.memory_space<vmem>>
    %dma_start3A_7 = arith.constant 0 : i32
    %dma_start3A_8 = tpu.memref_slice %arg9[%dma_start3A, %dma_start3A_7] : memref<157x128xi32, #tpu.memory_space<vmem>> -> memref<1x128xi32, #tpu.memory_space<vmem>>
    %dma_start3A_9 = tpu.memref_squeeze %dma_start3A_8 : memref<1x128xi32, #tpu.memory_space<vmem>> -> memref<128xi32, #tpu.memory_space<vmem>>
    %dma_start3A_10 = arith.constant 0 : i32
    %dma_start3A_11 = arith.constant 0 : i32
    %dma_start3A_12 = tpu.memref_slice %arg2[%arg0, %dma_start3A_10, %dma_start3A_11] : memref<2x10240x24xf32, #tpu.memory_space<hbm>> -> memref<1x10240x24xf32, #tpu.memory_space<hbm>>
    %dma_start3A_13 = tpu.memref_squeeze %dma_start3A_12 : memref<1x10240x24xf32, #tpu.memory_space<hbm>> -> memref<10240x24xf32, #tpu.memory_space<hbm>>
    %dma_start3A_14 = arith.constant 0 : i32
    %dma_start3A_15 = arith.constant 0 : i32
    %dma_start3A_16 = tpu.memref_slice %dma_start3A_13[%dma_start3A_14, %dma_start3A_15] : memref<10240x24xf32, #tpu.memory_space<hbm>> -> memref<10240x24xf32, #tpu.memory_space<hbm>>
    tpu.enqueue_indirect_dma source(%dma_start3A_16 : memref<10240x24xf32, #tpu.memory_space<hbm>>) target(%dma_start3A_6 : memref<128x24xf32, #tpu.memory_space<vmem>>) offsets(%dma_start3A_9 : memref<128xi32, #tpu.memory_space<vmem>>) semaphore(%arg17 : memref<!tpu.dma_semaphore, #tpu.memory_space<semaphore_mem>>)
    %dma_start3A_17 = arith.constant 1 : i32
    %dma_start3A_18 = arith.constant 1 : i32
    %dma_start3A_19 = arith.constant 0 : i32
    %dma_start3A_20 = arith.constant 0 : i32
    %dma_start3A_21 = tpu.memref_slice %arg11[%dma_start3A_18, %dma_start3A_19, %dma_start3A_20] : memref<7x128x24xf32, #tpu.memory_space<vmem>> -> memref<1x128x24xf32, #tpu.memory_space<vmem>>
    %dma_start3A_22 = tpu.memref_squeeze %dma_start3A_21 : memref<1x128x24xf32, #tpu.memory_space<vmem>> -> memref<128x24xf32, #tpu.memory_space<vmem>>
    %dma_start3A_23 = arith.constant 0 : i32
    %dma_start3A_24 = tpu.memref_slice %arg9[%dma_start3A_17, %dma_start3A_23] : memref<157x128xi32, #tpu.memory_space<vmem>> -> memref<1x128xi32, #tpu.memory_space<vmem>>
    %dma_start3A_25 = tpu.memref_squeeze %dma_start3A_24 : memref<1x128xi32, #tpu.memory_space<vmem>> -> memref<128xi32, #tpu.memory_space<vmem>>
    %dma_start3A_26 = arith.constant 0 : i32
    %dma_start3A_27 = arith.constant 0 : i32
    %dma_start3A_28 = tpu.memref_slice %arg2[%arg0, %dma_start3A_26, %dma_start3A_27] : memref<2x10240x24xf32, #tpu.memory_space<hbm>> -> memref<1x10240x24xf32, #tpu.memory_space<hbm>>
    %dma_start3A_29 = tpu.memref_squeeze %dma_start3A_28 : memref<1x10240x24xf32, #tpu.memory_space<hbm>> -> memref<10240x24xf32, #tpu.memory_space<hbm>>
    %dma_start3A_30 = arith.constant 0 : i32
    %dma_start3A_31 = arith.constant 0 : i32
    %dma_start3A_32 = tpu.memref_slice %dma_start3A_29[%dma_start3A_30, %dma_start3A_31] : memref<10240x24xf32, #tpu.memory_space<hbm>> -> memref<10240x24xf32, #tpu.memory_space<hbm>>
    tpu.enqueue_indirect_dma source(%dma_start3A_32 : memref<10240x24xf32, #tpu.memory_space<hbm>>) target(%dma_start3A_22 : memref<128x24xf32, #tpu.memory_space<vmem>>) offsets(%dma_start3A_25 : memref<128xi32, #tpu.memory_space<vmem>>) semaphore(%arg17 : memref<!tpu.dma_semaphore, #tpu.memory_space<semaphore_mem>>)
    %dma_start3A_33 = arith.constant 2 : i32
    %dma_start3A_34 = arith.constant 2 : i32
    %dma_start3A_35 = arith.constant 0 : i32
    %dma_start3A_36 = arith.constant 0 : i32
    %dma_start3A_37 = tpu.memref_slice %arg11[%dma_start3A_34, %dma_start3A_35, %dma_start3A_36] : memref<7x128x24xf32, #tpu.memory_space<vmem>> -> memref<1x128x24xf32, #tpu.memory_space<vmem>>
    %dma_start3A_38 = tpu.memref_squeeze %dma_start3A_37 : memref<1x128x24xf32, #tpu.memory_space<vmem>> -> memref<128x24xf32, #tpu.memory_space<vmem>>
    %dma_start3A_39 = arith.constant 0 : i32
    %dma_start3A_40 = tpu.memref_slice %arg9[%dma_start3A_33, %dma_start3A_39] : memref<157x128xi32, #tpu.memory_space<vmem>> -> memref<1x128xi32, #tpu.memory_space<vmem>>
    %dma_start3A_41 = tpu.memref_squeeze %dma_start3A_40 : memref<1x128xi32, #tpu.memory_space<vmem>> -> memref<128xi32, #tpu.memory_space<vmem>>
    %dma_start3A_42 = arith.constant 0 : i32
    %dma_start3A_43 = arith.constant 0 : i32
    %dma_start3A_44 = tpu.memref_slice %arg2[%arg0, %dma_start3A_42, %dma_start3A_43] : memref<2x10240x24xf32, #tpu.memory_space<hbm>> -> memref<1x10240x24xf32, #tpu.memory_space<hbm>>
    %dma_start3A_45 = tpu.memref_squeeze %dma_start3A_44 : memref<1x10240x24xf32, #tpu.memory_space<hbm>> -> memref<10240x24xf32, #tpu.memory_space<hbm>>
    %dma_start3A_46 = arith.constant 0 : i32
    %dma_start3A_47 = arith.constant 0 : i32
    %dma_start3A_48 = tpu.memref_slice %dma_start3A_45[%dma_start3A_46, %dma_start3A_47] : memref<10240x24xf32, #tpu.memory_space<hbm>> -> memref<10240x24xf32, #tpu.memory_space<hbm>>
    tpu.enqueue_indirect_dma source(%dma_start3A_48 : memref<10240x24xf32, #tpu.memory_space<hbm>>) target(%dma_start3A_38 : memref<128x24xf32, #tpu.memory_space<vmem>>) offsets(%dma_start3A_41 : memref<128xi32, #tpu.memory_space<vmem>>) semaphore(%arg17 : memref<!tpu.dma_semaphore, #tpu.memory_space<semaphore_mem>>)
    %dma_start3A_49 = arith.constant 3 : i32
    %dma_start3A_50 = arith.constant 3 : i32
    %dma_start3A_51 = arith.constant 0 : i32
    %dma_start3A_52 = arith.constant 0 : i32
    %dma_start3A_53 = tpu.memref_slice %arg11[%dma_start3A_50, %dma_start3A_51, %dma_start3A_52] : memref<7x128x24xf32, #tpu.memory_space<vmem>> -> memref<1x128x24xf32, #tpu.memory_space<vmem>>
    %dma_start3A_54 = tpu.memref_squeeze %dma_start3A_53 : memref<1x128x24xf32, #tpu.memory_space<vmem>> -> memref<128x24xf32, #tpu.memory_space<vmem>>
    %dma_start3A_55 = arith.constant 0 : i32
    %dma_start3A_56 = tpu.memref_slice %arg9[%dma_start3A_49, %dma_start3A_55] : memref<157x128xi32, #tpu.memory_space<vmem>> -> memref<1x128xi32, #tpu.memory_space<vmem>>
    %dma_start3A_57 = tpu.memref_squeeze %dma_start3A_56 : memref<1x128xi32, #tpu.memory_space<vmem>> -> memref<128xi32, #tpu.memory_space<vmem>>
    %dma_start3A_58 = arith.constant 0 : i32
    %dma_start3A_59 = arith.constant 0 : i32
    %dma_start3A_60 = tpu.memref_slice %arg2[%arg0, %dma_start3A_58, %dma_start3A_59] : memref<2x10240x24xf32, #tpu.memory_space<hbm>> -> memref<1x10240x24xf32, #tpu.memory_space<hbm>>
    %dma_start3A_61 = tpu.memref_squeeze %dma_start3A_60 : memref<1x10240x24xf32, #tpu.memory_space<hbm>> -> memref<10240x24xf32, #tpu.memory_space<hbm>>
    %dma_start3A_62 = arith.constant 0 : i32
    %dma_start3A_63 = arith.constant 0 : i32
    %dma_start3A_64 = tpu.memref_slice %dma_start3A_61[%dma_start3A_62, %dma_start3A_63] : memref<10240x24xf32, #tpu.memory_space<hbm>> -> memref<10240x24xf32, #tpu.memory_space<hbm>>
    tpu.enqueue_indirect_dma source(%dma_start3A_64 : memref<10240x24xf32, #tpu.memory_space<hbm>>) target(%dma_start3A_54 : memref<128x24xf32, #tpu.memory_space<vmem>>) offsets(%dma_start3A_57 : memref<128xi32, #tpu.memory_space<vmem>>) semaphore(%arg17 : memref<!tpu.dma_semaphore, #tpu.memory_space<semaphore_mem>>)
    %dma_start3A_65 = arith.constant 4 : i32
    %dma_start3A_66 = arith.constant 4 : i32
    %dma_start3A_67 = arith.constant 0 : i32
    %dma_start3A_68 = arith.constant 0 : i32
    %dma_start3A_69 = tpu.memref_slice %arg11[%dma_start3A_66, %dma_start3A_67, %dma_start3A_68] : memref<7x128x24xf32, #tpu.memory_space<vmem>> -> memref<1x128x24xf32, #tpu.memory_space<vmem>>
    %dma_start3A_70 = tpu.memref_squeeze %dma_start3A_69 : memref<1x128x24xf32, #tpu.memory_space<vmem>> -> memref<128x24xf32, #tpu.memory_space<vmem>>
    %dma_start3A_71 = arith.constant 0 : i32
    %dma_start3A_72 = tpu.memref_slice %arg9[%dma_start3A_65, %dma_start3A_71] : memref<157x128xi32, #tpu.memory_space<vmem>> -> memref<1x128xi32, #tpu.memory_space<vmem>>
    %dma_start3A_73 = tpu.memref_squeeze %dma_start3A_72 : memref<1x128xi32, #tpu.memory_space<vmem>> -> memref<128xi32, #tpu.memory_space<vmem>>
    %dma_start3A_74 = arith.constant 0 : i32
    %dma_start3A_75 = arith.constant 0 : i32
    %dma_start3A_76 = tpu.memref_slice %arg2[%arg0, %dma_start3A_74, %dma_start3A_75] : memref<2x10240x24xf32, #tpu.memory_space<hbm>> -> memref<1x10240x24xf32, #tpu.memory_space<hbm>>
    %dma_start3A_77 = tpu.memref_squeeze %dma_start3A_76 : memref<1x10240x24xf32, #tpu.memory_space<hbm>> -> memref<10240x24xf32, #tpu.memory_space<hbm>>
    %dma_start3A_78 = arith.constant 0 : i32
    %dma_start3A_79 = arith.constant 0 : i32
    %dma_start3A_80 = tpu.memref_slice %dma_start3A_77[%dma_start3A_78, %dma_start3A_79] : memref<10240x24xf32, #tpu.memory_space<hbm>> -> memref<10240x24xf32, #tpu.memory_space<hbm>>
    tpu.enqueue_indirect_dma source(%dma_start3A_80 : memref<10240x24xf32, #tpu.memory_space<hbm>>) target(%dma_start3A_70 : memref<128x24xf32, #tpu.memory_space<vmem>>) offsets(%dma_start3A_73 : memref<128xi32, #tpu.memory_space<vmem>>) semaphore(%arg17 : memref<!tpu.dma_semaphore, #tpu.memory_space<semaphore_mem>>)
    %dma_start3A_81 = arith.constant 5 : i32
    %dma_start3A_82 = arith.constant 5 : i32
    %dma_start3A_83 = arith.constant 0 : i32
    %dma_start3A_84 = arith.constant 0 : i32
    %dma_start3A_85 = tpu.memref_slice %arg11[%dma_start3A_82, %dma_start3A_83, %dma_start3A_84] : memref<7x128x24xf32, #tpu.memory_space<vmem>> -> memref<1x128x24xf32, #tpu.memory_space<vmem>>
    %dma_start3A_86 = tpu.memref_squeeze %dma_start3A_85 : memref<1x128x24xf32, #tpu.memory_space<vmem>> -> memref<128x24xf32, #tpu.memory_space<vmem>>
    %dma_start3A_87 = arith.constant 0 : i32
    %dma_start3A_88 = tpu.memref_slice %arg9[%dma_start3A_81, %dma_start3A_87] : memref<157x128xi32, #tpu.memory_space<vmem>> -> memref<1x128xi32, #tpu.memory_space<vmem>>
    %dma_start3A_89 = tpu.memref_squeeze %dma_start3A_88 : memref<1x128xi32, #tpu.memory_space<vmem>> -> memref<128xi32, #tpu.memory_space<vmem>>
    %dma_start3A_90 = arith.constant 0 : i32
    %dma_start3A_91 = arith.constant 0 : i32
    %dma_start3A_92 = tpu.memref_slice %arg2[%arg0, %dma_start3A_90, %dma_start3A_91] : memref<2x10240x24xf32, #tpu.memory_space<hbm>> -> memref<1x10240x24xf32, #tpu.memory_space<hbm>>
    %dma_start3A_93 = tpu.memref_squeeze %dma_start3A_92 : memref<1x10240x24xf32, #tpu.memory_space<hbm>> -> memref<10240x24xf32, #tpu.memory_space<hbm>>
    %dma_start3A_94 = arith.constant 0 : i32
    %dma_start3A_95 = arith.constant 0 : i32
    %dma_start3A_96 = tpu.memref_slice %dma_start3A_93[%dma_start3A_94, %dma_start3A_95] : memref<10240x24xf32, #tpu.memory_space<hbm>> -> memref<10240x24xf32, #tpu.memory_space<hbm>>
    tpu.enqueue_indirect_dma source(%dma_start3A_96 : memref<10240x24xf32, #tpu.memory_space<hbm>>) target(%dma_start3A_86 : memref<128x24xf32, #tpu.memory_space<vmem>>) offsets(%dma_start3A_89 : memref<128xi32, #tpu.memory_space<vmem>>) semaphore(%arg17 : memref<!tpu.dma_semaphore, #tpu.memory_space<semaphore_mem>>)
    %dma_start3A_97 = arith.constant 6 : i32
    %dma_start3A_98 = arith.constant 6 : i32
    %dma_start3A_99 = arith.constant 0 : i32
    %dma_start3A_100 = arith.constant 0 : i32
    %dma_start3A_101 = tpu.memref_slice %arg11[%dma_start3A_98, %dma_start3A_99, %dma_start3A_100] : memref<7x128x24xf32, #tpu.memory_space<vmem>> -> memref<1x128x24xf32, #tpu.memory_space<vmem>>
    %dma_start3A_102 = tpu.memref_squeeze %dma_start3A_101 : memref<1x128x24xf32, #tpu.memory_space<vmem>> -> memref<128x24xf32, #tpu.memory_space<vmem>>
    %dma_start3A_103 = arith.constant 0 : i32
    %dma_start3A_104 = tpu.memref_slice %arg9[%dma_start3A_97, %dma_start3A_103] : memref<157x128xi32, #tpu.memory_space<vmem>> -> memref<1x128xi32, #tpu.memory_space<vmem>>
    %dma_start3A_105 = tpu.memref_squeeze %dma_start3A_104 : memref<1x128xi32, #tpu.memory_space<vmem>> -> memref<128xi32, #tpu.memory_space<vmem>>
    %dma_start3A_106 = arith.constant 0 : i32
    %dma_start3A_107 = arith.constant 0 : i32
    %dma_start3A_108 = tpu.memref_slice %arg2[%arg0, %dma_start3A_106, %dma_start3A_107] : memref<2x10240x24xf32, #tpu.memory_space<hbm>> -> memref<1x10240x24xf32, #tpu.memory_space<hbm>>
    %dma_start3A_109 = tpu.memref_squeeze %dma_start3A_108 : memref<1x10240x24xf32, #tpu.memory_space<hbm>> -> memref<10240x24xf32, #tpu.memory_space<hbm>>
    %dma_start3A_110 = arith.constant 0 : i32
    %dma_start3A_111 = arith.constant 0 : i32
    %dma_start3A_112 = tpu.memref_slice %dma_start3A_109[%dma_start3A_110, %dma_start3A_111] : memref<10240x24xf32, #tpu.memory_space<hbm>> -> memref<10240x24xf32, #tpu.memory_space<hbm>>
    tpu.enqueue_indirect_dma source(%dma_start3A_112 : memref<10240x24xf32, #tpu.memory_space<hbm>>) target(%dma_start3A_102 : memref<128x24xf32, #tpu.memory_space<vmem>>) offsets(%dma_start3A_105 : memref<128xi32, #tpu.memory_space<vmem>>) semaphore(%arg17 : memref<!tpu.dma_semaphore, #tpu.memory_space<semaphore_mem>>)
    %scan3A = arith.constant 0 : i32
    %scan3A_113 = arith.constant 0 : i32
    %scan3A_114 = arith.constant 157 : i32
    %scan3A_115 = arith.addi %scan3A_113, %scan3A_114 : i32
    %scan3A_116 = arith.constant 1 : i32
    scf.for %scan3A_148 = %scan3A_113 to %scan3A_115 step %scan3A_116  : i32 {
      %rem3A = arith.constant 7 : i32
      %rem3A_149 = arith.remsi %scan3A_148, %rem3A : i32
      %dma_wait3A_150 = arith.constant 0 : i32
      %dma_wait3A_151 = arith.constant 0 : i32
      %dma_wait3A_152 = tpu.memref_slice %arg11[%rem3A_149, %dma_wait3A_150, %dma_wait3A_151] : memref<7x128x24xf32, #tpu.memory_space<vmem>> -> memref<1x128x24xf32, #tpu.memory_space<vmem>>
      %dma_wait3A_153 = tpu.memref_squeeze %dma_wait3A_152 : memref<1x128x24xf32, #tpu.memory_space<vmem>> -> memref<128x24xf32, #tpu.memory_space<vmem>>
      %dma_wait3A_154 = arith.constant 0 : i32
      %dma_wait3A_155 = tpu.memref_slice %arg9[%scan3A_148, %dma_wait3A_154] : memref<157x128xi32, #tpu.memory_space<vmem>> -> memref<1x128xi32, #tpu.memory_space<vmem>>
      %dma_wait3A_156 = tpu.memref_squeeze %dma_wait3A_155 : memref<1x128xi32, #tpu.memory_space<vmem>> -> memref<128xi32, #tpu.memory_space<vmem>>
      %dma_wait3A_157 = arith.constant 0 : i32
      %dma_wait3A_158 = arith.constant 0 : i32
      %dma_wait3A_159 = tpu.memref_slice %arg2[%arg0, %dma_wait3A_157, %dma_wait3A_158] : memref<2x10240x24xf32, #tpu.memory_space<hbm>> -> memref<1x10240x24xf32, #tpu.memory_space<hbm>>
      %dma_wait3A_160 = tpu.memref_squeeze %dma_wait3A_159 : memref<1x10240x24xf32, #tpu.memory_space<hbm>> -> memref<10240x24xf32, #tpu.memory_space<hbm>>
      %dma_wait3A_161 = arith.constant 0 : i32
      %dma_wait3A_162 = arith.constant 0 : i32
      %dma_wait3A_163 = tpu.memref_slice %dma_wait3A_160[%dma_wait3A_161, %dma_wait3A_162] : memref<10240x24xf32, #tpu.memory_space<hbm>> -> memref<10240x24xf32, #tpu.memory_space<hbm>>
      tpu.wait_indirect_dma semaphore(%arg17 : memref<!tpu.dma_semaphore, #tpu.memory_space<semaphore_mem>>) src(%dma_wait3A_163 : memref<10240x24xf32, #tpu.memory_space<hbm>>) dst(%dma_wait3A_153 : memref<128x24xf32, #tpu.memory_space<vmem>>)
      %dma_start3A_164 = arith.constant 0 : i32
      %dma_start3A_165 = arith.constant 0 : i32
      %dma_start3A_166 = tpu.memref_slice %arg11[%rem3A_149, %dma_start3A_164, %dma_start3A_165] : memref<7x128x24xf32, #tpu.memory_space<vmem>> -> memref<1x128x24xf32, #tpu.memory_space<vmem>>
      %dma_start3A_167 = tpu.memref_squeeze %dma_start3A_166 : memref<1x128x24xf32, #tpu.memory_space<vmem>> -> memref<128x24xf32, #tpu.memory_space<vmem>>
      %dma_start3A_168 = arith.constant 0 : i32
      %dma_start3A_169 = tpu.memref_slice %arg10[%scan3A_148, %dma_start3A_168] : memref<157x128xi32, #tpu.memory_space<vmem>> -> memref<1x128xi32, #tpu.memory_space<vmem>>
      %dma_start3A_170 = tpu.memref_squeeze %dma_start3A_169 : memref<1x128xi32, #tpu.memory_space<vmem>> -> memref<128xi32, #tpu.memory_space<vmem>>
      %dma_start3A_171 = arith.constant 0 : i32
      %dma_start3A_172 = arith.constant 0 : i32
      %dma_start3A_173 = tpu.memref_slice %arg16[%dma_start3A_171, %dma_start3A_172] : memref<10240x24xf32, #tpu.memory_space<vmem_shared>> -> memref<10240x24xf32, #tpu.memory_space<vmem_shared>>
      tpu.enqueue_indirect_dma source(%dma_start3A_167 : memref<128x24xf32, #tpu.memory_space<vmem>>) target(%dma_start3A_173 : memref<10240x24xf32, #tpu.memory_space<vmem_shared>>) offsets(%dma_start3A_170 : memref<128xi32, #tpu.memory_space<vmem>>) semaphore(%arg18 : memref<!tpu.dma_semaphore, #tpu.memory_space<semaphore_mem>>) {add = true}
      %ge3A = arith.constant 2 : i32
      %ge3A_174 = arith.cmpi sge, %scan3A_148, %ge3A : i32
      %convert_element_type3A = arith.extui %ge3A_174 : i1 to i32
      %cond3A = arith.constant 0 : i32
      %cond3A_175 = arith.cmpi ne, %convert_element_type3A, %cond3A : i32
      scf.if %cond3A_175 {
        %sub3A = arith.constant 2 : i32
        %sub3A_176 = arith.subi %scan3A_148, %sub3A : i32
        %add3A = arith.constant 7 : i32
        %add3A_177 = arith.addi %sub3A_176, %add3A : i32
        %rem3A_178 = arith.constant 7 : i32
        %rem3A_179 = arith.remsi %add3A_177, %rem3A_178 : i32
        %dma_wait3A_180 = arith.constant 0 : i32
        %dma_wait3A_181 = arith.constant 0 : i32
        %dma_wait3A_182 = tpu.memref_slice %arg11[%rem3A_179, %dma_wait3A_180, %dma_wait3A_181] : memref<7x128x24xf32, #tpu.memory_space<vmem>> -> memref<1x128x24xf32, #tpu.memory_space<vmem>>
        %dma_wait3A_183 = tpu.memref_squeeze %dma_wait3A_182 : memref<1x128x24xf32, #tpu.memory_space<vmem>> -> memref<128x24xf32, #tpu.memory_space<vmem>>
        %dma_wait3A_184 = arith.constant 0 : i32
        %dma_wait3A_185 = tpu.memref_slice %arg10[%scan3A_148, %dma_wait3A_184] : memref<157x128xi32, #tpu.memory_space<vmem>> -> memref<1x128xi32, #tpu.memory_space<vmem>>
        %dma_wait3A_186 = tpu.memref_squeeze %dma_wait3A_185 : memref<1x128xi32, #tpu.memory_space<vmem>> -> memref<128xi32, #tpu.memory_space<vmem>>
        %dma_wait3A_187 = arith.constant 0 : i32
        %dma_wait3A_188 = arith.constant 0 : i32
        %dma_wait3A_189 = tpu.memref_slice %arg16[%dma_wait3A_187, %dma_wait3A_188] : memref<10240x24xf32, #tpu.memory_space<vmem_shared>> -> memref<10240x24xf32, #tpu.memory_space<vmem_shared>>
        tpu.wait_indirect_dma semaphore(%arg18 : memref<!tpu.dma_semaphore, #tpu.memory_space<semaphore_mem>>) src(%dma_wait3A_183 : memref<128x24xf32, #tpu.memory_space<vmem>>) dst(%dma_wait3A_189 : memref<10240x24xf32, #tpu.memory_space<vmem_shared>>)
        %lt3A = arith.constant 157 : i32
        %lt3A_190 = arith.cmpi slt, %add3A_177, %lt3A : i32
        %convert_element_type3A_191 = arith.extui %lt3A_190 : i1 to i32
        %cond3A_192 = arith.constant 0 : i32
        %cond3A_193 = arith.cmpi ne, %convert_element_type3A_191, %cond3A_192 : i32
        scf.if %cond3A_193 {
          %dma_start3A_194 = arith.constant 0 : i32
          %dma_start3A_195 = arith.constant 0 : i32
          %dma_start3A_196 = tpu.memref_slice %arg11[%rem3A_179, %dma_start3A_194, %dma_start3A_195] : memref<7x128x24xf32, #tpu.memory_space<vmem>> -> memref<1x128x24xf32, #tpu.memory_space<vmem>>
          %dma_start3A_197 = tpu.memref_squeeze %dma_start3A_196 : memref<1x128x24xf32, #tpu.memory_space<vmem>> -> memref<128x24xf32, #tpu.memory_space<vmem>>
          %dma_start3A_198 = arith.constant 0 : i32
          %dma_start3A_199 = tpu.memref_slice %arg9[%add3A_177, %dma_start3A_198] : memref<157x128xi32, #tpu.memory_space<vmem>> -> memref<1x128xi32, #tpu.memory_space<vmem>>
          %dma_start3A_200 = tpu.memref_squeeze %dma_start3A_199 : memref<1x128xi32, #tpu.memory_space<vmem>> -> memref<128xi32, #tpu.memory_space<vmem>>
          %dma_start3A_201 = arith.constant 0 : i32
          %dma_start3A_202 = arith.constant 0 : i32
          %dma_start3A_203 = tpu.memref_slice %arg2[%arg0, %dma_start3A_201, %dma_start3A_202] : memref<2x10240x24xf32, #tpu.memory_space<hbm>> -> memref<1x10240x24xf32, #tpu.memory_space<hbm>>
          %dma_start3A_204 = tpu.memref_squeeze %dma_start3A_203 : memref<1x10240x24xf32, #tpu.memory_space<hbm>> -> memref<10240x24xf32, #tpu.memory_space<hbm>>
          %dma_start3A_205 = arith.constant 0 : i32
          %dma_start3A_206 = arith.constant 0 : i32
          %dma_start3A_207 = tpu.memref_slice %dma_start3A_204[%dma_start3A_205, %dma_start3A_206] : memref<10240x24xf32, #tpu.memory_space<hbm>> -> memref<10240x24xf32, #tpu.memory_space<hbm>>
          tpu.enqueue_indirect_dma source(%dma_start3A_207 : memref<10240x24xf32, #tpu.memory_space<hbm>>) target(%dma_start3A_197 : memref<128x24xf32, #tpu.memory_space<vmem>>) offsets(%dma_start3A_200 : memref<128xi32, #tpu.memory_space<vmem>>) semaphore(%arg17 : memref<!tpu.dma_semaphore, #tpu.memory_space<semaphore_mem>>)
        } else {
        }
      } else {
      }
    }
    %scan3A_117 = arith.constant 157 : i32
    %dma_wait3A = arith.constant 0 : i32
    %dma_wait3A_118 = arith.constant 0 : i32
    %dma_wait3A_119 = arith.constant 0 : i32
    %dma_wait3A_120 = arith.constant 0 : i32
    %dma_wait3A_121 = tpu.memref_slice %arg11[%dma_wait3A, %dma_wait3A_119, %dma_wait3A_120] : memref<7x128x24xf32, #tpu.memory_space<vmem>> -> memref<1x128x24xf32, #tpu.memory_space<vmem>>
    %dma_wait3A_122 = tpu.memref_squeeze %dma_wait3A_121 : memref<1x128x24xf32, #tpu.memory_space<vmem>> -> memref<128x24xf32, #tpu.memory_space<vmem>>
    %dma_wait3A_123 = arith.constant 0 : i32
    %dma_wait3A_124 = tpu.memref_slice %arg10[%dma_wait3A_118, %dma_wait3A_123] : memref<157x128xi32, #tpu.memory_space<vmem>> -> memref<1x128xi32, #tpu.memory_space<vmem>>
    %dma_wait3A_125 = tpu.memref_squeeze %dma_wait3A_124 : memref<1x128xi32, #tpu.memory_space<vmem>> -> memref<128xi32, #tpu.memory_space<vmem>>
    %dma_wait3A_126 = arith.constant 0 : i32
    %dma_wait3A_127 = arith.constant 0 : i32
    %dma_wait3A_128 = tpu.memref_slice %arg16[%dma_wait3A_126, %dma_wait3A_127] : memref<10240x24xf32, #tpu.memory_space<vmem_shared>> -> memref<10240x24xf32, #tpu.memory_space<vmem_shared>>
    tpu.wait_indirect_dma semaphore(%arg18 : memref<!tpu.dma_semaphore, #tpu.memory_space<semaphore_mem>>) src(%dma_wait3A_122 : memref<128x24xf32, #tpu.memory_space<vmem>>) dst(%dma_wait3A_128 : memref<10240x24xf32, #tpu.memory_space<vmem_shared>>)
    %dma_wait3A_129 = arith.constant 0 : i32
    %dma_wait3A_130 = arith.constant 0 : i32
    %dma_wait3A_131 = arith.constant 0 : i32
    %dma_wait3A_132 = arith.constant 0 : i32
    %dma_wait3A_133 = tpu.memref_slice %arg11[%dma_wait3A_129, %dma_wait3A_131, %dma_wait3A_132] : memref<7x128x24xf32, #tpu.memory_space<vmem>> -> memref<1x128x24xf32, #tpu.memory_space<vmem>>
    %dma_wait3A_134 = tpu.memref_squeeze %dma_wait3A_133 : memref<1x128x24xf32, #tpu.memory_space<vmem>> -> memref<128x24xf32, #tpu.memory_space<vmem>>
    %dma_wait3A_135 = arith.constant 0 : i32
    %dma_wait3A_136 = tpu.memref_slice %arg10[%dma_wait3A_130, %dma_wait3A_135] : memref<157x128xi32, #tpu.memory_space<vmem>> -> memref<1x128xi32, #tpu.memory_space<vmem>>
    %dma_wait3A_137 = tpu.memref_squeeze %dma_wait3A_136 : memref<1x128xi32, #tpu.memory_space<vmem>> -> memref<128xi32, #tpu.memory_space<vmem>>
    %dma_wait3A_138 = arith.constant 0 : i32
    %dma_wait3A_139 = arith.constant 0 : i32
    %dma_wait3A_140 = tpu.memref_slice %arg16[%dma_wait3A_138, %dma_wait3A_139] : memref<10240x24xf32, #tpu.memory_space<vmem_shared>> -> memref<10240x24xf32, #tpu.memory_space<vmem_shared>>
    tpu.wait_indirect_dma semaphore(%arg18 : memref<!tpu.dma_semaphore, #tpu.memory_space<semaphore_mem>>) src(%dma_wait3A_134 : memref<128x24xf32, #tpu.memory_space<vmem>>) dst(%dma_wait3A_140 : memref<10240x24xf32, #tpu.memory_space<vmem_shared>>)
    %barrier3A_141 = arith.constant 0 : index
    tpu.barrier barrier_id(%barrier3A_141)
    "tpu.region"() ({
      %run_scoped3A = tpu.sem_alloc : memref<!tpu.dma_semaphore, #tpu.memory_space<semaphore_mem>>
      %dma_start3A_148 = arith.constant 0 : i32
      %dma_start3A_149 = tpu.memref_slice %arg16[%mul3A_1, %dma_start3A_148] : memref<10240x24xf32, #tpu.memory_space<vmem_shared>> -> memref<640x24xf32, #tpu.memory_space<vmem_shared>>
      %dma_start3A_150 = arith.constant 0 : i32
      %dma_start3A_151 = tpu.memref_slice %arg16[%mul3A_1, %dma_start3A_150] : memref<10240x24xf32, #tpu.memory_space<vmem_shared>> -> memref<640x24xf32, #tpu.memory_space<vmem_shared>>
      tpu.enqueue_dma source(%dma_start3A_151 : memref<640x24xf32, #tpu.memory_space<vmem_shared>>) target(%arg14 : memref<640x24xf32, #tpu.memory_space<vmem>>) target_semaphore(%run_scoped3A : memref<!tpu.dma_semaphore, #tpu.memory_space<semaphore_mem>>)
      %dma_wait3A_152 = arith.constant 0 : i32
      %dma_wait3A_153 = tpu.memref_slice %arg16[%mul3A_1, %dma_wait3A_152] : memref<10240x24xf32, #tpu.memory_space<vmem_shared>> -> memref<640x24xf32, #tpu.memory_space<vmem_shared>>
      %dma_wait3A_154 = arith.constant 0 : i32
      %dma_wait3A_155 = tpu.memref_slice %arg16[%mul3A_1, %dma_wait3A_154] : memref<10240x24xf32, #tpu.memory_space<vmem_shared>> -> memref<640x24xf32, #tpu.memory_space<vmem_shared>>
      tpu.wait_dma2 semaphore(%run_scoped3A : memref<!tpu.dma_semaphore, #tpu.memory_space<semaphore_mem>>) src(%dma_wait3A_155 : memref<640x24xf32, #tpu.memory_space<vmem_shared>>) dst(%arg14 : memref<640x24xf32, #tpu.memory_space<vmem>>)
      tpu.yield
    }) : () -> ()
    %scan3A_142 = arith.constant 0 : i32
    %scan3A_143 = arith.constant 0 : i32
    %scan3A_144 = arith.constant 640 : i32
    %scan3A_145 = arith.addi %scan3A_143, %scan3A_144 : i32
    %scan3A_146 = arith.constant 1 : i32
    scf.for %scan3A_148 = %scan3A_143 to %scan3A_145 step %scan3A_146  : i32 {
      %get3A = arith.index_cast %scan3A_148 : i32 to index
      %get3A_149 = arith.constant 0 : index
      %get3A_150 = tpu.vector_load %arg13[%get3A, %get3A_149] {strides = array<i32>} : memref<640x16xf32, #tpu.memory_space<vmem>>, vector<1x16xf32>,
      %get3A_151 = vector.shape_cast %get3A_150 : vector<1x16xf32> to vector<16xf32>
      %get3A_152 = arith.index_cast %scan3A_148 : i32 to index
      %get3A_153 = arith.constant 0 : index
      %get3A_154 = tpu.vector_load %arg12[%get3A_152, %get3A_153] {strides = array<i32>} : memref<640x24xf32, #tpu.memory_space<vmem>>, vector<1x16xf32>,
      %get3A_155 = vector.shape_cast %get3A_154 : vector<1x16xf32> to vector<16xf32>
      %get3A_156 = arith.index_cast %scan3A_148 : i32 to index
      %get3A_157 = arith.constant 8 : index
      %get3A_158 = tpu.vector_load %arg12[%get3A_156, %get3A_157] {strides = array<i32>} : memref<640x24xf32, #tpu.memory_space<vmem>>, vector<1x16xf32>,
      %get3A_159 = vector.shape_cast %get3A_158 : vector<1x16xf32> to vector<16xf32>
      %get3A_160 = arith.index_cast %scan3A_148 : i32 to index
      %get3A_161 = arith.constant 0 : index
      %get3A_162 = tpu.vector_load %arg14[%get3A_160, %get3A_161] {strides = array<i32>} : memref<640x24xf32, #tpu.memory_space<vmem>>, vector<1x16xf32>,
      %get3A_163 = vector.shape_cast %get3A_162 : vector<1x16xf32> to vector<16xf32>
      %get3A_164 = arith.index_cast %scan3A_148 : i32 to index
      %get3A_165 = arith.constant 8 : index
      %get3A_166 = tpu.vector_load %arg14[%get3A_164, %get3A_165] {strides = array<i32>} : memref<640x24xf32, #tpu.memory_space<vmem>>, vector<1x16xf32>,
      %get3A_167 = vector.shape_cast %get3A_166 : vector<1x16xf32> to vector<16xf32>
      %mul3A_168 = arith.mulf %get3A_151, %get3A_163 : vector<16xf32>
      %sub3A = arith.subf %get3A_155, %mul3A_168 : vector<16xf32>
      %mul3A_169 = arith.mulf %get3A_151, %get3A_163 : vector<16xf32>
      %select_n3A = arith.select %eq3A_0, %sub3A, %mul3A_169 : vector<16xf32>
      %mul3A_170 = arith.mulf %get3A_151, %get3A_167 : vector<16xf32>
      %sub3A_171 = arith.subf %get3A_159, %mul3A_170 : vector<16xf32>
      %mul3A_172 = arith.mulf %get3A_151, %get3A_167 : vector<16xf32>
      %select_n3A_173 = arith.select %eq3A_0, %sub3A_171, %mul3A_172 : vector<16xf32>
      %swap3A = arith.index_cast %scan3A_148 : i32 to index
      %swap3A_174 = arith.constant 0 : index
      %swap3A_175 = tpu.vector_load %arg12[%swap3A, %swap3A_174] {strides = array<i32>} : memref<640x24xf32, #tpu.memory_space<vmem>>, vector<1x16xf32>,
      %swap3A_176 = vector.shape_cast %swap3A_175 : vector<1x16xf32> to vector<16xf32>
      %swap3A_177 = vector.shape_cast %select_n3A : vector<16xf32> to vector<1x16xf32>
      tpu.vector_store %arg12[%swap3A, %swap3A_174], %swap3A_177 {strides = array<i32>} : memref<640x24xf32, #tpu.memory_space<vmem>>, vector<1x16xf32>,
      %swap3A_178 = arith.index_cast %scan3A_148 : i32 to index
      %swap3A_179 = arith.constant 8 : index
      %swap3A_180 = tpu.vector_load %arg12[%swap3A_178, %swap3A_179] {strides = array<i32>} : memref<640x24xf32, #tpu.memory_space<vmem>>, vector<1x16xf32>,
      %swap3A_181 = vector.shape_cast %swap3A_180 : vector<1x16xf32> to vector<16xf32>
      %swap3A_182 = vector.shape_cast %select_n3A_173 : vector<16xf32> to vector<1x16xf32>
      tpu.vector_store %arg12[%swap3A_178, %swap3A_179], %swap3A_182 {strides = array<i32>} : memref<640x24xf32, #tpu.memory_space<vmem>>, vector<1x16xf32>,
      %swap3A_183 = arith.index_cast %scan3A_148 : i32 to index
      %swap3A_184 = arith.constant 0 : index
      %swap3A_185 = tpu.vector_load %arg15[%swap3A_183, %swap3A_184] {strides = array<i32>} : memref<640x16xf32, #tpu.memory_space<vmem>>, vector<1x16xf32>,
      %swap3A_186 = vector.shape_cast %swap3A_185 : vector<1x16xf32> to vector<16xf32>
      %swap3A_187 = vector.shape_cast %select_n3A_173 : vector<16xf32> to vector<1x16xf32>
      tpu.vector_store %arg15[%swap3A_183, %swap3A_184], %swap3A_187 {strides = array<i32>} : memref<640x16xf32, #tpu.memory_space<vmem>>, vector<1x16xf32>,
    }
    %scan3A_147 = arith.constant 640 : i32
    "tpu.region"() ({
      %run_scoped3A = tpu.sem_alloc : memref<!tpu.dma_semaphore, #tpu.memory_space<semaphore_mem>>
      %dma_start3A_148 = arith.constant 0 : i32
      %dma_start3A_149 = arith.constant 0 : i32
      %dma_start3A_150 = tpu.memref_slice %arg7[%arg0, %dma_start3A_148, %dma_start3A_149] : memref<2x10240x24xf32, #tpu.memory_space<hbm>> -> memref<1x10240x24xf32, #tpu.memory_space<hbm>>
      %dma_start3A_151 = tpu.memref_squeeze %dma_start3A_150 : memref<1x10240x24xf32, #tpu.memory_space<hbm>> -> memref<10240x24xf32, #tpu.memory_space<hbm>>
      %dma_start3A_152 = arith.constant 0 : i32
      %dma_start3A_153 = tpu.memref_slice %dma_start3A_151[%mul3A_1, %dma_start3A_152] : memref<10240x24xf32, #tpu.memory_space<hbm>> -> memref<640x24xf32, #tpu.memory_space<hbm>>
      %dma_start3A_154 = arith.constant 0 : i32
      %dma_start3A_155 = arith.constant 0 : i32
      %dma_start3A_156 = tpu.memref_slice %arg7[%arg0, %dma_start3A_154, %dma_start3A_155] : memref<2x10240x24xf32, #tpu.memory_space<hbm>> -> memref<1x10240x24xf32, #tpu.memory_space<hbm>>
      %dma_start3A_157 = tpu.memref_squeeze %dma_start3A_156 : memref<1x10240x24xf32, #tpu.memory_space<hbm>> -> memref<10240x24xf32, #tpu.memory_space<hbm>>
      %dma_start3A_158 = arith.constant 0 : i32
      %dma_start3A_159 = tpu.memref_slice %dma_start3A_157[%mul3A_1, %dma_start3A_158] : memref<10240x24xf32, #tpu.memory_space<hbm>> -> memref<640x24xf32, #tpu.memory_space<hbm>>
      tpu.enqueue_dma source(%arg12 : memref<640x24xf32, #tpu.memory_space<vmem>>) target(%dma_start3A_159 : memref<640x24xf32, #tpu.memory_space<hbm>>) target_semaphore(%run_scoped3A : memref<!tpu.dma_semaphore, #tpu.memory_space<semaphore_mem>>)
      %dma_wait3A_160 = arith.constant 0 : i32
      %dma_wait3A_161 = arith.constant 0 : i32
      %dma_wait3A_162 = tpu.memref_slice %arg7[%arg0, %dma_wait3A_160, %dma_wait3A_161] : memref<2x10240x24xf32, #tpu.memory_space<hbm>> -> memref<1x10240x24xf32, #tpu.memory_space<hbm>>
      %dma_wait3A_163 = tpu.memref_squeeze %dma_wait3A_162 : memref<1x10240x24xf32, #tpu.memory_space<hbm>> -> memref<10240x24xf32, #tpu.memory_space<hbm>>
      %dma_wait3A_164 = arith.constant 0 : i32
      %dma_wait3A_165 = tpu.memref_slice %dma_wait3A_163[%mul3A_1, %dma_wait3A_164] : memref<10240x24xf32, #tpu.memory_space<hbm>> -> memref<640x24xf32, #tpu.memory_space<hbm>>
      %dma_wait3A_166 = arith.constant 0 : i32
      %dma_wait3A_167 = arith.constant 0 : i32
      %dma_wait3A_168 = tpu.memref_slice %arg7[%arg0, %dma_wait3A_166, %dma_wait3A_167] : memref<2x10240x24xf32, #tpu.memory_space<hbm>> -> memref<1x10240x24xf32, #tpu.memory_space<hbm>>
      %dma_wait3A_169 = tpu.memref_squeeze %dma_wait3A_168 : memref<1x10240x24xf32, #tpu.memory_space<hbm>> -> memref<10240x24xf32, #tpu.memory_space<hbm>>
      %dma_wait3A_170 = arith.constant 0 : i32
      %dma_wait3A_171 = tpu.memref_slice %dma_wait3A_169[%mul3A_1, %dma_wait3A_170] : memref<10240x24xf32, #tpu.memory_space<hbm>> -> memref<640x24xf32, #tpu.memory_space<hbm>>
      tpu.wait_dma2 semaphore(%run_scoped3A : memref<!tpu.dma_semaphore, #tpu.memory_space<semaphore_mem>>) src(%arg12 : memref<640x24xf32, #tpu.memory_space<vmem>>) dst(%dma_wait3A_171 : memref<640x24xf32, #tpu.memory_space<hbm>>)
      tpu.yield
    }) : () -> ()
    "tpu.region"() ({
      %run_scoped3A = tpu.sem_alloc : memref<!tpu.dma_semaphore, #tpu.memory_space<semaphore_mem>>
      %dma_start3A_148 = arith.constant 0 : i32
      %dma_start3A_149 = arith.constant 0 : i32
      %dma_start3A_150 = tpu.memref_slice %arg8[%arg0, %dma_start3A_148, %dma_start3A_149] : memref<2x10240x16xf32, #tpu.memory_space<hbm>> -> memref<1x10240x16xf32, #tpu.memory_space<hbm>>
      %dma_start3A_151 = tpu.memref_squeeze %dma_start3A_150 : memref<1x10240x16xf32, #tpu.memory_space<hbm>> -> memref<10240x16xf32, #tpu.memory_space<hbm>>
      %dma_start3A_152 = arith.constant 0 : i32
      %dma_start3A_153 = tpu.memref_slice %dma_start3A_151[%mul3A_1, %dma_start3A_152] : memref<10240x16xf32, #tpu.memory_space<hbm>> -> memref<640x16xf32, #tpu.memory_space<hbm>>
      %dma_start3A_154 = arith.constant 0 : i32
      %dma_start3A_155 = arith.constant 0 : i32
      %dma_start3A_156 = tpu.memref_slice %arg8[%arg0, %dma_start3A_154, %dma_start3A_155] : memref<2x10240x16xf32, #tpu.memory_space<hbm>> -> memref<1x10240x16xf32, #tpu.memory_space<hbm>>
      %dma_start3A_157 = tpu.memref_squeeze %dma_start3A_156 : memref<1x10240x16xf32, #tpu.memory_space<hbm>> -> memref<10240x16xf32, #tpu.memory_space<hbm>>
      %dma_start3A_158 = arith.constant 0 : i32
      %dma_start3A_159 = tpu.memref_slice %dma_start3A_157[%mul3A_1, %dma_start3A_158] : memref<10240x16xf32, #tpu.memory_space<hbm>> -> memref<640x16xf32, #tpu.memory_space<hbm>>
      tpu.enqueue_dma source(%arg15 : memref<640x16xf32, #tpu.memory_space<vmem>>) target(%dma_start3A_159 : memref<640x16xf32, #tpu.memory_space<hbm>>) target_semaphore(%run_scoped3A : memref<!tpu.dma_semaphore, #tpu.memory_space<semaphore_mem>>)
      %dma_wait3A_160 = arith.constant 0 : i32
      %dma_wait3A_161 = arith.constant 0 : i32
      %dma_wait3A_162 = tpu.memref_slice %arg8[%arg0, %dma_wait3A_160, %dma_wait3A_161] : memref<2x10240x16xf32, #tpu.memory_space<hbm>> -> memref<1x10240x16xf32, #tpu.memory_space<hbm>>
      %dma_wait3A_163 = tpu.memref_squeeze %dma_wait3A_162 : memref<1x10240x16xf32, #tpu.memory_space<hbm>> -> memref<10240x16xf32, #tpu.memory_space<hbm>>
      %dma_wait3A_164 = arith.constant 0 : i32
      %dma_wait3A_165 = tpu.memref_slice %dma_wait3A_163[%mul3A_1, %dma_wait3A_164] : memref<10240x16xf32, #tpu.memory_space<hbm>> -> memref<640x16xf32, #tpu.memory_space<hbm>>
      %dma_wait3A_166 = arith.constant 0 : i32
      %dma_wait3A_167 = arith.constant 0 : i32
      %dma_wait3A_168 = tpu.memref_slice %arg8[%arg0, %dma_wait3A_166, %dma_wait3A_167] : memref<2x10240x16xf32, #tpu.memory_space<hbm>> -> memref<1x10240x16xf32, #tpu.memory_space<hbm>>
      %dma_wait3A_169 = tpu.memref_squeeze %dma_wait3A_168 : memref<1x10240x16xf32, #tpu.memory_space<hbm>> -> memref<10240x16xf32, #tpu.memory_space<hbm>>
      %dma_wait3A_170 = arith.constant 0 : i32
      %dma_wait3A_171 = tpu.memref_slice %dma_wait3A_169[%mul3A_1, %dma_wait3A_170] : memref<10240x16xf32, #tpu.memory_space<hbm>> -> memref<640x16xf32, #tpu.memory_space<hbm>>
      tpu.wait_dma2 semaphore(%run_scoped3A : memref<!tpu.dma_semaphore, #tpu.memory_space<semaphore_mem>>) src(%arg15 : memref<640x16xf32, #tpu.memory_space<vmem>>) dst(%dma_wait3A_171 : memref<640x16xf32, #tpu.memory_space<hbm>>)
      tpu.yield
    }) : () -> ()
    return
  }
}

#map = affine_map<(d0, d1) -> (0, 0, 0)>
#map1 = affine_map<(d0, d1) -> (0, 0)>
module attributes {stable_mosaic.version = 14 : i64} {
  func.func @k(%arg0: i32, %arg1: i32, %arg2: memref<2x10240x24xf32, #tpu.memory_space<hbm>>, %arg3: memref<2x10240x16xf32, #tpu.memory_space<hbm>>, %arg4: memref<10240x16xf32, #tpu.memory_space<hbm>>, %arg5: memref<16x157x128xi32, #tpu.memory_space<hbm>>, %arg6: memref<16x157x128xi32, #tpu.memory_space<hbm>>, %arg7: memref<640x16xf32, #tpu.memory_space<hbm>>, %arg8: memref<2x10240x24xf32, #tpu.memory_space<hbm>>, %arg9: memref<157x128xi32, #tpu.memory_space<vmem>>, %arg10: memref<157x128xi32, #tpu.memory_space<vmem>>, %arg11: memref<7x128x16xf32, #tpu.memory_space<vmem>>, %arg12: memref<640x24xf32, #tpu.memory_space<vmem>>, %arg13: memref<640x16xf32, #tpu.memory_space<vmem>>, %arg14: memref<640x16xf32, #tpu.memory_space<vmem>>, %arg15: memref<640x16xf32, #tpu.memory_space<vmem>>, %arg16: memref<10240x16xf32, #tpu.memory_space<vmem_shared>>, %arg17: memref<10240x16xf32, #tpu.memory_space<vmem_shared>>, %arg18: memref<!tpu.dma_semaphore, #tpu.memory_space<semaphore_mem>>, %arg19: memref<!tpu.dma_semaphore, #tpu.memory_space<semaphore_mem>>) attributes {dimension_semantics = [#tpu.dimension_semantics<core_parallel>, #tpu.dimension_semantics<subcore_parallel>], iteration_bounds = array<i64: 2, 16>, scalar_prefetch = 0 : i64, scratch_operands = 11 : i64, tpu.core_type = #tpu.core_type<sc_vector_subcore>, window_params = [{transform_indices = #map}, {transform_indices = #map}, {transform_indices = #map1}, {transform_indices = #map}, {transform_indices = #map}, {transform_indices = #map1}, {transform_indices = #map}]} {
    %eq3A = arith.constant 0 : i32
    %eq3A_0 = arith.cmpi eq, %arg0, %eq3A : i32
    %mul3A = arith.constant 640 : i32
    %mul3A_1 = arith.muli %arg1, %mul3A : i32
    %iota3A = tpu.iota {dimensions = array<i32: 0>} : vector<16xi32>
    "tpu.region"() ({
      %run_scoped3A = tpu.sem_alloc : memref<!tpu.dma_semaphore, #tpu.memory_space<semaphore_mem>>
      %dma_start3A_270 = arith.constant 0 : i32
      %dma_start3A_271 = arith.constant 0 : i32
      %dma_start3A_272 = tpu.memref_slice %arg5[%arg1, %dma_start3A_270, %dma_start3A_271] : memref<16x157x128xi32, #tpu.memory_space<hbm>> -> memref<1x157x128xi32, #tpu.memory_space<hbm>>
      %dma_start3A_273 = tpu.memref_squeeze %dma_start3A_272 : memref<1x157x128xi32, #tpu.memory_space<hbm>> -> memref<157x128xi32, #tpu.memory_space<hbm>>
      %dma_start3A_274 = arith.constant 0 : i32
      %dma_start3A_275 = arith.constant 0 : i32
      %dma_start3A_276 = tpu.memref_slice %arg5[%arg1, %dma_start3A_274, %dma_start3A_275] : memref<16x157x128xi32, #tpu.memory_space<hbm>> -> memref<1x157x128xi32, #tpu.memory_space<hbm>>
      %dma_start3A_277 = tpu.memref_squeeze %dma_start3A_276 : memref<1x157x128xi32, #tpu.memory_space<hbm>> -> memref<157x128xi32, #tpu.memory_space<hbm>>
      tpu.enqueue_dma source(%dma_start3A_277 : memref<157x128xi32, #tpu.memory_space<hbm>>) target(%arg9 : memref<157x128xi32, #tpu.memory_space<vmem>>) target_semaphore(%run_scoped3A : memref<!tpu.dma_semaphore, #tpu.memory_space<semaphore_mem>>)
      %dma_wait3A_278 = arith.constant 0 : i32
      %dma_wait3A_279 = arith.constant 0 : i32
      %dma_wait3A_280 = tpu.memref_slice %arg5[%arg1, %dma_wait3A_278, %dma_wait3A_279] : memref<16x157x128xi32, #tpu.memory_space<hbm>> -> memref<1x157x128xi32, #tpu.memory_space<hbm>>
      %dma_wait3A_281 = tpu.memref_squeeze %dma_wait3A_280 : memref<1x157x128xi32, #tpu.memory_space<hbm>> -> memref<157x128xi32, #tpu.memory_space<hbm>>
      %dma_wait3A_282 = arith.constant 0 : i32
      %dma_wait3A_283 = arith.constant 0 : i32
      %dma_wait3A_284 = tpu.memref_slice %arg5[%arg1, %dma_wait3A_282, %dma_wait3A_283] : memref<16x157x128xi32, #tpu.memory_space<hbm>> -> memref<1x157x128xi32, #tpu.memory_space<hbm>>
      %dma_wait3A_285 = tpu.memref_squeeze %dma_wait3A_284 : memref<1x157x128xi32, #tpu.memory_space<hbm>> -> memref<157x128xi32, #tpu.memory_space<hbm>>
      tpu.wait_dma2 semaphore(%run_scoped3A : memref<!tpu.dma_semaphore, #tpu.memory_space<semaphore_mem>>) src(%dma_wait3A_285 : memref<157x128xi32, #tpu.memory_space<hbm>>) dst(%arg9 : memref<157x128xi32, #tpu.memory_space<vmem>>)
      tpu.yield
    }) : () -> ()
    "tpu.region"() ({
      %run_scoped3A = tpu.sem_alloc : memref<!tpu.dma_semaphore, #tpu.memory_space<semaphore_mem>>
      %dma_start3A_270 = arith.constant 0 : i32
      %dma_start3A_271 = arith.constant 0 : i32
      %dma_start3A_272 = tpu.memref_slice %arg6[%arg1, %dma_start3A_270, %dma_start3A_271] : memref<16x157x128xi32, #tpu.memory_space<hbm>> -> memref<1x157x128xi32, #tpu.memory_space<hbm>>
      %dma_start3A_273 = tpu.memref_squeeze %dma_start3A_272 : memref<1x157x128xi32, #tpu.memory_space<hbm>> -> memref<157x128xi32, #tpu.memory_space<hbm>>
      %dma_start3A_274 = arith.constant 0 : i32
      %dma_start3A_275 = arith.constant 0 : i32
      %dma_start3A_276 = tpu.memref_slice %arg6[%arg1, %dma_start3A_274, %dma_start3A_275] : memref<16x157x128xi32, #tpu.memory_space<hbm>> -> memref<1x157x128xi32, #tpu.memory_space<hbm>>
      %dma_start3A_277 = tpu.memref_squeeze %dma_start3A_276 : memref<1x157x128xi32, #tpu.memory_space<hbm>> -> memref<157x128xi32, #tpu.memory_space<hbm>>
      tpu.enqueue_dma source(%dma_start3A_277 : memref<157x128xi32, #tpu.memory_space<hbm>>) target(%arg10 : memref<157x128xi32, #tpu.memory_space<vmem>>) target_semaphore(%run_scoped3A : memref<!tpu.dma_semaphore, #tpu.memory_space<semaphore_mem>>)
      %dma_wait3A_278 = arith.constant 0 : i32
      %dma_wait3A_279 = arith.constant 0 : i32
      %dma_wait3A_280 = tpu.memref_slice %arg6[%arg1, %dma_wait3A_278, %dma_wait3A_279] : memref<16x157x128xi32, #tpu.memory_space<hbm>> -> memref<1x157x128xi32, #tpu.memory_space<hbm>>
      %dma_wait3A_281 = tpu.memref_squeeze %dma_wait3A_280 : memref<1x157x128xi32, #tpu.memory_space<hbm>> -> memref<157x128xi32, #tpu.memory_space<hbm>>
      %dma_wait3A_282 = arith.constant 0 : i32
      %dma_wait3A_283 = arith.constant 0 : i32
      %dma_wait3A_284 = tpu.memref_slice %arg6[%arg1, %dma_wait3A_282, %dma_wait3A_283] : memref<16x157x128xi32, #tpu.memory_space<hbm>> -> memref<1x157x128xi32, #tpu.memory_space<hbm>>
      %dma_wait3A_285 = tpu.memref_squeeze %dma_wait3A_284 : memref<1x157x128xi32, #tpu.memory_space<hbm>> -> memref<157x128xi32, #tpu.memory_space<hbm>>
      tpu.wait_dma2 semaphore(%run_scoped3A : memref<!tpu.dma_semaphore, #tpu.memory_space<semaphore_mem>>) src(%dma_wait3A_285 : memref<157x128xi32, #tpu.memory_space<hbm>>) dst(%arg10 : memref<157x128xi32, #tpu.memory_space<vmem>>)
      tpu.yield
    }) : () -> ()
    "tpu.region"() ({
      %run_scoped3A = tpu.sem_alloc : memref<!tpu.dma_semaphore, #tpu.memory_space<semaphore_mem>>
      %dma_start3A_270 = arith.constant 0 : i32
      %dma_start3A_271 = tpu.memref_slice %arg4[%mul3A_1, %dma_start3A_270] : memref<10240x16xf32, #tpu.memory_space<hbm>> -> memref<640x16xf32, #tpu.memory_space<hbm>>
      %dma_start3A_272 = arith.constant 0 : i32
      %dma_start3A_273 = tpu.memref_slice %arg4[%mul3A_1, %dma_start3A_272] : memref<10240x16xf32, #tpu.memory_space<hbm>> -> memref<640x16xf32, #tpu.memory_space<hbm>>
      tpu.enqueue_dma source(%dma_start3A_273 : memref<640x16xf32, #tpu.memory_space<hbm>>) target(%arg13 : memref<640x16xf32, #tpu.memory_space<vmem>>) target_semaphore(%run_scoped3A : memref<!tpu.dma_semaphore, #tpu.memory_space<semaphore_mem>>)
      %dma_wait3A_274 = arith.constant 0 : i32
      %dma_wait3A_275 = tpu.memref_slice %arg4[%mul3A_1, %dma_wait3A_274] : memref<10240x16xf32, #tpu.memory_space<hbm>> -> memref<640x16xf32, #tpu.memory_space<hbm>>
      %dma_wait3A_276 = arith.constant 0 : i32
      %dma_wait3A_277 = tpu.memref_slice %arg4[%mul3A_1, %dma_wait3A_276] : memref<10240x16xf32, #tpu.memory_space<hbm>> -> memref<640x16xf32, #tpu.memory_space<hbm>>
      tpu.wait_dma2 semaphore(%run_scoped3A : memref<!tpu.dma_semaphore, #tpu.memory_space<semaphore_mem>>) src(%dma_wait3A_277 : memref<640x16xf32, #tpu.memory_space<hbm>>) dst(%arg13 : memref<640x16xf32, #tpu.memory_space<vmem>>)
      tpu.yield
    }) : () -> ()
    "tpu.region"() ({
      %run_scoped3A = tpu.sem_alloc : memref<!tpu.dma_semaphore, #tpu.memory_space<semaphore_mem>>
      tpu.enqueue_dma source(%arg7 : memref<640x16xf32, #tpu.memory_space<hbm>>) target(%arg14 : memref<640x16xf32, #tpu.memory_space<vmem>>) target_semaphore(%run_scoped3A : memref<!tpu.dma_semaphore, #tpu.memory_space<semaphore_mem>>)
      tpu.wait_dma2 semaphore(%run_scoped3A : memref<!tpu.dma_semaphore, #tpu.memory_space<semaphore_mem>>) src(%arg7 : memref<640x16xf32, #tpu.memory_space<hbm>>) dst(%arg14 : memref<640x16xf32, #tpu.memory_space<vmem>>)
      tpu.yield
    }) : () -> ()
    "tpu.region"() ({
      %run_scoped3A = tpu.sem_alloc : memref<!tpu.dma_semaphore, #tpu.memory_space<semaphore_mem>>
      %dma_start3A_270 = arith.constant 0 : i32
      %dma_start3A_271 = tpu.memref_slice %arg17[%mul3A_1, %dma_start3A_270] : memref<10240x16xf32, #tpu.memory_space<vmem_shared>> -> memref<640x16xf32, #tpu.memory_space<vmem_shared>>
      %dma_start3A_272 = arith.constant 0 : i32
      %dma_start3A_273 = tpu.memref_slice %arg17[%mul3A_1, %dma_start3A_272] : memref<10240x16xf32, #tpu.memory_space<vmem_shared>> -> memref<640x16xf32, #tpu.memory_space<vmem_shared>>
      tpu.enqueue_dma source(%arg14 : memref<640x16xf32, #tpu.memory_space<vmem>>) target(%dma_start3A_273 : memref<640x16xf32, #tpu.memory_space<vmem_shared>>) target_semaphore(%run_scoped3A : memref<!tpu.dma_semaphore, #tpu.memory_space<semaphore_mem>>)
      %dma_wait3A_274 = arith.constant 0 : i32
      %dma_wait3A_275 = tpu.memref_slice %arg17[%mul3A_1, %dma_wait3A_274] : memref<10240x16xf32, #tpu.memory_space<vmem_shared>> -> memref<640x16xf32, #tpu.memory_space<vmem_shared>>
      %dma_wait3A_276 = arith.constant 0 : i32
      %dma_wait3A_277 = tpu.memref_slice %arg17[%mul3A_1, %dma_wait3A_276] : memref<10240x16xf32, #tpu.memory_space<vmem_shared>> -> memref<640x16xf32, #tpu.memory_space<vmem_shared>>
      tpu.wait_dma2 semaphore(%run_scoped3A : memref<!tpu.dma_semaphore, #tpu.memory_space<semaphore_mem>>) src(%arg14 : memref<640x16xf32, #tpu.memory_space<vmem>>) dst(%dma_wait3A_277 : memref<640x16xf32, #tpu.memory_space<vmem_shared>>)
      tpu.yield
    }) : () -> ()
    "tpu.region"() ({
      %run_scoped3A = tpu.sem_alloc : memref<!tpu.dma_semaphore, #tpu.memory_space<semaphore_mem>>
      %dma_start3A_270 = arith.constant 0 : i32
      %dma_start3A_271 = arith.constant 0 : i32
      %dma_start3A_272 = tpu.memref_slice %arg2[%arg0, %dma_start3A_270, %dma_start3A_271] : memref<2x10240x24xf32, #tpu.memory_space<hbm>> -> memref<1x10240x24xf32, #tpu.memory_space<hbm>>
      %dma_start3A_273 = tpu.memref_squeeze %dma_start3A_272 : memref<1x10240x24xf32, #tpu.memory_space<hbm>> -> memref<10240x24xf32, #tpu.memory_space<hbm>>
      %dma_start3A_274 = arith.constant 0 : i32
      %dma_start3A_275 = tpu.memref_slice %dma_start3A_273[%mul3A_1, %dma_start3A_274] : memref<10240x24xf32, #tpu.memory_space<hbm>> -> memref<640x24xf32, #tpu.memory_space<hbm>>
      %dma_start3A_276 = arith.constant 0 : i32
      %dma_start3A_277 = arith.constant 0 : i32
      %dma_start3A_278 = tpu.memref_slice %arg2[%arg0, %dma_start3A_276, %dma_start3A_277] : memref<2x10240x24xf32, #tpu.memory_space<hbm>> -> memref<1x10240x24xf32, #tpu.memory_space<hbm>>
      %dma_start3A_279 = tpu.memref_squeeze %dma_start3A_278 : memref<1x10240x24xf32, #tpu.memory_space<hbm>> -> memref<10240x24xf32, #tpu.memory_space<hbm>>
      %dma_start3A_280 = arith.constant 0 : i32
      %dma_start3A_281 = tpu.memref_slice %dma_start3A_279[%mul3A_1, %dma_start3A_280] : memref<10240x24xf32, #tpu.memory_space<hbm>> -> memref<640x24xf32, #tpu.memory_space<hbm>>
      tpu.enqueue_dma source(%dma_start3A_281 : memref<640x24xf32, #tpu.memory_space<hbm>>) target(%arg12 : memref<640x24xf32, #tpu.memory_space<vmem>>) target_semaphore(%run_scoped3A : memref<!tpu.dma_semaphore, #tpu.memory_space<semaphore_mem>>)
      %dma_wait3A_282 = arith.constant 0 : i32
      %dma_wait3A_283 = arith.constant 0 : i32
      %dma_wait3A_284 = tpu.memref_slice %arg2[%arg0, %dma_wait3A_282, %dma_wait3A_283] : memref<2x10240x24xf32, #tpu.memory_space<hbm>> -> memref<1x10240x24xf32, #tpu.memory_space<hbm>>
      %dma_wait3A_285 = tpu.memref_squeeze %dma_wait3A_284 : memref<1x10240x24xf32, #tpu.memory_space<hbm>> -> memref<10240x24xf32, #tpu.memory_space<hbm>>
      %dma_wait3A_286 = arith.constant 0 : i32
      %dma_wait3A_287 = tpu.memref_slice %dma_wait3A_285[%mul3A_1, %dma_wait3A_286] : memref<10240x24xf32, #tpu.memory_space<hbm>> -> memref<640x24xf32, #tpu.memory_space<hbm>>
      %dma_wait3A_288 = arith.constant 0 : i32
      %dma_wait3A_289 = arith.constant 0 : i32
      %dma_wait3A_290 = tpu.memref_slice %arg2[%arg0, %dma_wait3A_288, %dma_wait3A_289] : memref<2x10240x24xf32, #tpu.memory_space<hbm>> -> memref<1x10240x24xf32, #tpu.memory_space<hbm>>
      %dma_wait3A_291 = tpu.memref_squeeze %dma_wait3A_290 : memref<1x10240x24xf32, #tpu.memory_space<hbm>> -> memref<10240x24xf32, #tpu.memory_space<hbm>>
      %dma_wait3A_292 = arith.constant 0 : i32
      %dma_wait3A_293 = tpu.memref_slice %dma_wait3A_291[%mul3A_1, %dma_wait3A_292] : memref<10240x24xf32, #tpu.memory_space<hbm>> -> memref<640x24xf32, #tpu.memory_space<hbm>>
      tpu.wait_dma2 semaphore(%run_scoped3A : memref<!tpu.dma_semaphore, #tpu.memory_space<semaphore_mem>>) src(%dma_wait3A_293 : memref<640x24xf32, #tpu.memory_space<hbm>>) dst(%arg12 : memref<640x24xf32, #tpu.memory_space<vmem>>)
      tpu.yield
    }) : () -> ()
    %barrier3A = arith.constant 0 : index
    tpu.barrier barrier_id(%barrier3A)
    %dma_start3A = arith.constant 0 : i32
    %dma_start3A_2 = arith.constant 0 : i32
    %dma_start3A_3 = arith.constant 0 : i32
    %dma_start3A_4 = arith.constant 0 : i32
    %dma_start3A_5 = tpu.memref_slice %arg11[%dma_start3A_2, %dma_start3A_3, %dma_start3A_4] : memref<7x128x16xf32, #tpu.memory_space<vmem>> -> memref<1x128x16xf32, #tpu.memory_space<vmem>>
    %dma_start3A_6 = tpu.memref_squeeze %dma_start3A_5 : memref<1x128x16xf32, #tpu.memory_space<vmem>> -> memref<128x16xf32, #tpu.memory_space<vmem>>
    %dma_start3A_7 = arith.constant 0 : i32
    %dma_start3A_8 = tpu.memref_slice %arg9[%dma_start3A, %dma_start3A_7] : memref<157x128xi32, #tpu.memory_space<vmem>> -> memref<1x128xi32, #tpu.memory_space<vmem>>
    %dma_start3A_9 = tpu.memref_squeeze %dma_start3A_8 : memref<1x128xi32, #tpu.memory_space<vmem>> -> memref<128xi32, #tpu.memory_space<vmem>>
    %dma_start3A_10 = arith.constant 0 : i32
    %dma_start3A_11 = arith.constant 0 : i32
    %dma_start3A_12 = tpu.memref_slice %arg3[%arg0, %dma_start3A_10, %dma_start3A_11] : memref<2x10240x16xf32, #tpu.memory_space<hbm>> -> memref<1x10240x16xf32, #tpu.memory_space<hbm>>
    %dma_start3A_13 = tpu.memref_squeeze %dma_start3A_12 : memref<1x10240x16xf32, #tpu.memory_space<hbm>> -> memref<10240x16xf32, #tpu.memory_space<hbm>>
    %dma_start3A_14 = arith.constant 0 : i32
    %dma_start3A_15 = arith.constant 0 : i32
    %dma_start3A_16 = tpu.memref_slice %dma_start3A_13[%dma_start3A_14, %dma_start3A_15] : memref<10240x16xf32, #tpu.memory_space<hbm>> -> memref<10240x16xf32, #tpu.memory_space<hbm>>
    tpu.enqueue_indirect_dma source(%dma_start3A_16 : memref<10240x16xf32, #tpu.memory_space<hbm>>) target(%dma_start3A_6 : memref<128x16xf32, #tpu.memory_space<vmem>>) offsets(%dma_start3A_9 : memref<128xi32, #tpu.memory_space<vmem>>) semaphore(%arg18 : memref<!tpu.dma_semaphore, #tpu.memory_space<semaphore_mem>>)
    %dma_start3A_17 = arith.constant 1 : i32
    %dma_start3A_18 = arith.constant 1 : i32
    %dma_start3A_19 = arith.constant 0 : i32
    %dma_start3A_20 = arith.constant 0 : i32
    %dma_start3A_21 = tpu.memref_slice %arg11[%dma_start3A_18, %dma_start3A_19, %dma_start3A_20] : memref<7x128x16xf32, #tpu.memory_space<vmem>> -> memref<1x128x16xf32, #tpu.memory_space<vmem>>
    %dma_start3A_22 = tpu.memref_squeeze %dma_start3A_21 : memref<1x128x16xf32, #tpu.memory_space<vmem>> -> memref<128x16xf32, #tpu.memory_space<vmem>>
    %dma_start3A_23 = arith.constant 0 : i32
    %dma_start3A_24 = tpu.memref_slice %arg9[%dma_start3A_17, %dma_start3A_23] : memref<157x128xi32, #tpu.memory_space<vmem>> -> memref<1x128xi32, #tpu.memory_space<vmem>>
    %dma_start3A_25 = tpu.memref_squeeze %dma_start3A_24 : memref<1x128xi32, #tpu.memory_space<vmem>> -> memref<128xi32, #tpu.memory_space<vmem>>
    %dma_start3A_26 = arith.constant 0 : i32
    %dma_start3A_27 = arith.constant 0 : i32
    %dma_start3A_28 = tpu.memref_slice %arg3[%arg0, %dma_start3A_26, %dma_start3A_27] : memref<2x10240x16xf32, #tpu.memory_space<hbm>> -> memref<1x10240x16xf32, #tpu.memory_space<hbm>>
    %dma_start3A_29 = tpu.memref_squeeze %dma_start3A_28 : memref<1x10240x16xf32, #tpu.memory_space<hbm>> -> memref<10240x16xf32, #tpu.memory_space<hbm>>
    %dma_start3A_30 = arith.constant 0 : i32
    %dma_start3A_31 = arith.constant 0 : i32
    %dma_start3A_32 = tpu.memref_slice %dma_start3A_29[%dma_start3A_30, %dma_start3A_31] : memref<10240x16xf32, #tpu.memory_space<hbm>> -> memref<10240x16xf32, #tpu.memory_space<hbm>>
    tpu.enqueue_indirect_dma source(%dma_start3A_32 : memref<10240x16xf32, #tpu.memory_space<hbm>>) target(%dma_start3A_22 : memref<128x16xf32, #tpu.memory_space<vmem>>) offsets(%dma_start3A_25 : memref<128xi32, #tpu.memory_space<vmem>>) semaphore(%arg18 : memref<!tpu.dma_semaphore, #tpu.memory_space<semaphore_mem>>)
    %dma_start3A_33 = arith.constant 2 : i32
    %dma_start3A_34 = arith.constant 2 : i32
    %dma_start3A_35 = arith.constant 0 : i32
    %dma_start3A_36 = arith.constant 0 : i32
    %dma_start3A_37 = tpu.memref_slice %arg11[%dma_start3A_34, %dma_start3A_35, %dma_start3A_36] : memref<7x128x16xf32, #tpu.memory_space<vmem>> -> memref<1x128x16xf32, #tpu.memory_space<vmem>>
    %dma_start3A_38 = tpu.memref_squeeze %dma_start3A_37 : memref<1x128x16xf32, #tpu.memory_space<vmem>> -> memref<128x16xf32, #tpu.memory_space<vmem>>
    %dma_start3A_39 = arith.constant 0 : i32
    %dma_start3A_40 = tpu.memref_slice %arg9[%dma_start3A_33, %dma_start3A_39] : memref<157x128xi32, #tpu.memory_space<vmem>> -> memref<1x128xi32, #tpu.memory_space<vmem>>
    %dma_start3A_41 = tpu.memref_squeeze %dma_start3A_40 : memref<1x128xi32, #tpu.memory_space<vmem>> -> memref<128xi32, #tpu.memory_space<vmem>>
    %dma_start3A_42 = arith.constant 0 : i32
    %dma_start3A_43 = arith.constant 0 : i32
    %dma_start3A_44 = tpu.memref_slice %arg3[%arg0, %dma_start3A_42, %dma_start3A_43] : memref<2x10240x16xf32, #tpu.memory_space<hbm>> -> memref<1x10240x16xf32, #tpu.memory_space<hbm>>
    %dma_start3A_45 = tpu.memref_squeeze %dma_start3A_44 : memref<1x10240x16xf32, #tpu.memory_space<hbm>> -> memref<10240x16xf32, #tpu.memory_space<hbm>>
    %dma_start3A_46 = arith.constant 0 : i32
    %dma_start3A_47 = arith.constant 0 : i32
    %dma_start3A_48 = tpu.memref_slice %dma_start3A_45[%dma_start3A_46, %dma_start3A_47] : memref<10240x16xf32, #tpu.memory_space<hbm>> -> memref<10240x16xf32, #tpu.memory_space<hbm>>
    tpu.enqueue_indirect_dma source(%dma_start3A_48 : memref<10240x16xf32, #tpu.memory_space<hbm>>) target(%dma_start3A_38 : memref<128x16xf32, #tpu.memory_space<vmem>>) offsets(%dma_start3A_41 : memref<128xi32, #tpu.memory_space<vmem>>) semaphore(%arg18 : memref<!tpu.dma_semaphore, #tpu.memory_space<semaphore_mem>>)
    %dma_start3A_49 = arith.constant 3 : i32
    %dma_start3A_50 = arith.constant 3 : i32
    %dma_start3A_51 = arith.constant 0 : i32
    %dma_start3A_52 = arith.constant 0 : i32
    %dma_start3A_53 = tpu.memref_slice %arg11[%dma_start3A_50, %dma_start3A_51, %dma_start3A_52] : memref<7x128x16xf32, #tpu.memory_space<vmem>> -> memref<1x128x16xf32, #tpu.memory_space<vmem>>
    %dma_start3A_54 = tpu.memref_squeeze %dma_start3A_53 : memref<1x128x16xf32, #tpu.memory_space<vmem>> -> memref<128x16xf32, #tpu.memory_space<vmem>>
    %dma_start3A_55 = arith.constant 0 : i32
    %dma_start3A_56 = tpu.memref_slice %arg9[%dma_start3A_49, %dma_start3A_55] : memref<157x128xi32, #tpu.memory_space<vmem>> -> memref<1x128xi32, #tpu.memory_space<vmem>>
    %dma_start3A_57 = tpu.memref_squeeze %dma_start3A_56 : memref<1x128xi32, #tpu.memory_space<vmem>> -> memref<128xi32, #tpu.memory_space<vmem>>
    %dma_start3A_58 = arith.constant 0 : i32
    %dma_start3A_59 = arith.constant 0 : i32
    %dma_start3A_60 = tpu.memref_slice %arg3[%arg0, %dma_start3A_58, %dma_start3A_59] : memref<2x10240x16xf32, #tpu.memory_space<hbm>> -> memref<1x10240x16xf32, #tpu.memory_space<hbm>>
    %dma_start3A_61 = tpu.memref_squeeze %dma_start3A_60 : memref<1x10240x16xf32, #tpu.memory_space<hbm>> -> memref<10240x16xf32, #tpu.memory_space<hbm>>
    %dma_start3A_62 = arith.constant 0 : i32
    %dma_start3A_63 = arith.constant 0 : i32
    %dma_start3A_64 = tpu.memref_slice %dma_start3A_61[%dma_start3A_62, %dma_start3A_63] : memref<10240x16xf32, #tpu.memory_space<hbm>> -> memref<10240x16xf32, #tpu.memory_space<hbm>>
    tpu.enqueue_indirect_dma source(%dma_start3A_64 : memref<10240x16xf32, #tpu.memory_space<hbm>>) target(%dma_start3A_54 : memref<128x16xf32, #tpu.memory_space<vmem>>) offsets(%dma_start3A_57 : memref<128xi32, #tpu.memory_space<vmem>>) semaphore(%arg18 : memref<!tpu.dma_semaphore, #tpu.memory_space<semaphore_mem>>)
    %dma_start3A_65 = arith.constant 4 : i32
    %dma_start3A_66 = arith.constant 4 : i32
    %dma_start3A_67 = arith.constant 0 : i32
    %dma_start3A_68 = arith.constant 0 : i32
    %dma_start3A_69 = tpu.memref_slice %arg11[%dma_start3A_66, %dma_start3A_67, %dma_start3A_68] : memref<7x128x16xf32, #tpu.memory_space<vmem>> -> memref<1x128x16xf32, #tpu.memory_space<vmem>>
    %dma_start3A_70 = tpu.memref_squeeze %dma_start3A_69 : memref<1x128x16xf32, #tpu.memory_space<vmem>> -> memref<128x16xf32, #tpu.memory_space<vmem>>
    %dma_start3A_71 = arith.constant 0 : i32
    %dma_start3A_72 = tpu.memref_slice %arg9[%dma_start3A_65, %dma_start3A_71] : memref<157x128xi32, #tpu.memory_space<vmem>> -> memref<1x128xi32, #tpu.memory_space<vmem>>
    %dma_start3A_73 = tpu.memref_squeeze %dma_start3A_72 : memref<1x128xi32, #tpu.memory_space<vmem>> -> memref<128xi32, #tpu.memory_space<vmem>>
    %dma_start3A_74 = arith.constant 0 : i32
    %dma_start3A_75 = arith.constant 0 : i32
    %dma_start3A_76 = tpu.memref_slice %arg3[%arg0, %dma_start3A_74, %dma_start3A_75] : memref<2x10240x16xf32, #tpu.memory_space<hbm>> -> memref<1x10240x16xf32, #tpu.memory_space<hbm>>
    %dma_start3A_77 = tpu.memref_squeeze %dma_start3A_76 : memref<1x10240x16xf32, #tpu.memory_space<hbm>> -> memref<10240x16xf32, #tpu.memory_space<hbm>>
    %dma_start3A_78 = arith.constant 0 : i32
    %dma_start3A_79 = arith.constant 0 : i32
    %dma_start3A_80 = tpu.memref_slice %dma_start3A_77[%dma_start3A_78, %dma_start3A_79] : memref<10240x16xf32, #tpu.memory_space<hbm>> -> memref<10240x16xf32, #tpu.memory_space<hbm>>
    tpu.enqueue_indirect_dma source(%dma_start3A_80 : memref<10240x16xf32, #tpu.memory_space<hbm>>) target(%dma_start3A_70 : memref<128x16xf32, #tpu.memory_space<vmem>>) offsets(%dma_start3A_73 : memref<128xi32, #tpu.memory_space<vmem>>) semaphore(%arg18 : memref<!tpu.dma_semaphore, #tpu.memory_space<semaphore_mem>>)
    %dma_start3A_81 = arith.constant 5 : i32
    %dma_start3A_82 = arith.constant 5 : i32
    %dma_start3A_83 = arith.constant 0 : i32
    %dma_start3A_84 = arith.constant 0 : i32
    %dma_start3A_85 = tpu.memref_slice %arg11[%dma_start3A_82, %dma_start3A_83, %dma_start3A_84] : memref<7x128x16xf32, #tpu.memory_space<vmem>> -> memref<1x128x16xf32, #tpu.memory_space<vmem>>
    %dma_start3A_86 = tpu.memref_squeeze %dma_start3A_85 : memref<1x128x16xf32, #tpu.memory_space<vmem>> -> memref<128x16xf32, #tpu.memory_space<vmem>>
    %dma_start3A_87 = arith.constant 0 : i32
    %dma_start3A_88 = tpu.memref_slice %arg9[%dma_start3A_81, %dma_start3A_87] : memref<157x128xi32, #tpu.memory_space<vmem>> -> memref<1x128xi32, #tpu.memory_space<vmem>>
    %dma_start3A_89 = tpu.memref_squeeze %dma_start3A_88 : memref<1x128xi32, #tpu.memory_space<vmem>> -> memref<128xi32, #tpu.memory_space<vmem>>
    %dma_start3A_90 = arith.constant 0 : i32
    %dma_start3A_91 = arith.constant 0 : i32
    %dma_start3A_92 = tpu.memref_slice %arg3[%arg0, %dma_start3A_90, %dma_start3A_91] : memref<2x10240x16xf32, #tpu.memory_space<hbm>> -> memref<1x10240x16xf32, #tpu.memory_space<hbm>>
    %dma_start3A_93 = tpu.memref_squeeze %dma_start3A_92 : memref<1x10240x16xf32, #tpu.memory_space<hbm>> -> memref<10240x16xf32, #tpu.memory_space<hbm>>
    %dma_start3A_94 = arith.constant 0 : i32
    %dma_start3A_95 = arith.constant 0 : i32
    %dma_start3A_96 = tpu.memref_slice %dma_start3A_93[%dma_start3A_94, %dma_start3A_95] : memref<10240x16xf32, #tpu.memory_space<hbm>> -> memref<10240x16xf32, #tpu.memory_space<hbm>>
    tpu.enqueue_indirect_dma source(%dma_start3A_96 : memref<10240x16xf32, #tpu.memory_space<hbm>>) target(%dma_start3A_86 : memref<128x16xf32, #tpu.memory_space<vmem>>) offsets(%dma_start3A_89 : memref<128xi32, #tpu.memory_space<vmem>>) semaphore(%arg18 : memref<!tpu.dma_semaphore, #tpu.memory_space<semaphore_mem>>)
    %dma_start3A_97 = arith.constant 6 : i32
    %dma_start3A_98 = arith.constant 6 : i32
    %dma_start3A_99 = arith.constant 0 : i32
    %dma_start3A_100 = arith.constant 0 : i32
    %dma_start3A_101 = tpu.memref_slice %arg11[%dma_start3A_98, %dma_start3A_99, %dma_start3A_100] : memref<7x128x16xf32, #tpu.memory_space<vmem>> -> memref<1x128x16xf32, #tpu.memory_space<vmem>>
    %dma_start3A_102 = tpu.memref_squeeze %dma_start3A_101 : memref<1x128x16xf32, #tpu.memory_space<vmem>> -> memref<128x16xf32, #tpu.memory_space<vmem>>
    %dma_start3A_103 = arith.constant 0 : i32
    %dma_start3A_104 = tpu.memref_slice %arg9[%dma_start3A_97, %dma_start3A_103] : memref<157x128xi32, #tpu.memory_space<vmem>> -> memref<1x128xi32, #tpu.memory_space<vmem>>
    %dma_start3A_105 = tpu.memref_squeeze %dma_start3A_104 : memref<1x128xi32, #tpu.memory_space<vmem>> -> memref<128xi32, #tpu.memory_space<vmem>>
    %dma_start3A_106 = arith.constant 0 : i32
    %dma_start3A_107 = arith.constant 0 : i32
    %dma_start3A_108 = tpu.memref_slice %arg3[%arg0, %dma_start3A_106, %dma_start3A_107] : memref<2x10240x16xf32, #tpu.memory_space<hbm>> -> memref<1x10240x16xf32, #tpu.memory_space<hbm>>
    %dma_start3A_109 = tpu.memref_squeeze %dma_start3A_108 : memref<1x10240x16xf32, #tpu.memory_space<hbm>> -> memref<10240x16xf32, #tpu.memory_space<hbm>>
    %dma_start3A_110 = arith.constant 0 : i32
    %dma_start3A_111 = arith.constant 0 : i32
    %dma_start3A_112 = tpu.memref_slice %dma_start3A_109[%dma_start3A_110, %dma_start3A_111] : memref<10240x16xf32, #tpu.memory_space<hbm>> -> memref<10240x16xf32, #tpu.memory_space<hbm>>
    tpu.enqueue_indirect_dma source(%dma_start3A_112 : memref<10240x16xf32, #tpu.memory_space<hbm>>) target(%dma_start3A_102 : memref<128x16xf32, #tpu.memory_space<vmem>>) offsets(%dma_start3A_105 : memref<128xi32, #tpu.memory_space<vmem>>) semaphore(%arg18 : memref<!tpu.dma_semaphore, #tpu.memory_space<semaphore_mem>>)
    %scan3A = arith.constant 0 : i32
    %scan3A_113 = arith.constant 0 : i32
    %scan3A_114 = arith.constant 157 : i32
    %scan3A_115 = arith.addi %scan3A_113, %scan3A_114 : i32
    %scan3A_116 = arith.constant 1 : i32
    scf.for %scan3A_270 = %scan3A_113 to %scan3A_115 step %scan3A_116  : i32 {
      %rem3A = arith.constant 7 : i32
      %rem3A_271 = arith.remsi %scan3A_270, %rem3A : i32
      %dma_wait3A_272 = arith.constant 0 : i32
      %dma_wait3A_273 = arith.constant 0 : i32
      %dma_wait3A_274 = tpu.memref_slice %arg11[%rem3A_271, %dma_wait3A_272, %dma_wait3A_273] : memref<7x128x16xf32, #tpu.memory_space<vmem>> -> memref<1x128x16xf32, #tpu.memory_space<vmem>>
      %dma_wait3A_275 = tpu.memref_squeeze %dma_wait3A_274 : memref<1x128x16xf32, #tpu.memory_space<vmem>> -> memref<128x16xf32, #tpu.memory_space<vmem>>
      %dma_wait3A_276 = arith.constant 0 : i32
      %dma_wait3A_277 = tpu.memref_slice %arg9[%scan3A_270, %dma_wait3A_276] : memref<157x128xi32, #tpu.memory_space<vmem>> -> memref<1x128xi32, #tpu.memory_space<vmem>>
      %dma_wait3A_278 = tpu.memref_squeeze %dma_wait3A_277 : memref<1x128xi32, #tpu.memory_space<vmem>> -> memref<128xi32, #tpu.memory_space<vmem>>
      %dma_wait3A_279 = arith.constant 0 : i32
      %dma_wait3A_280 = arith.constant 0 : i32
      %dma_wait3A_281 = tpu.memref_slice %arg3[%arg0, %dma_wait3A_279, %dma_wait3A_280] : memref<2x10240x16xf32, #tpu.memory_space<hbm>> -> memref<1x10240x16xf32, #tpu.memory_space<hbm>>
      %dma_wait3A_282 = tpu.memref_squeeze %dma_wait3A_281 : memref<1x10240x16xf32, #tpu.memory_space<hbm>> -> memref<10240x16xf32, #tpu.memory_space<hbm>>
      %dma_wait3A_283 = arith.constant 0 : i32
      %dma_wait3A_284 = arith.constant 0 : i32
      %dma_wait3A_285 = tpu.memref_slice %dma_wait3A_282[%dma_wait3A_283, %dma_wait3A_284] : memref<10240x16xf32, #tpu.memory_space<hbm>> -> memref<10240x16xf32, #tpu.memory_space<hbm>>
      tpu.wait_indirect_dma semaphore(%arg18 : memref<!tpu.dma_semaphore, #tpu.memory_space<semaphore_mem>>) src(%dma_wait3A_285 : memref<10240x16xf32, #tpu.memory_space<hbm>>) dst(%dma_wait3A_275 : memref<128x16xf32, #tpu.memory_space<vmem>>)
      %dma_start3A_286 = arith.constant 0 : i32
      %dma_start3A_287 = arith.constant 0 : i32
      %dma_start3A_288 = tpu.memref_slice %arg11[%rem3A_271, %dma_start3A_286, %dma_start3A_287] : memref<7x128x16xf32, #tpu.memory_space<vmem>> -> memref<1x128x16xf32, #tpu.memory_space<vmem>>
      %dma_start3A_289 = tpu.memref_squeeze %dma_start3A_288 : memref<1x128x16xf32, #tpu.memory_space<vmem>> -> memref<128x16xf32, #tpu.memory_space<vmem>>
      %dma_start3A_290 = arith.constant 0 : i32
      %dma_start3A_291 = tpu.memref_slice %arg10[%scan3A_270, %dma_start3A_290] : memref<157x128xi32, #tpu.memory_space<vmem>> -> memref<1x128xi32, #tpu.memory_space<vmem>>
      %dma_start3A_292 = tpu.memref_squeeze %dma_start3A_291 : memref<1x128xi32, #tpu.memory_space<vmem>> -> memref<128xi32, #tpu.memory_space<vmem>>
      %dma_start3A_293 = arith.constant 0 : i32
      %dma_start3A_294 = arith.constant 0 : i32
      %dma_start3A_295 = tpu.memref_slice %arg17[%dma_start3A_293, %dma_start3A_294] : memref<10240x16xf32, #tpu.memory_space<vmem_shared>> -> memref<10240x16xf32, #tpu.memory_space<vmem_shared>>
      tpu.enqueue_indirect_dma source(%dma_start3A_289 : memref<128x16xf32, #tpu.memory_space<vmem>>) target(%dma_start3A_295 : memref<10240x16xf32, #tpu.memory_space<vmem_shared>>) offsets(%dma_start3A_292 : memref<128xi32, #tpu.memory_space<vmem>>) semaphore(%arg19 : memref<!tpu.dma_semaphore, #tpu.memory_space<semaphore_mem>>) {add = true}
      %ge3A = arith.constant 2 : i32
      %ge3A_296 = arith.cmpi sge, %scan3A_270, %ge3A : i32
      %convert_element_type3A = arith.extui %ge3A_296 : i1 to i32
      %cond3A = arith.constant 0 : i32
      %cond3A_297 = arith.cmpi ne, %convert_element_type3A, %cond3A : i32
      scf.if %cond3A_297 {
        %sub3A = arith.constant 2 : i32
        %sub3A_298 = arith.subi %scan3A_270, %sub3A : i32
        %add3A = arith.constant 7 : i32
        %add3A_299 = arith.addi %sub3A_298, %add3A : i32
        %rem3A_300 = arith.constant 7 : i32
        %rem3A_301 = arith.remsi %add3A_299, %rem3A_300 : i32
        %dma_wait3A_302 = arith.constant 0 : i32
        %dma_wait3A_303 = arith.constant 0 : i32
        %dma_wait3A_304 = tpu.memref_slice %arg11[%rem3A_301, %dma_wait3A_302, %dma_wait3A_303] : memref<7x128x16xf32, #tpu.memory_space<vmem>> -> memref<1x128x16xf32, #tpu.memory_space<vmem>>
        %dma_wait3A_305 = tpu.memref_squeeze %dma_wait3A_304 : memref<1x128x16xf32, #tpu.memory_space<vmem>> -> memref<128x16xf32, #tpu.memory_space<vmem>>
        %dma_wait3A_306 = arith.constant 0 : i32
        %dma_wait3A_307 = tpu.memref_slice %arg10[%scan3A_270, %dma_wait3A_306] : memref<157x128xi32, #tpu.memory_space<vmem>> -> memref<1x128xi32, #tpu.memory_space<vmem>>
        %dma_wait3A_308 = tpu.memref_squeeze %dma_wait3A_307 : memref<1x128xi32, #tpu.memory_space<vmem>> -> memref<128xi32, #tpu.memory_space<vmem>>
        %dma_wait3A_309 = arith.constant 0 : i32
        %dma_wait3A_310 = arith.constant 0 : i32
        %dma_wait3A_311 = tpu.memref_slice %arg17[%dma_wait3A_309, %dma_wait3A_310] : memref<10240x16xf32, #tpu.memory_space<vmem_shared>> -> memref<10240x16xf32, #tpu.memory_space<vmem_shared>>
        tpu.wait_indirect_dma semaphore(%arg19 : memref<!tpu.dma_semaphore, #tpu.memory_space<semaphore_mem>>) src(%dma_wait3A_305 : memref<128x16xf32, #tpu.memory_space<vmem>>) dst(%dma_wait3A_311 : memref<10240x16xf32, #tpu.memory_space<vmem_shared>>)
        %lt3A = arith.constant 157 : i32
        %lt3A_312 = arith.cmpi slt, %add3A_299, %lt3A : i32
        %convert_element_type3A_313 = arith.extui %lt3A_312 : i1 to i32
        %cond3A_314 = arith.constant 0 : i32
        %cond3A_315 = arith.cmpi ne, %convert_element_type3A_313, %cond3A_314 : i32
        scf.if %cond3A_315 {
          %dma_start3A_316 = arith.constant 0 : i32
          %dma_start3A_317 = arith.constant 0 : i32
          %dma_start3A_318 = tpu.memref_slice %arg11[%rem3A_301, %dma_start3A_316, %dma_start3A_317] : memref<7x128x16xf32, #tpu.memory_space<vmem>> -> memref<1x128x16xf32, #tpu.memory_space<vmem>>
          %dma_start3A_319 = tpu.memref_squeeze %dma_start3A_318 : memref<1x128x16xf32, #tpu.memory_space<vmem>> -> memref<128x16xf32, #tpu.memory_space<vmem>>
          %dma_start3A_320 = arith.constant 0 : i32
          %dma_start3A_321 = tpu.memref_slice %arg9[%add3A_299, %dma_start3A_320] : memref<157x128xi32, #tpu.memory_space<vmem>> -> memref<1x128xi32, #tpu.memory_space<vmem>>
          %dma_start3A_322 = tpu.memref_squeeze %dma_start3A_321 : memref<1x128xi32, #tpu.memory_space<vmem>> -> memref<128xi32, #tpu.memory_space<vmem>>
          %dma_start3A_323 = arith.constant 0 : i32
          %dma_start3A_324 = arith.constant 0 : i32
          %dma_start3A_325 = tpu.memref_slice %arg3[%arg0, %dma_start3A_323, %dma_start3A_324] : memref<2x10240x16xf32, #tpu.memory_space<hbm>> -> memref<1x10240x16xf32, #tpu.memory_space<hbm>>
          %dma_start3A_326 = tpu.memref_squeeze %dma_start3A_325 : memref<1x10240x16xf32, #tpu.memory_space<hbm>> -> memref<10240x16xf32, #tpu.memory_space<hbm>>
          %dma_start3A_327 = arith.constant 0 : i32
          %dma_start3A_328 = arith.constant 0 : i32
          %dma_start3A_329 = tpu.memref_slice %dma_start3A_326[%dma_start3A_327, %dma_start3A_328] : memref<10240x16xf32, #tpu.memory_space<hbm>> -> memref<10240x16xf32, #tpu.memory_space<hbm>>
          tpu.enqueue_indirect_dma source(%dma_start3A_329 : memref<10240x16xf32, #tpu.memory_space<hbm>>) target(%dma_start3A_319 : memref<128x16xf32, #tpu.memory_space<vmem>>) offsets(%dma_start3A_322 : memref<128xi32, #tpu.memory_space<vmem>>) semaphore(%arg18 : memref<!tpu.dma_semaphore, #tpu.memory_space<semaphore_mem>>)
        } else {
        }
      } else {
      }
    }
    %scan3A_117 = arith.constant 157 : i32
    %dma_wait3A = arith.constant 0 : i32
    %dma_wait3A_118 = arith.constant 0 : i32
    %dma_wait3A_119 = arith.constant 0 : i32
    %dma_wait3A_120 = arith.constant 0 : i32
    %dma_wait3A_121 = tpu.memref_slice %arg11[%dma_wait3A, %dma_wait3A_119, %dma_wait3A_120] : memref<7x128x16xf32, #tpu.memory_space<vmem>> -> memref<1x128x16xf32, #tpu.memory_space<vmem>>
    %dma_wait3A_122 = tpu.memref_squeeze %dma_wait3A_121 : memref<1x128x16xf32, #tpu.memory_space<vmem>> -> memref<128x16xf32, #tpu.memory_space<vmem>>
    %dma_wait3A_123 = arith.constant 0 : i32
    %dma_wait3A_124 = tpu.memref_slice %arg10[%dma_wait3A_118, %dma_wait3A_123] : memref<157x128xi32, #tpu.memory_space<vmem>> -> memref<1x128xi32, #tpu.memory_space<vmem>>
    %dma_wait3A_125 = tpu.memref_squeeze %dma_wait3A_124 : memref<1x128xi32, #tpu.memory_space<vmem>> -> memref<128xi32, #tpu.memory_space<vmem>>
    %dma_wait3A_126 = arith.constant 0 : i32
    %dma_wait3A_127 = arith.constant 0 : i32
    %dma_wait3A_128 = tpu.memref_slice %arg17[%dma_wait3A_126, %dma_wait3A_127] : memref<10240x16xf32, #tpu.memory_space<vmem_shared>> -> memref<10240x16xf32, #tpu.memory_space<vmem_shared>>
    tpu.wait_indirect_dma semaphore(%arg19 : memref<!tpu.dma_semaphore, #tpu.memory_space<semaphore_mem>>) src(%dma_wait3A_122 : memref<128x16xf32, #tpu.memory_space<vmem>>) dst(%dma_wait3A_128 : memref<10240x16xf32, #tpu.memory_space<vmem_shared>>)
    %dma_wait3A_129 = arith.constant 0 : i32
    %dma_wait3A_130 = arith.constant 0 : i32
    %dma_wait3A_131 = arith.constant 0 : i32
    %dma_wait3A_132 = arith.constant 0 : i32
    %dma_wait3A_133 = tpu.memref_slice %arg11[%dma_wait3A_129, %dma_wait3A_131, %dma_wait3A_132] : memref<7x128x16xf32, #tpu.memory_space<vmem>> -> memref<1x128x16xf32, #tpu.memory_space<vmem>>
    %dma_wait3A_134 = tpu.memref_squeeze %dma_wait3A_133 : memref<1x128x16xf32, #tpu.memory_space<vmem>> -> memref<128x16xf32, #tpu.memory_space<vmem>>
    %dma_wait3A_135 = arith.constant 0 : i32
    %dma_wait3A_136 = tpu.memref_slice %arg10[%dma_wait3A_130, %dma_wait3A_135] : memref<157x128xi32, #tpu.memory_space<vmem>> -> memref<1x128xi32, #tpu.memory_space<vmem>>
    %dma_wait3A_137 = tpu.memref_squeeze %dma_wait3A_136 : memref<1x128xi32, #tpu.memory_space<vmem>> -> memref<128xi32, #tpu.memory_space<vmem>>
    %dma_wait3A_138 = arith.constant 0 : i32
    %dma_wait3A_139 = arith.constant 0 : i32
    %dma_wait3A_140 = tpu.memref_slice %arg17[%dma_wait3A_138, %dma_wait3A_139] : memref<10240x16xf32, #tpu.memory_space<vmem_shared>> -> memref<10240x16xf32, #tpu.memory_space<vmem_shared>>
    tpu.wait_indirect_dma semaphore(%arg19 : memref<!tpu.dma_semaphore, #tpu.memory_space<semaphore_mem>>) src(%dma_wait3A_134 : memref<128x16xf32, #tpu.memory_space<vmem>>) dst(%dma_wait3A_140 : memref<10240x16xf32, #tpu.memory_space<vmem_shared>>)
    %barrier3A_141 = arith.constant 0 : index
    tpu.barrier barrier_id(%barrier3A_141)
    "tpu.region"() ({
      %run_scoped3A = tpu.sem_alloc : memref<!tpu.dma_semaphore, #tpu.memory_space<semaphore_mem>>
      %dma_start3A_270 = arith.constant 0 : i32
      %dma_start3A_271 = tpu.memref_slice %arg17[%mul3A_1, %dma_start3A_270] : memref<10240x16xf32, #tpu.memory_space<vmem_shared>> -> memref<640x16xf32, #tpu.memory_space<vmem_shared>>
      %dma_start3A_272 = arith.constant 0 : i32
      %dma_start3A_273 = tpu.memref_slice %arg17[%mul3A_1, %dma_start3A_272] : memref<10240x16xf32, #tpu.memory_space<vmem_shared>> -> memref<640x16xf32, #tpu.memory_space<vmem_shared>>
      tpu.enqueue_dma source(%dma_start3A_273 : memref<640x16xf32, #tpu.memory_space<vmem_shared>>) target(%arg14 : memref<640x16xf32, #tpu.memory_space<vmem>>) target_semaphore(%run_scoped3A : memref<!tpu.dma_semaphore, #tpu.memory_space<semaphore_mem>>)
      %dma_wait3A_274 = arith.constant 0 : i32
      %dma_wait3A_275 = tpu.memref_slice %arg17[%mul3A_1, %dma_wait3A_274] : memref<10240x16xf32, #tpu.memory_space<vmem_shared>> -> memref<640x16xf32, #tpu.memory_space<vmem_shared>>
      %dma_wait3A_276 = arith.constant 0 : i32
      %dma_wait3A_277 = tpu.memref_slice %arg17[%mul3A_1, %dma_wait3A_276] : memref<10240x16xf32, #tpu.memory_space<vmem_shared>> -> memref<640x16xf32, #tpu.memory_space<vmem_shared>>
      tpu.wait_dma2 semaphore(%run_scoped3A : memref<!tpu.dma_semaphore, #tpu.memory_space<semaphore_mem>>) src(%dma_wait3A_277 : memref<640x16xf32, #tpu.memory_space<vmem_shared>>) dst(%arg14 : memref<640x16xf32, #tpu.memory_space<vmem>>)
      tpu.yield
    }) : () -> ()
    %scan3A_142 = arith.constant 0 : i32
    %scan3A_143 = arith.constant 0 : i32
    %scan3A_144 = arith.constant 640 : i32
    %scan3A_145 = arith.addi %scan3A_143, %scan3A_144 : i32
    %scan3A_146 = arith.constant 1 : i32
    scf.for %scan3A_270 = %scan3A_143 to %scan3A_145 step %scan3A_146  : i32 {
      %get3A = arith.index_cast %scan3A_270 : i32 to index
      %get3A_271 = arith.constant 0 : index
      %get3A_272 = tpu.vector_load %arg13[%get3A, %get3A_271] {strides = array<i32>} : memref<640x16xf32, #tpu.memory_space<vmem>>, vector<1x16xf32>,
      %get3A_273 = vector.shape_cast %get3A_272 : vector<1x16xf32> to vector<16xf32>
      %get3A_274 = arith.index_cast %scan3A_270 : i32 to index
      %get3A_275 = arith.constant 8 : index
      %get3A_276 = tpu.vector_load %arg12[%get3A_274, %get3A_275] {strides = array<i32>} : memref<640x24xf32, #tpu.memory_space<vmem>>, vector<1x16xf32>,
      %get3A_277 = vector.shape_cast %get3A_276 : vector<1x16xf32> to vector<16xf32>
      %get3A_278 = arith.index_cast %scan3A_270 : i32 to index
      %get3A_279 = arith.constant 0 : index
      %get3A_280 = tpu.vector_load %arg14[%get3A_278, %get3A_279] {strides = array<i32>} : memref<640x16xf32, #tpu.memory_space<vmem>>, vector<1x16xf32>,
      %get3A_281 = vector.shape_cast %get3A_280 : vector<1x16xf32> to vector<16xf32>
      %mul3A_282 = arith.mulf %get3A_273, %get3A_281 : vector<16xf32>
      %sub3A = arith.subf %get3A_277, %mul3A_282 : vector<16xf32>
      %mul3A_283 = arith.mulf %get3A_273, %get3A_281 : vector<16xf32>
      %select_n3A = arith.select %eq3A_0, %sub3A, %mul3A_283 : vector<16xf32>
      %swap3A = arith.index_cast %scan3A_270 : i32 to index
      %swap3A_284 = arith.constant 8 : index
      %swap3A_285 = tpu.vector_load %arg12[%swap3A, %swap3A_284] {strides = array<i32>} : memref<640x24xf32, #tpu.memory_space<vmem>>, vector<1x16xf32>,
      %swap3A_286 = vector.shape_cast %swap3A_285 : vector<1x16xf32> to vector<16xf32>
      %swap3A_287 = vector.shape_cast %select_n3A : vector<16xf32> to vector<1x16xf32>
      tpu.vector_store %arg12[%swap3A, %swap3A_284], %swap3A_287 {strides = array<i32>} : memref<640x24xf32, #tpu.memory_space<vmem>>, vector<1x16xf32>,
      %ge3A = arith.constant 8 : i32
      %ge3A_288 = vector.broadcast %ge3A : i32 to vector<16xi32>
      %ge3A_289 = arith.cmpi sge, %iota3A, %ge3A_288 : vector<16xi32>
      %jit3A = arith.constant 0.000000e+00 : f32
      %broadcast_in_dim3A = vector.broadcast %jit3A : f32 to vector<16xf32>
      %select_n3A_290 = arith.select %ge3A_289, %select_n3A, %broadcast_in_dim3A : vector<16xi1>, vector<16xf32>
      %swap3A_291 = arith.index_cast %scan3A_270 : i32 to index
      %swap3A_292 = arith.constant 0 : index
      %swap3A_293 = tpu.vector_load %arg15[%swap3A_291, %swap3A_292] {strides = array<i32>} : memref<640x16xf32, #tpu.memory_space<vmem>>, vector<1x16xf32>,
      %swap3A_294 = vector.shape_cast %swap3A_293 : vector<1x16xf32> to vector<16xf32>
      %swap3A_295 = vector.shape_cast %select_n3A_290 : vector<16xf32> to vector<1x16xf32>
      tpu.vector_store %arg15[%swap3A_291, %swap3A_292], %swap3A_295 {strides = array<i32>} : memref<640x16xf32, #tpu.memory_space<vmem>>, vector<1x16xf32>,
    }
    %scan3A_147 = arith.constant 640 : i32
    "tpu.region"() ({
      %run_scoped3A = tpu.sem_alloc : memref<!tpu.dma_semaphore, #tpu.memory_space<semaphore_mem>>
      %dma_start3A_270 = arith.constant 0 : i32
      %dma_start3A_271 = tpu.memref_slice %arg16[%mul3A_1, %dma_start3A_270] : memref<10240x16xf32, #tpu.memory_space<vmem_shared>> -> memref<640x16xf32, #tpu.memory_space<vmem_shared>>
      %dma_start3A_272 = arith.constant 0 : i32
      %dma_start3A_273 = tpu.memref_slice %arg16[%mul3A_1, %dma_start3A_272] : memref<10240x16xf32, #tpu.memory_space<vmem_shared>> -> memref<640x16xf32, #tpu.memory_space<vmem_shared>>
      tpu.enqueue_dma source(%arg15 : memref<640x16xf32, #tpu.memory_space<vmem>>) target(%dma_start3A_273 : memref<640x16xf32, #tpu.memory_space<vmem_shared>>) target_semaphore(%run_scoped3A : memref<!tpu.dma_semaphore, #tpu.memory_space<semaphore_mem>>)
      %dma_wait3A_274 = arith.constant 0 : i32
      %dma_wait3A_275 = tpu.memref_slice %arg16[%mul3A_1, %dma_wait3A_274] : memref<10240x16xf32, #tpu.memory_space<vmem_shared>> -> memref<640x16xf32, #tpu.memory_space<vmem_shared>>
      %dma_wait3A_276 = arith.constant 0 : i32
      %dma_wait3A_277 = tpu.memref_slice %arg16[%mul3A_1, %dma_wait3A_276] : memref<10240x16xf32, #tpu.memory_space<vmem_shared>> -> memref<640x16xf32, #tpu.memory_space<vmem_shared>>
      tpu.wait_dma2 semaphore(%run_scoped3A : memref<!tpu.dma_semaphore, #tpu.memory_space<semaphore_mem>>) src(%arg15 : memref<640x16xf32, #tpu.memory_space<vmem>>) dst(%dma_wait3A_277 : memref<640x16xf32, #tpu.memory_space<vmem_shared>>)
      tpu.yield
    }) : () -> ()
    "tpu.region"() ({
      %run_scoped3A = tpu.sem_alloc : memref<!tpu.dma_semaphore, #tpu.memory_space<semaphore_mem>>
      tpu.enqueue_dma source(%arg7 : memref<640x16xf32, #tpu.memory_space<hbm>>) target(%arg14 : memref<640x16xf32, #tpu.memory_space<vmem>>) target_semaphore(%run_scoped3A : memref<!tpu.dma_semaphore, #tpu.memory_space<semaphore_mem>>)
      tpu.wait_dma2 semaphore(%run_scoped3A : memref<!tpu.dma_semaphore, #tpu.memory_space<semaphore_mem>>) src(%arg7 : memref<640x16xf32, #tpu.memory_space<hbm>>) dst(%arg14 : memref<640x16xf32, #tpu.memory_space<vmem>>)
      tpu.yield
    }) : () -> ()
    "tpu.region"() ({
      %run_scoped3A = tpu.sem_alloc : memref<!tpu.dma_semaphore, #tpu.memory_space<semaphore_mem>>
      %dma_start3A_270 = arith.constant 0 : i32
      %dma_start3A_271 = tpu.memref_slice %arg17[%mul3A_1, %dma_start3A_270] : memref<10240x16xf32, #tpu.memory_space<vmem_shared>> -> memref<640x16xf32, #tpu.memory_space<vmem_shared>>
      %dma_start3A_272 = arith.constant 0 : i32
      %dma_start3A_273 = tpu.memref_slice %arg17[%mul3A_1, %dma_start3A_272] : memref<10240x16xf32, #tpu.memory_space<vmem_shared>> -> memref<640x16xf32, #tpu.memory_space<vmem_shared>>
      tpu.enqueue_dma source(%arg14 : memref<640x16xf32, #tpu.memory_space<vmem>>) target(%dma_start3A_273 : memref<640x16xf32, #tpu.memory_space<vmem_shared>>) target_semaphore(%run_scoped3A : memref<!tpu.dma_semaphore, #tpu.memory_space<semaphore_mem>>)
      %dma_wait3A_274 = arith.constant 0 : i32
      %dma_wait3A_275 = tpu.memref_slice %arg17[%mul3A_1, %dma_wait3A_274] : memref<10240x16xf32, #tpu.memory_space<vmem_shared>> -> memref<640x16xf32, #tpu.memory_space<vmem_shared>>
      %dma_wait3A_276 = arith.constant 0 : i32
      %dma_wait3A_277 = tpu.memref_slice %arg17[%mul3A_1, %dma_wait3A_276] : memref<10240x16xf32, #tpu.memory_space<vmem_shared>> -> memref<640x16xf32, #tpu.memory_space<vmem_shared>>
      tpu.wait_dma2 semaphore(%run_scoped3A : memref<!tpu.dma_semaphore, #tpu.memory_space<semaphore_mem>>) src(%arg14 : memref<640x16xf32, #tpu.memory_space<vmem>>) dst(%dma_wait3A_277 : memref<640x16xf32, #tpu.memory_space<vmem_shared>>)
      tpu.yield
    }) : () -> ()
    %barrier3A_148 = arith.constant 0 : index
    tpu.barrier barrier_id(%barrier3A_148)
    %dma_start3A_149 = arith.constant 0 : i32
    %dma_start3A_150 = arith.constant 0 : i32
    %dma_start3A_151 = arith.constant 0 : i32
    %dma_start3A_152 = arith.constant 0 : i32
    %dma_start3A_153 = tpu.memref_slice %arg11[%dma_start3A_150, %dma_start3A_151, %dma_start3A_152] : memref<7x128x16xf32, #tpu.memory_space<vmem>> -> memref<1x128x16xf32, #tpu.memory_space<vmem>>
    %dma_start3A_154 = tpu.memref_squeeze %dma_start3A_153 : memref<1x128x16xf32, #tpu.memory_space<vmem>> -> memref<128x16xf32, #tpu.memory_space<vmem>>
    %dma_start3A_155 = arith.constant 0 : i32
    %dma_start3A_156 = tpu.memref_slice %arg9[%dma_start3A_149, %dma_start3A_155] : memref<157x128xi32, #tpu.memory_space<vmem>> -> memref<1x128xi32, #tpu.memory_space<vmem>>
    %dma_start3A_157 = tpu.memref_squeeze %dma_start3A_156 : memref<1x128xi32, #tpu.memory_space<vmem>> -> memref<128xi32, #tpu.memory_space<vmem>>
    %dma_start3A_158 = arith.constant 0 : i32
    %dma_start3A_159 = arith.constant 0 : i32
    %dma_start3A_160 = tpu.memref_slice %arg16[%dma_start3A_158, %dma_start3A_159] : memref<10240x16xf32, #tpu.memory_space<vmem_shared>> -> memref<10240x16xf32, #tpu.memory_space<vmem_shared>>
    tpu.enqueue_indirect_dma source(%dma_start3A_160 : memref<10240x16xf32, #tpu.memory_space<vmem_shared>>) target(%dma_start3A_154 : memref<128x16xf32, #tpu.memory_space<vmem>>) offsets(%dma_start3A_157 : memref<128xi32, #tpu.memory_space<vmem>>) semaphore(%arg18 : memref<!tpu.dma_semaphore, #tpu.memory_space<semaphore_mem>>)
    %dma_start3A_161 = arith.constant 1 : i32
    %dma_start3A_162 = arith.constant 1 : i32
    %dma_start3A_163 = arith.constant 0 : i32
    %dma_start3A_164 = arith.constant 0 : i32
    %dma_start3A_165 = tpu.memref_slice %arg11[%dma_start3A_162, %dma_start3A_163, %dma_start3A_164] : memref<7x128x16xf32, #tpu.memory_space<vmem>> -> memref<1x128x16xf32, #tpu.memory_space<vmem>>
    %dma_start3A_166 = tpu.memref_squeeze %dma_start3A_165 : memref<1x128x16xf32, #tpu.memory_space<vmem>> -> memref<128x16xf32, #tpu.memory_space<vmem>>
    %dma_start3A_167 = arith.constant 0 : i32
    %dma_start3A_168 = tpu.memref_slice %arg9[%dma_start3A_161, %dma_start3A_167] : memref<157x128xi32, #tpu.memory_space<vmem>> -> memref<1x128xi32, #tpu.memory_space<vmem>>
    %dma_start3A_169 = tpu.memref_squeeze %dma_start3A_168 : memref<1x128xi32, #tpu.memory_space<vmem>> -> memref<128xi32, #tpu.memory_space<vmem>>
    %dma_start3A_170 = arith.constant 0 : i32
    %dma_start3A_171 = arith.constant 0 : i32
    %dma_start3A_172 = tpu.memref_slice %arg16[%dma_start3A_170, %dma_start3A_171] : memref<10240x16xf32, #tpu.memory_space<vmem_shared>> -> memref<10240x16xf32, #tpu.memory_space<vmem_shared>>
    tpu.enqueue_indirect_dma source(%dma_start3A_172 : memref<10240x16xf32, #tpu.memory_space<vmem_shared>>) target(%dma_start3A_166 : memref<128x16xf32, #tpu.memory_space<vmem>>) offsets(%dma_start3A_169 : memref<128xi32, #tpu.memory_space<vmem>>) semaphore(%arg18 : memref<!tpu.dma_semaphore, #tpu.memory_space<semaphore_mem>>)
    %dma_start3A_173 = arith.constant 2 : i32
    %dma_start3A_174 = arith.constant 2 : i32
    %dma_start3A_175 = arith.constant 0 : i32
    %dma_start3A_176 = arith.constant 0 : i32
    %dma_start3A_177 = tpu.memref_slice %arg11[%dma_start3A_174, %dma_start3A_175, %dma_start3A_176] : memref<7x128x16xf32, #tpu.memory_space<vmem>> -> memref<1x128x16xf32, #tpu.memory_space<vmem>>
    %dma_start3A_178 = tpu.memref_squeeze %dma_start3A_177 : memref<1x128x16xf32, #tpu.memory_space<vmem>> -> memref<128x16xf32, #tpu.memory_space<vmem>>
    %dma_start3A_179 = arith.constant 0 : i32
    %dma_start3A_180 = tpu.memref_slice %arg9[%dma_start3A_173, %dma_start3A_179] : memref<157x128xi32, #tpu.memory_space<vmem>> -> memref<1x128xi32, #tpu.memory_space<vmem>>
    %dma_start3A_181 = tpu.memref_squeeze %dma_start3A_180 : memref<1x128xi32, #tpu.memory_space<vmem>> -> memref<128xi32, #tpu.memory_space<vmem>>
    %dma_start3A_182 = arith.constant 0 : i32
    %dma_start3A_183 = arith.constant 0 : i32
    %dma_start3A_184 = tpu.memref_slice %arg16[%dma_start3A_182, %dma_start3A_183] : memref<10240x16xf32, #tpu.memory_space<vmem_shared>> -> memref<10240x16xf32, #tpu.memory_space<vmem_shared>>
    tpu.enqueue_indirect_dma source(%dma_start3A_184 : memref<10240x16xf32, #tpu.memory_space<vmem_shared>>) target(%dma_start3A_178 : memref<128x16xf32, #tpu.memory_space<vmem>>) offsets(%dma_start3A_181 : memref<128xi32, #tpu.memory_space<vmem>>) semaphore(%arg18 : memref<!tpu.dma_semaphore, #tpu.memory_space<semaphore_mem>>)
    %dma_start3A_185 = arith.constant 3 : i32
    %dma_start3A_186 = arith.constant 3 : i32
    %dma_start3A_187 = arith.constant 0 : i32
    %dma_start3A_188 = arith.constant 0 : i32
    %dma_start3A_189 = tpu.memref_slice %arg11[%dma_start3A_186, %dma_start3A_187, %dma_start3A_188] : memref<7x128x16xf32, #tpu.memory_space<vmem>> -> memref<1x128x16xf32, #tpu.memory_space<vmem>>
    %dma_start3A_190 = tpu.memref_squeeze %dma_start3A_189 : memref<1x128x16xf32, #tpu.memory_space<vmem>> -> memref<128x16xf32, #tpu.memory_space<vmem>>
    %dma_start3A_191 = arith.constant 0 : i32
    %dma_start3A_192 = tpu.memref_slice %arg9[%dma_start3A_185, %dma_start3A_191] : memref<157x128xi32, #tpu.memory_space<vmem>> -> memref<1x128xi32, #tpu.memory_space<vmem>>
    %dma_start3A_193 = tpu.memref_squeeze %dma_start3A_192 : memref<1x128xi32, #tpu.memory_space<vmem>> -> memref<128xi32, #tpu.memory_space<vmem>>
    %dma_start3A_194 = arith.constant 0 : i32
    %dma_start3A_195 = arith.constant 0 : i32
    %dma_start3A_196 = tpu.memref_slice %arg16[%dma_start3A_194, %dma_start3A_195] : memref<10240x16xf32, #tpu.memory_space<vmem_shared>> -> memref<10240x16xf32, #tpu.memory_space<vmem_shared>>
    tpu.enqueue_indirect_dma source(%dma_start3A_196 : memref<10240x16xf32, #tpu.memory_space<vmem_shared>>) target(%dma_start3A_190 : memref<128x16xf32, #tpu.memory_space<vmem>>) offsets(%dma_start3A_193 : memref<128xi32, #tpu.memory_space<vmem>>) semaphore(%arg18 : memref<!tpu.dma_semaphore, #tpu.memory_space<semaphore_mem>>)
    %dma_start3A_197 = arith.constant 4 : i32
    %dma_start3A_198 = arith.constant 4 : i32
    %dma_start3A_199 = arith.constant 0 : i32
    %dma_start3A_200 = arith.constant 0 : i32
    %dma_start3A_201 = tpu.memref_slice %arg11[%dma_start3A_198, %dma_start3A_199, %dma_start3A_200] : memref<7x128x16xf32, #tpu.memory_space<vmem>> -> memref<1x128x16xf32, #tpu.memory_space<vmem>>
    %dma_start3A_202 = tpu.memref_squeeze %dma_start3A_201 : memref<1x128x16xf32, #tpu.memory_space<vmem>> -> memref<128x16xf32, #tpu.memory_space<vmem>>
    %dma_start3A_203 = arith.constant 0 : i32
    %dma_start3A_204 = tpu.memref_slice %arg9[%dma_start3A_197, %dma_start3A_203] : memref<157x128xi32, #tpu.memory_space<vmem>> -> memref<1x128xi32, #tpu.memory_space<vmem>>
    %dma_start3A_205 = tpu.memref_squeeze %dma_start3A_204 : memref<1x128xi32, #tpu.memory_space<vmem>> -> memref<128xi32, #tpu.memory_space<vmem>>
    %dma_start3A_206 = arith.constant 0 : i32
    %dma_start3A_207 = arith.constant 0 : i32
    %dma_start3A_208 = tpu.memref_slice %arg16[%dma_start3A_206, %dma_start3A_207] : memref<10240x16xf32, #tpu.memory_space<vmem_shared>> -> memref<10240x16xf32, #tpu.memory_space<vmem_shared>>
    tpu.enqueue_indirect_dma source(%dma_start3A_208 : memref<10240x16xf32, #tpu.memory_space<vmem_shared>>) target(%dma_start3A_202 : memref<128x16xf32, #tpu.memory_space<vmem>>) offsets(%dma_start3A_205 : memref<128xi32, #tpu.memory_space<vmem>>) semaphore(%arg18 : memref<!tpu.dma_semaphore, #tpu.memory_space<semaphore_mem>>)
    %dma_start3A_209 = arith.constant 5 : i32
    %dma_start3A_210 = arith.constant 5 : i32
    %dma_start3A_211 = arith.constant 0 : i32
    %dma_start3A_212 = arith.constant 0 : i32
    %dma_start3A_213 = tpu.memref_slice %arg11[%dma_start3A_210, %dma_start3A_211, %dma_start3A_212] : memref<7x128x16xf32, #tpu.memory_space<vmem>> -> memref<1x128x16xf32, #tpu.memory_space<vmem>>
    %dma_start3A_214 = tpu.memref_squeeze %dma_start3A_213 : memref<1x128x16xf32, #tpu.memory_space<vmem>> -> memref<128x16xf32, #tpu.memory_space<vmem>>
    %dma_start3A_215 = arith.constant 0 : i32
    %dma_start3A_216 = tpu.memref_slice %arg9[%dma_start3A_209, %dma_start3A_215] : memref<157x128xi32, #tpu.memory_space<vmem>> -> memref<1x128xi32, #tpu.memory_space<vmem>>
    %dma_start3A_217 = tpu.memref_squeeze %dma_start3A_216 : memref<1x128xi32, #tpu.memory_space<vmem>> -> memref<128xi32, #tpu.memory_space<vmem>>
    %dma_start3A_218 = arith.constant 0 : i32
    %dma_start3A_219 = arith.constant 0 : i32
    %dma_start3A_220 = tpu.memref_slice %arg16[%dma_start3A_218, %dma_start3A_219] : memref<10240x16xf32, #tpu.memory_space<vmem_shared>> -> memref<10240x16xf32, #tpu.memory_space<vmem_shared>>
    tpu.enqueue_indirect_dma source(%dma_start3A_220 : memref<10240x16xf32, #tpu.memory_space<vmem_shared>>) target(%dma_start3A_214 : memref<128x16xf32, #tpu.memory_space<vmem>>) offsets(%dma_start3A_217 : memref<128xi32, #tpu.memory_space<vmem>>) semaphore(%arg18 : memref<!tpu.dma_semaphore, #tpu.memory_space<semaphore_mem>>)
    %dma_start3A_221 = arith.constant 6 : i32
    %dma_start3A_222 = arith.constant 6 : i32
    %dma_start3A_223 = arith.constant 0 : i32
    %dma_start3A_224 = arith.constant 0 : i32
    %dma_start3A_225 = tpu.memref_slice %arg11[%dma_start3A_222, %dma_start3A_223, %dma_start3A_224] : memref<7x128x16xf32, #tpu.memory_space<vmem>> -> memref<1x128x16xf32, #tpu.memory_space<vmem>>
    %dma_start3A_226 = tpu.memref_squeeze %dma_start3A_225 : memref<1x128x16xf32, #tpu.memory_space<vmem>> -> memref<128x16xf32, #tpu.memory_space<vmem>>
    %dma_start3A_227 = arith.constant 0 : i32
    %dma_start3A_228 = tpu.memref_slice %arg9[%dma_start3A_221, %dma_start3A_227] : memref<157x128xi32, #tpu.memory_space<vmem>> -> memref<1x128xi32, #tpu.memory_space<vmem>>
    %dma_start3A_229 = tpu.memref_squeeze %dma_start3A_228 : memref<1x128xi32, #tpu.memory_space<vmem>> -> memref<128xi32, #tpu.memory_space<vmem>>
    %dma_start3A_230 = arith.constant 0 : i32
    %dma_start3A_231 = arith.constant 0 : i32
    %dma_start3A_232 = tpu.memref_slice %arg16[%dma_start3A_230, %dma_start3A_231] : memref<10240x16xf32, #tpu.memory_space<vmem_shared>> -> memref<10240x16xf32, #tpu.memory_space<vmem_shared>>
    tpu.enqueue_indirect_dma source(%dma_start3A_232 : memref<10240x16xf32, #tpu.memory_space<vmem_shared>>) target(%dma_start3A_226 : memref<128x16xf32, #tpu.memory_space<vmem>>) offsets(%dma_start3A_229 : memref<128xi32, #tpu.memory_space<vmem>>) semaphore(%arg18 : memref<!tpu.dma_semaphore, #tpu.memory_space<semaphore_mem>>)
    %scan3A_233 = arith.constant 0 : i32
    %scan3A_234 = arith.constant 0 : i32
    %scan3A_235 = arith.constant 157 : i32
    %scan3A_236 = arith.addi %scan3A_234, %scan3A_235 : i32
    %scan3A_237 = arith.constant 1 : i32
    scf.for %scan3A_270 = %scan3A_234 to %scan3A_236 step %scan3A_237  : i32 {
      %rem3A = arith.constant 7 : i32
      %rem3A_271 = arith.remsi %scan3A_270, %rem3A : i32
      %dma_wait3A_272 = arith.constant 0 : i32
      %dma_wait3A_273 = arith.constant 0 : i32
      %dma_wait3A_274 = tpu.memref_slice %arg11[%rem3A_271, %dma_wait3A_272, %dma_wait3A_273] : memref<7x128x16xf32, #tpu.memory_space<vmem>> -> memref<1x128x16xf32, #tpu.memory_space<vmem>>
      %dma_wait3A_275 = tpu.memref_squeeze %dma_wait3A_274 : memref<1x128x16xf32, #tpu.memory_space<vmem>> -> memref<128x16xf32, #tpu.memory_space<vmem>>
      %dma_wait3A_276 = arith.constant 0 : i32
      %dma_wait3A_277 = tpu.memref_slice %arg9[%scan3A_270, %dma_wait3A_276] : memref<157x128xi32, #tpu.memory_space<vmem>> -> memref<1x128xi32, #tpu.memory_space<vmem>>
      %dma_wait3A_278 = tpu.memref_squeeze %dma_wait3A_277 : memref<1x128xi32, #tpu.memory_space<vmem>> -> memref<128xi32, #tpu.memory_space<vmem>>
      %dma_wait3A_279 = arith.constant 0 : i32
      %dma_wait3A_280 = arith.constant 0 : i32
      %dma_wait3A_281 = tpu.memref_slice %arg16[%dma_wait3A_279, %dma_wait3A_280] : memref<10240x16xf32, #tpu.memory_space<vmem_shared>> -> memref<10240x16xf32, #tpu.memory_space<vmem_shared>>
      tpu.wait_indirect_dma semaphore(%arg18 : memref<!tpu.dma_semaphore, #tpu.memory_space<semaphore_mem>>) src(%dma_wait3A_281 : memref<10240x16xf32, #tpu.memory_space<vmem_shared>>) dst(%dma_wait3A_275 : memref<128x16xf32, #tpu.memory_space<vmem>>)
      %dma_start3A_282 = arith.constant 0 : i32
      %dma_start3A_283 = arith.constant 0 : i32
      %dma_start3A_284 = tpu.memref_slice %arg11[%rem3A_271, %dma_start3A_282, %dma_start3A_283] : memref<7x128x16xf32, #tpu.memory_space<vmem>> -> memref<1x128x16xf32, #tpu.memory_space<vmem>>
      %dma_start3A_285 = tpu.memref_squeeze %dma_start3A_284 : memref<1x128x16xf32, #tpu.memory_space<vmem>> -> memref<128x16xf32, #tpu.memory_space<vmem>>
      %dma_start3A_286 = arith.constant 0 : i32
      %dma_start3A_287 = tpu.memref_slice %arg10[%scan3A_270, %dma_start3A_286] : memref<157x128xi32, #tpu.memory_space<vmem>> -> memref<1x128xi32, #tpu.memory_space<vmem>>
      %dma_start3A_288 = tpu.memref_squeeze %dma_start3A_287 : memref<1x128xi32, #tpu.memory_space<vmem>> -> memref<128xi32, #tpu.memory_space<vmem>>
      %dma_start3A_289 = arith.constant 0 : i32
      %dma_start3A_290 = arith.constant 0 : i32
      %dma_start3A_291 = tpu.memref_slice %arg17[%dma_start3A_289, %dma_start3A_290] : memref<10240x16xf32, #tpu.memory_space<vmem_shared>> -> memref<10240x16xf32, #tpu.memory_space<vmem_shared>>
      tpu.enqueue_indirect_dma source(%dma_start3A_285 : memref<128x16xf32, #tpu.memory_space<vmem>>) target(%dma_start3A_291 : memref<10240x16xf32, #tpu.memory_space<vmem_shared>>) offsets(%dma_start3A_288 : memref<128xi32, #tpu.memory_space<vmem>>) semaphore(%arg19 : memref<!tpu.dma_semaphore, #tpu.memory_space<semaphore_mem>>) {add = true}
      %ge3A = arith.constant 2 : i32
      %ge3A_292 = arith.cmpi sge, %scan3A_270, %ge3A : i32
      %convert_element_type3A = arith.extui %ge3A_292 : i1 to i32
      %cond3A = arith.constant 0 : i32
      %cond3A_293 = arith.cmpi ne, %convert_element_type3A, %cond3A : i32
      scf.if %cond3A_293 {
        %sub3A = arith.constant 2 : i32
        %sub3A_294 = arith.subi %scan3A_270, %sub3A : i32
        %add3A = arith.constant 7 : i32
        %add3A_295 = arith.addi %sub3A_294, %add3A : i32
        %rem3A_296 = arith.constant 7 : i32
        %rem3A_297 = arith.remsi %add3A_295, %rem3A_296 : i32
        %dma_wait3A_298 = arith.constant 0 : i32
        %dma_wait3A_299 = arith.constant 0 : i32
        %dma_wait3A_300 = tpu.memref_slice %arg11[%rem3A_297, %dma_wait3A_298, %dma_wait3A_299] : memref<7x128x16xf32, #tpu.memory_space<vmem>> -> memref<1x128x16xf32, #tpu.memory_space<vmem>>
        %dma_wait3A_301 = tpu.memref_squeeze %dma_wait3A_300 : memref<1x128x16xf32, #tpu.memory_space<vmem>> -> memref<128x16xf32, #tpu.memory_space<vmem>>
        %dma_wait3A_302 = arith.constant 0 : i32
        %dma_wait3A_303 = tpu.memref_slice %arg10[%scan3A_270, %dma_wait3A_302] : memref<157x128xi32, #tpu.memory_space<vmem>> -> memref<1x128xi32, #tpu.memory_space<vmem>>
        %dma_wait3A_304 = tpu.memref_squeeze %dma_wait3A_303 : memref<1x128xi32, #tpu.memory_space<vmem>> -> memref<128xi32, #tpu.memory_space<vmem>>
        %dma_wait3A_305 = arith.constant 0 : i32
        %dma_wait3A_306 = arith.constant 0 : i32
        %dma_wait3A_307 = tpu.memref_slice %arg17[%dma_wait3A_305, %dma_wait3A_306] : memref<10240x16xf32, #tpu.memory_space<vmem_shared>> -> memref<10240x16xf32, #tpu.memory_space<vmem_shared>>
        tpu.wait_indirect_dma semaphore(%arg19 : memref<!tpu.dma_semaphore, #tpu.memory_space<semaphore_mem>>) src(%dma_wait3A_301 : memref<128x16xf32, #tpu.memory_space<vmem>>) dst(%dma_wait3A_307 : memref<10240x16xf32, #tpu.memory_space<vmem_shared>>)
        %lt3A = arith.constant 157 : i32
        %lt3A_308 = arith.cmpi slt, %add3A_295, %lt3A : i32
        %convert_element_type3A_309 = arith.extui %lt3A_308 : i1 to i32
        %cond3A_310 = arith.constant 0 : i32
        %cond3A_311 = arith.cmpi ne, %convert_element_type3A_309, %cond3A_310 : i32
        scf.if %cond3A_311 {
          %dma_start3A_312 = arith.constant 0 : i32
          %dma_start3A_313 = arith.constant 0 : i32
          %dma_start3A_314 = tpu.memref_slice %arg11[%rem3A_297, %dma_start3A_312, %dma_start3A_313] : memref<7x128x16xf32, #tpu.memory_space<vmem>> -> memref<1x128x16xf32, #tpu.memory_space<vmem>>
          %dma_start3A_315 = tpu.memref_squeeze %dma_start3A_314 : memref<1x128x16xf32, #tpu.memory_space<vmem>> -> memref<128x16xf32, #tpu.memory_space<vmem>>
          %dma_start3A_316 = arith.constant 0 : i32
          %dma_start3A_317 = tpu.memref_slice %arg9[%add3A_295, %dma_start3A_316] : memref<157x128xi32, #tpu.memory_space<vmem>> -> memref<1x128xi32, #tpu.memory_space<vmem>>
          %dma_start3A_318 = tpu.memref_squeeze %dma_start3A_317 : memref<1x128xi32, #tpu.memory_space<vmem>> -> memref<128xi32, #tpu.memory_space<vmem>>
          %dma_start3A_319 = arith.constant 0 : i32
          %dma_start3A_320 = arith.constant 0 : i32
          %dma_start3A_321 = tpu.memref_slice %arg16[%dma_start3A_319, %dma_start3A_320] : memref<10240x16xf32, #tpu.memory_space<vmem_shared>> -> memref<10240x16xf32, #tpu.memory_space<vmem_shared>>
          tpu.enqueue_indirect_dma source(%dma_start3A_321 : memref<10240x16xf32, #tpu.memory_space<vmem_shared>>) target(%dma_start3A_315 : memref<128x16xf32, #tpu.memory_space<vmem>>) offsets(%dma_start3A_318 : memref<128xi32, #tpu.memory_space<vmem>>) semaphore(%arg18 : memref<!tpu.dma_semaphore, #tpu.memory_space<semaphore_mem>>)
        } else {
        }
      } else {
      }
    }
    %scan3A_238 = arith.constant 157 : i32
    %dma_wait3A_239 = arith.constant 0 : i32
    %dma_wait3A_240 = arith.constant 0 : i32
    %dma_wait3A_241 = arith.constant 0 : i32
    %dma_wait3A_242 = arith.constant 0 : i32
    %dma_wait3A_243 = tpu.memref_slice %arg11[%dma_wait3A_239, %dma_wait3A_241, %dma_wait3A_242] : memref<7x128x16xf32, #tpu.memory_space<vmem>> -> memref<1x128x16xf32, #tpu.memory_space<vmem>>
    %dma_wait3A_244 = tpu.memref_squeeze %dma_wait3A_243 : memref<1x128x16xf32, #tpu.memory_space<vmem>> -> memref<128x16xf32, #tpu.memory_space<vmem>>
    %dma_wait3A_245 = arith.constant 0 : i32
    %dma_wait3A_246 = tpu.memref_slice %arg10[%dma_wait3A_240, %dma_wait3A_245] : memref<157x128xi32, #tpu.memory_space<vmem>> -> memref<1x128xi32, #tpu.memory_space<vmem>>
    %dma_wait3A_247 = tpu.memref_squeeze %dma_wait3A_246 : memref<1x128xi32, #tpu.memory_space<vmem>> -> memref<128xi32, #tpu.memory_space<vmem>>
    %dma_wait3A_248 = arith.constant 0 : i32
    %dma_wait3A_249 = arith.constant 0 : i32
    %dma_wait3A_250 = tpu.memref_slice %arg17[%dma_wait3A_248, %dma_wait3A_249] : memref<10240x16xf32, #tpu.memory_space<vmem_shared>> -> memref<10240x16xf32, #tpu.memory_space<vmem_shared>>
    tpu.wait_indirect_dma semaphore(%arg19 : memref<!tpu.dma_semaphore, #tpu.memory_space<semaphore_mem>>) src(%dma_wait3A_244 : memref<128x16xf32, #tpu.memory_space<vmem>>) dst(%dma_wait3A_250 : memref<10240x16xf32, #tpu.memory_space<vmem_shared>>)
    %dma_wait3A_251 = arith.constant 0 : i32
    %dma_wait3A_252 = arith.constant 0 : i32
    %dma_wait3A_253 = arith.constant 0 : i32
    %dma_wait3A_254 = arith.constant 0 : i32
    %dma_wait3A_255 = tpu.memref_slice %arg11[%dma_wait3A_251, %dma_wait3A_253, %dma_wait3A_254] : memref<7x128x16xf32, #tpu.memory_space<vmem>> -> memref<1x128x16xf32, #tpu.memory_space<vmem>>
    %dma_wait3A_256 = tpu.memref_squeeze %dma_wait3A_255 : memref<1x128x16xf32, #tpu.memory_space<vmem>> -> memref<128x16xf32, #tpu.memory_space<vmem>>
    %dma_wait3A_257 = arith.constant 0 : i32
    %dma_wait3A_258 = tpu.memref_slice %arg10[%dma_wait3A_252, %dma_wait3A_257] : memref<157x128xi32, #tpu.memory_space<vmem>> -> memref<1x128xi32, #tpu.memory_space<vmem>>
    %dma_wait3A_259 = tpu.memref_squeeze %dma_wait3A_258 : memref<1x128xi32, #tpu.memory_space<vmem>> -> memref<128xi32, #tpu.memory_space<vmem>>
    %dma_wait3A_260 = arith.constant 0 : i32
    %dma_wait3A_261 = arith.constant 0 : i32
    %dma_wait3A_262 = tpu.memref_slice %arg17[%dma_wait3A_260, %dma_wait3A_261] : memref<10240x16xf32, #tpu.memory_space<vmem_shared>> -> memref<10240x16xf32, #tpu.memory_space<vmem_shared>>
    tpu.wait_indirect_dma semaphore(%arg19 : memref<!tpu.dma_semaphore, #tpu.memory_space<semaphore_mem>>) src(%dma_wait3A_256 : memref<128x16xf32, #tpu.memory_space<vmem>>) dst(%dma_wait3A_262 : memref<10240x16xf32, #tpu.memory_space<vmem_shared>>)
    %barrier3A_263 = arith.constant 0 : index
    tpu.barrier barrier_id(%barrier3A_263)
    "tpu.region"() ({
      %run_scoped3A = tpu.sem_alloc : memref<!tpu.dma_semaphore, #tpu.memory_space<semaphore_mem>>
      %dma_start3A_270 = arith.constant 0 : i32
      %dma_start3A_271 = tpu.memref_slice %arg17[%mul3A_1, %dma_start3A_270] : memref<10240x16xf32, #tpu.memory_space<vmem_shared>> -> memref<640x16xf32, #tpu.memory_space<vmem_shared>>
      %dma_start3A_272 = arith.constant 0 : i32
      %dma_start3A_273 = tpu.memref_slice %arg17[%mul3A_1, %dma_start3A_272] : memref<10240x16xf32, #tpu.memory_space<vmem_shared>> -> memref<640x16xf32, #tpu.memory_space<vmem_shared>>
      tpu.enqueue_dma source(%dma_start3A_273 : memref<640x16xf32, #tpu.memory_space<vmem_shared>>) target(%arg14 : memref<640x16xf32, #tpu.memory_space<vmem>>) target_semaphore(%run_scoped3A : memref<!tpu.dma_semaphore, #tpu.memory_space<semaphore_mem>>)
      %dma_wait3A_274 = arith.constant 0 : i32
      %dma_wait3A_275 = tpu.memref_slice %arg17[%mul3A_1, %dma_wait3A_274] : memref<10240x16xf32, #tpu.memory_space<vmem_shared>> -> memref<640x16xf32, #tpu.memory_space<vmem_shared>>
      %dma_wait3A_276 = arith.constant 0 : i32
      %dma_wait3A_277 = tpu.memref_slice %arg17[%mul3A_1, %dma_wait3A_276] : memref<10240x16xf32, #tpu.memory_space<vmem_shared>> -> memref<640x16xf32, #tpu.memory_space<vmem_shared>>
      tpu.wait_dma2 semaphore(%run_scoped3A : memref<!tpu.dma_semaphore, #tpu.memory_space<semaphore_mem>>) src(%dma_wait3A_277 : memref<640x16xf32, #tpu.memory_space<vmem_shared>>) dst(%arg14 : memref<640x16xf32, #tpu.memory_space<vmem>>)
      tpu.yield
    }) : () -> ()
    %scan3A_264 = arith.constant 0 : i32
    %scan3A_265 = arith.constant 0 : i32
    %scan3A_266 = arith.constant 640 : i32
    %scan3A_267 = arith.addi %scan3A_265, %scan3A_266 : i32
    %scan3A_268 = arith.constant 1 : i32
    scf.for %scan3A_270 = %scan3A_265 to %scan3A_267 step %scan3A_268  : i32 {
      %get3A = arith.index_cast %scan3A_270 : i32 to index
      %get3A_271 = arith.constant 0 : index
      %get3A_272 = tpu.vector_load %arg13[%get3A, %get3A_271] {strides = array<i32>} : memref<640x16xf32, #tpu.memory_space<vmem>>, vector<1x16xf32>,
      %get3A_273 = vector.shape_cast %get3A_272 : vector<1x16xf32> to vector<16xf32>
      %get3A_274 = arith.index_cast %scan3A_270 : i32 to index
      %get3A_275 = arith.constant 0 : index
      %get3A_276 = tpu.vector_load %arg12[%get3A_274, %get3A_275] {strides = array<i32>} : memref<640x24xf32, #tpu.memory_space<vmem>>, vector<1x16xf32>,
      %get3A_277 = vector.shape_cast %get3A_276 : vector<1x16xf32> to vector<16xf32>
      %get3A_278 = arith.index_cast %scan3A_270 : i32 to index
      %get3A_279 = arith.constant 8 : index
      %get3A_280 = tpu.vector_load %arg12[%get3A_278, %get3A_279] {strides = array<i32>} : memref<640x24xf32, #tpu.memory_space<vmem>>, vector<1x16xf32>,
      %get3A_281 = vector.shape_cast %get3A_280 : vector<1x16xf32> to vector<16xf32>
      %get3A_282 = arith.index_cast %scan3A_270 : i32 to index
      %get3A_283 = arith.constant 0 : index
      %get3A_284 = tpu.vector_load %arg14[%get3A_282, %get3A_283] {strides = array<i32>} : memref<640x16xf32, #tpu.memory_space<vmem>>, vector<1x16xf32>,
      %get3A_285 = vector.shape_cast %get3A_284 : vector<1x16xf32> to vector<16xf32>
      %mul3A_286 = arith.mulf %get3A_273, %get3A_285 : vector<16xf32>
      %sub3A = arith.subf %get3A_281, %mul3A_286 : vector<16xf32>
      %ge3A = arith.constant 8 : i32
      %ge3A_287 = vector.broadcast %ge3A : i32 to vector<16xi32>
      %ge3A_288 = arith.cmpi sge, %iota3A, %ge3A_287 : vector<16xi32>
      %mul3A_289 = arith.mulf %get3A_273, %get3A_285 : vector<16xf32>
      %select_n3A = arith.select %ge3A_288, %mul3A_289, %get3A_281 : vector<16xi1>, vector<16xf32>
      %select_n3A_290 = arith.select %eq3A_0, %sub3A, %select_n3A : vector<16xf32>
      %max3A = arith.constant 0.000000e+00 : f32
      %max3A_291 = vector.broadcast %max3A : f32 to vector<16xf32>
      %max3A_292 = arith.maximumf %get3A_277, %max3A_291 : vector<16xf32>
      %swap3A = arith.index_cast %scan3A_270 : i32 to index
      %swap3A_293 = arith.constant 0 : index
      %swap3A_294 = tpu.vector_load %arg12[%swap3A, %swap3A_293] {strides = array<i32>} : memref<640x24xf32, #tpu.memory_space<vmem>>, vector<1x16xf32>,
      %swap3A_295 = vector.shape_cast %swap3A_294 : vector<1x16xf32> to vector<16xf32>
      %swap3A_296 = vector.shape_cast %max3A_292 : vector<16xf32> to vector<1x16xf32>
      tpu.vector_store %arg12[%swap3A, %swap3A_293], %swap3A_296 {strides = array<i32>} : memref<640x24xf32, #tpu.memory_space<vmem>>, vector<1x16xf32>,
      %max3A_297 = arith.constant 0.000000e+00 : f32
      %max3A_298 = vector.broadcast %max3A_297 : f32 to vector<16xf32>
      %max3A_299 = arith.maximumf %select_n3A_290, %max3A_298 : vector<16xf32>
      %swap3A_300 = arith.index_cast %scan3A_270 : i32 to index
      %swap3A_301 = arith.constant 8 : index
      %swap3A_302 = tpu.vector_load %arg12[%swap3A_300, %swap3A_301] {strides = array<i32>} : memref<640x24xf32, #tpu.memory_space<vmem>>, vector<1x16xf32>,
      %swap3A_303 = vector.shape_cast %swap3A_302 : vector<1x16xf32> to vector<16xf32>
      %swap3A_304 = vector.shape_cast %max3A_299 : vector<16xf32> to vector<1x16xf32>
      tpu.vector_store %arg12[%swap3A_300, %swap3A_301], %swap3A_304 {strides = array<i32>} : memref<640x24xf32, #tpu.memory_space<vmem>>, vector<1x16xf32>,
    }
    %scan3A_269 = arith.constant 640 : i32
    "tpu.region"() ({
      %run_scoped3A = tpu.sem_alloc : memref<!tpu.dma_semaphore, #tpu.memory_space<semaphore_mem>>
      %dma_start3A_270 = arith.constant 0 : i32
      %dma_start3A_271 = arith.constant 0 : i32
      %dma_start3A_272 = tpu.memref_slice %arg8[%arg0, %dma_start3A_270, %dma_start3A_271] : memref<2x10240x24xf32, #tpu.memory_space<hbm>> -> memref<1x10240x24xf32, #tpu.memory_space<hbm>>
      %dma_start3A_273 = tpu.memref_squeeze %dma_start3A_272 : memref<1x10240x24xf32, #tpu.memory_space<hbm>> -> memref<10240x24xf32, #tpu.memory_space<hbm>>
      %dma_start3A_274 = arith.constant 0 : i32
      %dma_start3A_275 = tpu.memref_slice %dma_start3A_273[%mul3A_1, %dma_start3A_274] : memref<10240x24xf32, #tpu.memory_space<hbm>> -> memref<640x24xf32, #tpu.memory_space<hbm>>
      %dma_start3A_276 = arith.constant 0 : i32
      %dma_start3A_277 = arith.constant 0 : i32
      %dma_start3A_278 = tpu.memref_slice %arg8[%arg0, %dma_start3A_276, %dma_start3A_277] : memref<2x10240x24xf32, #tpu.memory_space<hbm>> -> memref<1x10240x24xf32, #tpu.memory_space<hbm>>
      %dma_start3A_279 = tpu.memref_squeeze %dma_start3A_278 : memref<1x10240x24xf32, #tpu.memory_space<hbm>> -> memref<10240x24xf32, #tpu.memory_space<hbm>>
      %dma_start3A_280 = arith.constant 0 : i32
      %dma_start3A_281 = tpu.memref_slice %dma_start3A_279[%mul3A_1, %dma_start3A_280] : memref<10240x24xf32, #tpu.memory_space<hbm>> -> memref<640x24xf32, #tpu.memory_space<hbm>>
      tpu.enqueue_dma source(%arg12 : memref<640x24xf32, #tpu.memory_space<vmem>>) target(%dma_start3A_281 : memref<640x24xf32, #tpu.memory_space<hbm>>) target_semaphore(%run_scoped3A : memref<!tpu.dma_semaphore, #tpu.memory_space<semaphore_mem>>)
      %dma_wait3A_282 = arith.constant 0 : i32
      %dma_wait3A_283 = arith.constant 0 : i32
      %dma_wait3A_284 = tpu.memref_slice %arg8[%arg0, %dma_wait3A_282, %dma_wait3A_283] : memref<2x10240x24xf32, #tpu.memory_space<hbm>> -> memref<1x10240x24xf32, #tpu.memory_space<hbm>>
      %dma_wait3A_285 = tpu.memref_squeeze %dma_wait3A_284 : memref<1x10240x24xf32, #tpu.memory_space<hbm>> -> memref<10240x24xf32, #tpu.memory_space<hbm>>
      %dma_wait3A_286 = arith.constant 0 : i32
      %dma_wait3A_287 = tpu.memref_slice %dma_wait3A_285[%mul3A_1, %dma_wait3A_286] : memref<10240x24xf32, #tpu.memory_space<hbm>> -> memref<640x24xf32, #tpu.memory_space<hbm>>
      %dma_wait3A_288 = arith.constant 0 : i32
      %dma_wait3A_289 = arith.constant 0 : i32
      %dma_wait3A_290 = tpu.memref_slice %arg8[%arg0, %dma_wait3A_288, %dma_wait3A_289] : memref<2x10240x24xf32, #tpu.memory_space<hbm>> -> memref<1x10240x24xf32, #tpu.memory_space<hbm>>
      %dma_wait3A_291 = tpu.memref_squeeze %dma_wait3A_290 : memref<1x10240x24xf32, #tpu.memory_space<hbm>> -> memref<10240x24xf32, #tpu.memory_space<hbm>>
      %dma_wait3A_292 = arith.constant 0 : i32
      %dma_wait3A_293 = tpu.memref_slice %dma_wait3A_291[%mul3A_1, %dma_wait3A_292] : memref<10240x24xf32, #tpu.memory_space<hbm>> -> memref<640x24xf32, #tpu.memory_space<hbm>>
      tpu.wait_dma2 semaphore(%run_scoped3A : memref<!tpu.dma_semaphore, #tpu.memory_space<semaphore_mem>>) src(%arg12 : memref<640x24xf32, #tpu.memory_space<vmem>>) dst(%dma_wait3A_293 : memref<640x24xf32, #tpu.memory_space<hbm>>)
      tpu.yield
    }) : () -> ()
    return
  }
}

module attributes {stable_mosaic.version = 14 : i64} {
  func.func @prep_body(%arg0: memref<10000x128xf32, #tpu.memory_space<vmem>>, %arg1: memref<128x48xf32, #tpu.memory_space<vmem>>, %arg2: memref<48xf32, #tpu.memory_space<vmem>>, %arg3: memref<2x2x10240xf32, #tpu.memory_space<vmem>>, %arg4: memref<2x10240x24xf32, #tpu.memory_space<vmem>>, %arg5: memref<10240x16xf32, #tpu.memory_space<vmem>>, %arg6: memref<10000x1xf32, #tpu.memory_space<vmem>>) attributes {dimension_semantics = [], scalar_prefetch = 0 : i64, scratch_operands = 0 : i64, tpu.core_type = #tpu.core_type<tc>} {
    %get3A = arith.constant 0 : index
    %get3A_0 = arith.constant 0 : index
    %get3A_1 = arith.constant 0 : index
    %get3A_2 = vector.load %arg3[%get3A, %get3A_0, %get3A_1] : memref<2x2x10240xf32, #tpu.memory_space<vmem>>, vector<1x1x10000xf32>
    %get3A_3 = vector.shape_cast %get3A_2 : vector<1x1x10000xf32> to vector<10000xf32>
    %get3A_4 = arith.constant 0 : index
    %get3A_5 = arith.constant 1 : index
    %get3A_6 = arith.constant 0 : index
    %get3A_7 = vector.load %arg3[%get3A_4, %get3A_5, %get3A_6] : memref<2x2x10240xf32, #tpu.memory_space<vmem>>, vector<1x1x10000xf32>
    %get3A_8 = vector.shape_cast %get3A_7 : vector<1x1x10000xf32> to vector<10000xf32>
    %add3A = arith.addf %get3A_3, %get3A_8 : vector<10000xf32>
    %get3A_9 = arith.constant 1 : index
    %get3A_10 = arith.constant 0 : index
    %get3A_11 = arith.constant 0 : index
    %get3A_12 = vector.load %arg3[%get3A_9, %get3A_10, %get3A_11] : memref<2x2x10240xf32, #tpu.memory_space<vmem>>, vector<1x1x10000xf32>
    %get3A_13 = vector.shape_cast %get3A_12 : vector<1x1x10000xf32> to vector<10000xf32>
    %get3A_14 = arith.constant 1 : index
    %get3A_15 = arith.constant 1 : index
    %get3A_16 = arith.constant 0 : index
    %get3A_17 = vector.load %arg3[%get3A_14, %get3A_15, %get3A_16] : memref<2x2x10240xf32, #tpu.memory_space<vmem>>, vector<1x1x10000xf32>
    %get3A_18 = vector.shape_cast %get3A_17 : vector<1x1x10000xf32> to vector<10000xf32>
    %add3A_19 = arith.addf %get3A_13, %get3A_18 : vector<10000xf32>
    %max3A = arith.constant 1.000000e+00 : f32
    %max3A_20 = vector.broadcast %max3A : f32 to vector<10000xf32>
    %max3A_21 = arith.maximumf %add3A, %max3A_20 : vector<10000xf32>
    %rsqrt3A = math.rsqrt %max3A_21 : vector<10000xf32>
    %max3A_22 = arith.constant 1.000000e+00 : f32
    %max3A_23 = vector.broadcast %max3A_22 : f32 to vector<10000xf32>
    %max3A_24 = arith.maximumf %add3A_19, %max3A_23 : vector<10000xf32>
    %rsqrt3A_25 = math.rsqrt %max3A_24 : vector<10000xf32>
    %get3A_26 = arith.constant 0 : index
    %get3A_27 = arith.constant 0 : index
    %get3A_28 = vector.load %arg0[%get3A_26, %get3A_27] : memref<10000x128xf32, #tpu.memory_space<vmem>>, vector<10000x128xf32>
    %get3A_29 = arith.constant 0 : index
    %get3A_30 = arith.constant 0 : index
    %get3A_31 = vector.load %arg1[%get3A_29, %get3A_30] : memref<128x48xf32, #tpu.memory_space<vmem>>, vector<128x48xf32>
    %dot_general3A = arith.constant dense<0.000000e+00> : vector<10000x48xf32>
    %dot_general3A_32 = tpu.matmul %get3A_28, %get3A_31, %dot_general3A {dimension_numbers = #tpu.dot_dimension_numbers<[1], [0], [0], [1], [0, 0, 1, 1], [], []>, transpose_lhs_hint = false} : vector<10000x128xf32>, vector<128x48xf32>, vector<10000x48xf32> -> vector<10000x48xf32>
    %get3A_33 = arith.constant 0 : index
    %get3A_34 = vector.load %arg2[%get3A_33] : memref<48xf32, #tpu.memory_space<vmem>>, vector<48xf32>
    %broadcast_in_dim3A = vector.shape_cast %get3A_34 : vector<48xf32> to vector<1x48xf32>
    %add3A_35 = vector.broadcast %broadcast_in_dim3A : vector<1x48xf32> to vector<10000x48xf32>
    %add3A_36 = arith.addf %dot_general3A_32, %add3A_35 : vector<10000x48xf32>
    %broadcast_in_dim3A_37 = vector.shape_cast %rsqrt3A : vector<10000xf32> to vector<10000x1xf32>
    %mul3A = vector.broadcast %broadcast_in_dim3A_37 : vector<10000x1xf32> to vector<10000x48xf32>
    %mul3A_38 = arith.mulf %add3A_36, %mul3A : vector<10000x48xf32>
    %broadcast_in_dim3A_39 = arith.constant 0.000000e+00 : f32
    %broadcast_in_dim3A_40 = vector.broadcast %broadcast_in_dim3A_39 : f32 to vector<240x24xf32>
    %slice3A = vector.extract_strided_slice %mul3A_38 {offsets = [0, 0], sizes = [10000, 24], strides = [1, 1]} : vector<10000x48xf32> to vector<10000x24xf32>
    %concatenate3A = tpu.concatenate %slice3A, %broadcast_in_dim3A_40 in 0 : vector<10000x24xf32>, vector<240x24xf32> -> vector<10240x24xf32>
    %swap3A = arith.constant 0 : index
    %swap3A_41 = arith.constant 0 : index
    %swap3A_42 = arith.constant 0 : index
    %swap3A_43 = vector.load %arg4[%swap3A, %swap3A_41, %swap3A_42] : memref<2x10240x24xf32, #tpu.memory_space<vmem>>, vector<1x10240x24xf32>
    %swap3A_44 = vector.shape_cast %swap3A_43 : vector<1x10240x24xf32> to vector<10240x24xf32>
    %swap3A_45 = vector.shape_cast %concatenate3A : vector<10240x24xf32> to vector<1x10240x24xf32>
    tpu.vector_store %arg4[%swap3A, %swap3A_41, %swap3A_42], %swap3A_45 {strides = array<i32>} : memref<2x10240x24xf32, #tpu.memory_space<vmem>>, vector<1x10240x24xf32>,
    %slice3A_46 = vector.extract_strided_slice %mul3A_38 {offsets = [0, 24], sizes = [10000, 24], strides = [1, 1]} : vector<10000x48xf32> to vector<10000x24xf32>
    %concatenate3A_47 = tpu.concatenate %slice3A_46, %broadcast_in_dim3A_40 in 0 : vector<10000x24xf32>, vector<240x24xf32> -> vector<10240x24xf32>
    %swap3A_48 = arith.constant 1 : index
    %swap3A_49 = arith.constant 0 : index
    %swap3A_50 = arith.constant 0 : index
    %swap3A_51 = vector.load %arg4[%swap3A_48, %swap3A_49, %swap3A_50] : memref<2x10240x24xf32, #tpu.memory_space<vmem>>, vector<1x10240x24xf32>
    %swap3A_52 = vector.shape_cast %swap3A_51 : vector<1x10240x24xf32> to vector<10240x24xf32>
    %swap3A_53 = vector.shape_cast %concatenate3A_47 : vector<10240x24xf32> to vector<1x10240x24xf32>
    tpu.vector_store %arg4[%swap3A_48, %swap3A_49, %swap3A_50], %swap3A_53 {strides = array<i32>} : memref<2x10240x24xf32, #tpu.memory_space<vmem>>, vector<1x10240x24xf32>,
    %mul3A_54 = arith.mulf %rsqrt3A, %rsqrt3A_25 : vector<10000xf32>
    %broadcast_in_dim3A_55 = vector.shape_cast %mul3A_54 : vector<10000xf32> to vector<10000x1xf32>
    %broadcast_in_dim3A_56 = vector.shape_cast %broadcast_in_dim3A_55 : vector<10000x1xf32> to vector<10000x1xf32>
    %broadcast_in_dim3A_57 = vector.broadcast %broadcast_in_dim3A_56 : vector<10000x1xf32> to vector<10000x16xf32>
    %broadcast_in_dim3A_58 = arith.constant 0.000000e+00 : f32
    %broadcast_in_dim3A_59 = vector.broadcast %broadcast_in_dim3A_58 : f32 to vector<240x16xf32>
    %concatenate3A_60 = tpu.concatenate %broadcast_in_dim3A_57, %broadcast_in_dim3A_59 in 0 : vector<10000x16xf32>, vector<240x16xf32> -> vector<10240x16xf32>
    %swap3A_61 = arith.constant 0 : index
    %swap3A_62 = arith.constant 0 : index
    %swap3A_63 = vector.load %arg5[%swap3A_61, %swap3A_62] : memref<10240x16xf32, #tpu.memory_space<vmem>>, vector<10240x16xf32>
    tpu.vector_store %arg5[%swap3A_61, %swap3A_62], %concatenate3A_60 {strides = array<i32>} : memref<10240x16xf32, #tpu.memory_space<vmem>>, vector<10240x16xf32>,
    %broadcast_in_dim3A_64 = vector.shape_cast %rsqrt3A_25 : vector<10000xf32> to vector<10000x1xf32>
    %swap3A_65 = arith.constant 0 : index
    %swap3A_66 = arith.constant 0 : index
    %swap3A_67 = vector.load %arg6[%swap3A_65, %swap3A_66] : memref<10000x1xf32, #tpu.memory_space<vmem>>, vector<10000x1xf32>
    tpu.vector_store %arg6[%swap3A_65, %swap3A_66], %broadcast_in_dim3A_64 {strides = array<i32>} : memref<10000x1xf32, #tpu.memory_space<vmem>>, vector<10000x1xf32>,
    return
  }
}

module attributes {stable_mosaic.version = 14 : i64} {
  func.func @fin_body(%arg0: memref<2x10240x24xf32, #tpu.memory_space<vmem>>, %arg1: memref<10000x1xf32, #tpu.memory_space<vmem>>, %arg2: memref<48x128xf32, #tpu.memory_space<vmem>>, %arg3: memref<128xf32, #tpu.memory_space<vmem>>, %arg4: memref<10000x128xf32, #tpu.memory_space<vmem>>) attributes {dimension_semantics = [], scalar_prefetch = 0 : i64, scratch_operands = 0 : i64, tpu.core_type = #tpu.core_type<tc>} {
    %get3A = arith.constant 0 : index
    %get3A_0 = arith.constant 0 : index
    %get3A_1 = arith.constant 0 : index
    %get3A_2 = vector.load %arg0[%get3A, %get3A_0, %get3A_1] : memref<2x10240x24xf32, #tpu.memory_space<vmem>>, vector<1x10000x24xf32>
    %get3A_3 = vector.shape_cast %get3A_2 : vector<1x10000x24xf32> to vector<10000x24xf32>
    %get3A_4 = arith.constant 1 : index
    %get3A_5 = arith.constant 0 : index
    %get3A_6 = arith.constant 0 : index
    %get3A_7 = vector.load %arg0[%get3A_4, %get3A_5, %get3A_6] : memref<2x10240x24xf32, #tpu.memory_space<vmem>>, vector<1x10000x24xf32>
    %get3A_8 = vector.shape_cast %get3A_7 : vector<1x10000x24xf32> to vector<10000x24xf32>
    %concatenate3A = tpu.concatenate %get3A_3, %get3A_8 in 1 : vector<10000x24xf32>, vector<10000x24xf32> -> vector<10000x48xf32>
    %get3A_9 = arith.constant 0 : index
    %get3A_10 = arith.constant 0 : index
    %get3A_11 = vector.load %arg1[%get3A_9, %get3A_10] : memref<10000x1xf32, #tpu.memory_space<vmem>>, vector<10000x1xf32>
    %mul3A = vector.broadcast %get3A_11 : vector<10000x1xf32> to vector<10000x48xf32>
    %mul3A_12 = arith.mulf %concatenate3A, %mul3A : vector<10000x48xf32>
    %get3A_13 = arith.constant 0 : index
    %get3A_14 = arith.constant 0 : index
    %get3A_15 = vector.load %arg2[%get3A_13, %get3A_14] : memref<48x128xf32, #tpu.memory_space<vmem>>, vector<48x128xf32>
    %dot_general3A = arith.constant dense<0.000000e+00> : vector<10000x128xf32>
    %dot_general3A_16 = tpu.matmul %mul3A_12, %get3A_15, %dot_general3A {dimension_numbers = #tpu.dot_dimension_numbers<[1], [0], [0], [1], [0, 0, 1, 1], [], []>, transpose_lhs_hint = false} : vector<10000x48xf32>, vector<48x128xf32>, vector<10000x128xf32> -> vector<10000x128xf32>
    %get3A_17 = arith.constant 0 : index
    %get3A_18 = vector.load %arg3[%get3A_17] : memref<128xf32, #tpu.memory_space<vmem>>, vector<128xf32>
    %broadcast_in_dim3A = vector.shape_cast %get3A_18 : vector<128xf32> to vector<1x128xf32>
    %add3A = vector.broadcast %broadcast_in_dim3A : vector<1x128xf32> to vector<10000x128xf32>
    %add3A_19 = arith.addf %dot_general3A_16, %add3A : vector<10000x128xf32>
    %swap3A = arith.constant 0 : index
    %swap3A_20 = arith.constant 0 : index
    %swap3A_21 = vector.load %arg4[%swap3A, %swap3A_20] : memref<10000x128xf32, #tpu.memory_space<vmem>>, vector<10000x128xf32>
    tpu.vector_store %arg4[%swap3A, %swap3A_20], %add3A_19 {strides = array<i32>} : memref<10000x128xf32, #tpu.memory_space<vmem>>, vector<10000x128xf32>,
    return
  }
}

</mosaic_0001>

<sc_bundles>
// kernel: kernel.11.cloned.1.call-start
scs
__scs_entry_jumppad:
0x0: {  	(pc) =	sbr.rel $0x88, $3  }
0x1: {  	(tag) =	ssettag $0x0;
	lr =	simm.s32 $0x1  }
0x2: {  	[smem:$0x3F9B] =	sst lr;
	_ =	strace $0xD0000000  }
0x3: {  	_ = 	snop  }
0x4: {  	_ = 	snop  }
0x5: {  	_ = 	snop  }
0x6: {  	_ = 	snop  }
0x7: {  	_ = 	snop  }
__scs_overlays_trampoline_lowered:
0x8: {  	[smem:$0x3FAA] =	sst s0  }
0x9: {  	[smem:$0x3FAB] =	sst s1  }
0xa: {  	[smem:$0x3FAC] =	sst s2  }
0xb: {  	[smem:$0x3FAD] =	sst s3  }
0xc: {  	[smem:$0x3FAE] =	sst s4  }
0xd: {  	[smem:$0x3FAF] =	sst s5  }
0xe: {  	[smem:$0x3FB0] =	sst s6  }
0xf: {  	[smem:$0x3FB1] =	sst s7  }
0x10: {  	[smem:$0x3FB2] =	sst s8  }
0x11: {  	[smem:$0x3FB3] =	sst s9;
	s0 =	simm.s32 @!p0 $0x0  }
0x12: {  	s1 =	sld [smem:$0x3F99];
	s0 =	simm.s32 @p0 $0x1  }
0x13: {  	[smem:$0x3FB4] =	sst s0;
	s0 =	simm.s32 @!p1 $0x0  }
0x14: {  	s2 =	sld [smem:$0x3F98];
	s0 =	simm.s32 @p1 $0x1  }
0x15: {  	[smem:$0x3FB5] =	sst s0;
	s0 =	simm.s32 @!p2 $0x0  }
0x16: {  	s3 =	sld [smem:$0x3FDB];
	s0 =	simm.s32 @p2 $0x1  }
0x17: {  	s4 =	simm.s32 $0x1BF5;
	[smem:$0x3FB7] =	sst s0  }
0x18: {  	s0 =	sld [smem:$0x3F9A];
	_ =	swait.ge [sflag:s4], $0x0  }
0x19: {  	s7 =	sld [smem:$0x3F9B]  }
0x1a: {  	s8 =	sadd.s32 $0xFFFFE003, lr  }
0x1b: {  	s9 =	sadd.s32 $0xFFFFFEF7, lr;
	s5 =	simm.s32 $0xFFFFFFFF;
	p2 =	slt.u32 s8, $0xFFFFF086  }
0x1c: {  	p1 =	slt.u32 s9, $0xF7A;
	s5 =	simm.s32 @!p2 $0x0  }
0x1d: {  	s5 =	simm.s32 @p1 $0x1;
	p0 =	seq.s32 s7, s2  }
0x1e: {  	s7 =	smul.u32 @!p0 $0xF7A, s2;
	p2 =	seq.s32 @!p0 s5, $0x0  }
0x1f: {  	s9 =	smul.u32 $0xF7A, s1;
	s8 =	simm.s32 @!p0 $0x1BF5;
	p2 =	por !p2, p0  }
0x20: {  	[sflag:s8] =	ssyncset.s32 @!p0 $0xFFFFF086;
	s6 =	sadd.s32 @!p0 s3, s7;
	s7 =	simm.s32 @!p0 $0x108  }
0x21: {  	s3 =	sadd.s32 s3, s9;
	s6 =	sadd.s32 @!p0 $0x88, s6;
	s7 =	simm.s32 @p2 $0x1082  }
0x22: {  	[simem:s7], [sflag:s8] =	dma.local @!p0 [hbm:s6], $0xF7A  }
0x23: {  	s9 =	sor.u32 $0xD0000000, s2;
	s6 =	simm.s32 $0x108;
	_ =	swait.ge @!p0 [sflag:s8], $0x0  }
0x24: {  	s3 =	sadd.s32 $0x88, s3;
	s6 =	simm.s32 @!p1 $0x1082;
	[sflag:s4] =	ssyncset.s32 $0xFFFFF086  }
0x25: {  	[simem:s6], [sflag:s4] =	dma.local [hbm:s3], $0xF7A  }
0x26: {  	[smem:$0x3F9B] =	sst s1;
	(tag) =	ssettag s2;
	_ =	strace s9  }
0x27: {  	s1 =	sld [smem:$0x3FAB]  }
0x28: {  	s2 =	sld [smem:$0x3FAC]  }
0x29: {  	s4 =	sld [smem:$0x3FAE]  }
0x2a: {  	p0 =	seq.s32 s5, $0x0;
	s5 =	sld [smem:$0x3FAF]  }
0x2b: {  	s6 =	sld [smem:$0x3FB0]  }
0x2c: {  	s7 =	sld [smem:$0x3FB1]  }
0x2d: {  	s3 =	simm.s32 $0x108;
	s8 =	sld [smem:$0x3FB2]  }
0x2e: {  	s3 =	simm.s32 @!p0 $0x1082;
	s9 =	sld [smem:$0x3FB3]  }
0x2f: {  	lr =	sadd.s32 s0, s3;
	s0 =	sld [smem:$0x3FAA]  }
0x30: {  	s3 =	sld [smem:$0x3FAD]  }
0x31: {  	[smem:$0x3FB6] =	sst s10  }
0x32: {  	s10 =	sld [smem:$0x3FB4];
	_ =	sdelay $0x3  }
0x33: {  	p0 =	seq.s32 s10, $0x1;
	s10 =	sld [smem:$0x3FB6];
	_ =	sdelay $0x3  }
0x34: {  	[smem:$0x3FB6] =	sst s10  }
0x35: {  	s10 =	sld [smem:$0x3FB5];
	_ =	sdelay $0x3  }
0x36: {  	p1 =	seq.s32 s10, $0x1;
	s10 =	sld [smem:$0x3FB6];
	_ =	sdelay $0x3  }
0x37: {  	[smem:$0x3FB6] =	sst s10  }
0x38: {  	s10 =	sld [smem:$0x3FB7]  }
0x39: {  	_ = 	snop;
	(pc) =	sbr.ind lr, $3  }
0x3a: {  	_ = 	snop  }
0x3b: {  	_ = 	snop  }
0x3c: {  	p2 =	seq.s32 s10, $0x1;
	s10 =	sld [smem:$0x3FB6]  }
0x3d: {  	_ =	shalt  }
0x3e: {  	_ =	shalt  }
0x3f: {  	_ =	shalt  }
0x40: {  	_ =	shalt  }
0x41: {  	_ =	shalt  }
0x42: {  	_ =	shalt  }
0x43: {  	_ =	shalt  }
0x44: {  	_ =	shalt  }
0x45: {  	_ =	shalt  }
0x46: {  	_ =	shalt  }
0x47: {  	_ =	shalt  }
0x48: {  	_ =	shalt  }
0x49: {  	_ =	shalt  }
0x4a: {  	_ =	shalt  }
0x4b: {  	_ =	shalt  }
0x4c: {  	_ =	shalt  }
0x4d: {  	_ =	shalt  }
0x4e: {  	_ =	shalt  }
0x4f: {  	_ =	shalt  }
0x50: {  	_ =	shalt  }
0x51: {  	_ =	shalt  }
0x52: {  	_ =	shalt  }
0x53: {  	_ =	shalt  }
0x54: {  	_ =	shalt  }
0x55: {  	_ =	shalt  }
0x56: {  	_ =	shalt  }
0x57: {  	_ =	shalt  }
0x58: {  	_ =	shalt  }
0x59: {  	_ =	shalt  }
0x5a: {  	_ =	shalt  }
0x5b: {  	_ =	shalt  }
0x5c: {  	_ =	shalt  }
0x5d: {  	_ =	shalt  }
0x5e: {  	_ =	shalt  }
0x5f: {  	_ =	shalt  }
0x60: {  	_ =	shalt  }
0x61: {  	_ =	shalt  }
0x62: {  	_ =	shalt  }
0x63: {  	_ =	shalt  }
0x64: {  	_ =	shalt  }
0x65: {  	_ =	shalt  }
0x66: {  	_ =	shalt  }
0x67: {  	_ =	shalt  }
0x68: {  	_ =	shalt  }
0x69: {  	_ =	shalt  }
0x6a: {  	_ =	shalt  }
0x6b: {  	_ =	shalt  }
0x6c: {  	_ =	shalt  }
0x6d: {  	_ =	shalt  }
0x6e: {  	_ =	shalt  }
0x6f: {  	_ =	shalt  }
0x70: {  	_ =	shalt  }
0x71: {  	_ =	shalt  }
0x72: {  	_ =	shalt  }
0x73: {  	_ =	shalt  }
0x74: {  	_ =	shalt  }
0x75: {  	_ =	shalt  }
0x76: {  	_ =	shalt  }
0x77: {  	_ =	shalt  }
0x78: {  	_ =	shalt  }
0x79: {  	_ =	shalt  }
0x7a: {  	_ =	shalt  }
0x7b: {  	_ =	shalt  }
0x7c: {  	_ =	shalt  }
0x7d: {  	_ =	shalt  }
0x7e: {  	_ =	shalt  }
0x7f: {  	_ =	shalt  }
0x80: {  	_ =	shalt  }
0x81: {  	_ =	shalt  }
0x82: {  	_ =	shalt  }
0x83: {  	_ =	shalt  }
0x84: {  	_ =	shalt  }
0x85: {  	_ =	shalt  }
0x86: {  	_ =	shalt  }
0x87: {  	_ =	shalt  }
.Lfunc_end0:
.L_simem_size_0:
called_computation.1_lowered:
.L_overlay_start_0:
0x88: {  	s2 =	sld [smem:$0x3FD9]  }
0x89: {  	s3 =	sld [smem:$0x3FFE];
	_ =	sdelay $0x1  }
0x8a: {  	s1 =	srdreg.scid  }
0x8b: {  	s0 =	sand.u32 $0x1, s1  }
0x8c: {  	s17 =	sshll.u32 s0, $0xA;
	s2 =	sadd.s32 s3, s2  }
0x8d: {  	s2 =	sadd.s32 s2, s17  }
0x8e: {  	[smem:$0x3FC2] =	sst s2  }
0x8f: {  	_ = 	snop  }
0x90: {  	s2 =	sld [smem:$0x3FD0];
	(tm) =	ssettm $0x1  }
0x91: {  	s18 =	sld [smem:$0x3FFB];
	_ =	sdelay $0x3  }
0x92: {  	_ =	strace s18  }
0x93: {  	s3 =	sld [smem:$0x3FFC];
	_ =	sdelay $0x3  }
0x94: {  	_ =	strace s3  }
0x95: {  	s3 =	sld [smem:$0x3FFD];
	_ =	sdelay $0x3  }
0x96: {  	_ =	strace s3  }
0x97: {  	_ =	strace $0x8FFFFFFF  }
0x98: {  	s19 =	sld [smem:$0x3FDB];
	_ =	sdelay $0x1  }
0x99: {  	s4 =	simm.s32 $_scs_section_size  }
0x9a: {  	s5 =	simm.s32 $_size__tile_overlayer_lowered;
	s6 =	simm.s32 $_tile_overlayer_lowered  }
0x9b: {  	s22 =	simm.s32 $0x1BFF;
	s21 =	sshll.u32 s6, $0x1;
	s3 =	sadd.s32 s4, s19  }
0x9c: {  	s7 =	simm.s32 $0x0;
	s20 =	sshll.u32 s5, $0x1;
	s5 =	sadd.s32 s21, s3  }
0x9d: {  	[timem:s7], [sflag:s22] =	dma.local [hbm:s5], s20  }
0x9e: {  	_ =	swait.ge [sflag:s22], s20  }
0x9f: {  	s4 =	ssub.s32 $0x0, s20;
	[sflag:s22] =	ssyncset.done $0x0  }
0xa0: {  	[sflag:s22] =	ssyncadd.s32 s4;
	_ =	sdelay $0x1  }
0xa1: {  	s23 =	simm.s32 $0x1B8B  }
0xa2: {  	_ =	swait.ge [sflag:s23], $0x1  }
0xa3: {  	[sflag:s23] =	ssyncset.done $0x0  }
0xa4: {  	s25 =	simm.s32 $0x1B8E;
	s24 =	sld [smem:$0x3FFE];
	[sflag:s23] =	ssyncadd.s32 $0xFFFFFFFF  }
0xa5: {  	s26 =	simm.s32 $execute0_lowered;
	[smem:$0x3FD2] =	sst s25  }
0xa6: {  	s5 =	sshll.u32 s26, $0x1;
	_ =	strace $0x80000049;
	[dreg:$0x1] =	wrdreg $0xFFFFFFFF  }
0xa7: {  	s28 =	simm.s32 $_size_execute0_lowered;
	s3 =	sadd.s32 s3, s5;
	[dreg:$0x0] =	wrdreg $0x0  }
0xa8: {  	s5 =	sshll.u32 s28, $0x1;
	[dreg:$0x2] =	wrdreg s3  }
0xa9: {  	[dreg:$0x3] =	wrdreg s5  }
0xaa: {  	[dreg:$0x4] =	wrdreg $0xC0  }
0xab: {  	_ =	task [dreg:s7], $0x5FFFF  }
0xac: {  	[dreg:$0x1] =	wrdreg $0xFFFFFFFF  }
0xad: {  	[dreg:$0x0] =	wrdreg $0x60  }
0xae: {  	[dreg:$0x2] =	wrdreg s2  }
0xaf: {  	[dreg:$0x3] =	wrdreg s24  }
0xb0: {  	[dreg:$0x4] =	wrdreg $0x1B9000  }
0xb1: {  	[dreg:$0x5] =	wrdreg $0x9  }
0xb2: {  	_ =	task.clear_ibuf [dreg:s7], $0x6FFFF;
	_ =	strace $0x90000049  }
0xb3: {  	s29 =	simm.s32 $0x9;
	_ =	strace $0x8000004B  }
0xb4: {  	_ =	swait.ge [sflag:s29], $0x1  }
0xb5: {  	[sflag:s29] =	ssyncadd.s32 $0xFFFFFFFF  }
0xb6: {  	_ =	strace $0x9000004B  }
0xb7: {  	_ =	sfence  }
0xb8: {  	s30 =	sld [smem:$0x0];
	_ =	sdelay $0x2  }
0xb9: {  	s31 =	sshll.u32 s1, $0xD;
	s1 =	sshrl.u32 s1, $0x2  }
0xba: {  	s3 =	sand.u32 $0x4000, s31;
	s1 =	sadd.s32 s1, s30  }
0xbb: {  	s0 =	sor.u32 s3, s0;
	s1 =	sshll.u32 s1, $0x11  }
0xbc: {  	s0 =	sor.u32 s1, s0  }
0xbd: {  	s0 =	sadd.s32 $0x8F2B, s0  }
0xbe: {  	[sflag:s0] =	ssyncadd.remote.s32 $0x1  }
0xbf: {  	_ =	sfence.sel $0xFFFF  }
0xc0: {  	[dreg:$0x0] =	wrdreg $0xFFFFFFFF;
	(pc) =	sbr.abs _section_cstart, $3  }
0xc1: {  	[dreg:$0x1] =	wrdreg $0xFFFFFFFF  }
0xc2: {  	_ =	task.clear_ibuf [dreg:s7], $0x2FFFF;
	_ =	strace $0x9FFFFFFF  }
0xc3: {  	(tm) =	ssettm $0x7FFFFFFF  }
tec
execute0_lowered:
.L_overlay_start_1:
0x0: {  	(tag) =	ssettag $0x1  }
0x1: {  	s0 =	rddreg [dreg:$0x0]  }
0x2: {  	s1 =	rddreg [dreg:$0x1]  }
0x3: {  	s2 =	rddreg [dreg:$0x2];
	s13 =	stileid.u32  }
0x4: {  	s3 =	simm.s32 $0x0;
	s4 =	srdreg.scid;
	s12 =	smul.u32 $0x500, s13  }
0x5: {  	s15 =	simm.s32 $0xF100;
	s16 =	simm.s32 $0x80;
	s5 =	smul.u32 $0x9D0, s13  }
0x6: {  	s31 =	simm.s32 $0x1;
	s17 =	sand.u32 $0x1, s4;
	s13 =	smul.u32 $0x3C00, s13  }
0x7: {  	[smem:$0x7FF] =	sst s3;
	s29 =	sadd.s32 $0x6E00, s1;
	s9 =	smul.u32 $0x7800, s17  }
0x8: {  	_ =	strace $0x8000004A;
	s28 =	smul.u32 $0x5000, s17;
	s8 =	ssub.s32 $0x2, s17  }
0x9: {  	[dreg:$0x4] =	wrdreg s29;
	p0 =	seq.s32 s17, $0x0;
	s7 =	sadd.s32 s12, s1  }
0xa: {  	s6 =	sadd.s32 s5, s1;
	s11 =	sshrl.u32 s8, $0x1;
	s30 =	sshrl.u32 s13, $0x3  }
0xb: {  	s10 =	sadd.s32 s9, s1;
	s1 =	sadd.s32 s28, s1;
	s11 =	ssub.s32 s8, s11  }
0xc: {  	s5 =	sadd.s32 $0x17200, s6;
	s6 =	sadd.s32 $0xD400, s6;
	s7 =	sadd.s32 $0x1E00, s7  }
0xd: {  	s8 =	sadd.s32 s13, s2;
	s9 =	sadd.s32 s0, s9;
	s13 =	simm.s32 $0x15500  }
0xe: {  	s0 =	simm.s32 $0x2;
	s18 =	sadd.s32 $0x21000, s10;
	s1 =	sadd.s32 $0x30000, s1  }
0xf: {  	s10 =	smax.u32 s11, $0x1;
	s11 =	simm.s32 $0x3;
	s14 =	sadd.s32 s30, s9  }
0x10: {  	s22 =	sadd.s32 s30, s18;
	s24 =	sadd.s32 s12, s1;
	s12 =	simm.s32 $0x0  }
.LBB2_1:
0x11: {  	[tilespmem:s3], [sflag:$0x3] =	stream.linear.gather [hbm4b:s5+s3], $0x4E80, $0x38;
	[tilespmem:$0x1F500] =	vst v63  }
0x12: {  	_ =	swait.ge [sflag:s11], $0x4E80  }
0x13: {  	[sflag:s11] =	ssyncset.done $0x0  }
0x14: {  	s17 =	simm.s32 $0x4E80;
	[sflag:s11] =	ssyncadd.s32 $0xFFFFB180  }
0x15: {  	[tilespmem:s17], [sflag:$0x3] =	stream.linear.gather [hbm4b:s6+s3], $0x4E80, $0x38;
	[tilespmem:$0x1F500] =	vst v63  }
0x16: {  	_ =	swait.ge [sflag:s11], $0x4E80  }
0x17: {  	[sflag:s11] =	ssyncset.done $0x0  }
0x18: {  	s1 =	simm.s32 $0x12D00;
	[sflag:s11] =	ssyncadd.s32 $0xFFFFB180  }
0x19: {  	[tilespmem:s1], [sflag:$0x3] =	stream.linear.gather [hbm4b:s7+s3], $0x2800, $0x38;
	[tilespmem:$0x1F500] =	vst v63  }
0x1a: {  	_ =	swait.ge [sflag:s11], $0x2800  }
0x1b: {  	[sflag:s11] =	ssyncset.done $0x0  }
0x1c: {  	s29 =	rddreg [dreg:$0x4];
	[sflag:s11] =	ssyncadd.s32 $0xFFFFD800  }
0x1d: {  	[tilespmem:s13], [sflag:$0x3] =	stream.linear.gather [hbm4b:s29+s3], $0x3C00, $0x38;
	[tilespmem:$0x1F500] =	vst v63  }
0x1e: {  	_ =	swait.ge [sflag:s11], $0x3C00  }
0x1f: {  	[sflag:s11] =	ssyncset.done $0x0  }
0x20: {  	[sflag:s11] =	ssyncadd.s32 $0xFFFFC400  }
0x21: {  	[spmem:s8] =	stream.linear.scatter [tilespmem:s13], [sflag:$0x3], $0x3C00, $0x38;
	[tilespmem:$0x1F500] =	vst v63  }
0x22: {  	_ =	swait.ge [sflag:s11], $0x3C00  }
0x23: {  	[sflag:s11] =	ssyncset.done $0x0  }
0x24: {  	[sflag:s11] =	ssyncadd.s32 $0xFFFFC400  }
0x25: {  	[tilespmem:s15], [sflag:$0x3] =	stream.linear.gather [hbm4b:s14+s3], $0x3C00, $0x38;
	[tilespmem:$0x1F500] =	vst v63  }
0x26: {  	_ =	swait.ge [sflag:s11], $0x3C00  }
0x27: {  	[sflag:s11] =	ssyncset.done $0x0  }
0x28: {  	[sflag:s11] =	ssyncadd.s32 $0xFFFFC400  }
0x29: {  	s30 =	simm.s32 $0x9D00;
	[bflag:$0x0] =	sbarrier.arrive $0xFFFF  }
0x2a: {  	[tilespmem:s30], [sflag:$0x1] =	stream.indirect.gather [hbm4b:s9+s16], $0x18, s3, s16, $0xb8;
	[tilespmem:$0x1F500] =	vst v63  }
0x2b: {  	s4 =	simm.s32 $0xA900  }
0x2c: {  	[tilespmem:s4], [sflag:$0x1] =	stream.indirect.gather [hbm4b:s9+s16], $0x18, s16, s16, $0xb8;
	[tilespmem:$0x1F500] =	vst v63  }
0x2d: {  	s18 =	simm.s32 $0x100;
	s4 =	simm.s32 $0xB500  }
0x2e: {  	[tilespmem:s4], [sflag:$0x1] =	stream.indirect.gather [hbm4b:s9+s16], $0x18, s18, s16, $0xb8;
	[tilespmem:$0x1F500] =	vst v63  }
0x2f: {  	s19 =	simm.s32 $0x180;
	s18 =	simm.s32 $0x0  }
0x30: {  	s20 =	simm.s32 $0xC100;
	s21 =	simm.s32 $0x200;
	s18 =	smul.u32 $0x25, s18  }
0x31: {  	[tilespmem:s20], [sflag:$0x1] =	stream.indirect.gather [hbm4b:s9+s16], $0x18, s19, s16, $0xb8;
	[tilespmem:$0x1F500] =	vst v63  }
0x32: {  	s23 =	simm.s32 $0xCD00;
	s25 =	simm.s32 $0xD900;
	s18 =	sshrl.u32 s18, $0x8  }
0x33: {  	[tilespmem:s23], [sflag:$0x1] =	stream.indirect.gather [hbm4b:s9+s16], $0x18, s21, s16, $0xb8;
	[tilespmem:$0x1F500] =	vst v63  }
0x34: {  	s26 =	simm.s32 $0x300;
	p2 =	por $0x1, $0x1;
	s20 =	ssub.s32 $0x0, s18  }
0x35: {  	p1 =	por @!p2 $0x0, $0x0;
	s19 =	simm.s32 $0x280;
	s20 =	sand.u32 $0xFE, s20  }
0x36: {  	[tilespmem:s25], [sflag:$0x1] =	stream.indirect.gather [hbm4b:s9+s16], $0x18, s19, s16, $0xb8;
	[tilespmem:$0x1F500] =	vst v63  }
0x37: {  	p1 =	por p1, p2;
	s21 =	simm.s32 $0x5;
	s20 =	sshrl.u32 s20, $0x1  }
0x38: {  	s28 =	simm.s32 $0xE500;
	s21 =	smul.u32 @!p1 $0x25, s21;
	s18 =	sadd.s32 s18, s20  }
0x39: {  	[tilespmem:s28], [sflag:$0x1] =	stream.indirect.gather [hbm4b:s9+s16], $0x18, s26, s16, $0xb8;
	[tilespmem:$0x1F500] =	vst v63  }
0x3a: {  	s20 =	sshrl.u32 @!p1 s21, $0x8;
	s18 =	sand.u32 $0xFC, s18  }
0x3b: {  	s21 =	ssub.s32 @!p1 $0x5, s20;
	s18 =	sshrl.u32 s18, $0x2  }
0x3c: {  	s21 =	sand.u32 @!p1 $0xFE, s21;
	s18 =	smul.u32 $0x7, s18  }
0x3d: {  	s21 =	sshrl.u32 @!p1 s21, $0x1  }
0x3e: {  	p3 =	por $0x1, $0x1;
	s20 =	sadd.s32 @!p1 s20, s21;
	s18 =	ssub.s32 $0x0, s18  }
0x3f: {  	p6 =	por @!p3 $0x0, $0x0;
	s20 =	sand.u32 @!p1 $0xFC, s20;
	s29 =	sand.u32 $0xFF, s18  }
0x40: {  	_ =	swait.ge [sflag:s31], $0xC00;
	s20 =	sshrl.u32 @!p1 s20, $0x2;
	s21 =	smul.u32 $0x3000, s29  }
0x41: {  	p2 =	por p2, p2;
	[sflag:s31] =	ssyncset.done $0x0;
	s25 =	smul.u32 @!p1 $0x7, s20  }
0x42: {  	s23 =	simm.s32 $0x7;
	[sflag:s31] =	ssyncadd.s32 $0xFFFFF400;
	s18 =	simm.s32 $0x6  }
0x43: {  	s30 =	sshrl.u32 s21, $0x2;
	s21 =	simm.s32 $0x1;
	s25 =	ssub.s32 @!p1 $0x5, s25  }
0x44: {  	s20 =	sadd.s32 $0x9D00, s30;
	s28 =	smul.u32 $0x25, s21;
	s26 =	sand.u32 @!p1 $0xFF, s25  }
0x45: {  	[spmem:s2] =	stream.indirect.scatter.add.f32 [tilespmem:s20], [sflag:$0x2], $0x18, s17, s16, $0xb8;
	[tilespmem:$0x1F500] =	vst v63  }
0x46: {  	s17 =	simm.s32 $0x300;
	s20 =	simm.s32 $0x4F00;
	s25 =	sshrl.u32 s28, $0x8  }
.LBB2_2:
0x47: {  	s28 =	ssub.s32 s21, s25;
	s26 =	smul.u32 @!p1 $0x3000, s26;
	s29 =	smov.u32 s18  }
0x48: {  	s18 =	smov.u32 s23;
	s30 =	smov.u32 s19;
	p5 =	por p1, p1  }
0x49: {  	p1 =	por p6, p3;
	p6 =	por p2, p2;
	p2 =	por p3, p3  }
0x4a: {  	s23 =	sadd.s32 $0x1, s23;
	s19 =	sand.u32 $0xFE, s28;
	s28 =	smul.u32 @!p1 $0x25, s29  }
0x4b: {  	p4 =	sne.s32 s23, $0xA2;
	s19 =	sshrl.u32 s19, $0x1;
	s26 =	sshrl.u32 @!p5 s26, $0x2  }
0x4c: {  	s19 =	sadd.s32 s25, s19;
	s25 =	sshrl.u32 @!p1 s28, $0x8;
	s26 =	sadd.s32 @!p5 $0x9D00, s26  }
0x4d: {  	s28 =	sand.u32 $0xFC, s19;
	s1 =	ssub.s32 @!p1 s29, s25;
	s19 =	smov.u32 s17  }
0x4e: {  	s4 =	smov.u32 s20;
	s28 =	sshrl.u32 s28, $0x2;
	s1 =	sand.u32 @!p1 $0xFE, s1  }
0x4f: {  	s28 =	smul.u32 $0x7, s28;
	s1 =	sshrl.u32 @!p1 s1, $0x1  }
0x50: {  	s20 =	sadd.s32 $0x80, s20;
	s1 =	sadd.s32 @!p1 s25, s1;
	s25 =	simm.s32 @!p6 $0x2  }
0x51: {  	s21 =	ssub.s32 s21, s28;
	s1 =	sand.u32 @!p1 $0xFC, s1;
	_ =	swait.ge @!p6 [sflag:s25], $0xC00  }
0x52: {  	s21 =	sand.u32 $0xFF, s21;
	s1 =	sshrl.u32 @!p1 s1, $0x2;
	[sflag:s25] =	ssyncset.done @!p6 $0x0  }
0x53: {  	s1 =	smul.u32 @!p1 $0x7, s1;
	[sflag:s25] =	ssyncadd.s32 @!p6 $0xFFFFF400;
	s25 =	simm.s32 @!p5 $0x80  }
0x54: {  	[tilespmem:s26], [sflag:$0x1] =	stream.indirect.gather @!p5 [hbm4b:s9+s25], $0x18, s30, s25, $0xb8;
	[tilespmem:$0x1F500] =	vst v63  }
0x55: {  	s17 =	sadd.s32 $0x80, s17;
	s25 =	smul.u32 $0x3000, s21;
	s21 =	sadd.s32 $0xFFFFFFFB, s18  }
.Ltmp0:
0x56: {  	s1 =	ssub.s32 @!p1 s29, s1;
	_ =	swait.ge [sflag:s31], $0xC00;
	(pc) =	sbr.rel @p4 .LBB2_2-.Ltmp0, $4  }
0x57: {  	s28 =	smul.u32 $0x25, s21;
	p3 =	slt.u32 s21, $0x2;
	[sflag:s31] =	ssyncset.done $0x0  }
0x58: {  	p6 =	sgt.u32 @!p3 s21, $0x97;
	s29 =	sshrl.u32 s25, $0x2;
	s26 =	sand.u32 @!p1 $0xFF, s1  }
0x59: {  	s25 =	sshrl.u32 s28, $0x8;
	s1 =	sadd.s32 $0x9D00, s29;
	[sflag:s31] =	ssyncadd.s32 $0xFFFFF400  }
0x5a: {  	[spmem:s2] =	stream.indirect.scatter.add.f32 [tilespmem:s1], [sflag:$0x2], $0x18, s4, s16, $0xb8;
	[tilespmem:$0x1F500] =	vst v63  }
0x5b: {  	s1 =	ssub.s32 s21, s25  }
0x5c: {  	p4 =	por p6, p3;
	s23 =	smul.u32 @!p1 $0x3000, s26;
	s1 =	sand.u32 $0xFE, s1  }
0x5d: {  	s4 =	smul.u32 @!p4 $0x25, s18;
	s1 =	sshrl.u32 s1, $0x1  }
0x5e: {  	p1 =	por p1, p1;
	p2 =	por p2, p2;
	s1 =	sadd.s32 s25, s1  }
0x5f: {  	s26 =	simm.s32 @!p2 $0x2;
	s4 =	sshrl.u32 @!p4 s4, $0x8;
	s1 =	sand.u32 $0xFC, s1  }
0x60: {  	s23 =	sshrl.u32 @!p1 s23, $0x2;
	s25 =	ssub.s32 @!p4 s18, s4;
	s1 =	sshrl.u32 s1, $0x2  }
0x61: {  	_ =	swait.ge @!p2 [sflag:s26], $0xC00;
	s25 =	sand.u32 @!p4 $0xFE, s25;
	s1 =	smul.u32 $0x7, s1  }
0x62: {  	s23 =	sadd.s32 @!p1 $0x9D00, s23;
	[sflag:s26] =	ssyncset.done @!p2 $0x0;
	s25 =	sshrl.u32 @!p4 s25, $0x1  }
0x63: {  	[sflag:s26] =	ssyncadd.s32 @!p2 $0xFFFFF400;
	s4 =	sadd.s32 @!p4 s4, s25;
	s1 =	ssub.s32 s21, s1  }
0x64: {  	s4 =	sand.u32 @!p4 $0xFC, s4;
	s21 =	simm.s32 @!p1 $0x80;
	s1 =	sand.u32 $0xFF, s1  }
0x65: {  	[tilespmem:s23], [sflag:$0x1] =	stream.indirect.gather @!p1 [hbm4b:s9+s21], $0x18, s19, s21, $0xb8;
	[tilespmem:$0x1F500] =	vst v63  }
0x66: {  	s4 =	sshrl.u32 @!p4 s4, $0x2;
	s1 =	smul.u32 $0x3000, s1  }
0x67: {  	s4 =	smul.u32 @!p4 $0x7, s4;
	_ =	swait.ge [sflag:s31], $0xC00  }
0x68: {  	p6 =	por p3, p3;
	[sflag:s31] =	ssyncset.done $0x0;
	s1 =	sshrl.u32 s1, $0x2  }
0x69: {  	s4 =	ssub.s32 @!p4 s18, s4;
	[sflag:s31] =	ssyncadd.s32 $0xFFFFF400;
	s1 =	sadd.s32 $0x9D00, s1  }
0x6a: {  	[spmem:s2] =	stream.indirect.scatter.add.f32 [tilespmem:s1], [sflag:$0x2], $0x18, s20, s16, $0xb8;
	[tilespmem:$0x1F500] =	vst v63  }
0x6b: {  	p1 =	por p6, p6;
	s1 =	sand.u32 @!p4 $0xFF, s4  }
0x6c: {  	s4 =	simm.s32 @!p1 $0x2;
	s1 =	smul.u32 @!p4 $0x3000, s1  }
0x6d: {  	p2 =	por p4, p4;
	_ =	swait.ge @!p1 [sflag:s4], $0xC00  }
0x6e: {  	[sflag:s4] =	ssyncset.done @!p1 $0x0;
	s1 =	sshrl.u32 @!p2 s1, $0x2  }
0x6f: {  	[sflag:s4] =	ssyncadd.s32 @!p1 $0xFFFFF400;
	s4 =	simm.s32 @!p2 $0x80;
	s1 =	sadd.s32 @!p2 $0x9D00, s1  }
0x70: {  	[tilespmem:s1], [sflag:$0x1] =	stream.indirect.gather @!p2 [hbm4b:s9+s4], $0x18, s17, s4, $0xb8;
	[tilespmem:$0x1F500] =	vst v63  }
0x71: {  	_ =	swait.ge [sflag:s0], $0xC00  }
0x72: {  	[sflag:s0] =	ssyncset.done $0x0  }
0x73: {  	[sflag:s0] =	ssyncadd.s32 $0xFFFFF400  }
0x74: {  	_ =	swait.ge [sflag:s0], $0xC00  }
0x75: {  	[sflag:s0] =	ssyncset.done $0x0  }
0x76: {  	[sflag:s0] =	ssyncadd.s32 $0xFFFFF400  }
0x77: {  	[bflag:$0x0] =	sbarrier.arrive $0xFFFF  }
0x78: {  	[tilespmem:s13], [sflag:$0x3] =	stream.linear.gather [spmem:s8], $0x3C00, $0x38;
	[tilespmem:$0x1F500] =	vst v63  }
0x79: {  	_ =	swait.ge [sflag:s11], $0x3C00  }
0x7a: {  	[sflag:s11] =	ssyncset.done $0x0  }
0x7b: {  	s17 =	simm.s32 $0x0;
	[sflag:s11] =	ssyncadd.s32 $0xFFFFC400  }
0x7c: {  	s19 =	simm.s32 $0x15508;
	v0 =	vld [tilespmem:s17+$0x12D00]  }
0x7d: {  	v1 =	vld [tilespmem:s19+$0xFFFFFFF8]  }
0x7e: {  	s18 =	simm.s32 $0xF108;
	s20 =	simm.s32 $0x40;
	v2 =	vld [tilespmem:s19+$0x0]  }
.LBB2_4:
0x7f: {  	p1 =	sne.s32 s20, $0x9FC0;
	v3 =	vld [tilespmem:s18+$0xFFFFFFF8]  }
0x80: {  	v4 =	vld [tilespmem:s18+$0x0];
	_ =	sdelay $0x1  }
0x81: {  	v1 =	vmul.f32 v1, v0  }
0x82: {  	v0 =	vmul.f32 v2, v0  }
0x83: {  	v2 =	vsub.f32 v3, v1  }
0x84: {  	v3 =	vsub.f32 v4, v0  }
0x85: {  	v1 =	vpsel p0, v2, v1  }
.Ltmp1:
0x86: {  	v2 =	vpsel p0, v3, v0;
	[tilespmem:s18+$0xFFFFFFF8] =	vst v1;
	(pc) =	sbr.rel @p1 .LBB2_4-.Ltmp1, $4  }
0x87: {  	s1 =	sshra.s32 s20, $0x2;
	[tilespmem:s18+$0x0] =	vst v2  }
0x88: {  	s19 =	sadd.s32 $0x18, s19;
	v0 =	vld [tilespmem:s1+$0x12D00];
	[tilespmem:s17+$0x19100] =	vst v2;
	s17 =	smov.u32 s1  }
0x89: {  	v1 =	vld [tilespmem:s19+$0xFFFFFFF8]  }
0x8a: {  	s20 =	sadd.s32 $0x40, s20;
	s18 =	sadd.s32 $0x18, s18;
	v2 =	vld [tilespmem:s19+$0x0]  }
0x8b: {  	v3 =	vld [tilespmem:s18+$0xFFFFFFF8]  }
0x8c: {  	v4 =	vld [tilespmem:s18+$0x0];
	_ =	sdelay $0x1  }
0x8d: {  	v1 =	vmul.f32 v1, v0  }
0x8e: {  	v61 =	vmul.f32 v2, v0  }
0x8f: {  	v62 =	vsub.f32 v3, v1  }
0x90: {  	v63 =	vsub.f32 v4, v61  }
0x91: {  	v1 =	vpsel p0, v62, v1  }
0x92: {  	v0 =	vpsel p0, v63, v61;
	[tilespmem:s18+$0xFFFFFFF8] =	vst v1  }
0x93: {  	[tilespmem:s18+$0x0] =	vst v0  }
0x94: {  	[tilespmem:s17+$0x19100] =	vst v0  }
0x95: {  	[hbm4b:s22+s3] =	stream.linear.scatter [tilespmem:s15], [sflag:$0x3], $0x3C00, $0x38;
	[tilespmem:$0x1F500] =	vst v63  }
0x96: {  	s12 =	sadd.s32 $0x1, s12;
	_ =	swait.ge [sflag:s11], $0x3C00  }
0x97: {  	p1 =	sne.s32 s12, s10;
	[sflag:s11] =	ssyncset.done $0x0  }
.Ltmp2:
0x98: {  	s1 =	simm.s32 $0x19100;
	[sflag:s11] =	ssyncadd.s32 $0xFFFFC400;
	(pc) =	sbr.rel @p1 .LBB2_1-.Ltmp2, $4  }
0x99: {  	[hbm4b:s24+s3] =	stream.linear.scatter [tilespmem:s1], [sflag:$0x3], $0x2800, $0x38;
	[tilespmem:$0x1F500] =	vst v63  }
0x9a: {  	_ =	swait.ge [sflag:s11], $0x2800  }
0x9b: {  	[sflag:s11] =	ssyncset.done $0x0  }
0x9c: {  	[sflag:s11] =	ssyncadd.s32 $0xFFFFD800  }
0x9d: {  	_ =	sfence.sel $0x180000  }
0x9e: {  	[bflag:$0x0] =	sbarrier.arrive $0xFFFF  }
0x9f: {  	_ =	strace $0x9000004A  }
0xa0: {  	s0 =	stileid.u32;
	[bflag:$0x2] =	sbarrier.arrive $0xFFFF  }
0xa1: {  	p0 =	sne.s32 s0, $0x0;
	s0 =	rddreg [dreg:$0x3]  }
0xa2: {  	s0 =	sadd.s32 @!p0 $0x100000, s0  }
0xa3: {  	[sflag:s0] =	ssyncadd.tile.s32 @!p0 $0x1;
	_ =	shalt  }
.Lfunc_end2:
_tile_overlayer_lowered:
.L_overlay_start_2:
0xa4: {  	(tag) =	ssettag $0x2  }
0xa5: {  	s0 =	rddreg [dreg:$0x0];
	s2 =	stileid.u32  }
0xa6: {  	s1 =	rddreg [dreg:$0x1];
	p0 =	sne.s32 s2, $0x0  }
0xa7: {  	s3 =	rddreg [dreg:$0x2];
	[bflag:$0x3] =	sbarrier.arrive $0xFFFF;
	s2 =	simm.s32 @!p0 $0x1C03  }
0xa8: {  	[timem:s3], [sflag:s2] =	dma.local @!p0 [hbm:s0], s1  }
0xa9: {  	s0 =	simm.s32 @!p0 $0x3  }
0xaa: {  	_ =	swait.ge @!p0 [sflag:s0], s1  }
0xab: {  	s1 =	ssub.s32 @!p0 $0x0, s1;
	[sflag:s0] =	ssyncset.done @!p0 $0x0  }
0xac: {  	[sflag:s0] =	ssyncadd.s32 @!p0 s1  }
0xad: {  	[bflag:$0x3] =	sbarrier.arrive $0xFFFF  }
0xae: {  	_ =	shalt  }

// kernel: kernel.14.cloned.1.call-start
scs
__scs_entry_jumppad:
0x0: {  	(pc) =	sbr.rel $0x88, $3  }
0x1: {  	(tag) =	ssettag $0x0;
	lr =	simm.s32 $0x1  }
0x2: {  	[smem:$0x3F9B] =	sst lr;
	_ =	strace $0xD0000000  }
0x3: {  	_ = 	snop  }
0x4: {  	_ = 	snop  }
0x5: {  	_ = 	snop  }
0x6: {  	_ = 	snop  }
0x7: {  	_ = 	snop  }
__scs_overlays_trampoline_lowered:
0x8: {  	[smem:$0x3FAA] =	sst s0  }
0x9: {  	[smem:$0x3FAB] =	sst s1  }
0xa: {  	[smem:$0x3FAC] =	sst s2  }
0xb: {  	[smem:$0x3FAD] =	sst s3  }
0xc: {  	[smem:$0x3FAE] =	sst s4  }
0xd: {  	[smem:$0x3FAF] =	sst s5  }
0xe: {  	[smem:$0x3FB0] =	sst s6  }
0xf: {  	[smem:$0x3FB1] =	sst s7  }
0x10: {  	[smem:$0x3FB2] =	sst s8  }
0x11: {  	[smem:$0x3FB3] =	sst s9;
	s0 =	simm.s32 @!p0 $0x0  }
0x12: {  	s1 =	sld [smem:$0x3F99];
	s0 =	simm.s32 @p0 $0x1  }
0x13: {  	[smem:$0x3FB4] =	sst s0;
	s0 =	simm.s32 @!p1 $0x0  }
0x14: {  	s2 =	sld [smem:$0x3F98];
	s0 =	simm.s32 @p1 $0x1  }
0x15: {  	[smem:$0x3FB5] =	sst s0;
	s0 =	simm.s32 @!p2 $0x0  }
0x16: {  	s3 =	sld [smem:$0x3FDB];
	s0 =	simm.s32 @p2 $0x1  }
0x17: {  	s4 =	simm.s32 $0x1BF5;
	[smem:$0x3FB7] =	sst s0  }
0x18: {  	s0 =	sld [smem:$0x3F9A];
	_ =	swait.ge [sflag:s4], $0x0  }
0x19: {  	s7 =	sld [smem:$0x3F9B]  }
0x1a: {  	s8 =	sadd.s32 $0xFFFFE003, lr  }
0x1b: {  	s9 =	sadd.s32 $0xFFFFFEF7, lr;
	s5 =	simm.s32 $0xFFFFFFFF;
	p2 =	slt.u32 s8, $0xFFFFF086  }
0x1c: {  	p1 =	slt.u32 s9, $0xF7A;
	s5 =	simm.s32 @!p2 $0x0  }
0x1d: {  	s5 =	simm.s32 @p1 $0x1;
	p0 =	seq.s32 s7, s2  }
0x1e: {  	s7 =	smul.u32 @!p0 $0xF7A, s2;
	p2 =	seq.s32 @!p0 s5, $0x0  }
0x1f: {  	s9 =	smul.u32 $0xF7A, s1;
	s8 =	simm.s32 @!p0 $0x1BF5;
	p2 =	por !p2, p0  }
0x20: {  	[sflag:s8] =	ssyncset.s32 @!p0 $0xFFFFF086;
	s6 =	sadd.s32 @!p0 s3, s7;
	s7 =	simm.s32 @!p0 $0x108  }
0x21: {  	s3 =	sadd.s32 s3, s9;
	s6 =	sadd.s32 @!p0 $0x88, s6;
	s7 =	simm.s32 @p2 $0x1082  }
0x22: {  	[simem:s7], [sflag:s8] =	dma.local @!p0 [hbm:s6], $0xF7A  }
0x23: {  	s9 =	sor.u32 $0xD0000000, s2;
	s6 =	simm.s32 $0x108;
	_ =	swait.ge @!p0 [sflag:s8], $0x0  }
0x24: {  	s3 =	sadd.s32 $0x88, s3;
	s6 =	simm.s32 @!p1 $0x1082;
	[sflag:s4] =	ssyncset.s32 $0xFFFFF086  }
0x25: {  	[simem:s6], [sflag:s4] =	dma.local [hbm:s3], $0xF7A  }
0x26: {  	[smem:$0x3F9B] =	sst s1;
	(tag) =	ssettag s2;
	_ =	strace s9  }
0x27: {  	s1 =	sld [smem:$0x3FAB]  }
0x28: {  	s2 =	sld [smem:$0x3FAC]  }
0x29: {  	s4 =	sld [smem:$0x3FAE]  }
0x2a: {  	p0 =	seq.s32 s5, $0x0;
	s5 =	sld [smem:$0x3FAF]  }
0x2b: {  	s6 =	sld [smem:$0x3FB0]  }
0x2c: {  	s7 =	sld [smem:$0x3FB1]  }
0x2d: {  	s3 =	simm.s32 $0x108;
	s8 =	sld [smem:$0x3FB2]  }
0x2e: {  	s3 =	simm.s32 @!p0 $0x1082;
	s9 =	sld [smem:$0x3FB3]  }
0x2f: {  	lr =	sadd.s32 s0, s3;
	s0 =	sld [smem:$0x3FAA]  }
0x30: {  	s3 =	sld [smem:$0x3FAD]  }
0x31: {  	[smem:$0x3FB6] =	sst s10  }
0x32: {  	s10 =	sld [smem:$0x3FB4];
	_ =	sdelay $0x3  }
0x33: {  	p0 =	seq.s32 s10, $0x1;
	s10 =	sld [smem:$0x3FB6];
	_ =	sdelay $0x3  }
0x34: {  	[smem:$0x3FB6] =	sst s10  }
0x35: {  	s10 =	sld [smem:$0x3FB5];
	_ =	sdelay $0x3  }
0x36: {  	p1 =	seq.s32 s10, $0x1;
	s10 =	sld [smem:$0x3FB6];
	_ =	sdelay $0x3  }
0x37: {  	[smem:$0x3FB6] =	sst s10  }
0x38: {  	s10 =	sld [smem:$0x3FB7]  }
0x39: {  	_ = 	snop;
	(pc) =	sbr.ind lr, $3  }
0x3a: {  	_ = 	snop  }
0x3b: {  	_ = 	snop  }
0x3c: {  	p2 =	seq.s32 s10, $0x1;
	s10 =	sld [smem:$0x3FB6]  }
0x3d: {  	_ =	shalt  }
0x3e: {  	_ =	shalt  }
0x3f: {  	_ =	shalt  }
0x40: {  	_ =	shalt  }
0x41: {  	_ =	shalt  }
0x42: {  	_ =	shalt  }
0x43: {  	_ =	shalt  }
0x44: {  	_ =	shalt  }
0x45: {  	_ =	shalt  }
0x46: {  	_ =	shalt  }
0x47: {  	_ =	shalt  }
0x48: {  	_ =	shalt  }
0x49: {  	_ =	shalt  }
0x4a: {  	_ =	shalt  }
0x4b: {  	_ =	shalt  }
0x4c: {  	_ =	shalt  }
0x4d: {  	_ =	shalt  }
0x4e: {  	_ =	shalt  }
0x4f: {  	_ =	shalt  }
0x50: {  	_ =	shalt  }
0x51: {  	_ =	shalt  }
0x52: {  	_ =	shalt  }
0x53: {  	_ =	shalt  }
0x54: {  	_ =	shalt  }
0x55: {  	_ =	shalt  }
0x56: {  	_ =	shalt  }
0x57: {  	_ =	shalt  }
0x58: {  	_ =	shalt  }
0x59: {  	_ =	shalt  }
0x5a: {  	_ =	shalt  }
0x5b: {  	_ =	shalt  }
0x5c: {  	_ =	shalt  }
0x5d: {  	_ =	shalt  }
0x5e: {  	_ =	shalt  }
0x5f: {  	_ =	shalt  }
0x60: {  	_ =	shalt  }
0x61: {  	_ =	shalt  }
0x62: {  	_ =	shalt  }
0x63: {  	_ =	shalt  }
0x64: {  	_ =	shalt  }
0x65: {  	_ =	shalt  }
0x66: {  	_ =	shalt  }
0x67: {  	_ =	shalt  }
0x68: {  	_ =	shalt  }
0x69: {  	_ =	shalt  }
0x6a: {  	_ =	shalt  }
0x6b: {  	_ =	shalt  }
0x6c: {  	_ =	shalt  }
0x6d: {  	_ =	shalt  }
0x6e: {  	_ =	shalt  }
0x6f: {  	_ =	shalt  }
0x70: {  	_ =	shalt  }
0x71: {  	_ =	shalt  }
0x72: {  	_ =	shalt  }
0x73: {  	_ =	shalt  }
0x74: {  	_ =	shalt  }
0x75: {  	_ =	shalt  }
0x76: {  	_ =	shalt  }
0x77: {  	_ =	shalt  }
0x78: {  	_ =	shalt  }
0x79: {  	_ =	shalt  }
0x7a: {  	_ =	shalt  }
0x7b: {  	_ =	shalt  }
0x7c: {  	_ =	shalt  }
0x7d: {  	_ =	shalt  }
0x7e: {  	_ =	shalt  }
0x7f: {  	_ =	shalt  }
0x80: {  	_ =	shalt  }
0x81: {  	_ =	shalt  }
0x82: {  	_ =	shalt  }
0x83: {  	_ =	shalt  }
0x84: {  	_ =	shalt  }
0x85: {  	_ =	shalt  }
0x86: {  	_ =	shalt  }
0x87: {  	_ =	shalt  }
.Lfunc_end0:
.L_simem_size_0:
called_computation.2_lowered:
.L_overlay_start_0:
0x88: {  	s2 =	sld [smem:$0x3FD9]  }
0x89: {  	s3 =	sld [smem:$0x3FFE];
	_ =	sdelay $0x1  }
0x8a: {  	s1 =	srdreg.scid  }
0x8b: {  	s0 =	sand.u32 $0x1, s1  }
0x8c: {  	s17 =	sshll.u32 s0, $0xA;
	s2 =	sadd.s32 s3, s2  }
0x8d: {  	s2 =	sadd.s32 s2, s17  }
0x8e: {  	[smem:$0x3FC2] =	sst s2  }
0x8f: {  	_ = 	snop  }
0x90: {  	s2 =	sld [smem:$0x3FD0];
	(tm) =	ssettm $0x1  }
0x91: {  	s18 =	sld [smem:$0x3FFB];
	_ =	sdelay $0x3  }
0x92: {  	_ =	strace s18  }
0x93: {  	s3 =	sld [smem:$0x3FFC];
	_ =	sdelay $0x3  }
0x94: {  	_ =	strace s3  }
0x95: {  	s3 =	sld [smem:$0x3FFD];
	_ =	sdelay $0x3  }
0x96: {  	_ =	strace s3  }
0x97: {  	_ =	strace $0x8FFFFFFF  }
0x98: {  	s19 =	sld [smem:$0x3FDB];
	_ =	sdelay $0x1  }
0x99: {  	s4 =	simm.s32 $_scs_section_size  }
0x9a: {  	s5 =	simm.s32 $_size__tile_overlayer_lowered;
	s6 =	simm.s32 $_tile_overlayer_lowered  }
0x9b: {  	s22 =	simm.s32 $0x1BFF;
	s21 =	sshll.u32 s6, $0x1;
	s3 =	sadd.s32 s4, s19  }
0x9c: {  	s7 =	simm.s32 $0x0;
	s20 =	sshll.u32 s5, $0x1;
	s5 =	sadd.s32 s21, s3  }
0x9d: {  	[timem:s7], [sflag:s22] =	dma.local [hbm:s5], s20  }
0x9e: {  	_ =	swait.ge [sflag:s22], s20  }
0x9f: {  	s4 =	ssub.s32 $0x0, s20;
	[sflag:s22] =	ssyncset.done $0x0  }
0xa0: {  	[sflag:s22] =	ssyncadd.s32 s4;
	_ =	sdelay $0x1  }
0xa1: {  	s23 =	simm.s32 $0x1B8B  }
0xa2: {  	_ =	swait.ge [sflag:s23], $0x1  }
0xa3: {  	[sflag:s23] =	ssyncset.done $0x0  }
0xa4: {  	s25 =	simm.s32 $0x1B8E;
	s24 =	sld [smem:$0x3FFE];
	[sflag:s23] =	ssyncadd.s32 $0xFFFFFFFF  }
0xa5: {  	s26 =	simm.s32 $execute0_lowered;
	[smem:$0x3FD2] =	sst s25  }
0xa6: {  	s5 =	sshll.u32 s26, $0x1;
	_ =	strace $0x8000004C;
	[dreg:$0x1] =	wrdreg $0xFFFFFFFF  }
0xa7: {  	s28 =	simm.s32 $_size_execute0_lowered;
	s3 =	sadd.s32 s3, s5;
	[dreg:$0x0] =	wrdreg $0x0  }
0xa8: {  	s5 =	sshll.u32 s28, $0x1;
	[dreg:$0x2] =	wrdreg s3  }
0xa9: {  	[dreg:$0x3] =	wrdreg s5  }
0xaa: {  	[dreg:$0x4] =	wrdreg $0xC0  }
0xab: {  	_ =	task [dreg:s7], $0x5FFFF  }
0xac: {  	[dreg:$0x1] =	wrdreg $0xFFFFFFFF  }
0xad: {  	[dreg:$0x0] =	wrdreg $0x60  }
0xae: {  	[dreg:$0x2] =	wrdreg s24  }
0xaf: {  	[dreg:$0x3] =	wrdreg s2  }
0xb0: {  	[dreg:$0x4] =	wrdreg $0x1B1000  }
0xb1: {  	[dreg:$0x5] =	wrdreg $0x189000  }
0xb2: {  	[dreg:$0x6] =	wrdreg $0x9  }
0xb3: {  	_ =	task.clear_ibuf [dreg:s7], $0x7FFFF;
	_ =	strace $0x9000004C  }
0xb4: {  	s29 =	simm.s32 $0x9;
	_ =	strace $0x8000004E  }
0xb5: {  	_ =	swait.ge [sflag:s29], $0x1  }
0xb6: {  	[sflag:s29] =	ssyncadd.s32 $0xFFFFFFFF  }
0xb7: {  	_ =	strace $0x9000004E  }
0xb8: {  	_ =	sfence  }
0xb9: {  	s30 =	sld [smem:$0x0];
	_ =	sdelay $0x2  }
0xba: {  	s31 =	sshll.u32 s1, $0xD;
	s1 =	sshrl.u32 s1, $0x2  }
0xbb: {  	s3 =	sand.u32 $0x4000, s31;
	s1 =	sadd.s32 s1, s30  }
0xbc: {  	s0 =	sor.u32 s3, s0;
	s1 =	sshll.u32 s1, $0x11  }
0xbd: {  	s0 =	sor.u32 s1, s0  }
0xbe: {  	s0 =	sadd.s32 $0x8F2B, s0  }
0xbf: {  	[sflag:s0] =	ssyncadd.remote.s32 $0x1  }
0xc0: {  	_ =	sfence.sel $0xFFFF  }
0xc1: {  	[dreg:$0x0] =	wrdreg $0xFFFFFFFF;
	(pc) =	sbr.abs _section_cstart, $3  }
0xc2: {  	[dreg:$0x1] =	wrdreg $0xFFFFFFFF  }
0xc3: {  	_ =	task.clear_ibuf [dreg:s7], $0x2FFFF;
	_ =	strace $0x9FFFFFFF  }
0xc4: {  	(tm) =	ssettm $0x7FFFFFFF  }
0xc5: {  	_ =	shalt  }
tec
execute0_lowered:
.L_overlay_start_1:
0x0: {  	(tag) =	ssettag $0x1  }
0x1: {  	s0 =	rddreg [dreg:$0x0]  }
0x2: {  	s2 =	rddreg [dreg:$0x2]  }
0x3: {  	s3 =	rddreg [dreg:$0x3];
	s1 =	srdreg.scid  }
0x4: {  	s5 =	simm.s32 $0x0;
	s12 =	stileid.u32;
	s13 =	simm.s32 $0x3  }
0x5: {  	s15 =	simm.s32 $0x13900;
	s18 =	simm.s32 $0x80;
	s6 =	smul.u32 $0x2800, s12  }
0x6: {  	s28 =	simm.s32 $0xBD00;
	s29 =	simm.s32 $0xC500;
	s7 =	smul.u32 $0x9D0, s12  }
0x7: {  	s30 =	simm.s32 $0x300;
	s1 =	sand.u32 $0x1, s1;
	s23 =	smul.u32 $0x780, s12  }
0x8: {  	s31 =	simm.s32 $0xCD00;
	[smem:$0x7FF] =	sst s5;
	s4 =	smul.u32 $0x5000, s1  }
0x9: {  	s14 =	simm.s32 $0x0;
	_ =	strace $0x8000004D;
	s9 =	smul.u32 $0x7800, s1  }
0xa: {  	s10 =	ssub.s32 $0x2, s1;
	p0 =	seq.s32 s1, $0x0;
	s8 =	sshrl.u32 s6, $0x3  }
0xb: {  	s11 =	sshrl.u32 s10, $0x1;
	s7 =	sadd.s32 s7, s0;
	s24 =	sadd.s32 s6, s3  }
0xc: {  	s4 =	sadd.s32 s4, s0;
	s8 =	sadd.s32 s8, s0;
	s0 =	sadd.s32 s9, s0  }
0xd: {  	s11 =	ssub.s32 s10, s11;
	s20 =	sadd.s32 $0x17200, s7;
	[dreg:$0x8] =	wrdreg s24  }
0xe: {  	s7 =	sadd.s32 $0xD400, s7;
	s9 =	sadd.s32 s6, s2;
	[dreg:$0x5] =	wrdreg s20  }
0xf: {  	[dreg:$0x6] =	wrdreg s7;
	s21 =	sadd.s32 $0x1E00, s8;
	s22 =	sadd.s32 $0x21000, s0  }
0x10: {  	s10 =	sadd.s32 $0x30000, s4;
	s0 =	sadd.s32 $0x3A000, s0;
	s25 =	smax.u32 s11, $0x1  }
0x11: {  	s11 =	simm.s32 $0xD500;
	s4 =	simm.s32 $0x2;
	[dreg:$0x7] =	wrdreg s21  }
0x12: {  	[dreg:$0x9] =	wrdreg s25;
	s26 =	sadd.s32 s23, s22;
	s24 =	sadd.s32 s23, s0  }
0x13: {  	vm0 =	vmmov $0xff;
	s0 =	simm.s32 $0x1;
	[dreg:$0xa] =	wrdreg s26;
	s26 =	simm.s32 $0x200  }
.LBB2_1:
0x14: {  	s1 =	rddreg [dreg:$0x5]  }
0x15: {  	[tilespmem:s5], [sflag:$0x3] =	stream.linear.gather [hbm4b:s1+s5], $0x4E80, $0x38;
	[tilespmem:$0x1D900] =	vst v63  }
0x16: {  	_ =	swait.ge [sflag:s13], $0x4E80  }
0x17: {  	[sflag:s13] =	ssyncset.done $0x0  }
0x18: {  	s7 =	simm.s32 $0x4E80;
	s23 =	rddreg [dreg:$0x6];
	[sflag:s13] =	ssyncadd.s32 $0xFFFFB180  }
0x19: {  	[tilespmem:s7], [sflag:$0x3] =	stream.linear.gather [hbm4b:s23+s5], $0x4E80, $0x38;
	[tilespmem:$0x1D900] =	vst v63  }
0x1a: {  	_ =	swait.ge [sflag:s13], $0x4E80  }
0x1b: {  	[sflag:s13] =	ssyncset.done $0x0  }
0x1c: {  	s6 =	simm.s32 $0x11100;
	s25 =	rddreg [dreg:$0x7];
	[sflag:s13] =	ssyncadd.s32 $0xFFFFB180  }
0x1d: {  	[tilespmem:s6], [sflag:$0x3] =	stream.linear.gather [hbm4b:s25+s5], $0x2800, $0x38;
	[tilespmem:$0x1D900] =	vst v63  }
0x1e: {  	_ =	swait.ge [sflag:s13], $0x2800  }
0x1f: {  	[sflag:s13] =	ssyncset.done $0x0  }
0x20: {  	[sflag:s13] =	ssyncadd.s32 $0xFFFFD800  }
0x21: {  	s6 =	rddreg [dreg:$0x1]  }
0x22: {  	[tilespmem:s15], [sflag:$0x3] =	stream.linear.gather [hbm4b:s6+s5], $0x2800, $0x38;
	[tilespmem:$0x1D900] =	vst v63  }
0x23: {  	_ =	swait.ge [sflag:s13], $0x2800  }
0x24: {  	[sflag:s13] =	ssyncset.done $0x0  }
0x25: {  	s12 =	simm.s32 $0x9D00;
	p1 =	por $0x1, $0x1;
	[sflag:s13] =	ssyncadd.s32 $0xFFFFD800  }
0x26: {  	[spmem:s9] =	stream.linear.scatter [tilespmem:s15], [sflag:$0x3], $0x2800, $0x38;
	[tilespmem:$0x1D900] =	vst v63  }
0x27: {  	s16 =	simm.s32 $0xA500;
	p2 =	por @!p1 $0x0, $0x0;
	_ =	swait.ge [sflag:s13], $0x2800  }
0x28: {  	s22 =	simm.s32 $0x0;
	p2 =	por p2, p1;
	[sflag:s13] =	ssyncset.done $0x0  }
0x29: {  	s6 =	smul.u32 $0x25, s22;
	s8 =	rddreg [dreg:$0xa];
	[sflag:s13] =	ssyncadd.s32 $0xFFFFD800  }
0x2a: {  	[tilespmem:s11], [sflag:$0x3] =	stream.linear.gather [hbm4b:s8+s5], $0x3C00, $0x38;
	[tilespmem:$0x1D900] =	vst v63  }
0x2b: {  	s6 =	sshrl.u32 s6, $0x8;
	s8 =	simm.s32 $0x5;
	_ =	swait.ge [sflag:s13], $0x3C00  }
0x2c: {  	s23 =	ssub.s32 $0x0, s6;
	s8 =	smul.u32 @!p2 $0x25, s8;
	[sflag:s13] =	ssyncset.done $0x0  }
0x2d: {  	s17 =	simm.s32 $0x100;
	s11 =	sand.u32 $0xFE, s23;
	[sflag:s13] =	ssyncadd.s32 $0xFFFFC400  }
0x2e: {  	s11 =	sshrl.u32 s11, $0x1;
	s8 =	sshrl.u32 @!p2 s8, $0x8;
	[bflag:$0x0] =	sbarrier.arrive $0xFFFF  }
0x2f: {  	[tilespmem:s12], [sflag:$0x1] =	stream.indirect.gather [hbm4b:s10+s18], $0x10, s5, s18, $0xb8;
	[tilespmem:$0x1D900] =	vst v63  }
0x30: {  	s19 =	simm.s32 $0xAD00;
	s6 =	sadd.s32 s6, s11;
	s11 =	ssub.s32 @!p2 $0x5, s8  }
0x31: {  	[tilespmem:s16], [sflag:$0x1] =	stream.indirect.gather [hbm4b:s10+s18], $0x10, s18, s18, $0xb8;
	[tilespmem:$0x1D900] =	vst v63  }
0x32: {  	s20 =	simm.s32 $0x180;
	s6 =	sand.u32 $0xFC, s6;
	s11 =	sand.u32 @!p2 $0xFE, s11  }
0x33: {  	[tilespmem:s19], [sflag:$0x1] =	stream.indirect.gather [hbm4b:s10+s18], $0x10, s17, s18, $0xb8;
	[tilespmem:$0x1D900] =	vst v63  }
0x34: {  	s21 =	simm.s32 $0xB500;
	s6 =	sshrl.u32 s6, $0x2;
	s11 =	sshrl.u32 @!p2 s11, $0x1  }
0x35: {  	[tilespmem:s21], [sflag:$0x1] =	stream.indirect.gather [hbm4b:s10+s18], $0x10, s20, s18, $0xb8;
	[tilespmem:$0x1D900] =	vst v63  }
0x36: {  	s12 =	smul.u32 $0x7, s6;
	s6 =	sadd.s32 @!p2 s8, s11  }
0x37: {  	[tilespmem:s28], [sflag:$0x1] =	stream.indirect.gather [hbm4b:s10+s18], $0x10, s26, s18, $0xb8;
	[tilespmem:$0x1D900] =	vst v63  }
0x38: {  	s1 =	simm.s32 $0x280;
	s8 =	sand.u32 @!p2 $0xFC, s6  }
0x39: {  	[tilespmem:s29], [sflag:$0x1] =	stream.indirect.gather [hbm4b:s10+s18], $0x10, s1, s18, $0xb8;
	[tilespmem:$0x1D900] =	vst v63  }
0x3a: {  	s25 =	ssub.s32 $0x0, s12;
	s6 =	simm.s32 $0x6;
	s8 =	sshrl.u32 @!p2 s8, $0x2  }
0x3b: {  	[tilespmem:s31], [sflag:$0x1] =	stream.indirect.gather [hbm4b:s10+s18], $0x10, s30, s18, $0xb8;
	[tilespmem:$0x1D900] =	vst v63  }
0x3c: {  	s11 =	sand.u32 $0xFF, s25;
	s8 =	smul.u32 @!p2 $0x7, s8;
	_ =	swait.ge [sflag:s0], $0x800  }
0x3d: {  	s17 =	simm.s32 $0x7;
	s11 =	sshll.u32 s11, $0xB;
	[sflag:s0] =	ssyncset.done $0x0  }
0x3e: {  	s11 =	sadd.s32 $0x9D00, s11;
	s12 =	ssub.s32 @!p2 $0x5, s8;
	[sflag:s0] =	ssyncadd.s32 $0xFFFFF800  }
0x3f: {  	[spmem:s2] =	stream.indirect.scatter.add.f32 [tilespmem:s11], [sflag:$0x2], $0x10, s7, s18, $0xb8;
	[tilespmem:$0x1D900] =	vst v63  }
0x40: {  	s8 =	simm.s32 $0x4F00;
	s12 =	sand.u32 @!p2 $0xFF, s12;
	s11 =	simm.s32 $0x1  }
0x41: {  	s12 =	sshll.u32 @!p2 s12, $0xB;
	s7 =	simm.s32 $0x300;
	s20 =	smul.u32 $0x25, s11  }
.LBB2_2:
0x42: {  	s12 =	sadd.s32 @!p2 $0x9D00, s12;
	s21 =	smov.u32 s6  }
0x43: {  	s6 =	smov.u32 s17;
	s17 =	sadd.s32 $0x1, s17;
	s19 =	smov.u32 s8  }
0x44: {  	p5 =	por p1, p1;
	p1 =	slt.u32 s11, $0x2;
	p4 =	por p2, p2  }
0x45: {  	s20 =	sshrl.u32 s20, $0x8;
	p3 =	sne.s32 s17, $0xA2;
	p2 =	sgt.u32 @!p1 s11, $0x97  }
0x46: {  	s23 =	smov.u32 s1;
	s22 =	ssub.s32 s11, s20;
	p2 =	por p2, p1  }
0x47: {  	s1 =	smov.u32 s7;
	s22 =	sand.u32 $0xFE, s22;
	s16 =	smul.u32 @!p2 $0x25, s21  }
0x48: {  	s22 =	sshrl.u32 s22, $0x1  }
0x49: {  	s20 =	sadd.s32 s20, s22;
	s16 =	sshrl.u32 @!p2 s16, $0x8  }
0x4a: {  	s20 =	sand.u32 $0xFC, s20;
	s22 =	ssub.s32 @!p2 s21, s16  }
0x4b: {  	s8 =	sadd.s32 $0x80, s8;
	s20 =	sshrl.u32 s20, $0x2;
	s22 =	sand.u32 @!p2 $0xFE, s22  }
0x4c: {  	s25 =	simm.s32 @!p5 $0x2;
	s20 =	smul.u32 $0x7, s20;
	s22 =	sshrl.u32 @!p2 s22, $0x1  }
0x4d: {  	s16 =	sadd.s32 @!p2 s16, s22;
	_ =	swait.ge @!p5 [sflag:s25], $0x800;
	s22 =	simm.s32 @!p4 $0x80  }
0x4e: {  	s11 =	ssub.s32 s11, s20;
	s16 =	sand.u32 @!p2 $0xFC, s16;
	[sflag:s25] =	ssyncset.done @!p5 $0x0  }
0x4f: {  	s11 =	sand.u32 $0xFF, s11;
	s16 =	sshrl.u32 @!p2 s16, $0x2;
	[sflag:s25] =	ssyncadd.s32 @!p5 $0xFFFFF800  }
0x50: {  	s7 =	sadd.s32 $0x80, s7;
	s11 =	sshll.u32 s11, $0xB;
	s16 =	smul.u32 @!p2 $0x7, s16  }
0x51: {  	[tilespmem:s12], [sflag:$0x1] =	stream.indirect.gather @!p4 [hbm4b:s10+s22], $0x10, s23, s22, $0xb8;
	[tilespmem:$0x1D900] =	vst v63  }
.Ltmp0:
0x52: {  	_ = 	snop;
	(pc) =	sbr.rel @p3 .LBB2_2-.Ltmp0, $4  }
0x53: {  	s22 =	sadd.s32 $0x9D00, s11;
	_ =	swait.ge [sflag:s0], $0x800;
	s12 =	ssub.s32 @!p2 s21, s16  }
0x54: {  	s11 =	sadd.s32 $0xFFFFFFFB, s6;
	[sflag:s0] =	ssyncset.done $0x0;
	s12 =	sand.u32 @!p2 $0xFF, s12  }
0x55: {  	s20 =	smul.u32 $0x25, s11;
	[sflag:s0] =	ssyncadd.s32 $0xFFFFF800;
	s12 =	sshll.u32 @!p2 s12, $0xB  }
0x56: {  	[spmem:s2] =	stream.indirect.scatter.add.f32 [tilespmem:s22], [sflag:$0x2], $0x10, s19, s18, $0xb8;
	[tilespmem:$0x1D900] =	vst v63  }
0x57: {  	p4 =	slt.u32 s11, $0x2;
	s16 =	sshrl.u32 s20, $0x8  }
0x58: {  	p3 =	sgt.u32 @!p4 s11, $0x97;
	s17 =	ssub.s32 s11, s16  }
0x59: {  	p3 =	por p3, p4;
	s17 =	sand.u32 $0xFE, s17  }
0x5a: {  	s12 =	sadd.s32 @!p2 $0x9D00, s12;
	s19 =	smul.u32 @!p3 $0x25, s6;
	s17 =	sshrl.u32 s17, $0x1  }
0x5b: {  	p1 =	por p1, p1;
	p2 =	por p2, p2;
	s16 =	sadd.s32 s16, s17  }
0x5c: {  	s20 =	simm.s32 @!p1 $0x2;
	s17 =	sshrl.u32 @!p3 s19, $0x8;
	s16 =	sand.u32 $0xFC, s16  }
0x5d: {  	_ =	swait.ge @!p1 [sflag:s20], $0x800;
	s19 =	ssub.s32 @!p3 s6, s17;
	s16 =	sshrl.u32 s16, $0x2  }
0x5e: {  	[sflag:s20] =	ssyncset.done @!p1 $0x0;
	s19 =	sand.u32 @!p3 $0xFE, s19;
	s16 =	smul.u32 $0x7, s16  }
0x5f: {  	[sflag:s20] =	ssyncadd.s32 @!p1 $0xFFFFF800;
	p1 =	por p4, p4;
	s19 =	sshrl.u32 @!p3 s19, $0x1  }
0x60: {  	s17 =	sadd.s32 @!p3 s17, s19;
	s19 =	simm.s32 @!p2 $0x80;
	s23 =	ssub.s32 s11, s16  }
0x61: {  	[tilespmem:s12], [sflag:$0x1] =	stream.indirect.gather @!p2 [hbm4b:s10+s19], $0x10, s1, s19, $0xb8;
	[tilespmem:$0x1D900] =	vst v63  }
0x62: {  	s1 =	sand.u32 @!p3 $0xFC, s17;
	s11 =	sand.u32 $0xFF, s23;
	_ =	swait.ge [sflag:s0], $0x800  }
0x63: {  	s1 =	sshrl.u32 @!p3 s1, $0x2;
	s11 =	sshll.u32 s11, $0xB;
	[sflag:s0] =	ssyncset.done $0x0  }
0x64: {  	s1 =	smul.u32 @!p3 $0x7, s1;
	s11 =	sadd.s32 $0x9D00, s11;
	[sflag:s0] =	ssyncadd.s32 $0xFFFFF800  }
0x65: {  	[spmem:s2] =	stream.indirect.scatter.add.f32 [tilespmem:s11], [sflag:$0x2], $0x10, s8, s18, $0xb8;
	[tilespmem:$0x1D900] =	vst v63  }
0x66: {  	s1 =	ssub.s32 @!p3 s6, s1;
	s6 =	simm.s32 @!p1 $0x2  }
0x67: {  	s1 =	sand.u32 @!p3 $0xFF, s1;
	_ =	swait.ge @!p1 [sflag:s6], $0x800  }
0x68: {  	p2 =	por p3, p3;
	s1 =	sshll.u32 @!p3 s1, $0xB;
	[sflag:s6] =	ssyncset.done @!p1 $0x0  }
0x69: {  	s8 =	simm.s32 @!p2 $0x80;
	s1 =	sadd.s32 @!p3 $0x9D00, s1;
	[sflag:s6] =	ssyncadd.s32 @!p1 $0xFFFFF800  }
0x6a: {  	[tilespmem:s1], [sflag:$0x1] =	stream.indirect.gather @!p2 [hbm4b:s10+s8], $0x10, s7, s8, $0xb8;
	[tilespmem:$0x1D900] =	vst v63  }
0x6b: {  	_ =	swait.ge [sflag:s4], $0x800  }
0x6c: {  	[sflag:s4] =	ssyncset.done $0x0  }
0x6d: {  	[sflag:s4] =	ssyncadd.s32 $0xFFFFF800  }
0x6e: {  	_ =	swait.ge [sflag:s4], $0x800  }
0x6f: {  	[sflag:s4] =	ssyncset.done $0x0  }
0x70: {  	[sflag:s4] =	ssyncadd.s32 $0xFFFFF800  }
0x71: {  	[bflag:$0x0] =	sbarrier.arrive $0xFFFF  }
0x72: {  	[tilespmem:s15], [sflag:$0x3] =	stream.linear.gather [spmem:s9], $0x2800, $0x38;
	[tilespmem:$0x1D900] =	vst v63  }
0x73: {  	_ =	swait.ge [sflag:s13], $0x2800  }
0x74: {  	[sflag:s13] =	ssyncset.done $0x0  }
0x75: {  	s25 =	simm.s32 $0x0;
	[sflag:s13] =	ssyncadd.s32 $0xFFFFD800  }
0x76: {  	v0 =	vld [tilespmem:s25+$0x13900]  }
0x77: {  	v1 =	vld [tilespmem:s25+$0x11100]  }
0x78: {  	s6 =	simm.s32 $0xD508  }
0x79: {  	v2 =	vld [tilespmem:s6+$0x0];
	_ =	sdelay $0x2  }
0x7a: {  	v0 =	vmul.f32 v0, v1;
	_ =	sdelay $0x1  }
0x7b: {  	v1 =	vsub.f32 v2, v0;
	_ =	sdelay $0x1  }
0x7c: {  	v0 =	vpsel p0, v1, v0  }
0x7d: {  	s1 =	simm.s32 $0x10;
	[tilespmem:s6+$0x0] =	vst v0;
	v1 =	vsel vm0, $0x0, v0  }
0x7e: {  	s7 =	simm.s32 $0x80;
	v0 =	vld [tilespmem:s1+$0x13900];
	[tilespmem:s25+$0x16100] =	vst v1  }
.LBB2_4:
0x7f: {  	p1 =	sne.s32 s7, $0x9FC0;
	v1 =	vld [tilespmem:s1+$0x11100]  }
0x80: {  	s6 =	sadd.s32 $0x18, s6  }
0x81: {  	v2 =	vld [tilespmem:s6+$0x0];
	_ =	sdelay $0x2  }
0x82: {  	v0 =	vmul.f32 v0, v1;
	_ =	sdelay $0x1  }
.Ltmp1:
0x83: {  	v1 =	vsub.f32 v2, v0;
	(pc) =	sbr.rel @p1 .LBB2_4-.Ltmp1, $4  }
0x84: {  	_ = 	snop  }
0x85: {  	v0 =	vpsel p0, v1, v0  }
0x86: {  	s8 =	sshra.s32 s7, $0x2;
	[tilespmem:s6+$0x0] =	vst v0;
	v1 =	vsel vm0, $0x0, v0  }
0x87: {  	s7 =	sadd.s32 $0x40, s7;
	v0 =	vld [tilespmem:s8+$0x13900];
	[tilespmem:s1+$0x16100] =	vst v1;
	s1 =	smov.u32 s8  }
0x88: {  	v1 =	vld [tilespmem:s1+$0x11100]  }
0x89: {  	s6 =	sadd.s32 $0x18, s6  }
0x8a: {  	v2 =	vld [tilespmem:s6+$0x0];
	_ =	sdelay $0x2  }
0x8b: {  	v0 =	vmul.f32 v0, v1;
	_ =	sdelay $0x1  }
0x8c: {  	v1 =	vsub.f32 v2, v0;
	_ =	sdelay $0x1  }
0x8d: {  	v0 =	vpsel p0, v1, v0  }
0x8e: {  	[tilespmem:s6+$0x0] =	vst v0;
	v0 =	vsel vm0, $0x0, v0  }
0x8f: {  	s8 =	rddreg [dreg:$0x8];
	s11 =	simm.s32 $0x16100;
	[tilespmem:s1+$0x16100] =	vst v0  }
0x90: {  	[spmem:s8] =	stream.linear.scatter [tilespmem:s11], [sflag:$0x3], $0x2800, $0x38;
	[tilespmem:$0x1D900] =	vst v63  }
0x91: {  	_ =	swait.ge [sflag:s13], $0x2800  }
0x92: {  	[sflag:s13] =	ssyncset.done $0x0  }
0x93: {  	[sflag:s13] =	ssyncadd.s32 $0xFFFFD800  }
0x94: {  	s16 =	simm.s32 $0x9D00;
	s12 =	rddreg [dreg:$0x1]  }
0x95: {  	[tilespmem:s15], [sflag:$0x3] =	stream.linear.gather [hbm4b:s12+s5], $0x2800, $0x38;
	[tilespmem:$0x1D900] =	vst v63  }
0x96: {  	s17 =	simm.s32 $0xA500;
	s23 =	simm.s32 $0x0;
	_ =	swait.ge [sflag:s13], $0x2800  }
0x97: {  	p1 =	por $0x1, $0x1;
	s7 =	simm.s32 $0x5;
	[sflag:s13] =	ssyncset.done $0x0  }
0x98: {  	p2 =	por @!p1 $0x0, $0x0;
	s6 =	smul.u32 $0x25, s23;
	[sflag:s13] =	ssyncadd.s32 $0xFFFFD800  }
0x99: {  	[spmem:s9] =	stream.linear.scatter [tilespmem:s15], [sflag:$0x3], $0x2800, $0x38;
	[tilespmem:$0x1D900] =	vst v63  }
0x9a: {  	p2 =	por p2, p1;
	s6 =	sshrl.u32 s6, $0x8;
	_ =	swait.ge [sflag:s13], $0x2800  }
0x9b: {  	s7 =	smul.u32 @!p2 $0x25, s7;
	s8 =	ssub.s32 $0x0, s6;
	[sflag:s13] =	ssyncset.done $0x0  }
0x9c: {  	s19 =	simm.s32 $0x100;
	s8 =	sand.u32 $0xFE, s8;
	[sflag:s13] =	ssyncadd.s32 $0xFFFFD800  }
0x9d: {  	s7 =	sshrl.u32 @!p2 s7, $0x8;
	s8 =	sshrl.u32 s8, $0x1;
	[bflag:$0x0] =	sbarrier.arrive $0xFFFF  }
0x9e: {  	[tilespmem:s16], [sflag:$0x1] =	stream.indirect.gather [spmem:s3], $0x10, s5, s18, $0xb8;
	[tilespmem:$0x1D900] =	vst v63  }
0x9f: {  	s20 =	simm.s32 $0xAD00;
	s6 =	sadd.s32 s6, s8;
	s8 =	ssub.s32 @!p2 $0x5, s7  }
0xa0: {  	[tilespmem:s17], [sflag:$0x1] =	stream.indirect.gather [spmem:s3], $0x10, s18, s18, $0xb8;
	[tilespmem:$0x1D900] =	vst v63  }
0xa1: {  	s21 =	simm.s32 $0x180;
	s6 =	sand.u32 $0xFC, s6;
	s8 =	sand.u32 @!p2 $0xFE, s8  }
0xa2: {  	[tilespmem:s20], [sflag:$0x1] =	stream.indirect.gather [spmem:s3], $0x10, s19, s18, $0xb8;
	[tilespmem:$0x1D900] =	vst v63  }
0xa3: {  	s22 =	simm.s32 $0xB500;
	s6 =	sshrl.u32 s6, $0x2;
	s8 =	sshrl.u32 @!p2 s8, $0x1  }
0xa4: {  	[tilespmem:s22], [sflag:$0x1] =	stream.indirect.gather [spmem:s3], $0x10, s21, s18, $0xb8;
	[tilespmem:$0x1D900] =	vst v63  }
0xa5: {  	s11 =	smul.u32 $0x7, s6;
	s6 =	sadd.s32 @!p2 s7, s8  }
0xa6: {  	[tilespmem:s28], [sflag:$0x1] =	stream.indirect.gather [spmem:s3], $0x10, s26, s18, $0xb8;
	[tilespmem:$0x1D900] =	vst v63  }
0xa7: {  	s25 =	simm.s32 $0x4E80;
	s1 =	simm.s32 $0x280;
	s8 =	sand.u32 @!p2 $0xFC, s6  }
0xa8: {  	[tilespmem:s29], [sflag:$0x1] =	stream.indirect.gather [spmem:s3], $0x10, s1, s18, $0xb8;
	[tilespmem:$0x1D900] =	vst v63  }
0xa9: {  	s7 =	simm.s32 $0x300;
	s11 =	ssub.s32 $0x0, s11;
	s8 =	sshrl.u32 @!p2 s8, $0x2  }
0xaa: {  	[tilespmem:s31], [sflag:$0x1] =	stream.indirect.gather [spmem:s3], $0x10, s30, s18, $0xb8;
	[tilespmem:$0x1D900] =	vst v63  }
0xab: {  	s11 =	sand.u32 $0xFF, s11;
	s8 =	smul.u32 @!p2 $0x7, s8;
	_ =	swait.ge [sflag:s0], $0x800  }
0xac: {  	s6 =	simm.s32 $0x6;
	s11 =	sshll.u32 s11, $0xB;
	[sflag:s0] =	ssyncset.done $0x0  }
0xad: {  	s11 =	sadd.s32 $0x9D00, s11;
	s12 =	ssub.s32 @!p2 $0x5, s8;
	[sflag:s0] =	ssyncadd.s32 $0xFFFFF800  }
0xae: {  	[spmem:s2] =	stream.indirect.scatter.add.f32 [tilespmem:s11], [sflag:$0x2], $0x10, s25, s18, $0xb8;
	[tilespmem:$0x1D900] =	vst v63  }
0xaf: {  	s8 =	simm.s32 $0x4F00;
	s12 =	sand.u32 @!p2 $0xFF, s12;
	s11 =	simm.s32 $0x1  }
0xb0: {  	s12 =	sshll.u32 @!p2 s12, $0xB;
	s17 =	simm.s32 $0x7;
	s20 =	smul.u32 $0x25, s11  }
.LBB2_6:
0xb1: {  	s12 =	sadd.s32 @!p2 $0x9D00, s12;
	s16 =	smov.u32 s6  }
0xb2: {  	s6 =	smov.u32 s17;
	s17 =	sadd.s32 $0x1, s17;
	s19 =	smov.u32 s8  }
0xb3: {  	p5 =	por p1, p1;
	p1 =	slt.u32 s11, $0x2;
	p4 =	por p2, p2  }
0xb4: {  	s20 =	sshrl.u32 s20, $0x8;
	p3 =	sne.s32 s17, $0xA2;
	p2 =	sgt.u32 @!p1 s11, $0x97  }
0xb5: {  	s22 =	smov.u32 s1;
	s21 =	ssub.s32 s11, s20;
	p2 =	por p2, p1  }
0xb6: {  	s1 =	smov.u32 s7;
	s21 =	sand.u32 $0xFE, s21;
	s23 =	smul.u32 @!p2 $0x25, s16  }
0xb7: {  	s21 =	sshrl.u32 s21, $0x1  }
0xb8: {  	s20 =	sadd.s32 s20, s21;
	s21 =	sshrl.u32 @!p2 s23, $0x8  }
0xb9: {  	s20 =	sand.u32 $0xFC, s20;
	s23 =	ssub.s32 @!p2 s16, s21  }
0xba: {  	s8 =	sadd.s32 $0x80, s8;
	s20 =	sshrl.u32 s20, $0x2;
	s23 =	sand.u32 @!p2 $0xFE, s23  }
0xbb: {  	s25 =	simm.s32 @!p5 $0x2;
	s20 =	smul.u32 $0x7, s20;
	s23 =	sshrl.u32 @!p2 s23, $0x1  }
0xbc: {  	s21 =	sadd.s32 @!p2 s21, s23;
	_ =	swait.ge @!p5 [sflag:s25], $0x800;
	s23 =	simm.s32 @!p4 $0x80  }
0xbd: {  	s11 =	ssub.s32 s11, s20;
	s20 =	sand.u32 @!p2 $0xFC, s21;
	[sflag:s25] =	ssyncset.done @!p5 $0x0  }
0xbe: {  	s11 =	sand.u32 $0xFF, s11;
	s20 =	sshrl.u32 @!p2 s20, $0x2;
	[sflag:s25] =	ssyncadd.s32 @!p5 $0xFFFFF800  }
0xbf: {  	s7 =	sadd.s32 $0x80, s7;
	s11 =	sshll.u32 s11, $0xB;
	s20 =	smul.u32 @!p2 $0x7, s20  }
0xc0: {  	[tilespmem:s12], [sflag:$0x1] =	stream.indirect.gather @!p4 [spmem:s3], $0x10, s22, s23, $0xb8;
	[tilespmem:$0x1D900] =	vst v63  }
.Ltmp2:
0xc1: {  	_ = 	snop;
	(pc) =	sbr.rel @p3 .LBB2_6-.Ltmp2, $4  }
0xc2: {  	s21 =	sadd.s32 $0x9D00, s11;
	_ =	swait.ge [sflag:s0], $0x800;
	s12 =	ssub.s32 @!p2 s16, s20  }
0xc3: {  	s11 =	sadd.s32 $0xFFFFFFFB, s6;
	[sflag:s0] =	ssyncset.done $0x0;
	s12 =	sand.u32 @!p2 $0xFF, s12  }
0xc4: {  	s20 =	smul.u32 $0x25, s11;
	[sflag:s0] =	ssyncadd.s32 $0xFFFFF800;
	s12 =	sshll.u32 @!p2 s12, $0xB  }
0xc5: {  	[spmem:s2] =	stream.indirect.scatter.add.f32 [tilespmem:s21], [sflag:$0x2], $0x10, s19, s18, $0xb8;
	[tilespmem:$0x1D900] =	vst v63  }
0xc6: {  	p4 =	slt.u32 s11, $0x2;
	s16 =	sshrl.u32 s20, $0x8  }
0xc7: {  	p3 =	sgt.u32 @!p4 s11, $0x97;
	s17 =	ssub.s32 s11, s16  }
0xc8: {  	p3 =	por p3, p4;
	s17 =	sand.u32 $0xFE, s17  }
0xc9: {  	s12 =	sadd.s32 @!p2 $0x9D00, s12;
	s19 =	smul.u32 @!p3 $0x25, s6;
	s17 =	sshrl.u32 s17, $0x1  }
0xca: {  	p1 =	por p1, p1;
	p2 =	por p2, p2;
	s16 =	sadd.s32 s16, s17  }
0xcb: {  	s20 =	simm.s32 @!p1 $0x2;
	s17 =	sshrl.u32 @!p3 s19, $0x8;
	s16 =	sand.u32 $0xFC, s16  }
0xcc: {  	_ =	swait.ge @!p1 [sflag:s20], $0x800;
	s19 =	ssub.s32 @!p3 s6, s17;
	s16 =	sshrl.u32 s16, $0x2  }
0xcd: {  	[sflag:s20] =	ssyncset.done @!p1 $0x0;
	s19 =	sand.u32 @!p3 $0xFE, s19;
	s16 =	smul.u32 $0x7, s16  }
0xce: {  	[sflag:s20] =	ssyncadd.s32 @!p1 $0xFFFFF800;
	p1 =	por p4, p4;
	s19 =	sshrl.u32 @!p3 s19, $0x1  }
0xcf: {  	s17 =	sadd.s32 @!p3 s17, s19;
	s19 =	simm.s32 @!p2 $0x80;
	s25 =	ssub.s32 s11, s16  }
0xd0: {  	[tilespmem:s12], [sflag:$0x1] =	stream.indirect.gather @!p2 [spmem:s3], $0x10, s1, s19, $0xb8;
	[tilespmem:$0x1D900] =	vst v63  }
0xd1: {  	s1 =	sand.u32 @!p3 $0xFC, s17;
	s11 =	sand.u32 $0xFF, s25;
	_ =	swait.ge [sflag:s0], $0x800  }
0xd2: {  	s1 =	sshrl.u32 @!p3 s1, $0x2;
	s11 =	sshll.u32 s11, $0xB;
	[sflag:s0] =	ssyncset.done $0x0  }
0xd3: {  	s1 =	smul.u32 @!p3 $0x7, s1;
	s11 =	sadd.s32 $0x9D00, s11;
	[sflag:s0] =	ssyncadd.s32 $0xFFFFF800  }
0xd4: {  	[spmem:s2] =	stream.indirect.scatter.add.f32 [tilespmem:s11], [sflag:$0x2], $0x10, s8, s18, $0xb8;
	[tilespmem:$0x1D900] =	vst v63  }
0xd5: {  	s1 =	ssub.s32 @!p3 s6, s1;
	s6 =	simm.s32 @!p1 $0x2  }
0xd6: {  	s1 =	sand.u32 @!p3 $0xFF, s1;
	_ =	swait.ge @!p1 [sflag:s6], $0x800  }
0xd7: {  	p2 =	por p3, p3;
	s1 =	sshll.u32 @!p3 s1, $0xB;
	[sflag:s6] =	ssyncset.done @!p1 $0x0  }
0xd8: {  	s8 =	simm.s32 @!p2 $0x80;
	s1 =	sadd.s32 @!p3 $0x9D00, s1;
	[sflag:s6] =	ssyncadd.s32 @!p1 $0xFFFFF800  }
0xd9: {  	[tilespmem:s1], [sflag:$0x1] =	stream.indirect.gather @!p2 [spmem:s3], $0x10, s7, s8, $0xb8;
	[tilespmem:$0x1D900] =	vst v63  }
0xda: {  	_ =	swait.ge [sflag:s4], $0x800  }
0xdb: {  	[sflag:s4] =	ssyncset.done $0x0  }
0xdc: {  	[sflag:s4] =	ssyncadd.s32 $0xFFFFF800  }
0xdd: {  	_ =	swait.ge [sflag:s4], $0x800  }
0xde: {  	[sflag:s4] =	ssyncset.done $0x0  }
0xdf: {  	[sflag:s4] =	ssyncadd.s32 $0xFFFFF800  }
0xe0: {  	[bflag:$0x0] =	sbarrier.arrive $0xFFFF  }
0xe1: {  	[tilespmem:s15], [sflag:$0x3] =	stream.linear.gather [spmem:s9], $0x2800, $0x38;
	[tilespmem:$0x1D900] =	vst v63  }
0xe2: {  	_ =	swait.ge [sflag:s13], $0x2800  }
0xe3: {  	[sflag:s13] =	ssyncset.done $0x0  }
0xe4: {  	s1 =	simm.s32 $0xD508;
	[sflag:s13] =	ssyncadd.s32 $0xFFFFD800  }
0xe5: {  	v1 =	vld [tilespmem:s1+$0xFFFFFFF8];
	_ =	sdelay $0x3  }
0xe6: {  	s8 =	simm.s32 $0x0  }
0xe7: {  	s6 =	simm.s32 $0xD508;
	s7 =	simm.s32 $0x40;
	v0 =	vld [tilespmem:s8+$0x11100];
	v1 =	vmax.f32 v1, $0.0e+00  }
.LBB2_8:
0xe8: {  	p1 =	sne.s32 s7, $0x9FC0;
	v2 =	vld [tilespmem:s8+$0x13900];
	[tilespmem:s1+$0xFFFFFFF8] =	vst v1;
	_ =	sdelay $0x1  }
0xe9: {  	v1 =	vld [tilespmem:s1+$0x0];
	_ =	sdelay $0x2  }
0xea: {  	v0 =	vmul.f32 v2, v0  }
0xeb: {  	s1 =	sadd.s32 $0x18, s1  }
0xec: {  	v2 =	vld [tilespmem:s1+$0xFFFFFFF8];
	v3 =	vsub.f32 v1, v0  }
.Ltmp3:
0xed: {  	v0 =	vsel vm0, v1, v0;
	(pc) =	sbr.rel @p1 .LBB2_8-.Ltmp3, $4  }
0xee: {  	v0 =	vpsel p0, v3, v0  }
0xef: {  	v0 =	vmax.f32 v0, $0.0e+00  }
0xf0: {  	s8 =	sshra.s32 s7, $0x2;
	[tilespmem:s6+$0x0] =	vst v0;
	s6 =	smov.u32 s1  }
0xf1: {  	s7 =	sadd.s32 $0x40, s7;
	v0 =	vld [tilespmem:s8+$0x11100];
	v1 =	vmax.f32 v2, $0.0e+00  }
0xf2: {  	v2 =	vld [tilespmem:s8+$0x13900];
	_ =	sdelay $0x1  }
0xf3: {  	v63 =	vld [tilespmem:s1+$0x0];
	_ =	sdelay $0x2  }
0xf4: {  	v0 =	vmul.f32 v2, v0;
	_ =	sdelay $0x1  }
0xf5: {  	v2 =	vsub.f32 v63, v0  }
0xf6: {  	v0 =	vsel vm0, v63, v0  }
0xf7: {  	v0 =	vpsel p0, v2, v0  }
0xf8: {  	[tilespmem:s1+$0xFFFFFFF8] =	vst v1;
	v0 =	vmax.f32 v0, $0.0e+00  }
0xf9: {  	s11 =	simm.s32 $0xD500;
	[tilespmem:s6+$0x0] =	vst v0  }
0xfa: {  	[hbm4b:s24+s5] =	stream.linear.scatter [tilespmem:s11], [sflag:$0x3], $0x3C00, $0x38;
	[tilespmem:$0x1D900] =	vst v63  }
0xfb: {  	_ =	swait.ge [sflag:s13], $0x3C00  }
0xfc: {  	s14 =	sadd.s32 $0x1, s14;
	s25 =	rddreg [dreg:$0x9]  }
0xfd: {  	p1 =	sne.s32 s14, s25  }
.Ltmp4:
0xfe: {  	_ = 	snop;
	(pc) =	sbr.rel @p1 .LBB2_1-.Ltmp4, $3  }
0xff: {  	_ =	sdelay $0x1  }
0x100: {  	[sflag:s13] =	ssyncset.done $0x0  }
0x101: {  	[sflag:s13] =	ssyncadd.s32 $0xFFFFC400  }
0x102: {  	_ =	sfence.sel $0x180000  }
0x103: {  	[bflag:$0x0] =	sbarrier.arrive $0xFFFF  }
0x104: {  	_ =	strace $0x9000004D  }
0x105: {  	s0 =	stileid.u32;
	[bflag:$0x2] =	sbarrier.arrive $0xFFFF  }
0x106: {  	p0 =	sne.s32 s0, $0x0;
	s0 =	rddreg [dreg:$0x4]  }
0x107: {  	s0 =	sadd.s32 @!p0 $0x100000, s0  }
0x108: {  	[sflag:s0] =	ssyncadd.tile.s32 @!p0 $0x1;
	_ =	shalt  }
.Lfunc_end2:
_tile_overlayer_lowered:
.L_overlay_start_2:
0x109: {  	(tag) =	ssettag $0x2  }
0x10a: {  	s0 =	rddreg [dreg:$0x0];
	s2 =	stileid.u32  }
0x10b: {  	s1 =	rddreg [dreg:$0x1];
	p0 =	sne.s32 s2, $0x0  }
0x10c: {  	s3 =	rddreg [dreg:$0x2];
	[bflag:$0x3] =	sbarrier.arrive $0xFFFF;
	s2 =	simm.s32 @!p0 $0x1C03  }
0x10d: {  	[timem:s3], [sflag:s2] =	dma.local @!p0 [hbm:s0], s1  }
0x10e: {  	s0 =	simm.s32 @!p0 $0x3  }
0x10f: {  	_ =	swait.ge @!p0 [sflag:s0], s1  }
0x110: {  	s1 =	ssub.s32 @!p0 $0x0, s1;
	[sflag:s0] =	ssyncset.done @!p0 $0x0  }
0x111: {  	[sflag:s0] =	ssyncadd.s32 @!p0 s1  }
0x112: {  	[bflag:$0x3] =	sbarrier.arrive $0xFFFF  }
0x113: {  	_ =	shalt  }

// kernel: kernel.17.cloned.1.call-start
scs
__scs_entry_jumppad:
0x0: {  	(pc) =	sbr.rel $0x88, $3  }
0x1: {  	(tag) =	ssettag $0x0;
	lr =	simm.s32 $0x1  }
0x2: {  	[smem:$0x3F9B] =	sst lr;
	_ =	strace $0xD0000000  }
0x3: {  	_ = 	snop  }
0x4: {  	_ = 	snop  }
0x5: {  	_ = 	snop  }
0x6: {  	_ = 	snop  }
0x7: {  	_ = 	snop  }
__scs_overlays_trampoline_lowered:
0x8: {  	[smem:$0x3FAA] =	sst s0  }
0x9: {  	[smem:$0x3FAB] =	sst s1  }
0xa: {  	[smem:$0x3FAC] =	sst s2  }
0xb: {  	[smem:$0x3FAD] =	sst s3  }
0xc: {  	[smem:$0x3FAE] =	sst s4  }
0xd: {  	[smem:$0x3FAF] =	sst s5  }
0xe: {  	[smem:$0x3FB0] =	sst s6  }
0xf: {  	[smem:$0x3FB1] =	sst s7  }
0x10: {  	[smem:$0x3FB2] =	sst s8  }
0x11: {  	[smem:$0x3FB3] =	sst s9;
	s0 =	simm.s32 @!p0 $0x0  }
0x12: {  	s1 =	sld [smem:$0x3F99];
	s0 =	simm.s32 @p0 $0x1  }
0x13: {  	[smem:$0x3FB4] =	sst s0;
	s0 =	simm.s32 @!p1 $0x0  }
0x14: {  	s2 =	sld [smem:$0x3F98];
	s0 =	simm.s32 @p1 $0x1  }
0x15: {  	[smem:$0x3FB5] =	sst s0;
	s0 =	simm.s32 @!p2 $0x0  }
0x16: {  	s3 =	sld [smem:$0x3FDB];
	s0 =	simm.s32 @p2 $0x1  }
0x17: {  	s4 =	simm.s32 $0x1BF5;
	[smem:$0x3FB7] =	sst s0  }
0x18: {  	s0 =	sld [smem:$0x3F9A];
	_ =	swait.ge [sflag:s4], $0x0  }
0x19: {  	s7 =	sld [smem:$0x3F9B]  }
0x1a: {  	s8 =	sadd.s32 $0xFFFFE003, lr  }
0x1b: {  	s9 =	sadd.s32 $0xFFFFFEF7, lr;
	s5 =	simm.s32 $0xFFFFFFFF;
	p2 =	slt.u32 s8, $0xFFFFF086  }
0x1c: {  	p1 =	slt.u32 s9, $0xF7A;
	s5 =	simm.s32 @!p2 $0x0  }
0x1d: {  	s5 =	simm.s32 @p1 $0x1;
	p0 =	seq.s32 s7, s2  }
0x1e: {  	s7 =	smul.u32 @!p0 $0xF7A, s2;
	p2 =	seq.s32 @!p0 s5, $0x0  }
0x1f: {  	s9 =	smul.u32 $0xF7A, s1;
	s8 =	simm.s32 @!p0 $0x1BF5;
	p2 =	por !p2, p0  }
0x20: {  	[sflag:s8] =	ssyncset.s32 @!p0 $0xFFFFF086;
	s6 =	sadd.s32 @!p0 s3, s7;
	s7 =	simm.s32 @!p0 $0x108  }
0x21: {  	s3 =	sadd.s32 s3, s9;
	s6 =	sadd.s32 @!p0 $0x88, s6;
	s7 =	simm.s32 @p2 $0x1082  }
0x22: {  	[simem:s7], [sflag:s8] =	dma.local @!p0 [hbm:s6], $0xF7A  }
0x23: {  	s9 =	sor.u32 $0xD0000000, s2;
	s6 =	simm.s32 $0x108;
	_ =	swait.ge @!p0 [sflag:s8], $0x0  }
0x24: {  	s3 =	sadd.s32 $0x88, s3;
	s6 =	simm.s32 @!p1 $0x1082;
	[sflag:s4] =	ssyncset.s32 $0xFFFFF086  }
0x25: {  	[simem:s6], [sflag:s4] =	dma.local [hbm:s3], $0xF7A  }
0x26: {  	[smem:$0x3F9B] =	sst s1;
	(tag) =	ssettag s2;
	_ =	strace s9  }
0x27: {  	s1 =	sld [smem:$0x3FAB]  }
0x28: {  	s2 =	sld [smem:$0x3FAC]  }
0x29: {  	s4 =	sld [smem:$0x3FAE]  }
0x2a: {  	p0 =	seq.s32 s5, $0x0;
	s5 =	sld [smem:$0x3FAF]  }
0x2b: {  	s6 =	sld [smem:$0x3FB0]  }
0x2c: {  	s7 =	sld [smem:$0x3FB1]  }
0x2d: {  	s3 =	simm.s32 $0x108;
	s8 =	sld [smem:$0x3FB2]  }
0x2e: {  	s3 =	simm.s32 @!p0 $0x1082;
	s9 =	sld [smem:$0x3FB3]  }
0x2f: {  	lr =	sadd.s32 s0, s3;
	s0 =	sld [smem:$0x3FAA]  }
0x30: {  	s3 =	sld [smem:$0x3FAD]  }
0x31: {  	[smem:$0x3FB6] =	sst s10  }
0x32: {  	s10 =	sld [smem:$0x3FB4];
	_ =	sdelay $0x3  }
0x33: {  	p0 =	seq.s32 s10, $0x1;
	s10 =	sld [smem:$0x3FB6];
	_ =	sdelay $0x3  }
0x34: {  	[smem:$0x3FB6] =	sst s10  }
0x35: {  	s10 =	sld [smem:$0x3FB5];
	_ =	sdelay $0x3  }
0x36: {  	p1 =	seq.s32 s10, $0x1;
	s10 =	sld [smem:$0x3FB6];
	_ =	sdelay $0x3  }
0x37: {  	[smem:$0x3FB6] =	sst s10  }
0x38: {  	s10 =	sld [smem:$0x3FB7]  }
0x39: {  	_ = 	snop;
	(pc) =	sbr.ind lr, $3  }
0x3a: {  	_ = 	snop  }
0x3b: {  	_ = 	snop  }
0x3c: {  	p2 =	seq.s32 s10, $0x1;
	s10 =	sld [smem:$0x3FB6]  }
0x3d: {  	_ =	shalt  }
0x3e: {  	_ =	shalt  }
0x3f: {  	_ =	shalt  }
0x40: {  	_ =	shalt  }
0x41: {  	_ =	shalt  }
0x42: {  	_ =	shalt  }
0x43: {  	_ =	shalt  }
0x44: {  	_ =	shalt  }
0x45: {  	_ =	shalt  }
0x46: {  	_ =	shalt  }
0x47: {  	_ =	shalt  }
0x48: {  	_ =	shalt  }
0x49: {  	_ =	shalt  }
0x4a: {  	_ =	shalt  }
0x4b: {  	_ =	shalt  }
0x4c: {  	_ =	shalt  }
0x4d: {  	_ =	shalt  }
0x4e: {  	_ =	shalt  }
0x4f: {  	_ =	shalt  }
0x50: {  	_ =	shalt  }
0x51: {  	_ =	shalt  }
0x52: {  	_ =	shalt  }
0x53: {  	_ =	shalt  }
0x54: {  	_ =	shalt  }
0x55: {  	_ =	shalt  }
0x56: {  	_ =	shalt  }
0x57: {  	_ =	shalt  }
0x58: {  	_ =	shalt  }
0x59: {  	_ =	shalt  }
0x5a: {  	_ =	shalt  }
0x5b: {  	_ =	shalt  }
0x5c: {  	_ =	shalt  }
0x5d: {  	_ =	shalt  }
0x5e: {  	_ =	shalt  }
0x5f: {  	_ =	shalt  }
0x60: {  	_ =	shalt  }
0x61: {  	_ =	shalt  }
0x62: {  	_ =	shalt  }
0x63: {  	_ =	shalt  }
0x64: {  	_ =	shalt  }
0x65: {  	_ =	shalt  }
0x66: {  	_ =	shalt  }
0x67: {  	_ =	shalt  }
0x68: {  	_ =	shalt  }
0x69: {  	_ =	shalt  }
0x6a: {  	_ =	shalt  }
0x6b: {  	_ =	shalt  }
0x6c: {  	_ =	shalt  }
0x6d: {  	_ =	shalt  }
0x6e: {  	_ =	shalt  }
0x6f: {  	_ =	shalt  }
0x70: {  	_ =	shalt  }
0x71: {  	_ =	shalt  }
0x72: {  	_ =	shalt  }
0x73: {  	_ =	shalt  }
0x74: {  	_ =	shalt  }
0x75: {  	_ =	shalt  }
0x76: {  	_ =	shalt  }
0x77: {  	_ =	shalt  }
0x78: {  	_ =	shalt  }
0x79: {  	_ =	shalt  }
0x7a: {  	_ =	shalt  }
0x7b: {  	_ =	shalt  }
0x7c: {  	_ =	shalt  }
0x7d: {  	_ =	shalt  }
0x7e: {  	_ =	shalt  }
0x7f: {  	_ =	shalt  }
0x80: {  	_ =	shalt  }
0x81: {  	_ =	shalt  }
0x82: {  	_ =	shalt  }
0x83: {  	_ =	shalt  }
0x84: {  	_ =	shalt  }
0x85: {  	_ =	shalt  }
0x86: {  	_ =	shalt  }
0x87: {  	_ =	shalt  }
.Lfunc_end0:
.L_simem_size_0:
called_computation.3_lowered:
.L_overlay_start_0:
0x88: {  	s2 =	sld [smem:$0x3FD9]  }
0x89: {  	s3 =	sld [smem:$0x3FFE];
	_ =	sdelay $0x1  }
0x8a: {  	s1 =	srdreg.scid  }
0x8b: {  	s0 =	sand.u32 $0x1, s1  }
0x8c: {  	s17 =	sshll.u32 s0, $0xA;
	s2 =	sadd.s32 s3, s2  }
0x8d: {  	s2 =	sadd.s32 s2, s17  }
0x8e: {  	[smem:$0x3FC2] =	sst s2  }
0x8f: {  	_ = 	snop  }
0x90: {  	s2 =	sld [smem:$0x3FD0];
	(tm) =	ssettm $0x1  }
0x91: {  	s18 =	sld [smem:$0x3FFB];
	_ =	sdelay $0x3  }
0x92: {  	_ =	strace s18  }
0x93: {  	s3 =	sld [smem:$0x3FFC];
	_ =	sdelay $0x3  }
0x94: {  	_ =	strace s3  }
0x95: {  	s3 =	sld [smem:$0x3FFD];
	_ =	sdelay $0x3  }
0x96: {  	_ =	strace s3  }
0x97: {  	_ =	strace $0x8FFFFFFF  }
0x98: {  	s19 =	sld [smem:$0x3FDB];
	_ =	sdelay $0x1  }
0x99: {  	s4 =	simm.s32 $_scs_section_size  }
0x9a: {  	s5 =	simm.s32 $_size__tile_overlayer_lowered;
	s6 =	simm.s32 $_tile_overlayer_lowered  }
0x9b: {  	s22 =	simm.s32 $0x1BFF;
	s21 =	sshll.u32 s6, $0x1;
	s3 =	sadd.s32 s4, s19  }
0x9c: {  	s7 =	simm.s32 $0x0;
	s20 =	sshll.u32 s5, $0x1;
	s5 =	sadd.s32 s21, s3  }
0x9d: {  	[timem:s7], [sflag:s22] =	dma.local [hbm:s5], s20  }
0x9e: {  	_ =	swait.ge [sflag:s22], s20  }
0x9f: {  	s4 =	ssub.s32 $0x0, s20;
	[sflag:s22] =	ssyncset.done $0x0  }
0xa0: {  	[sflag:s22] =	ssyncadd.s32 s4;
	_ =	sdelay $0x1  }
0xa1: {  	s23 =	simm.s32 $0x1B8B  }
0xa2: {  	_ =	swait.ge [sflag:s23], $0x1  }
0xa3: {  	[sflag:s23] =	ssyncset.done $0x0  }
0xa4: {  	s25 =	simm.s32 $0x1B8E;
	s24 =	sld [smem:$0x3FFE];
	[sflag:s23] =	ssyncadd.s32 $0xFFFFFFFF  }
0xa5: {  	s26 =	simm.s32 $execute0_lowered;
	[smem:$0x3FD2] =	sst s25  }
0xa6: {  	s5 =	sshll.u32 s26, $0x1;
	_ =	strace $0x8000004F;
	[dreg:$0x1] =	wrdreg $0xFFFFFFFF  }
0xa7: {  	s28 =	simm.s32 $_size_execute0_lowered;
	s3 =	sadd.s32 s3, s5;
	[dreg:$0x0] =	wrdreg $0x0  }
0xa8: {  	s5 =	sshll.u32 s28, $0x1;
	[dreg:$0x2] =	wrdreg s3  }
0xa9: {  	[dreg:$0x3] =	wrdreg s5  }
0xaa: {  	[dreg:$0x4] =	wrdreg $0xC0  }
0xab: {  	_ =	task [dreg:s7], $0x5FFFF  }
0xac: {  	[dreg:$0x1] =	wrdreg $0xFFFFFFFF  }
0xad: {  	[dreg:$0x0] =	wrdreg $0x60  }
0xae: {  	[dreg:$0x2] =	wrdreg s24  }
0xaf: {  	[dreg:$0x3] =	wrdreg s2  }
0xb0: {  	[dreg:$0x4] =	wrdreg $0x12D000  }
0xb1: {  	[dreg:$0x5] =	wrdreg $0x9  }
0xb2: {  	_ =	task.clear_ibuf [dreg:s7], $0x6FFFF;
	_ =	strace $0x9000004F  }
0xb3: {  	s29 =	simm.s32 $0x9;
	_ =	strace $0x80000051  }
0xb4: {  	_ =	swait.ge [sflag:s29], $0x1  }
0xb5: {  	[sflag:s29] =	ssyncadd.s32 $0xFFFFFFFF  }
0xb6: {  	_ =	strace $0x90000051  }
0xb7: {  	_ =	sfence  }
0xb8: {  	s30 =	sld [smem:$0x0];
	_ =	sdelay $0x2  }
0xb9: {  	s31 =	sshll.u32 s1, $0xD;
	s1 =	sshrl.u32 s1, $0x2  }
0xba: {  	s3 =	sand.u32 $0x4000, s31;
	s1 =	sadd.s32 s1, s30  }
0xbb: {  	s0 =	sor.u32 s3, s0;
	s1 =	sshll.u32 s1, $0x11  }
0xbc: {  	s0 =	sor.u32 s1, s0  }
0xbd: {  	s0 =	sadd.s32 $0x8F2B, s0  }
0xbe: {  	[sflag:s0] =	ssyncadd.remote.s32 $0x1  }
0xbf: {  	_ =	sfence.sel $0xFFFF  }
0xc0: {  	[dreg:$0x0] =	wrdreg $0xFFFFFFFF;
	(pc) =	sbr.abs _section_cstart, $3  }
0xc1: {  	[dreg:$0x1] =	wrdreg $0xFFFFFFFF  }
0xc2: {  	_ =	task.clear_ibuf [dreg:s7], $0x2FFFF;
	_ =	strace $0x9FFFFFFF  }
0xc3: {  	(tm) =	ssettm $0x7FFFFFFF  }
tec
execute0_lowered:
.L_overlay_start_1:
0x0: {  	(tag) =	ssettag $0x1  }
0x1: {  	s0 =	rddreg [dreg:$0x0]  }
0x2: {  	s2 =	rddreg [dreg:$0x1]  }
0x3: {  	s1 =	rddreg [dreg:$0x2]  }
0x4: {  	s3 =	srdreg.scid;
	s10 =	stileid.u32  }
0x5: {  	s11 =	simm.s32 $0xF100;
	s12 =	simm.s32 $0x80;
	s21 =	simm.s32 $0xD900  }
0x6: {  	s22 =	simm.s32 $0x300;
	s23 =	simm.s32 $0xE500;
	s25 =	simm.s32 $0x1  }
0x7: {  	s26 =	simm.s32 $0x2;
	s28 =	simm.s32 $0x0;
	s5 =	smul.u32 $0x9D0, s10  }
0x8: {  	s4 =	sand.u32 $0x1, s3;
	s3 =	simm.s32 $0x0;
	s10 =	smul.u32 $0x3C00, s10  }
0x9: {  	s9 =	smul.u32 $0x7800, s4;
	[smem:$0x7FF] =	sst s3;
	s6 =	ssub.s32 $0x2, s4  }
0xa: {  	s4 =	sadd.s32 $0x6E00, s0;
	_ =	strace $0x80000050;
	s7 =	sadd.s32 s5, s0  }
0xb: {  	s30 =	sshrl.u32 s6, $0x1;
	s13 =	sshrl.u32 s10, $0x3;
	s8 =	sadd.s32 s9, s0  }
0xc: {  	s31 =	ssub.s32 s6, s30;
	s5 =	sadd.s32 $0x17200, s7;
	s6 =	sadd.s32 $0xD400, s7  }
0xd: {  	s7 =	sadd.s32 s10, s1;
	s2 =	sadd.s32 s2, s9;
	s10 =	simm.s32 $0x3  }
0xe: {  	s8 =	sadd.s32 $0x3A000, s8;
	s9 =	smax.u32 s31, $0x1;
	s24 =	sadd.s32 s13, s2  }
.LBB2_1:
0xf: {  	[tilespmem:s3], [sflag:$0x3] =	stream.linear.gather [hbm4b:s5+s3], $0x4E80, $0x38;
	[tilespmem:$0x16900] =	vst v63  }
0x10: {  	_ =	swait.ge [sflag:s10], $0x4E80  }
0x11: {  	[sflag:s10] =	ssyncset.done $0x0  }
0x12: {  	s0 =	simm.s32 $0x4E80;
	[sflag:s10] =	ssyncadd.s32 $0xFFFFB180  }
0x13: {  	[tilespmem:s0], [sflag:$0x3] =	stream.linear.gather [hbm4b:s6+s3], $0x4E80, $0x38;
	[tilespmem:$0x16900] =	vst v63  }
0x14: {  	_ =	swait.ge [sflag:s10], $0x4E80  }
0x15: {  	[sflag:s10] =	ssyncset.done $0x0  }
0x16: {  	[sflag:s10] =	ssyncadd.s32 $0xFFFFB180  }
0x17: {  	[tilespmem:s11], [sflag:$0x3] =	stream.linear.gather [hbm4b:s4+s3], $0x3C00, $0x38;
	[tilespmem:$0x16900] =	vst v63  }
0x18: {  	_ =	swait.ge [sflag:s10], $0x3C00  }
0x19: {  	[sflag:s10] =	ssyncset.done $0x0  }
0x1a: {  	[sflag:s10] =	ssyncadd.s32 $0xFFFFC400  }
0x1b: {  	[spmem:s7] =	stream.linear.scatter [tilespmem:s11], [sflag:$0x3], $0x3C00, $0x38;
	[tilespmem:$0x16900] =	vst v63  }
0x1c: {  	_ =	swait.ge [sflag:s10], $0x3C00  }
0x1d: {  	[sflag:s10] =	ssyncset.done $0x0  }
0x1e: {  	[sflag:s10] =	ssyncadd.s32 $0xFFFFC400  }
0x1f: {  	s2 =	simm.s32 $0x9D00;
	s18 =	simm.s32 $0x0;
	[bflag:$0x0] =	sbarrier.arrive $0xFFFF  }
0x20: {  	[tilespmem:s2], [sflag:$0x1] =	stream.indirect.gather [hbm4b:s8+s12], $0x18, s3, s12, $0xb8;
	[tilespmem:$0x16900] =	vst v63  }
0x21: {  	s19 =	simm.s32 $0xA900;
	s20 =	simm.s32 $0x100;
	s2 =	smul.u32 $0x25, s18  }
0x22: {  	[tilespmem:s19], [sflag:$0x1] =	stream.indirect.gather [hbm4b:s8+s12], $0x18, s12, s12, $0xb8;
	[tilespmem:$0x16900] =	vst v63  }
0x23: {  	s13 =	simm.s32 $0xB500;
	s14 =	simm.s32 $0x180;
	s2 =	sshrl.u32 s2, $0x8  }
0x24: {  	s15 =	simm.s32 $0xC100;
	p1 =	por $0x1, $0x1;
	s19 =	ssub.s32 $0x0, s2  }
0x25: {  	[tilespmem:s13], [sflag:$0x1] =	stream.indirect.gather [hbm4b:s8+s12], $0x18, s20, s12, $0xb8;
	[tilespmem:$0x16900] =	vst v63  }
0x26: {  	s16 =	simm.s32 $0x200;
	p0 =	por @!p1 $0x0, $0x0;
	s13 =	sand.u32 $0xFE, s19  }
0x27: {  	[tilespmem:s15], [sflag:$0x1] =	stream.indirect.gather [hbm4b:s8+s12], $0x18, s14, s12, $0xb8;
	[tilespmem:$0x16900] =	vst v63  }
0x28: {  	p0 =	por p0, p1;
	s13 =	sshrl.u32 s13, $0x1;
	s14 =	simm.s32 $0x5  }
0x29: {  	s17 =	simm.s32 $0xCD00;
	s2 =	sadd.s32 s2, s13;
	s14 =	smul.u32 @!p0 $0x25, s14  }
0x2a: {  	[tilespmem:s17], [sflag:$0x1] =	stream.indirect.gather [hbm4b:s8+s12], $0x18, s16, s12, $0xb8;
	[tilespmem:$0x16900] =	vst v63  }
0x2b: {  	s31 =	simm.s32 $0x280;
	s2 =	sand.u32 $0xFC, s2;
	s13 =	sshrl.u32 @!p0 s14, $0x8  }
0x2c: {  	[tilespmem:s21], [sflag:$0x1] =	stream.indirect.gather [hbm4b:s8+s12], $0x18, s31, s12, $0xb8;
	[tilespmem:$0x16900] =	vst v63  }
0x2d: {  	s2 =	sshrl.u32 s2, $0x2;
	s14 =	ssub.s32 @!p0 $0x5, s13  }
0x2e: {  	s30 =	simm.s32 $0x6;
	s2 =	smul.u32 $0x7, s2;
	s14 =	sand.u32 @!p0 $0xFE, s14  }
0x2f: {  	[tilespmem:s23], [sflag:$0x1] =	stream.indirect.gather [hbm4b:s8+s12], $0x18, s22, s12, $0xb8;
	[tilespmem:$0x16900] =	vst v63  }
0x30: {  	s29 =	simm.s32 $0x300;
	s2 =	ssub.s32 $0x0, s2;
	s14 =	sshrl.u32 @!p0 s14, $0x1  }
0x31: {  	p2 =	por $0x1, $0x1;
	s2 =	sand.u32 $0xFF, s2;
	s13 =	sadd.s32 @!p0 s13, s14  }
0x32: {  	s2 =	smul.u32 $0x3000, s2;
	_ =	swait.ge [sflag:s25], $0xC00;
	s13 =	sand.u32 @!p0 $0xFC, s13  }
0x33: {  	p5 =	por @!p2 $0x0, $0x0;
	[sflag:s25] =	ssyncset.done $0x0;
	s13 =	sshrl.u32 @!p0 s13, $0x2  }
0x34: {  	s20 =	sshrl.u32 s2, $0x2;
	s2 =	simm.s32 $0x1;
	s14 =	smul.u32 @!p0 $0x7, s13  }
0x35: {  	[sflag:s25] =	ssyncadd.s32 $0xFFFFF400;
	s13 =	sadd.s32 $0x9D00, s20;
	s16 =	smul.u32 $0x25, s2  }
0x36: {  	[spmem:s1] =	stream.indirect.scatter.add.f32 [tilespmem:s13], [sflag:$0x2], $0x18, s0, s12, $0xb8;
	[tilespmem:$0x16900] =	vst v63  }
0x37: {  	p1 =	por p1, p1;
	s13 =	simm.s32 $0x7;
	s14 =	ssub.s32 @!p0 $0x5, s14  }
0x38: {  	s0 =	simm.s32 $0x4F00;
	s15 =	sand.u32 @!p0 $0xFF, s14;
	s14 =	sshrl.u32 s16, $0x8  }
.LBB2_2:
0x39: {  	s16 =	ssub.s32 s2, s14;
	s15 =	smul.u32 @!p0 $0x3000, s15;
	s17 =	smov.u32 s30  }
0x3a: {  	s30 =	smov.u32 s13;
	s18 =	smov.u32 s31;
	p4 =	por p0, p0  }
0x3b: {  	p0 =	por p5, p2;
	p5 =	por p1, p1;
	p1 =	por p2, p2  }
0x3c: {  	s13 =	sadd.s32 $0x1, s13;
	s16 =	sand.u32 $0xFE, s16;
	s31 =	smul.u32 @!p0 $0x25, s17  }
0x3d: {  	p3 =	sne.s32 s13, $0xA2;
	s16 =	sshrl.u32 s16, $0x1;
	s15 =	sshrl.u32 @!p4 s15, $0x2  }
0x3e: {  	s14 =	sadd.s32 s14, s16;
	s16 =	sshrl.u32 @!p0 s31, $0x8;
	s15 =	sadd.s32 @!p4 $0x9D00, s15  }
0x3f: {  	s31 =	smov.u32 s29;
	s14 =	sand.u32 $0xFC, s14;
	s19 =	ssub.s32 @!p0 s17, s16  }
0x40: {  	s20 =	smov.u32 s0;
	s14 =	sshrl.u32 s14, $0x2;
	s19 =	sand.u32 @!p0 $0xFE, s19  }
0x41: {  	s14 =	smul.u32 $0x7, s14;
	s19 =	sshrl.u32 @!p0 s19, $0x1  }
0x42: {  	s0 =	sadd.s32 $0x80, s0;
	s16 =	sadd.s32 @!p0 s16, s19;
	s19 =	simm.s32 @!p5 $0x2  }
0x43: {  	s2 =	ssub.s32 s2, s14;
	s14 =	sand.u32 @!p0 $0xFC, s16;
	_ =	swait.ge @!p5 [sflag:s19], $0xC00  }
0x44: {  	s2 =	sand.u32 $0xFF, s2;
	s14 =	sshrl.u32 @!p0 s14, $0x2;
	[sflag:s19] =	ssyncset.done @!p5 $0x0  }
0x45: {  	s16 =	simm.s32 @!p4 $0x80;
	s14 =	smul.u32 @!p0 $0x7, s14;
	[sflag:s19] =	ssyncadd.s32 @!p5 $0xFFFFF400  }
0x46: {  	[tilespmem:s15], [sflag:$0x1] =	stream.indirect.gather @!p4 [hbm4b:s8+s16], $0x18, s18, s16, $0xb8;
	[tilespmem:$0x16900] =	vst v63  }
0x47: {  	s29 =	sadd.s32 $0x80, s29;
	s15 =	smul.u32 $0x3000, s2;
	s2 =	sadd.s32 $0xFFFFFFFB, s30  }
.Ltmp0:
0x48: {  	s14 =	ssub.s32 @!p0 s17, s14;
	_ =	swait.ge [sflag:s25], $0xC00;
	(pc) =	sbr.rel @p3 .LBB2_2-.Ltmp0, $4  }
0x49: {  	s16 =	smul.u32 $0x25, s2;
	p2 =	slt.u32 s2, $0x2;
	[sflag:s25] =	ssyncset.done $0x0  }
0x4a: {  	p5 =	sgt.u32 @!p2 s2, $0x97;
	s17 =	sshrl.u32 s15, $0x2;
	s15 =	sand.u32 @!p0 $0xFF, s14  }
0x4b: {  	s14 =	sshrl.u32 s16, $0x8;
	s16 =	sadd.s32 $0x9D00, s17;
	[sflag:s25] =	ssyncadd.s32 $0xFFFFF400  }
0x4c: {  	[spmem:s1] =	stream.indirect.scatter.add.f32 [tilespmem:s16], [sflag:$0x2], $0x18, s20, s12, $0xb8;
	[tilespmem:$0x16900] =	vst v63  }
0x4d: {  	s13 =	ssub.s32 s2, s14  }
0x4e: {  	p3 =	por p5, p2;
	s15 =	smul.u32 @!p0 $0x3000, s15;
	s13 =	sand.u32 $0xFE, s13  }
0x4f: {  	s16 =	smul.u32 @!p3 $0x25, s30;
	s13 =	sshrl.u32 s13, $0x1  }
0x50: {  	p0 =	por p0, p0;
	p1 =	por p1, p1;
	s13 =	sadd.s32 s14, s13  }
0x51: {  	s17 =	simm.s32 @!p1 $0x2;
	s14 =	sshrl.u32 @!p3 s16, $0x8;
	s13 =	sand.u32 $0xFC, s13  }
0x52: {  	s15 =	sshrl.u32 @!p0 s15, $0x2;
	s16 =	ssub.s32 @!p3 s30, s14;
	s13 =	sshrl.u32 s13, $0x2  }
0x53: {  	_ =	swait.ge @!p1 [sflag:s17], $0xC00;
	s16 =	sand.u32 @!p3 $0xFE, s16;
	s13 =	smul.u32 $0x7, s13  }
0x54: {  	s15 =	sadd.s32 @!p0 $0x9D00, s15;
	[sflag:s17] =	ssyncset.done @!p1 $0x0;
	s16 =	sshrl.u32 @!p3 s16, $0x1  }
0x55: {  	[sflag:s17] =	ssyncadd.s32 @!p1 $0xFFFFF400;
	s14 =	sadd.s32 @!p3 s14, s16;
	s20 =	ssub.s32 s2, s13  }
0x56: {  	s13 =	sand.u32 @!p3 $0xFC, s14;
	s14 =	simm.s32 @!p0 $0x80;
	s2 =	sand.u32 $0xFF, s20  }
0x57: {  	[tilespmem:s15], [sflag:$0x1] =	stream.indirect.gather @!p0 [hbm4b:s8+s14], $0x18, s31, s14, $0xb8;
	[tilespmem:$0x16900] =	vst v63  }
0x58: {  	s13 =	sshrl.u32 @!p3 s13, $0x2;
	s2 =	smul.u32 $0x3000, s2  }
0x59: {  	s13 =	smul.u32 @!p3 $0x7, s13;
	_ =	swait.ge [sflag:s25], $0xC00  }
0x5a: {  	p6 =	por p2, p2;
	[sflag:s25] =	ssyncset.done $0x0;
	s2 =	sshrl.u32 s2, $0x2  }
0x5b: {  	s13 =	ssub.s32 @!p3 s30, s13;
	[sflag:s25] =	ssyncadd.s32 $0xFFFFF400;
	s2 =	sadd.s32 $0x9D00, s2  }
0x5c: {  	[spmem:s1] =	stream.indirect.scatter.add.f32 [tilespmem:s2], [sflag:$0x2], $0x18, s0, s12, $0xb8;
	[tilespmem:$0x16900] =	vst v63  }
0x5d: {  	p0 =	por p6, p6;
	s0 =	sand.u32 @!p3 $0xFF, s13  }
0x5e: {  	s2 =	simm.s32 @!p0 $0x2;
	s0 =	smul.u32 @!p3 $0x3000, s0  }
0x5f: {  	p1 =	por p3, p3;
	_ =	swait.ge @!p0 [sflag:s2], $0xC00  }
0x60: {  	[sflag:s2] =	ssyncset.done @!p0 $0x0;
	s0 =	sshrl.u32 @!p1 s0, $0x2  }
0x61: {  	[sflag:s2] =	ssyncadd.s32 @!p0 $0xFFFFF400;
	s2 =	simm.s32 @!p1 $0x80;
	s0 =	sadd.s32 @!p1 $0x9D00, s0  }
0x62: {  	[tilespmem:s0], [sflag:$0x1] =	stream.indirect.gather @!p1 [hbm4b:s8+s2], $0x18, s29, s2, $0xb8;
	[tilespmem:$0x16900] =	vst v63  }
0x63: {  	_ =	swait.ge [sflag:s26], $0xC00  }
0x64: {  	[sflag:s26] =	ssyncset.done $0x0  }
0x65: {  	[sflag:s26] =	ssyncadd.s32 $0xFFFFF400  }
0x66: {  	_ =	swait.ge [sflag:s26], $0xC00  }
0x67: {  	[sflag:s26] =	ssyncset.done $0x0  }
0x68: {  	[sflag:s26] =	ssyncadd.s32 $0xFFFFF400  }
0x69: {  	[bflag:$0x0] =	sbarrier.arrive $0xFFFF  }
0x6a: {  	[tilespmem:s11], [sflag:$0x3] =	stream.linear.gather [spmem:s7], $0x3C00, $0x38;
	[tilespmem:$0x16900] =	vst v63  }
0x6b: {  	s28 =	sadd.s32 $0x1, s28;
	_ =	swait.ge [sflag:s10], $0x3C00  }
0x6c: {  	p0 =	sne.s32 s28, s9;
	[sflag:s10] =	ssyncset.done $0x0  }
.Ltmp1:
0x6d: {  	[sflag:s10] =	ssyncadd.s32 $0xFFFFC400;
	(pc) =	sbr.rel @p0 .LBB2_1-.Ltmp1, $4  }
0x6e: {  	[hbm4b:s24+s3] =	stream.linear.scatter [tilespmem:s11], [sflag:$0x3], $0x3C00, $0x38;
	[tilespmem:$0x16900] =	vst v63  }
0x6f: {  	_ =	swait.ge [sflag:s10], $0x3C00  }
0x70: {  	[sflag:s10] =	ssyncset.done $0x0  }
0x71: {  	[sflag:s10] =	ssyncadd.s32 $0xFFFFC400  }
0x72: {  	_ =	sfence.sel $0x180000  }
0x73: {  	[bflag:$0x0] =	sbarrier.arrive $0xFFFF  }
0x74: {  	_ =	strace $0x90000050  }
0x75: {  	s0 =	stileid.u32;
	[bflag:$0x2] =	sbarrier.arrive $0xFFFF  }
0x76: {  	p0 =	sne.s32 s0, $0x0;
	s0 =	rddreg [dreg:$0x3]  }
0x77: {  	s0 =	sadd.s32 @!p0 $0x100000, s0  }
0x78: {  	[sflag:s0] =	ssyncadd.tile.s32 @!p0 $0x1;
	_ =	shalt  }
.Lfunc_end2:
_tile_overlayer_lowered:
.L_overlay_start_2:
0x79: {  	(tag) =	ssettag $0x2  }
0x7a: {  	s0 =	rddreg [dreg:$0x0];
	s2 =	stileid.u32  }
0x7b: {  	s1 =	rddreg [dreg:$0x1];
	p0 =	sne.s32 s2, $0x0  }
0x7c: {  	s3 =	rddreg [dreg:$0x2];
	[bflag:$0x3] =	sbarrier.arrive $0xFFFF;
	s2 =	simm.s32 @!p0 $0x1C03  }
0x7d: {  	[timem:s3], [sflag:s2] =	dma.local @!p0 [hbm:s0], s1  }
0x7e: {  	s0 =	simm.s32 @!p0 $0x3  }
0x7f: {  	_ =	swait.ge @!p0 [sflag:s0], s1  }
0x80: {  	s1 =	ssub.s32 @!p0 $0x0, s1;
	[sflag:s0] =	ssyncset.done @!p0 $0x0  }
0x81: {  	[sflag:s0] =	ssyncadd.s32 @!p0 s1  }
0x82: {  	[bflag:$0x3] =	sbarrier.arrive $0xFFFF  }
0x83: {  	_ =	shalt  }

// kernel: kernel.8.cloned.1.call-start
scs
__scs_entry_jumppad:
0x0: {  	(pc) =	sbr.rel $0x88, $3  }
0x1: {  	(tag) =	ssettag $0x0;
	lr =	simm.s32 $0x1  }
0x2: {  	[smem:$0x3F9B] =	sst lr;
	_ =	strace $0xD0000000  }
0x3: {  	_ = 	snop  }
0x4: {  	_ = 	snop  }
0x5: {  	_ = 	snop  }
0x6: {  	_ = 	snop  }
0x7: {  	_ = 	snop  }
__scs_overlays_trampoline_lowered:
0x8: {  	[smem:$0x3FAA] =	sst s0  }
0x9: {  	[smem:$0x3FAB] =	sst s1  }
0xa: {  	[smem:$0x3FAC] =	sst s2  }
0xb: {  	[smem:$0x3FAD] =	sst s3  }
0xc: {  	[smem:$0x3FAE] =	sst s4  }
0xd: {  	[smem:$0x3FAF] =	sst s5  }
0xe: {  	[smem:$0x3FB0] =	sst s6  }
0xf: {  	[smem:$0x3FB1] =	sst s7  }
0x10: {  	[smem:$0x3FB2] =	sst s8  }
0x11: {  	[smem:$0x3FB3] =	sst s9;
	s0 =	simm.s32 @!p0 $0x0  }
0x12: {  	s1 =	sld [smem:$0x3F99];
	s0 =	simm.s32 @p0 $0x1  }
0x13: {  	[smem:$0x3FB4] =	sst s0;
	s0 =	simm.s32 @!p1 $0x0  }
0x14: {  	s2 =	sld [smem:$0x3F98];
	s0 =	simm.s32 @p1 $0x1  }
0x15: {  	[smem:$0x3FB5] =	sst s0;
	s0 =	simm.s32 @!p2 $0x0  }
0x16: {  	s3 =	sld [smem:$0x3FDB];
	s0 =	simm.s32 @p2 $0x1  }
0x17: {  	s4 =	simm.s32 $0x1BF5;
	[smem:$0x3FB7] =	sst s0  }
0x18: {  	s0 =	sld [smem:$0x3F9A];
	_ =	swait.ge [sflag:s4], $0x0  }
0x19: {  	s7 =	sld [smem:$0x3F9B]  }
0x1a: {  	s8 =	sadd.s32 $0xFFFFE003, lr  }
0x1b: {  	s9 =	sadd.s32 $0xFFFFFEF7, lr;
	s5 =	simm.s32 $0xFFFFFFFF;
	p2 =	slt.u32 s8, $0xFFFFF086  }
0x1c: {  	p1 =	slt.u32 s9, $0xF7A;
	s5 =	simm.s32 @!p2 $0x0  }
0x1d: {  	s5 =	simm.s32 @p1 $0x1;
	p0 =	seq.s32 s7, s2  }
0x1e: {  	s7 =	smul.u32 @!p0 $0xF7A, s2;
	p2 =	seq.s32 @!p0 s5, $0x0  }
0x1f: {  	s9 =	smul.u32 $0xF7A, s1;
	s8 =	simm.s32 @!p0 $0x1BF5;
	p2 =	por !p2, p0  }
0x20: {  	[sflag:s8] =	ssyncset.s32 @!p0 $0xFFFFF086;
	s6 =	sadd.s32 @!p0 s3, s7;
	s7 =	simm.s32 @!p0 $0x108  }
0x21: {  	s3 =	sadd.s32 s3, s9;
	s6 =	sadd.s32 @!p0 $0x88, s6;
	s7 =	simm.s32 @p2 $0x1082  }
0x22: {  	[simem:s7], [sflag:s8] =	dma.local @!p0 [hbm:s6], $0xF7A  }
0x23: {  	s9 =	sor.u32 $0xD0000000, s2;
	s6 =	simm.s32 $0x108;
	_ =	swait.ge @!p0 [sflag:s8], $0x0  }
0x24: {  	s3 =	sadd.s32 $0x88, s3;
	s6 =	simm.s32 @!p1 $0x1082;
	[sflag:s4] =	ssyncset.s32 $0xFFFFF086  }
0x25: {  	[simem:s6], [sflag:s4] =	dma.local [hbm:s3], $0xF7A  }
0x26: {  	[smem:$0x3F9B] =	sst s1;
	(tag) =	ssettag s2;
	_ =	strace s9  }
0x27: {  	s1 =	sld [smem:$0x3FAB]  }
0x28: {  	s2 =	sld [smem:$0x3FAC]  }
0x29: {  	s4 =	sld [smem:$0x3FAE]  }
0x2a: {  	p0 =	seq.s32 s5, $0x0;
	s5 =	sld [smem:$0x3FAF]  }
0x2b: {  	s6 =	sld [smem:$0x3FB0]  }
0x2c: {  	s7 =	sld [smem:$0x3FB1]  }
0x2d: {  	s3 =	simm.s32 $0x108;
	s8 =	sld [smem:$0x3FB2]  }
0x2e: {  	s3 =	simm.s32 @!p0 $0x1082;
	s9 =	sld [smem:$0x3FB3]  }
0x2f: {  	lr =	sadd.s32 s0, s3;
	s0 =	sld [smem:$0x3FAA]  }
0x30: {  	s3 =	sld [smem:$0x3FAD]  }
0x31: {  	[smem:$0x3FB6] =	sst s10  }
0x32: {  	s10 =	sld [smem:$0x3FB4];
	_ =	sdelay $0x3  }
0x33: {  	p0 =	seq.s32 s10, $0x1;
	s10 =	sld [smem:$0x3FB6];
	_ =	sdelay $0x3  }
0x34: {  	[smem:$0x3FB6] =	sst s10  }
0x35: {  	s10 =	sld [smem:$0x3FB5];
	_ =	sdelay $0x3  }
0x36: {  	p1 =	seq.s32 s10, $0x1;
	s10 =	sld [smem:$0x3FB6];
	_ =	sdelay $0x3  }
0x37: {  	[smem:$0x3FB6] =	sst s10  }
0x38: {  	s10 =	sld [smem:$0x3FB7]  }
0x39: {  	_ = 	snop;
	(pc) =	sbr.ind lr, $3  }
0x3a: {  	_ = 	snop  }
0x3b: {  	_ = 	snop  }
0x3c: {  	p2 =	seq.s32 s10, $0x1;
	s10 =	sld [smem:$0x3FB6]  }
0x3d: {  	_ =	shalt  }
0x3e: {  	_ =	shalt  }
0x3f: {  	_ =	shalt  }
0x40: {  	_ =	shalt  }
0x41: {  	_ =	shalt  }
0x42: {  	_ =	shalt  }
0x43: {  	_ =	shalt  }
0x44: {  	_ =	shalt  }
0x45: {  	_ =	shalt  }
0x46: {  	_ =	shalt  }
0x47: {  	_ =	shalt  }
0x48: {  	_ =	shalt  }
0x49: {  	_ =	shalt  }
0x4a: {  	_ =	shalt  }
0x4b: {  	_ =	shalt  }
0x4c: {  	_ =	shalt  }
0x4d: {  	_ =	shalt  }
0x4e: {  	_ =	shalt  }
0x4f: {  	_ =	shalt  }
0x50: {  	_ =	shalt  }
0x51: {  	_ =	shalt  }
0x52: {  	_ =	shalt  }
0x53: {  	_ =	shalt  }
0x54: {  	_ =	shalt  }
0x55: {  	_ =	shalt  }
0x56: {  	_ =	shalt  }
0x57: {  	_ =	shalt  }
0x58: {  	_ =	shalt  }
0x59: {  	_ =	shalt  }
0x5a: {  	_ =	shalt  }
0x5b: {  	_ =	shalt  }
0x5c: {  	_ =	shalt  }
0x5d: {  	_ =	shalt  }
0x5e: {  	_ =	shalt  }
0x5f: {  	_ =	shalt  }
0x60: {  	_ =	shalt  }
0x61: {  	_ =	shalt  }
0x62: {  	_ =	shalt  }
0x63: {  	_ =	shalt  }
0x64: {  	_ =	shalt  }
0x65: {  	_ =	shalt  }
0x66: {  	_ =	shalt  }
0x67: {  	_ =	shalt  }
0x68: {  	_ =	shalt  }
0x69: {  	_ =	shalt  }
0x6a: {  	_ =	shalt  }
0x6b: {  	_ =	shalt  }
0x6c: {  	_ =	shalt  }
0x6d: {  	_ =	shalt  }
0x6e: {  	_ =	shalt  }
0x6f: {  	_ =	shalt  }
0x70: {  	_ =	shalt  }
0x71: {  	_ =	shalt  }
0x72: {  	_ =	shalt  }
0x73: {  	_ =	shalt  }
0x74: {  	_ =	shalt  }
0x75: {  	_ =	shalt  }
0x76: {  	_ =	shalt  }
0x77: {  	_ =	shalt  }
0x78: {  	_ =	shalt  }
0x79: {  	_ =	shalt  }
0x7a: {  	_ =	shalt  }
0x7b: {  	_ =	shalt  }
0x7c: {  	_ =	shalt  }
0x7d: {  	_ =	shalt  }
0x7e: {  	_ =	shalt  }
0x7f: {  	_ =	shalt  }
0x80: {  	_ =	shalt  }
0x81: {  	_ =	shalt  }
0x82: {  	_ =	shalt  }
0x83: {  	_ =	shalt  }
0x84: {  	_ =	shalt  }
0x85: {  	_ =	shalt  }
0x86: {  	_ =	shalt  }
0x87: {  	_ =	shalt  }
.Lfunc_end0:
.L_simem_size_0:
called_computation_lowered:
.L_overlay_start_0:
0x88: {  	s2 =	sld [smem:$0x3FD9]  }
0x89: {  	s3 =	sld [smem:$0x3FFE];
	_ =	sdelay $0x1  }
0x8a: {  	s1 =	srdreg.scid  }
0x8b: {  	s0 =	sand.u32 $0x1, s1  }
0x8c: {  	s17 =	sshll.u32 s0, $0xA;
	s2 =	sadd.s32 s3, s2  }
0x8d: {  	s2 =	sadd.s32 s2, s17  }
0x8e: {  	[smem:$0x3FC2] =	sst s2  }
0x8f: {  	_ = 	snop  }
0x90: {  	s2 =	sld [smem:$0x3FD0];
	(tm) =	ssettm $0x1  }
0x91: {  	s18 =	sld [smem:$0x3FFB];
	_ =	sdelay $0x3  }
0x92: {  	_ =	strace s18  }
0x93: {  	s3 =	sld [smem:$0x3FFC];
	_ =	sdelay $0x3  }
0x94: {  	_ =	strace s3  }
0x95: {  	s3 =	sld [smem:$0x3FFD];
	_ =	sdelay $0x3  }
0x96: {  	_ =	strace s3  }
0x97: {  	_ =	strace $0x8FFFFFFF  }
0x98: {  	s19 =	sld [smem:$0x3FDB];
	_ =	sdelay $0x1  }
0x99: {  	s4 =	simm.s32 $_scs_section_size  }
0x9a: {  	s5 =	simm.s32 $_size__tile_overlayer_lowered;
	s6 =	simm.s32 $_tile_overlayer_lowered  }
0x9b: {  	s22 =	simm.s32 $0x1BFF;
	s21 =	sshll.u32 s6, $0x1;
	s3 =	sadd.s32 s4, s19  }
0x9c: {  	s7 =	simm.s32 $0x0;
	s20 =	sshll.u32 s5, $0x1;
	s5 =	sadd.s32 s21, s3  }
0x9d: {  	[timem:s7], [sflag:s22] =	dma.local [hbm:s5], s20  }
0x9e: {  	_ =	swait.ge [sflag:s22], s20  }
0x9f: {  	s4 =	ssub.s32 $0x0, s20;
	[sflag:s22] =	ssyncset.done $0x0  }
0xa0: {  	[sflag:s22] =	ssyncadd.s32 s4;
	_ =	sdelay $0x1  }
0xa1: {  	s23 =	simm.s32 $0x1B8B  }
0xa2: {  	_ =	swait.ge [sflag:s23], $0x1  }
0xa3: {  	[sflag:s23] =	ssyncset.done $0x0  }
0xa4: {  	s25 =	simm.s32 $0x1B8E;
	s24 =	sld [smem:$0x3FFE];
	[sflag:s23] =	ssyncadd.s32 $0xFFFFFFFF  }
0xa5: {  	s26 =	simm.s32 $execute0_lowered;
	[smem:$0x3FD2] =	sst s25  }
0xa6: {  	s5 =	sshll.u32 s26, $0x1;
	_ =	strace $0x80000046;
	[dreg:$0x1] =	wrdreg $0xFFFFFFFF  }
0xa7: {  	s28 =	simm.s32 $_size_execute0_lowered;
	s3 =	sadd.s32 s3, s5;
	[dreg:$0x0] =	wrdreg $0x0  }
0xa8: {  	s5 =	sshll.u32 s28, $0x1;
	[dreg:$0x2] =	wrdreg s3  }
0xa9: {  	[dreg:$0x3] =	wrdreg s5  }
0xaa: {  	[dreg:$0x4] =	wrdreg $0xC0  }
0xab: {  	_ =	task [dreg:s7], $0x5FFFF  }
0xac: {  	[dreg:$0x1] =	wrdreg $0xFFFFFFFF  }
0xad: {  	[dreg:$0x0] =	wrdreg $0x60  }
0xae: {  	[dreg:$0x2] =	wrdreg s2  }
0xaf: {  	[dreg:$0x3] =	wrdreg s24  }
0xb0: {  	[dreg:$0x4] =	wrdreg $0x52000  }
0xb1: {  	[dreg:$0x5] =	wrdreg $0x54800  }
0xb2: {  	[dreg:$0x6] =	wrdreg $0x9  }
0xb3: {  	_ =	task.clear_ibuf [dreg:s7], $0x7FFFF;
	_ =	strace $0x90000046  }
0xb4: {  	s29 =	simm.s32 $0x9;
	_ =	strace $0x80000048  }
0xb5: {  	_ =	swait.ge [sflag:s29], $0x1  }
0xb6: {  	[sflag:s29] =	ssyncadd.s32 $0xFFFFFFFF  }
0xb7: {  	_ =	strace $0x90000048  }
0xb8: {  	_ =	sfence  }
0xb9: {  	s30 =	sld [smem:$0x0];
	_ =	sdelay $0x2  }
0xba: {  	s31 =	sshll.u32 s1, $0xD;
	s1 =	sshrl.u32 s1, $0x2  }
0xbb: {  	s3 =	sand.u32 $0x4000, s31;
	s1 =	sadd.s32 s1, s30  }
0xbc: {  	s0 =	sor.u32 s3, s0;
	s1 =	sshll.u32 s1, $0x11  }
0xbd: {  	s0 =	sor.u32 s1, s0  }
0xbe: {  	s0 =	sadd.s32 $0x8F2B, s0  }
0xbf: {  	[sflag:s0] =	ssyncadd.remote.s32 $0x1  }
0xc0: {  	_ =	sfence.sel $0xFFFF  }
0xc1: {  	[dreg:$0x0] =	wrdreg $0xFFFFFFFF;
	(pc) =	sbr.abs _section_cstart, $3  }
0xc2: {  	[dreg:$0x1] =	wrdreg $0xFFFFFFFF  }
0xc3: {  	_ =	task.clear_ibuf [dreg:s7], $0x2FFFF;
	_ =	strace $0x9FFFFFFF  }
0xc4: {  	(tm) =	ssettm $0x7FFFFFFF  }
0xc5: {  	_ =	shalt  }
tec
execute0_lowered:
.L_overlay_start_1:
0x0: {  	(tag) =	ssettag $0x1  }
0x1: {  	s9 =	rddreg [dreg:$0x0]  }
0x2: {  	s11 =	rddreg [dreg:$0x1]  }
0x3: {  	s0 =	srdreg.scid;
	s2 =	rddreg [dreg:$0x2]  }
0x4: {  	s3 =	rddreg [dreg:$0x3];
	s4 =	simm.s32 $0x0;
	s16 =	simm.s32 $0x80  }
0x5: {  	s6 =	sand.u32 $0x1, s0;
	s0 =	stileid.u32;
	[smem:$0x7FF] =	sst s4  }
0x6: {  	s20 =	sadd.s32 $0xCA00, s11;
	s1 =	sshll.u32 s6, $0x4;
	s17 =	smul.u32 $0x500, s6  }
0x7: {  	s7 =	ssub.s32 $0x2, s6;
	s13 =	smul.u32 $0x280, s0;
	s6 =	sadd.s32 $0xBE00, s11  }
0x8: {  	s5 =	sor.u32 s0, s1;
	s1 =	rddreg [dreg:$0x4];
	_ =	strace $0x80000047  }
0x9: {  	s8 =	sshrl.u32 s7, $0x1;
	s10 =	smul.u32 $0x4F0, s5;
	s5 =	sadd.s32 $0xBC00, s11  }
0xa: {  	s14 =	sadd.s32 s17, s11;
	s15 =	ssub.s32 s7, s8;
	s7 =	sadd.s32 s13, s2  }
0xb: {  	s8 =	sadd.s32 s13, s3;
	s19 =	sshrl.u32 s13, $0x3;
	s13 =	simm.s32 $0x1  }
0xc: {  	s20 =	sadd.s32 s17, s20;
	s18 =	sadd.s32 $0xC000, s14;
	s14 =	simm.s32 $0x4F00  }
0xd: {  	s12 =	sadd.s32 s10, s11;
	s9 =	sadd.s32 s9, s10;
	s11 =	smax.u32 s15, $0x1  }
0xe: {  	s15 =	simm.s32 $0x2780;
	s17 =	sadd.s32 s19, s18;
	s18 =	sadd.s32 s19, s20  }
0xf: {  	s19 =	simm.s32 $0x0;
	s10 =	sadd.s32 $0x1E00, s12;
	s12 =	simm.s32 $0x4F80  }
.LBB2_1:
0x10: {  	[tilespmem:s12], [sflag:$0x1] =	stream.linear.gather [hbm4b:s5+s4], $0x280, $0x38;
	[tilespmem:$0x5700] =	vst v63  }
0x11: {  	_ =	swait.ge [sflag:s13], $0x280  }
0x12: {  	[sflag:s13] =	ssyncset.done $0x0  }
0x13: {  	[sflag:s13] =	ssyncadd.s32 $0xFFFFFD80  }
0x14: {  	[spmem:s7] =	stream.linear.scatter [tilespmem:s12], [sflag:$0x1], $0x280, $0x38;
	[tilespmem:$0x5700] =	vst v63  }
0x15: {  	_ =	swait.ge [sflag:s13], $0x280  }
0x16: {  	[sflag:s13] =	ssyncset.done $0x0  }
0x17: {  	[sflag:s13] =	ssyncadd.s32 $0xFFFFFD80  }
0x18: {  	[spmem:s8] =	stream.linear.scatter [tilespmem:s12], [sflag:$0x1], $0x280, $0x38;
	[tilespmem:$0x5700] =	vst v63  }
0x19: {  	_ =	swait.ge [sflag:s13], $0x280  }
0x1a: {  	[sflag:s13] =	ssyncset.done $0x0  }
0x1b: {  	[sflag:s13] =	ssyncadd.s32 $0xFFFFFD80  }
0x1c: {  	[tilespmem:s14], [sflag:$0x1] =	stream.linear.gather [hbm4b:s6+s4], $0x80, $0x38;
	[tilespmem:$0x5700] =	vst v63  }
0x1d: {  	_ =	swait.ge [sflag:s13], $0x80  }
0x1e: {  	[sflag:s13] =	ssyncset.done $0x0  }
0x1f: {  	[sflag:s13] =	ssyncadd.s32 $0xFFFFFF80  }
0x20: {  	[tilespmem:s4], [sflag:$0x1] =	stream.linear.gather [hbm4b:s9+s4], $0x2780, $0x38;
	[tilespmem:$0x5700] =	vst v63  }
0x21: {  	_ =	swait.ge [sflag:s13], $0x2780  }
0x22: {  	[sflag:s13] =	ssyncset.done $0x0  }
0x23: {  	[sflag:s13] =	ssyncadd.s32 $0xFFFFD880  }
0x24: {  	[tilespmem:s15], [sflag:$0x1] =	stream.linear.gather [hbm4b:s10+s4], $0x2780, $0x38;
	[tilespmem:$0x5700] =	vst v63  }
0x25: {  	_ =	swait.ge [sflag:s13], $0x2780  }
0x26: {  	[sflag:s13] =	ssyncset.done $0x0  }
0x27: {  	[sflag:s13] =	ssyncadd.s32 $0xFFFFD880  }
0x28: {  	s20 =	simm.s32 $0x0;
	[bflag:$0x0] =	sbarrier.arrive $0xFFFF  }
0x29: {  	[spmem:s2] =	stream.indirect.scatter.add.f32 [tilespmem:s14], [sflag:$0x1], $0x1, s20, s16, $0xb8;
	[tilespmem:$0x5700] =	vst v63  }
0x2a: {  	_ =	swait.ge [sflag:s13], $0x80  }
0x2b: {  	[sflag:s13] =	ssyncset.done $0x0  }
0x2c: {  	s31 =	simm.s32 $0x2780;
	[sflag:s13] =	ssyncadd.s32 $0xFFFFFF80  }
0x2d: {  	[spmem:s3] =	stream.indirect.scatter.add.f32 [tilespmem:s14], [sflag:$0x1], $0x1, s31, s16, $0xb8;
	[tilespmem:$0x5700] =	vst v63  }
0x2e: {  	_ =	swait.ge [sflag:s13], $0x80  }
0x2f: {  	s21 =	simm.s32 $0x400;
	s20 =	simm.s32 $0x200;
	[sflag:s13] =	ssyncset.done $0x0  }
.LBB2_2:
0x30: {  	s22 =	sshra.s32 s20, $0x2  }
0x31: {  	[sflag:s13] =	ssyncadd.s32 $0xFFFFFF80;
	s20 =	smov.u32 s21;
	s23 =	sadd.s32 $0x200, s21  }
0x32: {  	[spmem:s2] =	stream.indirect.scatter.add.f32 [tilespmem:s14], [sflag:$0x1], $0x1, s22, s16, $0xb8;
	[tilespmem:$0x5700] =	vst v63  }
0x33: {  	p0 =	sne.s32 s21, $0x9C00;
	_ =	swait.ge [sflag:s13], $0x80  }
.Ltmp0:
0x34: {  	[sflag:s13] =	ssyncset.done $0x0;
	(pc) =	sbr.rel @p0 .LBB2_2-.Ltmp0, $4  }
0x35: {  	s21 =	sadd.s32 $0x2780, s22;
	[sflag:s13] =	ssyncadd.s32 $0xFFFFFF80  }
0x36: {  	[spmem:s3] =	stream.indirect.scatter.add.f32 [tilespmem:s14], [sflag:$0x1], $0x1, s21, s16, $0xb8;
	[tilespmem:$0x5700] =	vst v63  }
0x37: {  	_ =	swait.ge [sflag:s13], $0x80  }
0x38: {  	s21 =	smov.u32 s23;
	[sflag:s13] =	ssyncset.done $0x0  }
0x39: {  	s20 =	sshra.s32 s20, $0x2;
	[sflag:s13] =	ssyncadd.s32 $0xFFFFFF80  }
0x3a: {  	[spmem:s2] =	stream.indirect.scatter.add.f32 [tilespmem:s14], [sflag:$0x1], $0x1, s20, s16, $0xb8;
	[tilespmem:$0x5700] =	vst v63  }
0x3b: {  	_ =	swait.ge [sflag:s13], $0x80  }
0x3c: {  	[sflag:s13] =	ssyncset.done $0x0  }
0x3d: {  	s20 =	sadd.s32 $0x2780, s20;
	[sflag:s13] =	ssyncadd.s32 $0xFFFFFF80  }
0x3e: {  	[spmem:s3] =	stream.indirect.scatter.add.f32 [tilespmem:s14], [sflag:$0x1], $0x1, s20, s16, $0xb8;
	[tilespmem:$0x5700] =	vst v63  }
0x3f: {  	_ =	swait.ge [sflag:s13], $0x80  }
0x40: {  	[sflag:s13] =	ssyncset.done $0x0  }
0x41: {  	[sflag:s13] =	ssyncadd.s32 $0xFFFFFF80  }
0x42: {  	[bflag:$0x0] =	sbarrier.arrive $0xFFFF  }
0x43: {  	[tilespmem:s12], [sflag:$0x1] =	stream.linear.gather [spmem:s7], $0x280, $0x38;
	[tilespmem:$0x5700] =	vst v63  }
0x44: {  	_ =	swait.ge [sflag:s13], $0x280  }
0x45: {  	[sflag:s13] =	ssyncset.done $0x0  }
0x46: {  	[sflag:s13] =	ssyncadd.s32 $0xFFFFFD80  }
0x47: {  	[hbm4b:s17+s4] =	stream.linear.scatter [tilespmem:s12], [sflag:$0x1], $0x280, $0x38;
	[tilespmem:$0x5700] =	vst v63  }
0x48: {  	_ =	swait.ge [sflag:s13], $0x280  }
0x49: {  	[sflag:s13] =	ssyncset.done $0x0  }
0x4a: {  	[sflag:s13] =	ssyncadd.s32 $0xFFFFFD80  }
0x4b: {  	[tilespmem:s12], [sflag:$0x1] =	stream.linear.gather [spmem:s8], $0x280, $0x38;
	[tilespmem:$0x5700] =	vst v63  }
0x4c: {  	s19 =	sadd.s32 $0x1, s19;
	_ =	swait.ge [sflag:s13], $0x280  }
0x4d: {  	p0 =	sne.s32 s19, s11;
	[sflag:s13] =	ssyncset.done $0x0  }
.Ltmp1:
0x4e: {  	[sflag:s13] =	ssyncadd.s32 $0xFFFFFD80;
	(pc) =	sbr.rel @p0 .LBB2_1-.Ltmp1, $4  }
0x4f: {  	[hbm4b:s18+s4] =	stream.linear.scatter [tilespmem:s12], [sflag:$0x1], $0x280, $0x38;
	[tilespmem:$0x5700] =	vst v63  }
0x50: {  	_ =	swait.ge [sflag:s13], $0x280  }
0x51: {  	[sflag:s13] =	ssyncset.done $0x0  }
0x52: {  	[sflag:s13] =	ssyncadd.s32 $0xFFFFFD80  }
0x53: {  	_ =	sfence.sel $0x180000  }
0x54: {  	[bflag:$0x0] =	sbarrier.arrive $0xFFFF  }
0x55: {  	p0 =	sne.s32 s0, $0x0;
	_ =	strace $0x90000047  }
0x56: {  	s0 =	sadd.s32 @!p0 $0x100000, s1;
	[bflag:$0x2] =	sbarrier.arrive $0xFFFF  }
0x57: {  	[sflag:s0] =	ssyncadd.tile.s32 @!p0 $0x1;
	_ =	shalt  }
.Lfunc_end2:
_tile_overlayer_lowered:
.L_overlay_start_2:
0x58: {  	(tag) =	ssettag $0x2  }
0x59: {  	s0 =	rddreg [dreg:$0x0];
	s2 =	stileid.u32  }
0x5a: {  	s1 =	rddreg [dreg:$0x1];
	p0 =	sne.s32 s2, $0x0  }
0x5b: {  	s3 =	rddreg [dreg:$0x2];
	[bflag:$0x3] =	sbarrier.arrive $0xFFFF;
	s2 =	simm.s32 @!p0 $0x1C01  }
0x5c: {  	[timem:s3], [sflag:s2] =	dma.local @!p0 [hbm:s0], s1  }
0x5d: {  	s0 =	simm.s32 @!p0 $0x1  }
0x5e: {  	_ =	swait.ge @!p0 [sflag:s0], s1  }
0x5f: {  	s1 =	ssub.s32 @!p0 $0x0, s1;
	[sflag:s0] =	ssyncset.done @!p0 $0x0  }
0x60: {  	[sflag:s0] =	ssyncadd.s32 @!p0 s1  }
0x61: {  	[bflag:$0x3] =	sbarrier.arrive $0xFFFF  }
0x62: {  	_ =	shalt  }

</sc_bundles>
